<compile_context>
chip_gen: v7x
topology: tpu7x:2x2x1
jax: 0.10.2.dev20260603
libtpu: 0.0.44.dev20260713+nightly
codegen_flags: <defaults>
</compile_context>

<pallas_src>
import functools

import jax
import jax.numpy as jnp
from jax import lax
from jax.experimental import pallas as pl
from jax.experimental.pallas import tpu as pltpu
from jax.experimental.pallas import tpu_sc as plsc

NEG_SLOPE = 0.01

NC = 2
NS = 16
NW = NC * NS
CH = 128

_mesh = functools.partial(
    plsc.VectorSubcoreMesh, core_axis_name="c", subcore_axis_name="s",
    num_cores=NC, num_subcores=NS)


def _hist_kernel(npad, e, k):

    @functools.partial(
        pl.kernel,
        mesh=_mesh(),
        out_type=jax.ShapeDtypeStruct((NC, npad), jnp.float32),
        scratch_types=[
            pltpu.VMEM((8, 2, CH), jnp.int32),
            pltpu.VMEM((CH,), jnp.float32),
            pltpu.VMEM_SHARED((npad,), jnp.float32),
            [pltpu.SemaphoreType.DMA] * 8,
            pltpu.SemaphoreType.DMA,
            pltpu.SemaphoreType.DMA,
        ],
    )
    def hist(ei_hbm, dum_hbm, zer_hbm, ones_hbm, out_hbm, idx_v, ones_v,
             hist_sh, isems, ssem, zsem):
        c = lax.axis_index("c")
        s = lax.axis_index("s")
        wid = s * NC + c
        kfull = e // (NW * CH)
        nt = (e // CH) % NW
        kw = kfull + jnp.where(wid < nt, 1, 0)
        e0 = NW * kfull * CH
        base = wid * (kfull * CH)
        rows = npad // NS

        pltpu.async_copy(zer_hbm.at[pl.ds(s * rows, rows)],
                         hist_sh.at[pl.ds(s * rows, rows)], zsem)
        pltpu.sync_copy(ones_hbm, ones_v)

        def idx_load_fast(j, slot):
            pltpu.async_copy(ei_hbm.at[pl.ds(0, 2), pl.ds(base + j * CH, CH)],
                             idx_v.at[slot], isems[slot])

        def idx_load_tail(j, slot):
            off = jnp.where(j < kfull, base + j * CH, e0 + wid * CH)

            @pl.when(j < kw)
            def _():
                pltpu.async_copy(ei_hbm.at[pl.ds(0, 2), pl.ds(off, CH)],
                                 idx_v.at[slot], isems[slot])

            @pl.when(j >= kw)
            def _():
                pltpu.async_copy(dum_hbm, idx_v.at[slot], isems[slot])

        def idx_wait(slot):
            pltpu.make_async_copy(dum_hbm, idx_v.at[slot], isems[slot]).wait()

        for i in range(8):
            idx_load_fast(i, i)
        pltpu.make_async_copy(zer_hbm.at[pl.ds(s * rows, rows)],
                              hist_sh.at[pl.ds(s * rows, rows)], zsem).wait()
        plsc.subcore_barrier()

        def load_static(c, slot):
            if c >= k:
                return
            if c < kfull:
                idx_load_fast(c, slot)
            else:
                idx_load_tail(c, slot)

        def step(m, load):
            for i in range(8):
                idx_wait(i)
                pltpu.async_copy(ones_v, hist_sh.at[idx_v.at[i, 1]], ssem,
                                 add=True)
            for i in range(8):
                pltpu.make_async_copy(ones_v, hist_sh.at[idx_v.at[i, 1]],
                                      ssem).wait()
                if load is not None:
                    load(8 * m + i + 8, i)

        nm = k // 8
        lax.fori_loop(
            0, nm - 2,
            lambda m, cr: (step(m, idx_load_fast), cr)[1], 0, unroll=False)
        step(nm - 2, load_static)
        step(nm - 1, None)
        plsc.subcore_barrier()
        pltpu.sync_copy(hist_sh.at[pl.ds(s * rows, rows)],
                        out_hbm.at[c, pl.ds(s * rows, rows)])

    return hist


def _scatter_kernel(n, npad, d, e, k):
    assert k % 4 == 0

    @functools.partial(
        pl.kernel,
        mesh=_mesh(),
        out_type=jax.ShapeDtypeStruct((NC, npad, d), jnp.float32),
        scratch_types=[
            pltpu.VMEM((4, 2, CH), jnp.int32),
            pltpu.VMEM((2, CH, d), jnp.float32),
            pltpu.VMEM_SHARED((npad, d), jnp.float32),
            [pltpu.SemaphoreType.DMA] * 4,
            [pltpu.SemaphoreType.DMA] * 2,
            [pltpu.SemaphoreType.DMA] * 2,
            pltpu.SemaphoreType.DMA,
        ],
    )
    def scat(y_hbm, ei_hbm, dum_hbm, zer_hbm, out_hbm,
             idx_v, buf_v, acc_sh, isems, gsems, ssems, zsem):
        c = lax.axis_index("c")
        s = lax.axis_index("s")
        wid = s * NC + c
        kfull = e // (NW * CH)
        nt = (e // CH) % NW
        kw = kfull + jnp.where(wid < nt, 1, 0)
        e0 = NW * kfull * CH
        base = wid * (kfull * CH)
        rows = npad // NS

        pltpu.async_copy(zer_hbm.at[pl.ds(s * rows, rows)],
                         acc_sh.at[pl.ds(s * rows, rows)], zsem)

        def idx_load_fast(j, slot):
            pltpu.async_copy(ei_hbm.at[pl.ds(0, 2), pl.ds(base + j * CH, CH)],
                             idx_v.at[slot], isems[slot])

        def idx_load_tail(j, slot):
            off = jnp.where(j < kfull, base + j * CH, e0 + wid * CH)

            @pl.when(j < kw)
            def _():
                pltpu.async_copy(ei_hbm.at[pl.ds(0, 2), pl.ds(off, CH)],
                                 idx_v.at[slot], isems[slot])

            @pl.when(j >= kw)
            def _():
                pltpu.async_copy(dum_hbm, idx_v.at[slot], isems[slot])

        def idx_wait(slot):
            pltpu.make_async_copy(dum_hbm, idx_v.at[slot], isems[slot]).wait()

        def gat_start(islot, bslot):
            pltpu.async_copy(y_hbm.at[idx_v.at[islot, 0]], buf_v.at[bslot],
                             gsems[bslot])

        def gat_wait(islot, bslot):
            pltpu.make_async_copy(y_hbm.at[idx_v.at[islot, 0]],
                                  buf_v.at[bslot], gsems[bslot]).wait()

        for i in range(4):
            idx_load_fast(i, i)
        idx_wait(0)
        gat_start(0, 0)
        pltpu.make_async_copy(zer_hbm.at[pl.ds(s * rows, rows)],
                              acc_sh.at[pl.ds(s * rows, rows)], zsem).wait()
        plsc.subcore_barrier()

        def step(m, load, last=False):
            for i in range(4):
                if not (last and i == 3):
                    idx_wait((i + 1) % 4)
                    gat_start((i + 1) % 4, (i + 1) % 2)
                gat_wait(i % 4, i % 2)
                pltpu.sync_copy(buf_v.at[i % 2], acc_sh.at[idx_v.at[i, 1]],
                                add=True)
                if load is not None:
                    load(4 * m + i + 4, i)

        nm = k // 4
        lax.fori_loop(
            0, nm - 2,
            lambda m, cr: (step(m, idx_load_fast), cr)[1], 0, unroll=False)
        step(nm - 2, idx_load_tail)
        step(nm - 1, None, last=True)
        plsc.subcore_barrier()
        pltpu.sync_copy(acc_sh.at[pl.ds(s * rows, rows)],
                        out_hbm.at[c, pl.ds(s * rows, rows)])

    return scat


def _dis(h_ref, n):
    h = h_ref[...]
    deg = 1.0 + h[0, :n] + h[1, :n]
    return lax.rsqrt(deg)[:, None]


def _mm_body(x_ref, w_ref, o_ref):
    o_ref[...] = jnp.dot(x_ref[...], w_ref[...],
                         preferred_element_type=jnp.float32)


def _scale_body(n, xw_ref, h_ref, y_ref):
    y_ref[...] = xw_ref[...] * _dis(h_ref, n)


def _tc2_body(n, acc_ref, y1_ref, h_ref, w2_ref, b1_ref, y2_ref):
    dis = _dis(h_ref, n)
    o1 = dis * (acc_ref[0, :n, :] + acc_ref[1, :n, :] + y1_ref[...])
    o1 = o1 + b1_ref[...][None, :]
    hmat = jnp.where(o1 >= 0, o1, NEG_SLOPE * o1)
    y2_ref[...] = jnp.dot(hmat, w2_ref[...],
                          preferred_element_type=jnp.float32) * dis


def _tc3_body(n, acc_ref, y2_ref, h_ref, b2_ref, out_ref):
    dis = _dis(h_ref, n)
    o2 = dis * (acc_ref[0, :n, :] + acc_ref[1, :n, :] + y2_ref[...])
    out_ref[...] = o2 + b2_ref[...][None, :]


def kernel(x, edge_index, W1, b1, W2, b2):
    n, d = x.shape
    e = edge_index.shape[1]
    assert e % CH == 0
    npad = (n // (16 * NS) + 1) * 16 * NS
    ndump = npad - n
    k = -(-e // (NW * CH))
    k += (-k) % 8

    i128 = jnp.arange(CH, dtype=jnp.int32)
    dum = jnp.stack([(i128 * 79) % n, n + i128 % ndump])
    zer = jnp.zeros((npad, d), jnp.float32)
    zerh = jnp.zeros((npad,), jnp.float32)

    onesh = jnp.ones((CH,), jnp.float32)
    histp = _hist_kernel(npad, e, k)(edge_index, dum, zerh, onesh)
    scat = _scatter_kernel(n, npad, d, e, k)

    xw1 = pl.pallas_call(
        _mm_body,
        out_shape=jax.ShapeDtypeStruct((n, d), jnp.float32),
    )(x, W1)
    y1 = pl.pallas_call(
        functools.partial(_scale_body, n),
        out_shape=jax.ShapeDtypeStruct((n, d), jnp.float32),
    )(xw1, histp)

    acc1 = scat(y1, edge_index, dum, zer)

    y2 = pl.pallas_call(
        functools.partial(_tc2_body, n),
        out_shape=jax.ShapeDtypeStruct((n, d), jnp.float32),
    )(acc1, y1, histp, W2, b1)

    acc2 = scat(y2, edge_index, dum, zer)

    out = pl.pallas_call(
        functools.partial(_tc3_body, n),
        out_shape=jax.ShapeDtypeStruct((n, d), jnp.float32),
    )(acc2, y2, histp, b2)

    return out

# --- scband reference (transcript-rebuilt; emitter-appended) ---
"""Pipeline reference for scband-gcn-21217138442566 (READ-ONLY COPY).

The authoritative reference and input builder live on the scoring server;
editing this copy changes nothing except your own understanding.
"""

import jax, jax.numpy as jnp
import numpy as np

N = 10000
E = 320000
D = 128
NEG_SLOPE = 0.01


def setup_inputs(seed: int = 0) -> dict:
    key = jax.random.key(seed)
    k1, k2, k3, k4, k5, k6 = jax.random.split(key, 6)
    x = jax.random.normal(k1, (N, D), dtype=jnp.float32)
    edge_index = jax.random.randint(k2, (2, E), 0, N, dtype=jnp.int32)
    scale = 1.0 / np.sqrt(D)
    W1 = jax.random.uniform(k3, (D, D), dtype=jnp.float32, minval=-scale, maxval=scale)
    b1 = jax.random.uniform(k4, (D,), dtype=jnp.float32, minval=-scale, maxval=scale)
    W2 = jax.random.uniform(k5, (D, D), dtype=jnp.float32, minval=-scale, maxval=scale)
    b2 = jax.random.uniform(k6, (D,), dtype=jnp.float32, minval=-scale, maxval=scale)
    return {"x": x, "edge_index": edge_index, "W1": W1, "b1": b1, "W2": W2, "b2": b2}


def _gcn_conv(x, edge_index, W, b):
    # PyG GCNConv: add self-loops, symmetric normalization, linear transform, scatter-add
    src = edge_index[0]
    dst = edge_index[1]
    loop = jnp.arange(N, dtype=src.dtype)
    src = jnp.concatenate([src, loop])
    dst = jnp.concatenate([dst, loop])
    xw = x @ W
    ones = jnp.ones(src.shape[0], dtype=x.dtype)
    deg = jax.ops.segment_sum(ones, dst, num_segments=N)
    deg_inv_sqrt = jnp.where(deg > 0, 1.0 / jnp.sqrt(deg), 0.0)
    norm = deg_inv_sqrt[src] * deg_inv_sqrt[dst]
    msg = xw[src] * norm[:, None]
    out = jax.ops.segment_sum(msg, dst, num_segments=N)
    return out + b


def reference(x, edge_index, W1, b1, W2, b2):
    h = _gcn_conv(x, edge_index, W1, b1)
    h = jnp.where(h >= 0, h, NEG_SLOPE * h)  # LeakyReLU
    out = _gcn_conv(h, edge_index, W2, b2)
    return out

if __name__ == "__main__":
    import jax
    _d = setup_inputs()
    print(jax.jit(kernel)(*tuple(_d.values())))

</pallas_src>

<mosaic_0001>
#map = affine_map<(d0, d1) -> (0, 0)>
#map1 = affine_map<(d0, d1) -> (0, 0, 0)>
module attributes {stable_mosaic.version = 14 : i64} {
  func.func @scat(%arg0: i32, %arg1: i32, %arg2: memref<10000x128xf32, #tpu.memory_space<hbm>>, %arg3: memref<2x320000xi32, #tpu.memory_space<hbm>>, %arg4: memref<2x128xi32, #tpu.memory_space<hbm>>, %arg5: memref<10240x128xf32, #tpu.memory_space<hbm>>, %arg6: memref<2x10240x128xf32, #tpu.memory_space<hbm>>, %arg7: memref<4x2x128xi32, #tpu.memory_space<vmem>>, %arg8: memref<2x128x128xf32, #tpu.memory_space<vmem>>, %arg9: memref<10240x128xf32, #tpu.memory_space<vmem_shared>>, %arg10: memref<!tpu.dma_semaphore, #tpu.memory_space<semaphore_mem>>, %arg11: memref<!tpu.dma_semaphore, #tpu.memory_space<semaphore_mem>>, %arg12: memref<!tpu.dma_semaphore, #tpu.memory_space<semaphore_mem>>, %arg13: memref<!tpu.dma_semaphore, #tpu.memory_space<semaphore_mem>>, %arg14: memref<!tpu.dma_semaphore, #tpu.memory_space<semaphore_mem>>, %arg15: memref<!tpu.dma_semaphore, #tpu.memory_space<semaphore_mem>>, %arg16: memref<!tpu.dma_semaphore, #tpu.memory_space<semaphore_mem>>, %arg17: memref<!tpu.dma_semaphore, #tpu.memory_space<semaphore_mem>>, %arg18: memref<!tpu.dma_semaphore, #tpu.memory_space<semaphore_mem>>) attributes {dimension_semantics = [#tpu.dimension_semantics<core_parallel>, #tpu.dimension_semantics<subcore_parallel>], iteration_bounds = array<i64: 2, 16>, scalar_prefetch = 0 : i64, scratch_operands = 12 : i64, tpu.core_type = #tpu.core_type<sc_vector_subcore>, window_params = [{transform_indices = #map}, {transform_indices = #map}, {transform_indices = #map}, {transform_indices = #map}, {transform_indices = #map1}]} {
    %mul3A = arith.constant 2 : i32
    %mul3A_0 = arith.muli %arg1, %mul3A : i32
    %add3A = arith.addi %mul3A_0, %arg0 : i32
    %lt3A = arith.constant 4 : i32
    %lt3A_1 = arith.cmpi slt, %add3A, %lt3A : i32
    %jit3A = arith.constant 1 : i32
    %jit3A_2 = arith.constant 0 : i32
    %select_n3A = arith.select %lt3A_1, %jit3A, %jit3A_2 : i32
    %add3A_3 = arith.constant 78 : i32
    %add3A_4 = arith.addi %add3A_3, %select_n3A : i32
    %mul3A_5 = arith.constant 9984 : i32
    %mul3A_6 = arith.muli %add3A, %mul3A_5 : i32
    %mul3A_7 = arith.constant 640 : i32
    %mul3A_8 = arith.muli %arg1, %mul3A_7 : i32
    %mul3A_9 = arith.constant 640 : i32
    %mul3A_10 = arith.muli %arg1, %mul3A_9 : i32
    %dma_start3A = arith.constant 0 : i32
    %dma_start3A_11 = tpu.memref_slice %arg9[%mul3A_10, %dma_start3A] : memref<10240x128xf32, #tpu.memory_space<vmem_shared>> -> memref<640x128xf32, #tpu.memory_space<vmem_shared>>
    %dma_start3A_12 = arith.constant 0 : i32
    %dma_start3A_13 = tpu.memref_slice %arg5[%mul3A_8, %dma_start3A_12] : memref<10240x128xf32, #tpu.memory_space<hbm>> -> memref<640x128xf32, #tpu.memory_space<hbm>>
    tpu.enqueue_dma source(%dma_start3A_13 : memref<640x128xf32, #tpu.memory_space<hbm>>) target(%dma_start3A_11 : memref<640x128xf32, #tpu.memory_space<vmem_shared>>) target_semaphore(%arg18 : memref<!tpu.dma_semaphore, #tpu.memory_space<semaphore_mem>>)
    %add3A_14 = arith.constant 0 : i32
    %add3A_15 = arith.addi %mul3A_6, %add3A_14 : i32
    %dma_start3A_16 = arith.constant 0 : i32
    %dma_start3A_17 = arith.constant 0 : i32
    %dma_start3A_18 = arith.constant 0 : i32
    %dma_start3A_19 = tpu.memref_slice %arg7[%dma_start3A_16, %dma_start3A_17, %dma_start3A_18] : memref<4x2x128xi32, #tpu.memory_space<vmem>> -> memref<1x2x128xi32, #tpu.memory_space<vmem>>
    %dma_start3A_20 = tpu.memref_squeeze %dma_start3A_19 : memref<1x2x128xi32, #tpu.memory_space<vmem>> -> memref<2x128xi32, #tpu.memory_space<vmem>>
    %dma_start3A_21 = arith.constant 0 : i32
    %dma_start3A_22 = tpu.memref_slice %arg3[%dma_start3A_21, %add3A_15] : memref<2x320000xi32, #tpu.memory_space<hbm>> -> memref<2x128xi32, #tpu.memory_space<hbm>>
    %dma_start3A_23 = arith.constant 0 : i32
    %dma_start3A_24 = arith.constant 0 : i32
    %dma_start3A_25 = tpu.memref_slice %arg7[%dma_start3A_16, %dma_start3A_23, %dma_start3A_24] : memref<4x2x128xi32, #tpu.memory_space<vmem>> -> memref<1x2x128xi32, #tpu.memory_space<vmem>>
    %dma_start3A_26 = tpu.memref_squeeze %dma_start3A_25 : memref<1x2x128xi32, #tpu.memory_space<vmem>> -> memref<2x128xi32, #tpu.memory_space<vmem>>
    %dma_start3A_27 = arith.constant 0 : i32
    %dma_start3A_28 = tpu.memref_slice %arg3[%dma_start3A_27, %add3A_15] : memref<2x320000xi32, #tpu.memory_space<hbm>> -> memref<2x128xi32, #tpu.memory_space<hbm>>
    tpu.enqueue_dma source(%dma_start3A_28 : memref<2x128xi32, #tpu.memory_space<hbm>>) target(%dma_start3A_26 : memref<2x128xi32, #tpu.memory_space<vmem>>) target_semaphore(%arg10 : memref<!tpu.dma_semaphore, #tpu.memory_space<semaphore_mem>>)
    %add3A_29 = arith.constant 128 : i32
    %add3A_30 = arith.addi %mul3A_6, %add3A_29 : i32
    %dma_start3A_31 = arith.constant 1 : i32
    %dma_start3A_32 = arith.constant 0 : i32
    %dma_start3A_33 = arith.constant 0 : i32
    %dma_start3A_34 = tpu.memref_slice %arg7[%dma_start3A_31, %dma_start3A_32, %dma_start3A_33] : memref<4x2x128xi32, #tpu.memory_space<vmem>> -> memref<1x2x128xi32, #tpu.memory_space<vmem>>
    %dma_start3A_35 = tpu.memref_squeeze %dma_start3A_34 : memref<1x2x128xi32, #tpu.memory_space<vmem>> -> memref<2x128xi32, #tpu.memory_space<vmem>>
    %dma_start3A_36 = arith.constant 0 : i32
    %dma_start3A_37 = tpu.memref_slice %arg3[%dma_start3A_36, %add3A_30] : memref<2x320000xi32, #tpu.memory_space<hbm>> -> memref<2x128xi32, #tpu.memory_space<hbm>>
    %dma_start3A_38 = arith.constant 0 : i32
    %dma_start3A_39 = arith.constant 0 : i32
    %dma_start3A_40 = tpu.memref_slice %arg7[%dma_start3A_31, %dma_start3A_38, %dma_start3A_39] : memref<4x2x128xi32, #tpu.memory_space<vmem>> -> memref<1x2x128xi32, #tpu.memory_space<vmem>>
    %dma_start3A_41 = tpu.memref_squeeze %dma_start3A_40 : memref<1x2x128xi32, #tpu.memory_space<vmem>> -> memref<2x128xi32, #tpu.memory_space<vmem>>
    %dma_start3A_42 = arith.constant 0 : i32
    %dma_start3A_43 = tpu.memref_slice %arg3[%dma_start3A_42, %add3A_30] : memref<2x320000xi32, #tpu.memory_space<hbm>> -> memref<2x128xi32, #tpu.memory_space<hbm>>
    tpu.enqueue_dma source(%dma_start3A_43 : memref<2x128xi32, #tpu.memory_space<hbm>>) target(%dma_start3A_41 : memref<2x128xi32, #tpu.memory_space<vmem>>) target_semaphore(%arg11 : memref<!tpu.dma_semaphore, #tpu.memory_space<semaphore_mem>>)
    %add3A_44 = arith.constant 256 : i32
    %add3A_45 = arith.addi %mul3A_6, %add3A_44 : i32
    %dma_start3A_46 = arith.constant 2 : i32
    %dma_start3A_47 = arith.constant 0 : i32
    %dma_start3A_48 = arith.constant 0 : i32
    %dma_start3A_49 = tpu.memref_slice %arg7[%dma_start3A_46, %dma_start3A_47, %dma_start3A_48] : memref<4x2x128xi32, #tpu.memory_space<vmem>> -> memref<1x2x128xi32, #tpu.memory_space<vmem>>
    %dma_start3A_50 = tpu.memref_squeeze %dma_start3A_49 : memref<1x2x128xi32, #tpu.memory_space<vmem>> -> memref<2x128xi32, #tpu.memory_space<vmem>>
    %dma_start3A_51 = arith.constant 0 : i32
    %dma_start3A_52 = tpu.memref_slice %arg3[%dma_start3A_51, %add3A_45] : memref<2x320000xi32, #tpu.memory_space<hbm>> -> memref<2x128xi32, #tpu.memory_space<hbm>>
    %dma_start3A_53 = arith.constant 0 : i32
    %dma_start3A_54 = arith.constant 0 : i32
    %dma_start3A_55 = tpu.memref_slice %arg7[%dma_start3A_46, %dma_start3A_53, %dma_start3A_54] : memref<4x2x128xi32, #tpu.memory_space<vmem>> -> memref<1x2x128xi32, #tpu.memory_space<vmem>>
    %dma_start3A_56 = tpu.memref_squeeze %dma_start3A_55 : memref<1x2x128xi32, #tpu.memory_space<vmem>> -> memref<2x128xi32, #tpu.memory_space<vmem>>
    %dma_start3A_57 = arith.constant 0 : i32
    %dma_start3A_58 = tpu.memref_slice %arg3[%dma_start3A_57, %add3A_45] : memref<2x320000xi32, #tpu.memory_space<hbm>> -> memref<2x128xi32, #tpu.memory_space<hbm>>
    tpu.enqueue_dma source(%dma_start3A_58 : memref<2x128xi32, #tpu.memory_space<hbm>>) target(%dma_start3A_56 : memref<2x128xi32, #tpu.memory_space<vmem>>) target_semaphore(%arg12 : memref<!tpu.dma_semaphore, #tpu.memory_space<semaphore_mem>>)
    %add3A_59 = arith.constant 384 : i32
    %add3A_60 = arith.addi %mul3A_6, %add3A_59 : i32
    %dma_start3A_61 = arith.constant 3 : i32
    %dma_start3A_62 = arith.constant 0 : i32
    %dma_start3A_63 = arith.constant 0 : i32
    %dma_start3A_64 = tpu.memref_slice %arg7[%dma_start3A_61, %dma_start3A_62, %dma_start3A_63] : memref<4x2x128xi32, #tpu.memory_space<vmem>> -> memref<1x2x128xi32, #tpu.memory_space<vmem>>
    %dma_start3A_65 = tpu.memref_squeeze %dma_start3A_64 : memref<1x2x128xi32, #tpu.memory_space<vmem>> -> memref<2x128xi32, #tpu.memory_space<vmem>>
    %dma_start3A_66 = arith.constant 0 : i32
    %dma_start3A_67 = tpu.memref_slice %arg3[%dma_start3A_66, %add3A_60] : memref<2x320000xi32, #tpu.memory_space<hbm>> -> memref<2x128xi32, #tpu.memory_space<hbm>>
    %dma_start3A_68 = arith.constant 0 : i32
    %dma_start3A_69 = arith.constant 0 : i32
    %dma_start3A_70 = tpu.memref_slice %arg7[%dma_start3A_61, %dma_start3A_68, %dma_start3A_69] : memref<4x2x128xi32, #tpu.memory_space<vmem>> -> memref<1x2x128xi32, #tpu.memory_space<vmem>>
    %dma_start3A_71 = tpu.memref_squeeze %dma_start3A_70 : memref<1x2x128xi32, #tpu.memory_space<vmem>> -> memref<2x128xi32, #tpu.memory_space<vmem>>
    %dma_start3A_72 = arith.constant 0 : i32
    %dma_start3A_73 = tpu.memref_slice %arg3[%dma_start3A_72, %add3A_60] : memref<2x320000xi32, #tpu.memory_space<hbm>> -> memref<2x128xi32, #tpu.memory_space<hbm>>
    tpu.enqueue_dma source(%dma_start3A_73 : memref<2x128xi32, #tpu.memory_space<hbm>>) target(%dma_start3A_71 : memref<2x128xi32, #tpu.memory_space<vmem>>) target_semaphore(%arg13 : memref<!tpu.dma_semaphore, #tpu.memory_space<semaphore_mem>>)
    %dma_wait3A = arith.constant 0 : i32
    %dma_wait3A_74 = arith.constant 0 : i32
    %dma_wait3A_75 = arith.constant 0 : i32
    %dma_wait3A_76 = tpu.memref_slice %arg7[%dma_wait3A, %dma_wait3A_74, %dma_wait3A_75] : memref<4x2x128xi32, #tpu.memory_space<vmem>> -> memref<1x2x128xi32, #tpu.memory_space<vmem>>
    %dma_wait3A_77 = tpu.memref_squeeze %dma_wait3A_76 : memref<1x2x128xi32, #tpu.memory_space<vmem>> -> memref<2x128xi32, #tpu.memory_space<vmem>>
    %dma_wait3A_78 = arith.constant 0 : i32
    %dma_wait3A_79 = arith.constant 0 : i32
    %dma_wait3A_80 = tpu.memref_slice %arg7[%dma_wait3A, %dma_wait3A_78, %dma_wait3A_79] : memref<4x2x128xi32, #tpu.memory_space<vmem>> -> memref<1x2x128xi32, #tpu.memory_space<vmem>>
    %dma_wait3A_81 = tpu.memref_squeeze %dma_wait3A_80 : memref<1x2x128xi32, #tpu.memory_space<vmem>> -> memref<2x128xi32, #tpu.memory_space<vmem>>
    tpu.wait_dma2 semaphore(%arg10 : memref<!tpu.dma_semaphore, #tpu.memory_space<semaphore_mem>>) src(%arg4 : memref<2x128xi32, #tpu.memory_space<hbm>>) dst(%dma_wait3A_81 : memref<2x128xi32, #tpu.memory_space<vmem>>)
    %dma_start3A_82 = arith.constant 0 : i32
    %dma_start3A_83 = arith.constant 0 : i32
    %dma_start3A_84 = arith.constant 0 : i32
    %dma_start3A_85 = arith.constant 0 : i32
    %dma_start3A_86 = arith.constant 0 : i32
    %dma_start3A_87 = tpu.memref_slice %arg8[%dma_start3A_84, %dma_start3A_85, %dma_start3A_86] : memref<2x128x128xf32, #tpu.memory_space<vmem>> -> memref<1x128x128xf32, #tpu.memory_space<vmem>>
    %dma_start3A_88 = tpu.memref_squeeze %dma_start3A_87 : memref<1x128x128xf32, #tpu.memory_space<vmem>> -> memref<128x128xf32, #tpu.memory_space<vmem>>
    %dma_start3A_89 = arith.constant 0 : i32
    %dma_start3A_90 = tpu.memref_slice %arg7[%dma_start3A_82, %dma_start3A_83, %dma_start3A_89] : memref<4x2x128xi32, #tpu.memory_space<vmem>> -> memref<1x1x128xi32, #tpu.memory_space<vmem>>
    %dma_start3A_91 = tpu.memref_squeeze %dma_start3A_90 : memref<1x1x128xi32, #tpu.memory_space<vmem>> -> memref<128xi32, #tpu.memory_space<vmem>>
    %dma_start3A_92 = arith.constant 0 : i32
    %dma_start3A_93 = arith.constant 0 : i32
    %dma_start3A_94 = tpu.memref_slice %arg2[%dma_start3A_92, %dma_start3A_93] : memref<10000x128xf32, #tpu.memory_space<hbm>> -> memref<10000x128xf32, #tpu.memory_space<hbm>>
    tpu.enqueue_indirect_dma source(%dma_start3A_94 : memref<10000x128xf32, #tpu.memory_space<hbm>>) target(%dma_start3A_88 : memref<128x128xf32, #tpu.memory_space<vmem>>) offsets(%dma_start3A_91 : memref<128xi32, #tpu.memory_space<vmem>>) semaphore(%arg14 : memref<!tpu.dma_semaphore, #tpu.memory_space<semaphore_mem>>)
    %mul3A_95 = arith.constant 640 : i32
    %mul3A_96 = arith.muli %arg1, %mul3A_95 : i32
    %mul3A_97 = arith.constant 640 : i32
    %mul3A_98 = arith.muli %arg1, %mul3A_97 : i32
    %dma_wait3A_99 = arith.constant 0 : i32
    %dma_wait3A_100 = tpu.memref_slice %arg9[%mul3A_98, %dma_wait3A_99] : memref<10240x128xf32, #tpu.memory_space<vmem_shared>> -> memref<640x128xf32, #tpu.memory_space<vmem_shared>>
    %dma_wait3A_101 = arith.constant 0 : i32
    %dma_wait3A_102 = tpu.memref_slice %arg5[%mul3A_96, %dma_wait3A_101] : memref<10240x128xf32, #tpu.memory_space<hbm>> -> memref<640x128xf32, #tpu.memory_space<hbm>>
    tpu.wait_dma2 semaphore(%arg18 : memref<!tpu.dma_semaphore, #tpu.memory_space<semaphore_mem>>) src(%dma_wait3A_102 : memref<640x128xf32, #tpu.memory_space<hbm>>) dst(%dma_wait3A_100 : memref<640x128xf32, #tpu.memory_space<vmem_shared>>)
    %barrier3A = arith.constant 0 : index
    tpu.barrier barrier_id(%barrier3A)
    %scan3A = arith.constant 0 : i32
    %scan3A_103 = arith.constant 0 : i32
    %scan3A_104 = arith.constant 18 : i32
    %scan3A_105 = arith.addi %scan3A_103, %scan3A_104 : i32
    %scan3A_106 = arith.constant 1 : i32
    scf.for %scan3A_462 = %scan3A_103 to %scan3A_105 step %scan3A_106  : i32 {
      %dma_wait3A_463 = arith.constant 1 : i32
      %dma_wait3A_464 = arith.constant 0 : i32
      %dma_wait3A_465 = arith.constant 0 : i32
      %dma_wait3A_466 = tpu.memref_slice %arg7[%dma_wait3A_463, %dma_wait3A_464, %dma_wait3A_465] : memref<4x2x128xi32, #tpu.memory_space<vmem>> -> memref<1x2x128xi32, #tpu.memory_space<vmem>>
      %dma_wait3A_467 = tpu.memref_squeeze %dma_wait3A_466 : memref<1x2x128xi32, #tpu.memory_space<vmem>> -> memref<2x128xi32, #tpu.memory_space<vmem>>
      %dma_wait3A_468 = arith.constant 0 : i32
      %dma_wait3A_469 = arith.constant 0 : i32
      %dma_wait3A_470 = tpu.memref_slice %arg7[%dma_wait3A_463, %dma_wait3A_468, %dma_wait3A_469] : memref<4x2x128xi32, #tpu.memory_space<vmem>> -> memref<1x2x128xi32, #tpu.memory_space<vmem>>
      %dma_wait3A_471 = tpu.memref_squeeze %dma_wait3A_470 : memref<1x2x128xi32, #tpu.memory_space<vmem>> -> memref<2x128xi32, #tpu.memory_space<vmem>>
      tpu.wait_dma2 semaphore(%arg11 : memref<!tpu.dma_semaphore, #tpu.memory_space<semaphore_mem>>) src(%arg4 : memref<2x128xi32, #tpu.memory_space<hbm>>) dst(%dma_wait3A_471 : memref<2x128xi32, #tpu.memory_space<vmem>>)
      %dma_start3A_472 = arith.constant 1 : i32
      %dma_start3A_473 = arith.constant 0 : i32
      %dma_start3A_474 = arith.constant 1 : i32
      %dma_start3A_475 = arith.constant 0 : i32
      %dma_start3A_476 = arith.constant 0 : i32
      %dma_start3A_477 = tpu.memref_slice %arg8[%dma_start3A_474, %dma_start3A_475, %dma_start3A_476] : memref<2x128x128xf32, #tpu.memory_space<vmem>> -> memref<1x128x128xf32, #tpu.memory_space<vmem>>
      %dma_start3A_478 = tpu.memref_squeeze %dma_start3A_477 : memref<1x128x128xf32, #tpu.memory_space<vmem>> -> memref<128x128xf32, #tpu.memory_space<vmem>>
      %dma_start3A_479 = arith.constant 0 : i32
      %dma_start3A_480 = tpu.memref_slice %arg7[%dma_start3A_472, %dma_start3A_473, %dma_start3A_479] : memref<4x2x128xi32, #tpu.memory_space<vmem>> -> memref<1x1x128xi32, #tpu.memory_space<vmem>>
      %dma_start3A_481 = tpu.memref_squeeze %dma_start3A_480 : memref<1x1x128xi32, #tpu.memory_space<vmem>> -> memref<128xi32, #tpu.memory_space<vmem>>
      %dma_start3A_482 = arith.constant 0 : i32
      %dma_start3A_483 = arith.constant 0 : i32
      %dma_start3A_484 = tpu.memref_slice %arg2[%dma_start3A_482, %dma_start3A_483] : memref<10000x128xf32, #tpu.memory_space<hbm>> -> memref<10000x128xf32, #tpu.memory_space<hbm>>
      tpu.enqueue_indirect_dma source(%dma_start3A_484 : memref<10000x128xf32, #tpu.memory_space<hbm>>) target(%dma_start3A_478 : memref<128x128xf32, #tpu.memory_space<vmem>>) offsets(%dma_start3A_481 : memref<128xi32, #tpu.memory_space<vmem>>) semaphore(%arg15 : memref<!tpu.dma_semaphore, #tpu.memory_space<semaphore_mem>>)
      %dma_wait3A_485 = arith.constant 0 : i32
      %dma_wait3A_486 = arith.constant 0 : i32
      %dma_wait3A_487 = arith.constant 0 : i32
      %dma_wait3A_488 = arith.constant 0 : i32
      %dma_wait3A_489 = arith.constant 0 : i32
      %dma_wait3A_490 = tpu.memref_slice %arg8[%dma_wait3A_487, %dma_wait3A_488, %dma_wait3A_489] : memref<2x128x128xf32, #tpu.memory_space<vmem>> -> memref<1x128x128xf32, #tpu.memory_space<vmem>>
      %dma_wait3A_491 = tpu.memref_squeeze %dma_wait3A_490 : memref<1x128x128xf32, #tpu.memory_space<vmem>> -> memref<128x128xf32, #tpu.memory_space<vmem>>
      %dma_wait3A_492 = arith.constant 0 : i32
      %dma_wait3A_493 = tpu.memref_slice %arg7[%dma_wait3A_485, %dma_wait3A_486, %dma_wait3A_492] : memref<4x2x128xi32, #tpu.memory_space<vmem>> -> memref<1x1x128xi32, #tpu.memory_space<vmem>>
      %dma_wait3A_494 = tpu.memref_squeeze %dma_wait3A_493 : memref<1x1x128xi32, #tpu.memory_space<vmem>> -> memref<128xi32, #tpu.memory_space<vmem>>
      %dma_wait3A_495 = arith.constant 0 : i32
      %dma_wait3A_496 = arith.constant 0 : i32
      %dma_wait3A_497 = tpu.memref_slice %arg2[%dma_wait3A_495, %dma_wait3A_496] : memref<10000x128xf32, #tpu.memory_space<hbm>> -> memref<10000x128xf32, #tpu.memory_space<hbm>>
      tpu.wait_indirect_dma semaphore(%arg14 : memref<!tpu.dma_semaphore, #tpu.memory_space<semaphore_mem>>) src(%dma_wait3A_497 : memref<10000x128xf32, #tpu.memory_space<hbm>>) dst(%dma_wait3A_491 : memref<128x128xf32, #tpu.memory_space<vmem>>)
      %run_scoped3A_498 = arith.constant 0 : i32
      %run_scoped3A_499 = arith.constant 0 : i32
      %run_scoped3A_500 = arith.constant 1 : i32
      "tpu.region"() ({
        %run_scoped3A_703 = tpu.sem_alloc : memref<!tpu.dma_semaphore, #tpu.memory_space<semaphore_mem>>
        %dma_start3A_704 = arith.constant 0 : i32
        %dma_start3A_705 = arith.constant 0 : i32
        %dma_start3A_706 = tpu.memref_slice %arg8[%run_scoped3A_498, %dma_start3A_704, %dma_start3A_705] : memref<2x128x128xf32, #tpu.memory_space<vmem>> -> memref<1x128x128xf32, #tpu.memory_space<vmem>>
        %dma_start3A_707 = tpu.memref_squeeze %dma_start3A_706 : memref<1x128x128xf32, #tpu.memory_space<vmem>> -> memref<128x128xf32, #tpu.memory_space<vmem>>
        %dma_start3A_708 = arith.constant 0 : i32
        %dma_start3A_709 = tpu.memref_slice %arg7[%run_scoped3A_499, %run_scoped3A_500, %dma_start3A_708] : memref<4x2x128xi32, #tpu.memory_space<vmem>> -> memref<1x1x128xi32, #tpu.memory_space<vmem>>
        %dma_start3A_710 = tpu.memref_squeeze %dma_start3A_709 : memref<1x1x128xi32, #tpu.memory_space<vmem>> -> memref<128xi32, #tpu.memory_space<vmem>>
        %dma_start3A_711 = arith.constant 0 : i32
        %dma_start3A_712 = arith.constant 0 : i32
        %dma_start3A_713 = tpu.memref_slice %arg9[%dma_start3A_711, %dma_start3A_712] : memref<10240x128xf32, #tpu.memory_space<vmem_shared>> -> memref<10240x128xf32, #tpu.memory_space<vmem_shared>>
        tpu.enqueue_indirect_dma source(%dma_start3A_707 : memref<128x128xf32, #tpu.memory_space<vmem>>) target(%dma_start3A_713 : memref<10240x128xf32, #tpu.memory_space<vmem_shared>>) offsets(%dma_start3A_710 : memref<128xi32, #tpu.memory_space<vmem>>) semaphore(%run_scoped3A_703 : memref<!tpu.dma_semaphore, #tpu.memory_space<semaphore_mem>>) {add = true}
        %dma_wait3A_714 = arith.constant 0 : i32
        %dma_wait3A_715 = arith.constant 0 : i32
        %dma_wait3A_716 = tpu.memref_slice %arg8[%run_scoped3A_498, %dma_wait3A_714, %dma_wait3A_715] : memref<2x128x128xf32, #tpu.memory_space<vmem>> -> memref<1x128x128xf32, #tpu.memory_space<vmem>>
        %dma_wait3A_717 = tpu.memref_squeeze %dma_wait3A_716 : memref<1x128x128xf32, #tpu.memory_space<vmem>> -> memref<128x128xf32, #tpu.memory_space<vmem>>
        %dma_wait3A_718 = arith.constant 0 : i32
        %dma_wait3A_719 = tpu.memref_slice %arg7[%run_scoped3A_499, %run_scoped3A_500, %dma_wait3A_718] : memref<4x2x128xi32, #tpu.memory_space<vmem>> -> memref<1x1x128xi32, #tpu.memory_space<vmem>>
        %dma_wait3A_720 = tpu.memref_squeeze %dma_wait3A_719 : memref<1x1x128xi32, #tpu.memory_space<vmem>> -> memref<128xi32, #tpu.memory_space<vmem>>
        %dma_wait3A_721 = arith.constant 0 : i32
        %dma_wait3A_722 = arith.constant 0 : i32
        %dma_wait3A_723 = tpu.memref_slice %arg9[%dma_wait3A_721, %dma_wait3A_722] : memref<10240x128xf32, #tpu.memory_space<vmem_shared>> -> memref<10240x128xf32, #tpu.memory_space<vmem_shared>>
        tpu.wait_indirect_dma semaphore(%run_scoped3A_703 : memref<!tpu.dma_semaphore, #tpu.memory_space<semaphore_mem>>) src(%dma_wait3A_717 : memref<128x128xf32, #tpu.memory_space<vmem>>) dst(%dma_wait3A_723 : memref<10240x128xf32, #tpu.memory_space<vmem_shared>>)
        tpu.yield
      }) : () -> ()
      %mul3A_501 = arith.constant 4 : i32
      %mul3A_502 = arith.muli %mul3A_501, %scan3A_462 : i32
      %add3A_503 = arith.constant 0 : i32
      %add3A_504 = arith.addi %mul3A_502, %add3A_503 : i32
      %add3A_505 = arith.constant 4 : i32
      %add3A_506 = arith.addi %add3A_504, %add3A_505 : i32
      %mul3A_507 = arith.constant 128 : i32
      %mul3A_508 = arith.muli %add3A_506, %mul3A_507 : i32
      %add3A_509 = arith.addi %mul3A_6, %mul3A_508 : i32
      %dma_start3A_510 = arith.constant 0 : i32
      %dma_start3A_511 = arith.constant 0 : i32
      %dma_start3A_512 = arith.constant 0 : i32
      %dma_start3A_513 = tpu.memref_slice %arg7[%dma_start3A_510, %dma_start3A_511, %dma_start3A_512] : memref<4x2x128xi32, #tpu.memory_space<vmem>> -> memref<1x2x128xi32, #tpu.memory_space<vmem>>
      %dma_start3A_514 = tpu.memref_squeeze %dma_start3A_513 : memref<1x2x128xi32, #tpu.memory_space<vmem>> -> memref<2x128xi32, #tpu.memory_space<vmem>>
      %dma_start3A_515 = arith.constant 0 : i32
      %dma_start3A_516 = tpu.memref_slice %arg3[%dma_start3A_515, %add3A_509] : memref<2x320000xi32, #tpu.memory_space<hbm>> -> memref<2x128xi32, #tpu.memory_space<hbm>>
      %dma_start3A_517 = arith.constant 0 : i32
      %dma_start3A_518 = arith.constant 0 : i32
      %dma_start3A_519 = tpu.memref_slice %arg7[%dma_start3A_510, %dma_start3A_517, %dma_start3A_518] : memref<4x2x128xi32, #tpu.memory_space<vmem>> -> memref<1x2x128xi32, #tpu.memory_space<vmem>>
      %dma_start3A_520 = tpu.memref_squeeze %dma_start3A_519 : memref<1x2x128xi32, #tpu.memory_space<vmem>> -> memref<2x128xi32, #tpu.memory_space<vmem>>
      %dma_start3A_521 = arith.constant 0 : i32
      %dma_start3A_522 = tpu.memref_slice %arg3[%dma_start3A_521, %add3A_509] : memref<2x320000xi32, #tpu.memory_space<hbm>> -> memref<2x128xi32, #tpu.memory_space<hbm>>
      tpu.enqueue_dma source(%dma_start3A_522 : memref<2x128xi32, #tpu.memory_space<hbm>>) target(%dma_start3A_520 : memref<2x128xi32, #tpu.memory_space<vmem>>) target_semaphore(%arg10 : memref<!tpu.dma_semaphore, #tpu.memory_space<semaphore_mem>>)
      %dma_wait3A_523 = arith.constant 2 : i32
      %dma_wait3A_524 = arith.constant 0 : i32
      %dma_wait3A_525 = arith.constant 0 : i32
      %dma_wait3A_526 = tpu.memref_slice %arg7[%dma_wait3A_523, %dma_wait3A_524, %dma_wait3A_525] : memref<4x2x128xi32, #tpu.memory_space<vmem>> -> memref<1x2x128xi32, #tpu.memory_space<vmem>>
      %dma_wait3A_527 = tpu.memref_squeeze %dma_wait3A_526 : memref<1x2x128xi32, #tpu.memory_space<vmem>> -> memref<2x128xi32, #tpu.memory_space<vmem>>
      %dma_wait3A_528 = arith.constant 0 : i32
      %dma_wait3A_529 = arith.constant 0 : i32
      %dma_wait3A_530 = tpu.memref_slice %arg7[%dma_wait3A_523, %dma_wait3A_528, %dma_wait3A_529] : memref<4x2x128xi32, #tpu.memory_space<vmem>> -> memref<1x2x128xi32, #tpu.memory_space<vmem>>
      %dma_wait3A_531 = tpu.memref_squeeze %dma_wait3A_530 : memref<1x2x128xi32, #tpu.memory_space<vmem>> -> memref<2x128xi32, #tpu.memory_space<vmem>>
      tpu.wait_dma2 semaphore(%arg12 : memref<!tpu.dma_semaphore, #tpu.memory_space<semaphore_mem>>) src(%arg4 : memref<2x128xi32, #tpu.memory_space<hbm>>) dst(%dma_wait3A_531 : memref<2x128xi32, #tpu.memory_space<vmem>>)
      %dma_start3A_532 = arith.constant 2 : i32
      %dma_start3A_533 = arith.constant 0 : i32
      %dma_start3A_534 = arith.constant 0 : i32
      %dma_start3A_535 = arith.constant 0 : i32
      %dma_start3A_536 = arith.constant 0 : i32
      %dma_start3A_537 = tpu.memref_slice %arg8[%dma_start3A_534, %dma_start3A_535, %dma_start3A_536] : memref<2x128x128xf32, #tpu.memory_space<vmem>> -> memref<1x128x128xf32, #tpu.memory_space<vmem>>
      %dma_start3A_538 = tpu.memref_squeeze %dma_start3A_537 : memref<1x128x128xf32, #tpu.memory_space<vmem>> -> memref<128x128xf32, #tpu.memory_space<vmem>>
      %dma_start3A_539 = arith.constant 0 : i32
      %dma_start3A_540 = tpu.memref_slice %arg7[%dma_start3A_532, %dma_start3A_533, %dma_start3A_539] : memref<4x2x128xi32, #tpu.memory_space<vmem>> -> memref<1x1x128xi32, #tpu.memory_space<vmem>>
      %dma_start3A_541 = tpu.memref_squeeze %dma_start3A_540 : memref<1x1x128xi32, #tpu.memory_space<vmem>> -> memref<128xi32, #tpu.memory_space<vmem>>
      %dma_start3A_542 = arith.constant 0 : i32
      %dma_start3A_543 = arith.constant 0 : i32
      %dma_start3A_544 = tpu.memref_slice %arg2[%dma_start3A_542, %dma_start3A_543] : memref<10000x128xf32, #tpu.memory_space<hbm>> -> memref<10000x128xf32, #tpu.memory_space<hbm>>
      tpu.enqueue_indirect_dma source(%dma_start3A_544 : memref<10000x128xf32, #tpu.memory_space<hbm>>) target(%dma_start3A_538 : memref<128x128xf32, #tpu.memory_space<vmem>>) offsets(%dma_start3A_541 : memref<128xi32, #tpu.memory_space<vmem>>) semaphore(%arg14 : memref<!tpu.dma_semaphore, #tpu.memory_space<semaphore_mem>>)
      %dma_wait3A_545 = arith.constant 1 : i32
      %dma_wait3A_546 = arith.constant 0 : i32
      %dma_wait3A_547 = arith.constant 1 : i32
      %dma_wait3A_548 = arith.constant 0 : i32
      %dma_wait3A_549 = arith.constant 0 : i32
      %dma_wait3A_550 = tpu.memref_slice %arg8[%dma_wait3A_547, %dma_wait3A_548, %dma_wait3A_549] : memref<2x128x128xf32, #tpu.memory_space<vmem>> -> memref<1x128x128xf32, #tpu.memory_space<vmem>>
      %dma_wait3A_551 = tpu.memref_squeeze %dma_wait3A_550 : memref<1x128x128xf32, #tpu.memory_space<vmem>> -> memref<128x128xf32, #tpu.memory_space<vmem>>
      %dma_wait3A_552 = arith.constant 0 : i32
      %dma_wait3A_553 = tpu.memref_slice %arg7[%dma_wait3A_545, %dma_wait3A_546, %dma_wait3A_552] : memref<4x2x128xi32, #tpu.memory_space<vmem>> -> memref<1x1x128xi32, #tpu.memory_space<vmem>>
      %dma_wait3A_554 = tpu.memref_squeeze %dma_wait3A_553 : memref<1x1x128xi32, #tpu.memory_space<vmem>> -> memref<128xi32, #tpu.memory_space<vmem>>
      %dma_wait3A_555 = arith.constant 0 : i32
      %dma_wait3A_556 = arith.constant 0 : i32
      %dma_wait3A_557 = tpu.memref_slice %arg2[%dma_wait3A_555, %dma_wait3A_556] : memref<10000x128xf32, #tpu.memory_space<hbm>> -> memref<10000x128xf32, #tpu.memory_space<hbm>>
      tpu.wait_indirect_dma semaphore(%arg15 : memref<!tpu.dma_semaphore, #tpu.memory_space<semaphore_mem>>) src(%dma_wait3A_557 : memref<10000x128xf32, #tpu.memory_space<hbm>>) dst(%dma_wait3A_551 : memref<128x128xf32, #tpu.memory_space<vmem>>)
      %run_scoped3A_558 = arith.constant 1 : i32
      %run_scoped3A_559 = arith.constant 1 : i32
      %run_scoped3A_560 = arith.constant 1 : i32
      "tpu.region"() ({
        %run_scoped3A_703 = tpu.sem_alloc : memref<!tpu.dma_semaphore, #tpu.memory_space<semaphore_mem>>
        %dma_start3A_704 = arith.constant 0 : i32
        %dma_start3A_705 = arith.constant 0 : i32
        %dma_start3A_706 = tpu.memref_slice %arg8[%run_scoped3A_558, %dma_start3A_704, %dma_start3A_705] : memref<2x128x128xf32, #tpu.memory_space<vmem>> -> memref<1x128x128xf32, #tpu.memory_space<vmem>>
        %dma_start3A_707 = tpu.memref_squeeze %dma_start3A_706 : memref<1x128x128xf32, #tpu.memory_space<vmem>> -> memref<128x128xf32, #tpu.memory_space<vmem>>
        %dma_start3A_708 = arith.constant 0 : i32
        %dma_start3A_709 = tpu.memref_slice %arg7[%run_scoped3A_559, %run_scoped3A_560, %dma_start3A_708] : memref<4x2x128xi32, #tpu.memory_space<vmem>> -> memref<1x1x128xi32, #tpu.memory_space<vmem>>
        %dma_start3A_710 = tpu.memref_squeeze %dma_start3A_709 : memref<1x1x128xi32, #tpu.memory_space<vmem>> -> memref<128xi32, #tpu.memory_space<vmem>>
        %dma_start3A_711 = arith.constant 0 : i32
        %dma_start3A_712 = arith.constant 0 : i32
        %dma_start3A_713 = tpu.memref_slice %arg9[%dma_start3A_711, %dma_start3A_712] : memref<10240x128xf32, #tpu.memory_space<vmem_shared>> -> memref<10240x128xf32, #tpu.memory_space<vmem_shared>>
        tpu.enqueue_indirect_dma source(%dma_start3A_707 : memref<128x128xf32, #tpu.memory_space<vmem>>) target(%dma_start3A_713 : memref<10240x128xf32, #tpu.memory_space<vmem_shared>>) offsets(%dma_start3A_710 : memref<128xi32, #tpu.memory_space<vmem>>) semaphore(%run_scoped3A_703 : memref<!tpu.dma_semaphore, #tpu.memory_space<semaphore_mem>>) {add = true}
        %dma_wait3A_714 = arith.constant 0 : i32
        %dma_wait3A_715 = arith.constant 0 : i32
        %dma_wait3A_716 = tpu.memref_slice %arg8[%run_scoped3A_558, %dma_wait3A_714, %dma_wait3A_715] : memref<2x128x128xf32, #tpu.memory_space<vmem>> -> memref<1x128x128xf32, #tpu.memory_space<vmem>>
        %dma_wait3A_717 = tpu.memref_squeeze %dma_wait3A_716 : memref<1x128x128xf32, #tpu.memory_space<vmem>> -> memref<128x128xf32, #tpu.memory_space<vmem>>
        %dma_wait3A_718 = arith.constant 0 : i32
        %dma_wait3A_719 = tpu.memref_slice %arg7[%run_scoped3A_559, %run_scoped3A_560, %dma_wait3A_718] : memref<4x2x128xi32, #tpu.memory_space<vmem>> -> memref<1x1x128xi32, #tpu.memory_space<vmem>>
        %dma_wait3A_720 = tpu.memref_squeeze %dma_wait3A_719 : memref<1x1x128xi32, #tpu.memory_space<vmem>> -> memref<128xi32, #tpu.memory_space<vmem>>
        %dma_wait3A_721 = arith.constant 0 : i32
        %dma_wait3A_722 = arith.constant 0 : i32
        %dma_wait3A_723 = tpu.memref_slice %arg9[%dma_wait3A_721, %dma_wait3A_722] : memref<10240x128xf32, #tpu.memory_space<vmem_shared>> -> memref<10240x128xf32, #tpu.memory_space<vmem_shared>>
        tpu.wait_indirect_dma semaphore(%run_scoped3A_703 : memref<!tpu.dma_semaphore, #tpu.memory_space<semaphore_mem>>) src(%dma_wait3A_717 : memref<128x128xf32, #tpu.memory_space<vmem>>) dst(%dma_wait3A_723 : memref<10240x128xf32, #tpu.memory_space<vmem_shared>>)
        tpu.yield
      }) : () -> ()
      %mul3A_561 = arith.constant 4 : i32
      %mul3A_562 = arith.muli %mul3A_561, %scan3A_462 : i32
      %add3A_563 = arith.constant 1 : i32
      %add3A_564 = arith.addi %mul3A_562, %add3A_563 : i32
      %add3A_565 = arith.constant 4 : i32
      %add3A_566 = arith.addi %add3A_564, %add3A_565 : i32
      %mul3A_567 = arith.constant 128 : i32
      %mul3A_568 = arith.muli %add3A_566, %mul3A_567 : i32
      %add3A_569 = arith.addi %mul3A_6, %mul3A_568 : i32
      %dma_start3A_570 = arith.constant 1 : i32
      %dma_start3A_571 = arith.constant 0 : i32
      %dma_start3A_572 = arith.constant 0 : i32
      %dma_start3A_573 = tpu.memref_slice %arg7[%dma_start3A_570, %dma_start3A_571, %dma_start3A_572] : memref<4x2x128xi32, #tpu.memory_space<vmem>> -> memref<1x2x128xi32, #tpu.memory_space<vmem>>
      %dma_start3A_574 = tpu.memref_squeeze %dma_start3A_573 : memref<1x2x128xi32, #tpu.memory_space<vmem>> -> memref<2x128xi32, #tpu.memory_space<vmem>>
      %dma_start3A_575 = arith.constant 0 : i32
      %dma_start3A_576 = tpu.memref_slice %arg3[%dma_start3A_575, %add3A_569] : memref<2x320000xi32, #tpu.memory_space<hbm>> -> memref<2x128xi32, #tpu.memory_space<hbm>>
      %dma_start3A_577 = arith.constant 0 : i32
      %dma_start3A_578 = arith.constant 0 : i32
      %dma_start3A_579 = tpu.memref_slice %arg7[%dma_start3A_570, %dma_start3A_577, %dma_start3A_578] : memref<4x2x128xi32, #tpu.memory_space<vmem>> -> memref<1x2x128xi32, #tpu.memory_space<vmem>>
      %dma_start3A_580 = tpu.memref_squeeze %dma_start3A_579 : memref<1x2x128xi32, #tpu.memory_space<vmem>> -> memref<2x128xi32, #tpu.memory_space<vmem>>
      %dma_start3A_581 = arith.constant 0 : i32
      %dma_start3A_582 = tpu.memref_slice %arg3[%dma_start3A_581, %add3A_569] : memref<2x320000xi32, #tpu.memory_space<hbm>> -> memref<2x128xi32, #tpu.memory_space<hbm>>
      tpu.enqueue_dma source(%dma_start3A_582 : memref<2x128xi32, #tpu.memory_space<hbm>>) target(%dma_start3A_580 : memref<2x128xi32, #tpu.memory_space<vmem>>) target_semaphore(%arg11 : memref<!tpu.dma_semaphore, #tpu.memory_space<semaphore_mem>>)
      %dma_wait3A_583 = arith.constant 3 : i32
      %dma_wait3A_584 = arith.constant 0 : i32
      %dma_wait3A_585 = arith.constant 0 : i32
      %dma_wait3A_586 = tpu.memref_slice %arg7[%dma_wait3A_583, %dma_wait3A_584, %dma_wait3A_585] : memref<4x2x128xi32, #tpu.memory_space<vmem>> -> memref<1x2x128xi32, #tpu.memory_space<vmem>>
      %dma_wait3A_587 = tpu.memref_squeeze %dma_wait3A_586 : memref<1x2x128xi32, #tpu.memory_space<vmem>> -> memref<2x128xi32, #tpu.memory_space<vmem>>
      %dma_wait3A_588 = arith.constant 0 : i32
      %dma_wait3A_589 = arith.constant 0 : i32
      %dma_wait3A_590 = tpu.memref_slice %arg7[%dma_wait3A_583, %dma_wait3A_588, %dma_wait3A_589] : memref<4x2x128xi32, #tpu.memory_space<vmem>> -> memref<1x2x128xi32, #tpu.memory_space<vmem>>
      %dma_wait3A_591 = tpu.memref_squeeze %dma_wait3A_590 : memref<1x2x128xi32, #tpu.memory_space<vmem>> -> memref<2x128xi32, #tpu.memory_space<vmem>>
      tpu.wait_dma2 semaphore(%arg13 : memref<!tpu.dma_semaphore, #tpu.memory_space<semaphore_mem>>) src(%arg4 : memref<2x128xi32, #tpu.memory_space<hbm>>) dst(%dma_wait3A_591 : memref<2x128xi32, #tpu.memory_space<vmem>>)
      %dma_start3A_592 = arith.constant 3 : i32
      %dma_start3A_593 = arith.constant 0 : i32
      %dma_start3A_594 = arith.constant 1 : i32
      %dma_start3A_595 = arith.constant 0 : i32
      %dma_start3A_596 = arith.constant 0 : i32
      %dma_start3A_597 = tpu.memref_slice %arg8[%dma_start3A_594, %dma_start3A_595, %dma_start3A_596] : memref<2x128x128xf32, #tpu.memory_space<vmem>> -> memref<1x128x128xf32, #tpu.memory_space<vmem>>
      %dma_start3A_598 = tpu.memref_squeeze %dma_start3A_597 : memref<1x128x128xf32, #tpu.memory_space<vmem>> -> memref<128x128xf32, #tpu.memory_space<vmem>>
      %dma_start3A_599 = arith.constant 0 : i32
      %dma_start3A_600 = tpu.memref_slice %arg7[%dma_start3A_592, %dma_start3A_593, %dma_start3A_599] : memref<4x2x128xi32, #tpu.memory_space<vmem>> -> memref<1x1x128xi32, #tpu.memory_space<vmem>>
      %dma_start3A_601 = tpu.memref_squeeze %dma_start3A_600 : memref<1x1x128xi32, #tpu.memory_space<vmem>> -> memref<128xi32, #tpu.memory_space<vmem>>
      %dma_start3A_602 = arith.constant 0 : i32
      %dma_start3A_603 = arith.constant 0 : i32
      %dma_start3A_604 = tpu.memref_slice %arg2[%dma_start3A_602, %dma_start3A_603] : memref<10000x128xf32, #tpu.memory_space<hbm>> -> memref<10000x128xf32, #tpu.memory_space<hbm>>
      tpu.enqueue_indirect_dma source(%dma_start3A_604 : memref<10000x128xf32, #tpu.memory_space<hbm>>) target(%dma_start3A_598 : memref<128x128xf32, #tpu.memory_space<vmem>>) offsets(%dma_start3A_601 : memref<128xi32, #tpu.memory_space<vmem>>) semaphore(%arg15 : memref<!tpu.dma_semaphore, #tpu.memory_space<semaphore_mem>>)
      %dma_wait3A_605 = arith.constant 2 : i32
      %dma_wait3A_606 = arith.constant 0 : i32
      %dma_wait3A_607 = arith.constant 0 : i32
      %dma_wait3A_608 = arith.constant 0 : i32
      %dma_wait3A_609 = arith.constant 0 : i32
      %dma_wait3A_610 = tpu.memref_slice %arg8[%dma_wait3A_607, %dma_wait3A_608, %dma_wait3A_609] : memref<2x128x128xf32, #tpu.memory_space<vmem>> -> memref<1x128x128xf32, #tpu.memory_space<vmem>>
      %dma_wait3A_611 = tpu.memref_squeeze %dma_wait3A_610 : memref<1x128x128xf32, #tpu.memory_space<vmem>> -> memref<128x128xf32, #tpu.memory_space<vmem>>
      %dma_wait3A_612 = arith.constant 0 : i32
      %dma_wait3A_613 = tpu.memref_slice %arg7[%dma_wait3A_605, %dma_wait3A_606, %dma_wait3A_612] : memref<4x2x128xi32, #tpu.memory_space<vmem>> -> memref<1x1x128xi32, #tpu.memory_space<vmem>>
      %dma_wait3A_614 = tpu.memref_squeeze %dma_wait3A_613 : memref<1x1x128xi32, #tpu.memory_space<vmem>> -> memref<128xi32, #tpu.memory_space<vmem>>
      %dma_wait3A_615 = arith.constant 0 : i32
      %dma_wait3A_616 = arith.constant 0 : i32
      %dma_wait3A_617 = tpu.memref_slice %arg2[%dma_wait3A_615, %dma_wait3A_616] : memref<10000x128xf32, #tpu.memory_space<hbm>> -> memref<10000x128xf32, #tpu.memory_space<hbm>>
      tpu.wait_indirect_dma semaphore(%arg14 : memref<!tpu.dma_semaphore, #tpu.memory_space<semaphore_mem>>) src(%dma_wait3A_617 : memref<10000x128xf32, #tpu.memory_space<hbm>>) dst(%dma_wait3A_611 : memref<128x128xf32, #tpu.memory_space<vmem>>)
      %run_scoped3A_618 = arith.constant 0 : i32
      %run_scoped3A_619 = arith.constant 2 : i32
      %run_scoped3A_620 = arith.constant 1 : i32
      "tpu.region"() ({
        %run_scoped3A_703 = tpu.sem_alloc : memref<!tpu.dma_semaphore, #tpu.memory_space<semaphore_mem>>
        %dma_start3A_704 = arith.constant 0 : i32
        %dma_start3A_705 = arith.constant 0 : i32
        %dma_start3A_706 = tpu.memref_slice %arg8[%run_scoped3A_618, %dma_start3A_704, %dma_start3A_705] : memref<2x128x128xf32, #tpu.memory_space<vmem>> -> memref<1x128x128xf32, #tpu.memory_space<vmem>>
        %dma_start3A_707 = tpu.memref_squeeze %dma_start3A_706 : memref<1x128x128xf32, #tpu.memory_space<vmem>> -> memref<128x128xf32, #tpu.memory_space<vmem>>
        %dma_start3A_708 = arith.constant 0 : i32
        %dma_start3A_709 = tpu.memref_slice %arg7[%run_scoped3A_619, %run_scoped3A_620, %dma_start3A_708] : memref<4x2x128xi32, #tpu.memory_space<vmem>> -> memref<1x1x128xi32, #tpu.memory_space<vmem>>
        %dma_start3A_710 = tpu.memref_squeeze %dma_start3A_709 : memref<1x1x128xi32, #tpu.memory_space<vmem>> -> memref<128xi32, #tpu.memory_space<vmem>>
        %dma_start3A_711 = arith.constant 0 : i32
        %dma_start3A_712 = arith.constant 0 : i32
        %dma_start3A_713 = tpu.memref_slice %arg9[%dma_start3A_711, %dma_start3A_712] : memref<10240x128xf32, #tpu.memory_space<vmem_shared>> -> memref<10240x128xf32, #tpu.memory_space<vmem_shared>>
        tpu.enqueue_indirect_dma source(%dma_start3A_707 : memref<128x128xf32, #tpu.memory_space<vmem>>) target(%dma_start3A_713 : memref<10240x128xf32, #tpu.memory_space<vmem_shared>>) offsets(%dma_start3A_710 : memref<128xi32, #tpu.memory_space<vmem>>) semaphore(%run_scoped3A_703 : memref<!tpu.dma_semaphore, #tpu.memory_space<semaphore_mem>>) {add = true}
        %dma_wait3A_714 = arith.constant 0 : i32
        %dma_wait3A_715 = arith.constant 0 : i32
        %dma_wait3A_716 = tpu.memref_slice %arg8[%run_scoped3A_618, %dma_wait3A_714, %dma_wait3A_715] : memref<2x128x128xf32, #tpu.memory_space<vmem>> -> memref<1x128x128xf32, #tpu.memory_space<vmem>>
        %dma_wait3A_717 = tpu.memref_squeeze %dma_wait3A_716 : memref<1x128x128xf32, #tpu.memory_space<vmem>> -> memref<128x128xf32, #tpu.memory_space<vmem>>
        %dma_wait3A_718 = arith.constant 0 : i32
        %dma_wait3A_719 = tpu.memref_slice %arg7[%run_scoped3A_619, %run_scoped3A_620, %dma_wait3A_718] : memref<4x2x128xi32, #tpu.memory_space<vmem>> -> memref<1x1x128xi32, #tpu.memory_space<vmem>>
        %dma_wait3A_720 = tpu.memref_squeeze %dma_wait3A_719 : memref<1x1x128xi32, #tpu.memory_space<vmem>> -> memref<128xi32, #tpu.memory_space<vmem>>
        %dma_wait3A_721 = arith.constant 0 : i32
        %dma_wait3A_722 = arith.constant 0 : i32
        %dma_wait3A_723 = tpu.memref_slice %arg9[%dma_wait3A_721, %dma_wait3A_722] : memref<10240x128xf32, #tpu.memory_space<vmem_shared>> -> memref<10240x128xf32, #tpu.memory_space<vmem_shared>>
        tpu.wait_indirect_dma semaphore(%run_scoped3A_703 : memref<!tpu.dma_semaphore, #tpu.memory_space<semaphore_mem>>) src(%dma_wait3A_717 : memref<128x128xf32, #tpu.memory_space<vmem>>) dst(%dma_wait3A_723 : memref<10240x128xf32, #tpu.memory_space<vmem_shared>>)
        tpu.yield
      }) : () -> ()
      %mul3A_621 = arith.constant 4 : i32
      %mul3A_622 = arith.muli %mul3A_621, %scan3A_462 : i32
      %add3A_623 = arith.constant 2 : i32
      %add3A_624 = arith.addi %mul3A_622, %add3A_623 : i32
      %add3A_625 = arith.constant 4 : i32
      %add3A_626 = arith.addi %add3A_624, %add3A_625 : i32
      %mul3A_627 = arith.constant 128 : i32
      %mul3A_628 = arith.muli %add3A_626, %mul3A_627 : i32
      %add3A_629 = arith.addi %mul3A_6, %mul3A_628 : i32
      %dma_start3A_630 = arith.constant 2 : i32
      %dma_start3A_631 = arith.constant 0 : i32
      %dma_start3A_632 = arith.constant 0 : i32
      %dma_start3A_633 = tpu.memref_slice %arg7[%dma_start3A_630, %dma_start3A_631, %dma_start3A_632] : memref<4x2x128xi32, #tpu.memory_space<vmem>> -> memref<1x2x128xi32, #tpu.memory_space<vmem>>
      %dma_start3A_634 = tpu.memref_squeeze %dma_start3A_633 : memref<1x2x128xi32, #tpu.memory_space<vmem>> -> memref<2x128xi32, #tpu.memory_space<vmem>>
      %dma_start3A_635 = arith.constant 0 : i32
      %dma_start3A_636 = tpu.memref_slice %arg3[%dma_start3A_635, %add3A_629] : memref<2x320000xi32, #tpu.memory_space<hbm>> -> memref<2x128xi32, #tpu.memory_space<hbm>>
      %dma_start3A_637 = arith.constant 0 : i32
      %dma_start3A_638 = arith.constant 0 : i32
      %dma_start3A_639 = tpu.memref_slice %arg7[%dma_start3A_630, %dma_start3A_637, %dma_start3A_638] : memref<4x2x128xi32, #tpu.memory_space<vmem>> -> memref<1x2x128xi32, #tpu.memory_space<vmem>>
      %dma_start3A_640 = tpu.memref_squeeze %dma_start3A_639 : memref<1x2x128xi32, #tpu.memory_space<vmem>> -> memref<2x128xi32, #tpu.memory_space<vmem>>
      %dma_start3A_641 = arith.constant 0 : i32
      %dma_start3A_642 = tpu.memref_slice %arg3[%dma_start3A_641, %add3A_629] : memref<2x320000xi32, #tpu.memory_space<hbm>> -> memref<2x128xi32, #tpu.memory_space<hbm>>
      tpu.enqueue_dma source(%dma_start3A_642 : memref<2x128xi32, #tpu.memory_space<hbm>>) target(%dma_start3A_640 : memref<2x128xi32, #tpu.memory_space<vmem>>) target_semaphore(%arg12 : memref<!tpu.dma_semaphore, #tpu.memory_space<semaphore_mem>>)
      %dma_wait3A_643 = arith.constant 0 : i32
      %dma_wait3A_644 = arith.constant 0 : i32
      %dma_wait3A_645 = arith.constant 0 : i32
      %dma_wait3A_646 = tpu.memref_slice %arg7[%dma_wait3A_643, %dma_wait3A_644, %dma_wait3A_645] : memref<4x2x128xi32, #tpu.memory_space<vmem>> -> memref<1x2x128xi32, #tpu.memory_space<vmem>>
      %dma_wait3A_647 = tpu.memref_squeeze %dma_wait3A_646 : memref<1x2x128xi32, #tpu.memory_space<vmem>> -> memref<2x128xi32, #tpu.memory_space<vmem>>
      %dma_wait3A_648 = arith.constant 0 : i32
      %dma_wait3A_649 = arith.constant 0 : i32
      %dma_wait3A_650 = tpu.memref_slice %arg7[%dma_wait3A_643, %dma_wait3A_648, %dma_wait3A_649] : memref<4x2x128xi32, #tpu.memory_space<vmem>> -> memref<1x2x128xi32, #tpu.memory_space<vmem>>
      %dma_wait3A_651 = tpu.memref_squeeze %dma_wait3A_650 : memref<1x2x128xi32, #tpu.memory_space<vmem>> -> memref<2x128xi32, #tpu.memory_space<vmem>>
      tpu.wait_dma2 semaphore(%arg10 : memref<!tpu.dma_semaphore, #tpu.memory_space<semaphore_mem>>) src(%arg4 : memref<2x128xi32, #tpu.memory_space<hbm>>) dst(%dma_wait3A_651 : memref<2x128xi32, #tpu.memory_space<vmem>>)
      %dma_start3A_652 = arith.constant 0 : i32
      %dma_start3A_653 = arith.constant 0 : i32
      %dma_start3A_654 = arith.constant 0 : i32
      %dma_start3A_655 = arith.constant 0 : i32
      %dma_start3A_656 = arith.constant 0 : i32
      %dma_start3A_657 = tpu.memref_slice %arg8[%dma_start3A_654, %dma_start3A_655, %dma_start3A_656] : memref<2x128x128xf32, #tpu.memory_space<vmem>> -> memref<1x128x128xf32, #tpu.memory_space<vmem>>
      %dma_start3A_658 = tpu.memref_squeeze %dma_start3A_657 : memref<1x128x128xf32, #tpu.memory_space<vmem>> -> memref<128x128xf32, #tpu.memory_space<vmem>>
      %dma_start3A_659 = arith.constant 0 : i32
      %dma_start3A_660 = tpu.memref_slice %arg7[%dma_start3A_652, %dma_start3A_653, %dma_start3A_659] : memref<4x2x128xi32, #tpu.memory_space<vmem>> -> memref<1x1x128xi32, #tpu.memory_space<vmem>>
      %dma_start3A_661 = tpu.memref_squeeze %dma_start3A_660 : memref<1x1x128xi32, #tpu.memory_space<vmem>> -> memref<128xi32, #tpu.memory_space<vmem>>
      %dma_start3A_662 = arith.constant 0 : i32
      %dma_start3A_663 = arith.constant 0 : i32
      %dma_start3A_664 = tpu.memref_slice %arg2[%dma_start3A_662, %dma_start3A_663] : memref<10000x128xf32, #tpu.memory_space<hbm>> -> memref<10000x128xf32, #tpu.memory_space<hbm>>
      tpu.enqueue_indirect_dma source(%dma_start3A_664 : memref<10000x128xf32, #tpu.memory_space<hbm>>) target(%dma_start3A_658 : memref<128x128xf32, #tpu.memory_space<vmem>>) offsets(%dma_start3A_661 : memref<128xi32, #tpu.memory_space<vmem>>) semaphore(%arg14 : memref<!tpu.dma_semaphore, #tpu.memory_space<semaphore_mem>>)
      %dma_wait3A_665 = arith.constant 3 : i32
      %dma_wait3A_666 = arith.constant 0 : i32
      %dma_wait3A_667 = arith.constant 1 : i32
      %dma_wait3A_668 = arith.constant 0 : i32
      %dma_wait3A_669 = arith.constant 0 : i32
      %dma_wait3A_670 = tpu.memref_slice %arg8[%dma_wait3A_667, %dma_wait3A_668, %dma_wait3A_669] : memref<2x128x128xf32, #tpu.memory_space<vmem>> -> memref<1x128x128xf32, #tpu.memory_space<vmem>>
      %dma_wait3A_671 = tpu.memref_squeeze %dma_wait3A_670 : memref<1x128x128xf32, #tpu.memory_space<vmem>> -> memref<128x128xf32, #tpu.memory_space<vmem>>
      %dma_wait3A_672 = arith.constant 0 : i32
      %dma_wait3A_673 = tpu.memref_slice %arg7[%dma_wait3A_665, %dma_wait3A_666, %dma_wait3A_672] : memref<4x2x128xi32, #tpu.memory_space<vmem>> -> memref<1x1x128xi32, #tpu.memory_space<vmem>>
      %dma_wait3A_674 = tpu.memref_squeeze %dma_wait3A_673 : memref<1x1x128xi32, #tpu.memory_space<vmem>> -> memref<128xi32, #tpu.memory_space<vmem>>
      %dma_wait3A_675 = arith.constant 0 : i32
      %dma_wait3A_676 = arith.constant 0 : i32
      %dma_wait3A_677 = tpu.memref_slice %arg2[%dma_wait3A_675, %dma_wait3A_676] : memref<10000x128xf32, #tpu.memory_space<hbm>> -> memref<10000x128xf32, #tpu.memory_space<hbm>>
      tpu.wait_indirect_dma semaphore(%arg15 : memref<!tpu.dma_semaphore, #tpu.memory_space<semaphore_mem>>) src(%dma_wait3A_677 : memref<10000x128xf32, #tpu.memory_space<hbm>>) dst(%dma_wait3A_671 : memref<128x128xf32, #tpu.memory_space<vmem>>)
      %run_scoped3A_678 = arith.constant 1 : i32
      %run_scoped3A_679 = arith.constant 3 : i32
      %run_scoped3A_680 = arith.constant 1 : i32
      "tpu.region"() ({
        %run_scoped3A_703 = tpu.sem_alloc : memref<!tpu.dma_semaphore, #tpu.memory_space<semaphore_mem>>
        %dma_start3A_704 = arith.constant 0 : i32
        %dma_start3A_705 = arith.constant 0 : i32
        %dma_start3A_706 = tpu.memref_slice %arg8[%run_scoped3A_678, %dma_start3A_704, %dma_start3A_705] : memref<2x128x128xf32, #tpu.memory_space<vmem>> -> memref<1x128x128xf32, #tpu.memory_space<vmem>>
        %dma_start3A_707 = tpu.memref_squeeze %dma_start3A_706 : memref<1x128x128xf32, #tpu.memory_space<vmem>> -> memref<128x128xf32, #tpu.memory_space<vmem>>
        %dma_start3A_708 = arith.constant 0 : i32
        %dma_start3A_709 = tpu.memref_slice %arg7[%run_scoped3A_679, %run_scoped3A_680, %dma_start3A_708] : memref<4x2x128xi32, #tpu.memory_space<vmem>> -> memref<1x1x128xi32, #tpu.memory_space<vmem>>
        %dma_start3A_710 = tpu.memref_squeeze %dma_start3A_709 : memref<1x1x128xi32, #tpu.memory_space<vmem>> -> memref<128xi32, #tpu.memory_space<vmem>>
        %dma_start3A_711 = arith.constant 0 : i32
        %dma_start3A_712 = arith.constant 0 : i32
        %dma_start3A_713 = tpu.memref_slice %arg9[%dma_start3A_711, %dma_start3A_712] : memref<10240x128xf32, #tpu.memory_space<vmem_shared>> -> memref<10240x128xf32, #tpu.memory_space<vmem_shared>>
        tpu.enqueue_indirect_dma source(%dma_start3A_707 : memref<128x128xf32, #tpu.memory_space<vmem>>) target(%dma_start3A_713 : memref<10240x128xf32, #tpu.memory_space<vmem_shared>>) offsets(%dma_start3A_710 : memref<128xi32, #tpu.memory_space<vmem>>) semaphore(%run_scoped3A_703 : memref<!tpu.dma_semaphore, #tpu.memory_space<semaphore_mem>>) {add = true}
        %dma_wait3A_714 = arith.constant 0 : i32
        %dma_wait3A_715 = arith.constant 0 : i32
        %dma_wait3A_716 = tpu.memref_slice %arg8[%run_scoped3A_678, %dma_wait3A_714, %dma_wait3A_715] : memref<2x128x128xf32, #tpu.memory_space<vmem>> -> memref<1x128x128xf32, #tpu.memory_space<vmem>>
        %dma_wait3A_717 = tpu.memref_squeeze %dma_wait3A_716 : memref<1x128x128xf32, #tpu.memory_space<vmem>> -> memref<128x128xf32, #tpu.memory_space<vmem>>
        %dma_wait3A_718 = arith.constant 0 : i32
        %dma_wait3A_719 = tpu.memref_slice %arg7[%run_scoped3A_679, %run_scoped3A_680, %dma_wait3A_718] : memref<4x2x128xi32, #tpu.memory_space<vmem>> -> memref<1x1x128xi32, #tpu.memory_space<vmem>>
        %dma_wait3A_720 = tpu.memref_squeeze %dma_wait3A_719 : memref<1x1x128xi32, #tpu.memory_space<vmem>> -> memref<128xi32, #tpu.memory_space<vmem>>
        %dma_wait3A_721 = arith.constant 0 : i32
        %dma_wait3A_722 = arith.constant 0 : i32
        %dma_wait3A_723 = tpu.memref_slice %arg9[%dma_wait3A_721, %dma_wait3A_722] : memref<10240x128xf32, #tpu.memory_space<vmem_shared>> -> memref<10240x128xf32, #tpu.memory_space<vmem_shared>>
        tpu.wait_indirect_dma semaphore(%run_scoped3A_703 : memref<!tpu.dma_semaphore, #tpu.memory_space<semaphore_mem>>) src(%dma_wait3A_717 : memref<128x128xf32, #tpu.memory_space<vmem>>) dst(%dma_wait3A_723 : memref<10240x128xf32, #tpu.memory_space<vmem_shared>>)
        tpu.yield
      }) : () -> ()
      %mul3A_681 = arith.constant 4 : i32
      %mul3A_682 = arith.muli %mul3A_681, %scan3A_462 : i32
      %add3A_683 = arith.constant 3 : i32
      %add3A_684 = arith.addi %mul3A_682, %add3A_683 : i32
      %add3A_685 = arith.constant 4 : i32
      %add3A_686 = arith.addi %add3A_684, %add3A_685 : i32
      %mul3A_687 = arith.constant 128 : i32
      %mul3A_688 = arith.muli %add3A_686, %mul3A_687 : i32
      %add3A_689 = arith.addi %mul3A_6, %mul3A_688 : i32
      %dma_start3A_690 = arith.constant 3 : i32
      %dma_start3A_691 = arith.constant 0 : i32
      %dma_start3A_692 = arith.constant 0 : i32
      %dma_start3A_693 = tpu.memref_slice %arg7[%dma_start3A_690, %dma_start3A_691, %dma_start3A_692] : memref<4x2x128xi32, #tpu.memory_space<vmem>> -> memref<1x2x128xi32, #tpu.memory_space<vmem>>
      %dma_start3A_694 = tpu.memref_squeeze %dma_start3A_693 : memref<1x2x128xi32, #tpu.memory_space<vmem>> -> memref<2x128xi32, #tpu.memory_space<vmem>>
      %dma_start3A_695 = arith.constant 0 : i32
      %dma_start3A_696 = tpu.memref_slice %arg3[%dma_start3A_695, %add3A_689] : memref<2x320000xi32, #tpu.memory_space<hbm>> -> memref<2x128xi32, #tpu.memory_space<hbm>>
      %dma_start3A_697 = arith.constant 0 : i32
      %dma_start3A_698 = arith.constant 0 : i32
      %dma_start3A_699 = tpu.memref_slice %arg7[%dma_start3A_690, %dma_start3A_697, %dma_start3A_698] : memref<4x2x128xi32, #tpu.memory_space<vmem>> -> memref<1x2x128xi32, #tpu.memory_space<vmem>>
      %dma_start3A_700 = tpu.memref_squeeze %dma_start3A_699 : memref<1x2x128xi32, #tpu.memory_space<vmem>> -> memref<2x128xi32, #tpu.memory_space<vmem>>
      %dma_start3A_701 = arith.constant 0 : i32
      %dma_start3A_702 = tpu.memref_slice %arg3[%dma_start3A_701, %add3A_689] : memref<2x320000xi32, #tpu.memory_space<hbm>> -> memref<2x128xi32, #tpu.memory_space<hbm>>
      tpu.enqueue_dma source(%dma_start3A_702 : memref<2x128xi32, #tpu.memory_space<hbm>>) target(%dma_start3A_700 : memref<2x128xi32, #tpu.memory_space<vmem>>) target_semaphore(%arg13 : memref<!tpu.dma_semaphore, #tpu.memory_space<semaphore_mem>>)
    }
    %scan3A_107 = arith.constant 18 : i32
    %dma_wait3A_108 = arith.constant 1 : i32
    %dma_wait3A_109 = arith.constant 0 : i32
    %dma_wait3A_110 = arith.constant 0 : i32
    %dma_wait3A_111 = tpu.memref_slice %arg7[%dma_wait3A_108, %dma_wait3A_109, %dma_wait3A_110] : memref<4x2x128xi32, #tpu.memory_space<vmem>> -> memref<1x2x128xi32, #tpu.memory_space<vmem>>
    %dma_wait3A_112 = tpu.memref_squeeze %dma_wait3A_111 : memref<1x2x128xi32, #tpu.memory_space<vmem>> -> memref<2x128xi32, #tpu.memory_space<vmem>>
    %dma_wait3A_113 = arith.constant 0 : i32
    %dma_wait3A_114 = arith.constant 0 : i32
    %dma_wait3A_115 = tpu.memref_slice %arg7[%dma_wait3A_108, %dma_wait3A_113, %dma_wait3A_114] : memref<4x2x128xi32, #tpu.memory_space<vmem>> -> memref<1x2x128xi32, #tpu.memory_space<vmem>>
    %dma_wait3A_116 = tpu.memref_squeeze %dma_wait3A_115 : memref<1x2x128xi32, #tpu.memory_space<vmem>> -> memref<2x128xi32, #tpu.memory_space<vmem>>
    tpu.wait_dma2 semaphore(%arg11 : memref<!tpu.dma_semaphore, #tpu.memory_space<semaphore_mem>>) src(%arg4 : memref<2x128xi32, #tpu.memory_space<hbm>>) dst(%dma_wait3A_116 : memref<2x128xi32, #tpu.memory_space<vmem>>)
    %dma_start3A_117 = arith.constant 1 : i32
    %dma_start3A_118 = arith.constant 0 : i32
    %dma_start3A_119 = arith.constant 1 : i32
    %dma_start3A_120 = arith.constant 0 : i32
    %dma_start3A_121 = arith.constant 0 : i32
    %dma_start3A_122 = tpu.memref_slice %arg8[%dma_start3A_119, %dma_start3A_120, %dma_start3A_121] : memref<2x128x128xf32, #tpu.memory_space<vmem>> -> memref<1x128x128xf32, #tpu.memory_space<vmem>>
    %dma_start3A_123 = tpu.memref_squeeze %dma_start3A_122 : memref<1x128x128xf32, #tpu.memory_space<vmem>> -> memref<128x128xf32, #tpu.memory_space<vmem>>
    %dma_start3A_124 = arith.constant 0 : i32
    %dma_start3A_125 = tpu.memref_slice %arg7[%dma_start3A_117, %dma_start3A_118, %dma_start3A_124] : memref<4x2x128xi32, #tpu.memory_space<vmem>> -> memref<1x1x128xi32, #tpu.memory_space<vmem>>
    %dma_start3A_126 = tpu.memref_squeeze %dma_start3A_125 : memref<1x1x128xi32, #tpu.memory_space<vmem>> -> memref<128xi32, #tpu.memory_space<vmem>>
    %dma_start3A_127 = arith.constant 0 : i32
    %dma_start3A_128 = arith.constant 0 : i32
    %dma_start3A_129 = tpu.memref_slice %arg2[%dma_start3A_127, %dma_start3A_128] : memref<10000x128xf32, #tpu.memory_space<hbm>> -> memref<10000x128xf32, #tpu.memory_space<hbm>>
    tpu.enqueue_indirect_dma source(%dma_start3A_129 : memref<10000x128xf32, #tpu.memory_space<hbm>>) target(%dma_start3A_123 : memref<128x128xf32, #tpu.memory_space<vmem>>) offsets(%dma_start3A_126 : memref<128xi32, #tpu.memory_space<vmem>>) semaphore(%arg15 : memref<!tpu.dma_semaphore, #tpu.memory_space<semaphore_mem>>)
    %dma_wait3A_130 = arith.constant 0 : i32
    %dma_wait3A_131 = arith.constant 0 : i32
    %dma_wait3A_132 = arith.constant 0 : i32
    %dma_wait3A_133 = arith.constant 0 : i32
    %dma_wait3A_134 = arith.constant 0 : i32
    %dma_wait3A_135 = tpu.memref_slice %arg8[%dma_wait3A_132, %dma_wait3A_133, %dma_wait3A_134] : memref<2x128x128xf32, #tpu.memory_space<vmem>> -> memref<1x128x128xf32, #tpu.memory_space<vmem>>
    %dma_wait3A_136 = tpu.memref_squeeze %dma_wait3A_135 : memref<1x128x128xf32, #tpu.memory_space<vmem>> -> memref<128x128xf32, #tpu.memory_space<vmem>>
    %dma_wait3A_137 = arith.constant 0 : i32
    %dma_wait3A_138 = tpu.memref_slice %arg7[%dma_wait3A_130, %dma_wait3A_131, %dma_wait3A_137] : memref<4x2x128xi32, #tpu.memory_space<vmem>> -> memref<1x1x128xi32, #tpu.memory_space<vmem>>
    %dma_wait3A_139 = tpu.memref_squeeze %dma_wait3A_138 : memref<1x1x128xi32, #tpu.memory_space<vmem>> -> memref<128xi32, #tpu.memory_space<vmem>>
    %dma_wait3A_140 = arith.constant 0 : i32
    %dma_wait3A_141 = arith.constant 0 : i32
    %dma_wait3A_142 = tpu.memref_slice %arg2[%dma_wait3A_140, %dma_wait3A_141] : memref<10000x128xf32, #tpu.memory_space<hbm>> -> memref<10000x128xf32, #tpu.memory_space<hbm>>
    tpu.wait_indirect_dma semaphore(%arg14 : memref<!tpu.dma_semaphore, #tpu.memory_space<semaphore_mem>>) src(%dma_wait3A_142 : memref<10000x128xf32, #tpu.memory_space<hbm>>) dst(%dma_wait3A_136 : memref<128x128xf32, #tpu.memory_space<vmem>>)
    %run_scoped3A = arith.constant 0 : i32
    %run_scoped3A_143 = arith.constant 0 : i32
    %run_scoped3A_144 = arith.constant 1 : i32
    "tpu.region"() ({
      %run_scoped3A_462 = tpu.sem_alloc : memref<!tpu.dma_semaphore, #tpu.memory_space<semaphore_mem>>
      %dma_start3A_463 = arith.constant 0 : i32
      %dma_start3A_464 = arith.constant 0 : i32
      %dma_start3A_465 = tpu.memref_slice %arg8[%run_scoped3A, %dma_start3A_463, %dma_start3A_464] : memref<2x128x128xf32, #tpu.memory_space<vmem>> -> memref<1x128x128xf32, #tpu.memory_space<vmem>>
      %dma_start3A_466 = tpu.memref_squeeze %dma_start3A_465 : memref<1x128x128xf32, #tpu.memory_space<vmem>> -> memref<128x128xf32, #tpu.memory_space<vmem>>
      %dma_start3A_467 = arith.constant 0 : i32
      %dma_start3A_468 = tpu.memref_slice %arg7[%run_scoped3A_143, %run_scoped3A_144, %dma_start3A_467] : memref<4x2x128xi32, #tpu.memory_space<vmem>> -> memref<1x1x128xi32, #tpu.memory_space<vmem>>
      %dma_start3A_469 = tpu.memref_squeeze %dma_start3A_468 : memref<1x1x128xi32, #tpu.memory_space<vmem>> -> memref<128xi32, #tpu.memory_space<vmem>>
      %dma_start3A_470 = arith.constant 0 : i32
      %dma_start3A_471 = arith.constant 0 : i32
      %dma_start3A_472 = tpu.memref_slice %arg9[%dma_start3A_470, %dma_start3A_471] : memref<10240x128xf32, #tpu.memory_space<vmem_shared>> -> memref<10240x128xf32, #tpu.memory_space<vmem_shared>>
      tpu.enqueue_indirect_dma source(%dma_start3A_466 : memref<128x128xf32, #tpu.memory_space<vmem>>) target(%dma_start3A_472 : memref<10240x128xf32, #tpu.memory_space<vmem_shared>>) offsets(%dma_start3A_469 : memref<128xi32, #tpu.memory_space<vmem>>) semaphore(%run_scoped3A_462 : memref<!tpu.dma_semaphore, #tpu.memory_space<semaphore_mem>>) {add = true}
      %dma_wait3A_473 = arith.constant 0 : i32
      %dma_wait3A_474 = arith.constant 0 : i32
      %dma_wait3A_475 = tpu.memref_slice %arg8[%run_scoped3A, %dma_wait3A_473, %dma_wait3A_474] : memref<2x128x128xf32, #tpu.memory_space<vmem>> -> memref<1x128x128xf32, #tpu.memory_space<vmem>>
      %dma_wait3A_476 = tpu.memref_squeeze %dma_wait3A_475 : memref<1x128x128xf32, #tpu.memory_space<vmem>> -> memref<128x128xf32, #tpu.memory_space<vmem>>
      %dma_wait3A_477 = arith.constant 0 : i32
      %dma_wait3A_478 = tpu.memref_slice %arg7[%run_scoped3A_143, %run_scoped3A_144, %dma_wait3A_477] : memref<4x2x128xi32, #tpu.memory_space<vmem>> -> memref<1x1x128xi32, #tpu.memory_space<vmem>>
      %dma_wait3A_479 = tpu.memref_squeeze %dma_wait3A_478 : memref<1x1x128xi32, #tpu.memory_space<vmem>> -> memref<128xi32, #tpu.memory_space<vmem>>
      %dma_wait3A_480 = arith.constant 0 : i32
      %dma_wait3A_481 = arith.constant 0 : i32
      %dma_wait3A_482 = tpu.memref_slice %arg9[%dma_wait3A_480, %dma_wait3A_481] : memref<10240x128xf32, #tpu.memory_space<vmem_shared>> -> memref<10240x128xf32, #tpu.memory_space<vmem_shared>>
      tpu.wait_indirect_dma semaphore(%run_scoped3A_462 : memref<!tpu.dma_semaphore, #tpu.memory_space<semaphore_mem>>) src(%dma_wait3A_476 : memref<128x128xf32, #tpu.memory_space<vmem>>) dst(%dma_wait3A_482 : memref<10240x128xf32, #tpu.memory_space<vmem_shared>>)
      tpu.yield
    }) : () -> ()
    %add3A_145 = arith.constant 9728 : i32
    %add3A_146 = arith.addi %mul3A_6, %add3A_145 : i32
    %mul3A_147 = arith.constant 128 : i32
    %mul3A_148 = arith.muli %add3A, %mul3A_147 : i32
    %add3A_149 = arith.constant 319488 : i32
    %add3A_150 = arith.addi %add3A_149, %mul3A_148 : i32
    %jit3A_151 = arith.constant true
    %select_n3A_152 = arith.select %jit3A_151, %add3A_146, %add3A_150 : i32
    %gt3A = arith.constant 76 : i32
    %gt3A_153 = arith.cmpi sgt, %add3A_4, %gt3A : i32
    %convert_element_type3A = arith.extui %gt3A_153 : i1 to i32
    %cond3A = arith.constant 0 : i32
    %cond3A_154 = arith.cmpi ne, %convert_element_type3A, %cond3A : i32
    scf.if %cond3A_154 {
      %dma_start3A_462 = arith.constant 0 : i32
      %dma_start3A_463 = arith.constant 0 : i32
      %dma_start3A_464 = arith.constant 0 : i32
      %dma_start3A_465 = tpu.memref_slice %arg7[%dma_start3A_462, %dma_start3A_463, %dma_start3A_464] : memref<4x2x128xi32, #tpu.memory_space<vmem>> -> memref<1x2x128xi32, #tpu.memory_space<vmem>>
      %dma_start3A_466 = tpu.memref_squeeze %dma_start3A_465 : memref<1x2x128xi32, #tpu.memory_space<vmem>> -> memref<2x128xi32, #tpu.memory_space<vmem>>
      %dma_start3A_467 = arith.constant 0 : i32
      %dma_start3A_468 = tpu.memref_slice %arg3[%dma_start3A_467, %select_n3A_152] : memref<2x320000xi32, #tpu.memory_space<hbm>> -> memref<2x128xi32, #tpu.memory_space<hbm>>
      %dma_start3A_469 = arith.constant 0 : i32
      %dma_start3A_470 = arith.constant 0 : i32
      %dma_start3A_471 = tpu.memref_slice %arg7[%dma_start3A_462, %dma_start3A_469, %dma_start3A_470] : memref<4x2x128xi32, #tpu.memory_space<vmem>> -> memref<1x2x128xi32, #tpu.memory_space<vmem>>
      %dma_start3A_472 = tpu.memref_squeeze %dma_start3A_471 : memref<1x2x128xi32, #tpu.memory_space<vmem>> -> memref<2x128xi32, #tpu.memory_space<vmem>>
      %dma_start3A_473 = arith.constant 0 : i32
      %dma_start3A_474 = tpu.memref_slice %arg3[%dma_start3A_473, %select_n3A_152] : memref<2x320000xi32, #tpu.memory_space<hbm>> -> memref<2x128xi32, #tpu.memory_space<hbm>>
      tpu.enqueue_dma source(%dma_start3A_474 : memref<2x128xi32, #tpu.memory_space<hbm>>) target(%dma_start3A_472 : memref<2x128xi32, #tpu.memory_space<vmem>>) target_semaphore(%arg10 : memref<!tpu.dma_semaphore, #tpu.memory_space<semaphore_mem>>)
    } else {
    }
    %le3A = arith.constant 76 : i32
    %le3A_155 = arith.cmpi sle, %add3A_4, %le3A : i32
    %convert_element_type3A_156 = arith.extui %le3A_155 : i1 to i32
    %cond3A_157 = arith.constant 0 : i32
    %cond3A_158 = arith.cmpi ne, %convert_element_type3A_156, %cond3A_157 : i32
    scf.if %cond3A_158 {
      %dma_start3A_462 = arith.constant 0 : i32
      %dma_start3A_463 = arith.constant 0 : i32
      %dma_start3A_464 = arith.constant 0 : i32
      %dma_start3A_465 = tpu.memref_slice %arg7[%dma_start3A_462, %dma_start3A_463, %dma_start3A_464] : memref<4x2x128xi32, #tpu.memory_space<vmem>> -> memref<1x2x128xi32, #tpu.memory_space<vmem>>
      %dma_start3A_466 = tpu.memref_squeeze %dma_start3A_465 : memref<1x2x128xi32, #tpu.memory_space<vmem>> -> memref<2x128xi32, #tpu.memory_space<vmem>>
      %dma_start3A_467 = arith.constant 0 : i32
      %dma_start3A_468 = arith.constant 0 : i32
      %dma_start3A_469 = tpu.memref_slice %arg7[%dma_start3A_462, %dma_start3A_467, %dma_start3A_468] : memref<4x2x128xi32, #tpu.memory_space<vmem>> -> memref<1x2x128xi32, #tpu.memory_space<vmem>>
      %dma_start3A_470 = tpu.memref_squeeze %dma_start3A_469 : memref<1x2x128xi32, #tpu.memory_space<vmem>> -> memref<2x128xi32, #tpu.memory_space<vmem>>
      tpu.enqueue_dma source(%arg4 : memref<2x128xi32, #tpu.memory_space<hbm>>) target(%dma_start3A_470 : memref<2x128xi32, #tpu.memory_space<vmem>>) target_semaphore(%arg10 : memref<!tpu.dma_semaphore, #tpu.memory_space<semaphore_mem>>)
    } else {
    }
    %dma_wait3A_159 = arith.constant 2 : i32
    %dma_wait3A_160 = arith.constant 0 : i32
    %dma_wait3A_161 = arith.constant 0 : i32
    %dma_wait3A_162 = tpu.memref_slice %arg7[%dma_wait3A_159, %dma_wait3A_160, %dma_wait3A_161] : memref<4x2x128xi32, #tpu.memory_space<vmem>> -> memref<1x2x128xi32, #tpu.memory_space<vmem>>
    %dma_wait3A_163 = tpu.memref_squeeze %dma_wait3A_162 : memref<1x2x128xi32, #tpu.memory_space<vmem>> -> memref<2x128xi32, #tpu.memory_space<vmem>>
    %dma_wait3A_164 = arith.constant 0 : i32
    %dma_wait3A_165 = arith.constant 0 : i32
    %dma_wait3A_166 = tpu.memref_slice %arg7[%dma_wait3A_159, %dma_wait3A_164, %dma_wait3A_165] : memref<4x2x128xi32, #tpu.memory_space<vmem>> -> memref<1x2x128xi32, #tpu.memory_space<vmem>>
    %dma_wait3A_167 = tpu.memref_squeeze %dma_wait3A_166 : memref<1x2x128xi32, #tpu.memory_space<vmem>> -> memref<2x128xi32, #tpu.memory_space<vmem>>
    tpu.wait_dma2 semaphore(%arg12 : memref<!tpu.dma_semaphore, #tpu.memory_space<semaphore_mem>>) src(%arg4 : memref<2x128xi32, #tpu.memory_space<hbm>>) dst(%dma_wait3A_167 : memref<2x128xi32, #tpu.memory_space<vmem>>)
    %dma_start3A_168 = arith.constant 2 : i32
    %dma_start3A_169 = arith.constant 0 : i32
    %dma_start3A_170 = arith.constant 0 : i32
    %dma_start3A_171 = arith.constant 0 : i32
    %dma_start3A_172 = arith.constant 0 : i32
    %dma_start3A_173 = tpu.memref_slice %arg8[%dma_start3A_170, %dma_start3A_171, %dma_start3A_172] : memref<2x128x128xf32, #tpu.memory_space<vmem>> -> memref<1x128x128xf32, #tpu.memory_space<vmem>>
    %dma_start3A_174 = tpu.memref_squeeze %dma_start3A_173 : memref<1x128x128xf32, #tpu.memory_space<vmem>> -> memref<128x128xf32, #tpu.memory_space<vmem>>
    %dma_start3A_175 = arith.constant 0 : i32
    %dma_start3A_176 = tpu.memref_slice %arg7[%dma_start3A_168, %dma_start3A_169, %dma_start3A_175] : memref<4x2x128xi32, #tpu.memory_space<vmem>> -> memref<1x1x128xi32, #tpu.memory_space<vmem>>
    %dma_start3A_177 = tpu.memref_squeeze %dma_start3A_176 : memref<1x1x128xi32, #tpu.memory_space<vmem>> -> memref<128xi32, #tpu.memory_space<vmem>>
    %dma_start3A_178 = arith.constant 0 : i32
    %dma_start3A_179 = arith.constant 0 : i32
    %dma_start3A_180 = tpu.memref_slice %arg2[%dma_start3A_178, %dma_start3A_179] : memref<10000x128xf32, #tpu.memory_space<hbm>> -> memref<10000x128xf32, #tpu.memory_space<hbm>>
    tpu.enqueue_indirect_dma source(%dma_start3A_180 : memref<10000x128xf32, #tpu.memory_space<hbm>>) target(%dma_start3A_174 : memref<128x128xf32, #tpu.memory_space<vmem>>) offsets(%dma_start3A_177 : memref<128xi32, #tpu.memory_space<vmem>>) semaphore(%arg14 : memref<!tpu.dma_semaphore, #tpu.memory_space<semaphore_mem>>)
    %dma_wait3A_181 = arith.constant 1 : i32
    %dma_wait3A_182 = arith.constant 0 : i32
    %dma_wait3A_183 = arith.constant 1 : i32
    %dma_wait3A_184 = arith.constant 0 : i32
    %dma_wait3A_185 = arith.constant 0 : i32
    %dma_wait3A_186 = tpu.memref_slice %arg8[%dma_wait3A_183, %dma_wait3A_184, %dma_wait3A_185] : memref<2x128x128xf32, #tpu.memory_space<vmem>> -> memref<1x128x128xf32, #tpu.memory_space<vmem>>
    %dma_wait3A_187 = tpu.memref_squeeze %dma_wait3A_186 : memref<1x128x128xf32, #tpu.memory_space<vmem>> -> memref<128x128xf32, #tpu.memory_space<vmem>>
    %dma_wait3A_188 = arith.constant 0 : i32
    %dma_wait3A_189 = tpu.memref_slice %arg7[%dma_wait3A_181, %dma_wait3A_182, %dma_wait3A_188] : memref<4x2x128xi32, #tpu.memory_space<vmem>> -> memref<1x1x128xi32, #tpu.memory_space<vmem>>
    %dma_wait3A_190 = tpu.memref_squeeze %dma_wait3A_189 : memref<1x1x128xi32, #tpu.memory_space<vmem>> -> memref<128xi32, #tpu.memory_space<vmem>>
    %dma_wait3A_191 = arith.constant 0 : i32
    %dma_wait3A_192 = arith.constant 0 : i32
    %dma_wait3A_193 = tpu.memref_slice %arg2[%dma_wait3A_191, %dma_wait3A_192] : memref<10000x128xf32, #tpu.memory_space<hbm>> -> memref<10000x128xf32, #tpu.memory_space<hbm>>
    tpu.wait_indirect_dma semaphore(%arg15 : memref<!tpu.dma_semaphore, #tpu.memory_space<semaphore_mem>>) src(%dma_wait3A_193 : memref<10000x128xf32, #tpu.memory_space<hbm>>) dst(%dma_wait3A_187 : memref<128x128xf32, #tpu.memory_space<vmem>>)
    %run_scoped3A_194 = arith.constant 1 : i32
    %run_scoped3A_195 = arith.constant 1 : i32
    %run_scoped3A_196 = arith.constant 1 : i32
    "tpu.region"() ({
      %run_scoped3A_462 = tpu.sem_alloc : memref<!tpu.dma_semaphore, #tpu.memory_space<semaphore_mem>>
      %dma_start3A_463 = arith.constant 0 : i32
      %dma_start3A_464 = arith.constant 0 : i32
      %dma_start3A_465 = tpu.memref_slice %arg8[%run_scoped3A_194, %dma_start3A_463, %dma_start3A_464] : memref<2x128x128xf32, #tpu.memory_space<vmem>> -> memref<1x128x128xf32, #tpu.memory_space<vmem>>
      %dma_start3A_466 = tpu.memref_squeeze %dma_start3A_465 : memref<1x128x128xf32, #tpu.memory_space<vmem>> -> memref<128x128xf32, #tpu.memory_space<vmem>>
      %dma_start3A_467 = arith.constant 0 : i32
      %dma_start3A_468 = tpu.memref_slice %arg7[%run_scoped3A_195, %run_scoped3A_196, %dma_start3A_467] : memref<4x2x128xi32, #tpu.memory_space<vmem>> -> memref<1x1x128xi32, #tpu.memory_space<vmem>>
      %dma_start3A_469 = tpu.memref_squeeze %dma_start3A_468 : memref<1x1x128xi32, #tpu.memory_space<vmem>> -> memref<128xi32, #tpu.memory_space<vmem>>
      %dma_start3A_470 = arith.constant 0 : i32
      %dma_start3A_471 = arith.constant 0 : i32
      %dma_start3A_472 = tpu.memref_slice %arg9[%dma_start3A_470, %dma_start3A_471] : memref<10240x128xf32, #tpu.memory_space<vmem_shared>> -> memref<10240x128xf32, #tpu.memory_space<vmem_shared>>
      tpu.enqueue_indirect_dma source(%dma_start3A_466 : memref<128x128xf32, #tpu.memory_space<vmem>>) target(%dma_start3A_472 : memref<10240x128xf32, #tpu.memory_space<vmem_shared>>) offsets(%dma_start3A_469 : memref<128xi32, #tpu.memory_space<vmem>>) semaphore(%run_scoped3A_462 : memref<!tpu.dma_semaphore, #tpu.memory_space<semaphore_mem>>) {add = true}
      %dma_wait3A_473 = arith.constant 0 : i32
      %dma_wait3A_474 = arith.constant 0 : i32
      %dma_wait3A_475 = tpu.memref_slice %arg8[%run_scoped3A_194, %dma_wait3A_473, %dma_wait3A_474] : memref<2x128x128xf32, #tpu.memory_space<vmem>> -> memref<1x128x128xf32, #tpu.memory_space<vmem>>
      %dma_wait3A_476 = tpu.memref_squeeze %dma_wait3A_475 : memref<1x128x128xf32, #tpu.memory_space<vmem>> -> memref<128x128xf32, #tpu.memory_space<vmem>>
      %dma_wait3A_477 = arith.constant 0 : i32
      %dma_wait3A_478 = tpu.memref_slice %arg7[%run_scoped3A_195, %run_scoped3A_196, %dma_wait3A_477] : memref<4x2x128xi32, #tpu.memory_space<vmem>> -> memref<1x1x128xi32, #tpu.memory_space<vmem>>
      %dma_wait3A_479 = tpu.memref_squeeze %dma_wait3A_478 : memref<1x1x128xi32, #tpu.memory_space<vmem>> -> memref<128xi32, #tpu.memory_space<vmem>>
      %dma_wait3A_480 = arith.constant 0 : i32
      %dma_wait3A_481 = arith.constant 0 : i32
      %dma_wait3A_482 = tpu.memref_slice %arg9[%dma_wait3A_480, %dma_wait3A_481] : memref<10240x128xf32, #tpu.memory_space<vmem_shared>> -> memref<10240x128xf32, #tpu.memory_space<vmem_shared>>
      tpu.wait_indirect_dma semaphore(%run_scoped3A_462 : memref<!tpu.dma_semaphore, #tpu.memory_space<semaphore_mem>>) src(%dma_wait3A_476 : memref<128x128xf32, #tpu.memory_space<vmem>>) dst(%dma_wait3A_482 : memref<10240x128xf32, #tpu.memory_space<vmem_shared>>)
      tpu.yield
    }) : () -> ()
    %add3A_197 = arith.constant 9856 : i32
    %add3A_198 = arith.addi %mul3A_6, %add3A_197 : i32
    %mul3A_199 = arith.constant 128 : i32
    %mul3A_200 = arith.muli %add3A, %mul3A_199 : i32
    %add3A_201 = arith.constant 319488 : i32
    %add3A_202 = arith.addi %add3A_201, %mul3A_200 : i32
    %jit3A_203 = arith.constant true
    %select_n3A_204 = arith.select %jit3A_203, %add3A_198, %add3A_202 : i32
    %gt3A_205 = arith.constant 77 : i32
    %gt3A_206 = arith.cmpi sgt, %add3A_4, %gt3A_205 : i32
    %convert_element_type3A_207 = arith.extui %gt3A_206 : i1 to i32
    %cond3A_208 = arith.constant 0 : i32
    %cond3A_209 = arith.cmpi ne, %convert_element_type3A_207, %cond3A_208 : i32
    scf.if %cond3A_209 {
      %dma_start3A_462 = arith.constant 1 : i32
      %dma_start3A_463 = arith.constant 0 : i32
      %dma_start3A_464 = arith.constant 0 : i32
      %dma_start3A_465 = tpu.memref_slice %arg7[%dma_start3A_462, %dma_start3A_463, %dma_start3A_464] : memref<4x2x128xi32, #tpu.memory_space<vmem>> -> memref<1x2x128xi32, #tpu.memory_space<vmem>>
      %dma_start3A_466 = tpu.memref_squeeze %dma_start3A_465 : memref<1x2x128xi32, #tpu.memory_space<vmem>> -> memref<2x128xi32, #tpu.memory_space<vmem>>
      %dma_start3A_467 = arith.constant 0 : i32
      %dma_start3A_468 = tpu.memref_slice %arg3[%dma_start3A_467, %select_n3A_204] : memref<2x320000xi32, #tpu.memory_space<hbm>> -> memref<2x128xi32, #tpu.memory_space<hbm>>
      %dma_start3A_469 = arith.constant 0 : i32
      %dma_start3A_470 = arith.constant 0 : i32
      %dma_start3A_471 = tpu.memref_slice %arg7[%dma_start3A_462, %dma_start3A_469, %dma_start3A_470] : memref<4x2x128xi32, #tpu.memory_space<vmem>> -> memref<1x2x128xi32, #tpu.memory_space<vmem>>
      %dma_start3A_472 = tpu.memref_squeeze %dma_start3A_471 : memref<1x2x128xi32, #tpu.memory_space<vmem>> -> memref<2x128xi32, #tpu.memory_space<vmem>>
      %dma_start3A_473 = arith.constant 0 : i32
      %dma_start3A_474 = tpu.memref_slice %arg3[%dma_start3A_473, %select_n3A_204] : memref<2x320000xi32, #tpu.memory_space<hbm>> -> memref<2x128xi32, #tpu.memory_space<hbm>>
      tpu.enqueue_dma source(%dma_start3A_474 : memref<2x128xi32, #tpu.memory_space<hbm>>) target(%dma_start3A_472 : memref<2x128xi32, #tpu.memory_space<vmem>>) target_semaphore(%arg11 : memref<!tpu.dma_semaphore, #tpu.memory_space<semaphore_mem>>)
    } else {
    }
    %le3A_210 = arith.constant 77 : i32
    %le3A_211 = arith.cmpi sle, %add3A_4, %le3A_210 : i32
    %convert_element_type3A_212 = arith.extui %le3A_211 : i1 to i32
    %cond3A_213 = arith.constant 0 : i32
    %cond3A_214 = arith.cmpi ne, %convert_element_type3A_212, %cond3A_213 : i32
    scf.if %cond3A_214 {
      %dma_start3A_462 = arith.constant 1 : i32
      %dma_start3A_463 = arith.constant 0 : i32
      %dma_start3A_464 = arith.constant 0 : i32
      %dma_start3A_465 = tpu.memref_slice %arg7[%dma_start3A_462, %dma_start3A_463, %dma_start3A_464] : memref<4x2x128xi32, #tpu.memory_space<vmem>> -> memref<1x2x128xi32, #tpu.memory_space<vmem>>
      %dma_start3A_466 = tpu.memref_squeeze %dma_start3A_465 : memref<1x2x128xi32, #tpu.memory_space<vmem>> -> memref<2x128xi32, #tpu.memory_space<vmem>>
      %dma_start3A_467 = arith.constant 0 : i32
      %dma_start3A_468 = arith.constant 0 : i32
      %dma_start3A_469 = tpu.memref_slice %arg7[%dma_start3A_462, %dma_start3A_467, %dma_start3A_468] : memref<4x2x128xi32, #tpu.memory_space<vmem>> -> memref<1x2x128xi32, #tpu.memory_space<vmem>>
      %dma_start3A_470 = tpu.memref_squeeze %dma_start3A_469 : memref<1x2x128xi32, #tpu.memory_space<vmem>> -> memref<2x128xi32, #tpu.memory_space<vmem>>
      tpu.enqueue_dma source(%arg4 : memref<2x128xi32, #tpu.memory_space<hbm>>) target(%dma_start3A_470 : memref<2x128xi32, #tpu.memory_space<vmem>>) target_semaphore(%arg11 : memref<!tpu.dma_semaphore, #tpu.memory_space<semaphore_mem>>)
    } else {
    }
    %dma_wait3A_215 = arith.constant 3 : i32
    %dma_wait3A_216 = arith.constant 0 : i32
    %dma_wait3A_217 = arith.constant 0 : i32
    %dma_wait3A_218 = tpu.memref_slice %arg7[%dma_wait3A_215, %dma_wait3A_216, %dma_wait3A_217] : memref<4x2x128xi32, #tpu.memory_space<vmem>> -> memref<1x2x128xi32, #tpu.memory_space<vmem>>
    %dma_wait3A_219 = tpu.memref_squeeze %dma_wait3A_218 : memref<1x2x128xi32, #tpu.memory_space<vmem>> -> memref<2x128xi32, #tpu.memory_space<vmem>>
    %dma_wait3A_220 = arith.constant 0 : i32
    %dma_wait3A_221 = arith.constant 0 : i32
    %dma_wait3A_222 = tpu.memref_slice %arg7[%dma_wait3A_215, %dma_wait3A_220, %dma_wait3A_221] : memref<4x2x128xi32, #tpu.memory_space<vmem>> -> memref<1x2x128xi32, #tpu.memory_space<vmem>>
    %dma_wait3A_223 = tpu.memref_squeeze %dma_wait3A_222 : memref<1x2x128xi32, #tpu.memory_space<vmem>> -> memref<2x128xi32, #tpu.memory_space<vmem>>
    tpu.wait_dma2 semaphore(%arg13 : memref<!tpu.dma_semaphore, #tpu.memory_space<semaphore_mem>>) src(%arg4 : memref<2x128xi32, #tpu.memory_space<hbm>>) dst(%dma_wait3A_223 : memref<2x128xi32, #tpu.memory_space<vmem>>)
    %dma_start3A_224 = arith.constant 3 : i32
    %dma_start3A_225 = arith.constant 0 : i32
    %dma_start3A_226 = arith.constant 1 : i32
    %dma_start3A_227 = arith.constant 0 : i32
    %dma_start3A_228 = arith.constant 0 : i32
    %dma_start3A_229 = tpu.memref_slice %arg8[%dma_start3A_226, %dma_start3A_227, %dma_start3A_228] : memref<2x128x128xf32, #tpu.memory_space<vmem>> -> memref<1x128x128xf32, #tpu.memory_space<vmem>>
    %dma_start3A_230 = tpu.memref_squeeze %dma_start3A_229 : memref<1x128x128xf32, #tpu.memory_space<vmem>> -> memref<128x128xf32, #tpu.memory_space<vmem>>
    %dma_start3A_231 = arith.constant 0 : i32
    %dma_start3A_232 = tpu.memref_slice %arg7[%dma_start3A_224, %dma_start3A_225, %dma_start3A_231] : memref<4x2x128xi32, #tpu.memory_space<vmem>> -> memref<1x1x128xi32, #tpu.memory_space<vmem>>
    %dma_start3A_233 = tpu.memref_squeeze %dma_start3A_232 : memref<1x1x128xi32, #tpu.memory_space<vmem>> -> memref<128xi32, #tpu.memory_space<vmem>>
    %dma_start3A_234 = arith.constant 0 : i32
    %dma_start3A_235 = arith.constant 0 : i32
    %dma_start3A_236 = tpu.memref_slice %arg2[%dma_start3A_234, %dma_start3A_235] : memref<10000x128xf32, #tpu.memory_space<hbm>> -> memref<10000x128xf32, #tpu.memory_space<hbm>>
    tpu.enqueue_indirect_dma source(%dma_start3A_236 : memref<10000x128xf32, #tpu.memory_space<hbm>>) target(%dma_start3A_230 : memref<128x128xf32, #tpu.memory_space<vmem>>) offsets(%dma_start3A_233 : memref<128xi32, #tpu.memory_space<vmem>>) semaphore(%arg15 : memref<!tpu.dma_semaphore, #tpu.memory_space<semaphore_mem>>)
    %dma_wait3A_237 = arith.constant 2 : i32
    %dma_wait3A_238 = arith.constant 0 : i32
    %dma_wait3A_239 = arith.constant 0 : i32
    %dma_wait3A_240 = arith.constant 0 : i32
    %dma_wait3A_241 = arith.constant 0 : i32
    %dma_wait3A_242 = tpu.memref_slice %arg8[%dma_wait3A_239, %dma_wait3A_240, %dma_wait3A_241] : memref<2x128x128xf32, #tpu.memory_space<vmem>> -> memref<1x128x128xf32, #tpu.memory_space<vmem>>
    %dma_wait3A_243 = tpu.memref_squeeze %dma_wait3A_242 : memref<1x128x128xf32, #tpu.memory_space<vmem>> -> memref<128x128xf32, #tpu.memory_space<vmem>>
    %dma_wait3A_244 = arith.constant 0 : i32
    %dma_wait3A_245 = tpu.memref_slice %arg7[%dma_wait3A_237, %dma_wait3A_238, %dma_wait3A_244] : memref<4x2x128xi32, #tpu.memory_space<vmem>> -> memref<1x1x128xi32, #tpu.memory_space<vmem>>
    %dma_wait3A_246 = tpu.memref_squeeze %dma_wait3A_245 : memref<1x1x128xi32, #tpu.memory_space<vmem>> -> memref<128xi32, #tpu.memory_space<vmem>>
    %dma_wait3A_247 = arith.constant 0 : i32
    %dma_wait3A_248 = arith.constant 0 : i32
    %dma_wait3A_249 = tpu.memref_slice %arg2[%dma_wait3A_247, %dma_wait3A_248] : memref<10000x128xf32, #tpu.memory_space<hbm>> -> memref<10000x128xf32, #tpu.memory_space<hbm>>
    tpu.wait_indirect_dma semaphore(%arg14 : memref<!tpu.dma_semaphore, #tpu.memory_space<semaphore_mem>>) src(%dma_wait3A_249 : memref<10000x128xf32, #tpu.memory_space<hbm>>) dst(%dma_wait3A_243 : memref<128x128xf32, #tpu.memory_space<vmem>>)
    %run_scoped3A_250 = arith.constant 0 : i32
    %run_scoped3A_251 = arith.constant 2 : i32
    %run_scoped3A_252 = arith.constant 1 : i32
    "tpu.region"() ({
      %run_scoped3A_462 = tpu.sem_alloc : memref<!tpu.dma_semaphore, #tpu.memory_space<semaphore_mem>>
      %dma_start3A_463 = arith.constant 0 : i32
      %dma_start3A_464 = arith.constant 0 : i32
      %dma_start3A_465 = tpu.memref_slice %arg8[%run_scoped3A_250, %dma_start3A_463, %dma_start3A_464] : memref<2x128x128xf32, #tpu.memory_space<vmem>> -> memref<1x128x128xf32, #tpu.memory_space<vmem>>
      %dma_start3A_466 = tpu.memref_squeeze %dma_start3A_465 : memref<1x128x128xf32, #tpu.memory_space<vmem>> -> memref<128x128xf32, #tpu.memory_space<vmem>>
      %dma_start3A_467 = arith.constant 0 : i32
      %dma_start3A_468 = tpu.memref_slice %arg7[%run_scoped3A_251, %run_scoped3A_252, %dma_start3A_467] : memref<4x2x128xi32, #tpu.memory_space<vmem>> -> memref<1x1x128xi32, #tpu.memory_space<vmem>>
      %dma_start3A_469 = tpu.memref_squeeze %dma_start3A_468 : memref<1x1x128xi32, #tpu.memory_space<vmem>> -> memref<128xi32, #tpu.memory_space<vmem>>
      %dma_start3A_470 = arith.constant 0 : i32
      %dma_start3A_471 = arith.constant 0 : i32
      %dma_start3A_472 = tpu.memref_slice %arg9[%dma_start3A_470, %dma_start3A_471] : memref<10240x128xf32, #tpu.memory_space<vmem_shared>> -> memref<10240x128xf32, #tpu.memory_space<vmem_shared>>
      tpu.enqueue_indirect_dma source(%dma_start3A_466 : memref<128x128xf32, #tpu.memory_space<vmem>>) target(%dma_start3A_472 : memref<10240x128xf32, #tpu.memory_space<vmem_shared>>) offsets(%dma_start3A_469 : memref<128xi32, #tpu.memory_space<vmem>>) semaphore(%run_scoped3A_462 : memref<!tpu.dma_semaphore, #tpu.memory_space<semaphore_mem>>) {add = true}
      %dma_wait3A_473 = arith.constant 0 : i32
      %dma_wait3A_474 = arith.constant 0 : i32
      %dma_wait3A_475 = tpu.memref_slice %arg8[%run_scoped3A_250, %dma_wait3A_473, %dma_wait3A_474] : memref<2x128x128xf32, #tpu.memory_space<vmem>> -> memref<1x128x128xf32, #tpu.memory_space<vmem>>
      %dma_wait3A_476 = tpu.memref_squeeze %dma_wait3A_475 : memref<1x128x128xf32, #tpu.memory_space<vmem>> -> memref<128x128xf32, #tpu.memory_space<vmem>>
      %dma_wait3A_477 = arith.constant 0 : i32
      %dma_wait3A_478 = tpu.memref_slice %arg7[%run_scoped3A_251, %run_scoped3A_252, %dma_wait3A_477] : memref<4x2x128xi32, #tpu.memory_space<vmem>> -> memref<1x1x128xi32, #tpu.memory_space<vmem>>
      %dma_wait3A_479 = tpu.memref_squeeze %dma_wait3A_478 : memref<1x1x128xi32, #tpu.memory_space<vmem>> -> memref<128xi32, #tpu.memory_space<vmem>>
      %dma_wait3A_480 = arith.constant 0 : i32
      %dma_wait3A_481 = arith.constant 0 : i32
      %dma_wait3A_482 = tpu.memref_slice %arg9[%dma_wait3A_480, %dma_wait3A_481] : memref<10240x128xf32, #tpu.memory_space<vmem_shared>> -> memref<10240x128xf32, #tpu.memory_space<vmem_shared>>
      tpu.wait_indirect_dma semaphore(%run_scoped3A_462 : memref<!tpu.dma_semaphore, #tpu.memory_space<semaphore_mem>>) src(%dma_wait3A_476 : memref<128x128xf32, #tpu.memory_space<vmem>>) dst(%dma_wait3A_482 : memref<10240x128xf32, #tpu.memory_space<vmem_shared>>)
      tpu.yield
    }) : () -> ()
    %add3A_253 = arith.constant 9984 : i32
    %add3A_254 = arith.addi %mul3A_6, %add3A_253 : i32
    %mul3A_255 = arith.constant 128 : i32
    %mul3A_256 = arith.muli %add3A, %mul3A_255 : i32
    %add3A_257 = arith.constant 319488 : i32
    %add3A_258 = arith.addi %add3A_257, %mul3A_256 : i32
    %jit3A_259 = arith.constant false
    %select_n3A_260 = arith.select %jit3A_259, %add3A_254, %add3A_258 : i32
    %gt3A_261 = arith.constant 78 : i32
    %gt3A_262 = arith.cmpi sgt, %add3A_4, %gt3A_261 : i32
    %convert_element_type3A_263 = arith.extui %gt3A_262 : i1 to i32
    %cond3A_264 = arith.constant 0 : i32
    %cond3A_265 = arith.cmpi ne, %convert_element_type3A_263, %cond3A_264 : i32
    scf.if %cond3A_265 {
      %dma_start3A_462 = arith.constant 2 : i32
      %dma_start3A_463 = arith.constant 0 : i32
      %dma_start3A_464 = arith.constant 0 : i32
      %dma_start3A_465 = tpu.memref_slice %arg7[%dma_start3A_462, %dma_start3A_463, %dma_start3A_464] : memref<4x2x128xi32, #tpu.memory_space<vmem>> -> memref<1x2x128xi32, #tpu.memory_space<vmem>>
      %dma_start3A_466 = tpu.memref_squeeze %dma_start3A_465 : memref<1x2x128xi32, #tpu.memory_space<vmem>> -> memref<2x128xi32, #tpu.memory_space<vmem>>
      %dma_start3A_467 = arith.constant 0 : i32
      %dma_start3A_468 = tpu.memref_slice %arg3[%dma_start3A_467, %select_n3A_260] : memref<2x320000xi32, #tpu.memory_space<hbm>> -> memref<2x128xi32, #tpu.memory_space<hbm>>
      %dma_start3A_469 = arith.constant 0 : i32
      %dma_start3A_470 = arith.constant 0 : i32
      %dma_start3A_471 = tpu.memref_slice %arg7[%dma_start3A_462, %dma_start3A_469, %dma_start3A_470] : memref<4x2x128xi32, #tpu.memory_space<vmem>> -> memref<1x2x128xi32, #tpu.memory_space<vmem>>
      %dma_start3A_472 = tpu.memref_squeeze %dma_start3A_471 : memref<1x2x128xi32, #tpu.memory_space<vmem>> -> memref<2x128xi32, #tpu.memory_space<vmem>>
      %dma_start3A_473 = arith.constant 0 : i32
      %dma_start3A_474 = tpu.memref_slice %arg3[%dma_start3A_473, %select_n3A_260] : memref<2x320000xi32, #tpu.memory_space<hbm>> -> memref<2x128xi32, #tpu.memory_space<hbm>>
      tpu.enqueue_dma source(%dma_start3A_474 : memref<2x128xi32, #tpu.memory_space<hbm>>) target(%dma_start3A_472 : memref<2x128xi32, #tpu.memory_space<vmem>>) target_semaphore(%arg12 : memref<!tpu.dma_semaphore, #tpu.memory_space<semaphore_mem>>)
    } else {
    }
    %le3A_266 = arith.constant 78 : i32
    %le3A_267 = arith.cmpi sle, %add3A_4, %le3A_266 : i32
    %convert_element_type3A_268 = arith.extui %le3A_267 : i1 to i32
    %cond3A_269 = arith.constant 0 : i32
    %cond3A_270 = arith.cmpi ne, %convert_element_type3A_268, %cond3A_269 : i32
    scf.if %cond3A_270 {
      %dma_start3A_462 = arith.constant 2 : i32
      %dma_start3A_463 = arith.constant 0 : i32
      %dma_start3A_464 = arith.constant 0 : i32
      %dma_start3A_465 = tpu.memref_slice %arg7[%dma_start3A_462, %dma_start3A_463, %dma_start3A_464] : memref<4x2x128xi32, #tpu.memory_space<vmem>> -> memref<1x2x128xi32, #tpu.memory_space<vmem>>
      %dma_start3A_466 = tpu.memref_squeeze %dma_start3A_465 : memref<1x2x128xi32, #tpu.memory_space<vmem>> -> memref<2x128xi32, #tpu.memory_space<vmem>>
      %dma_start3A_467 = arith.constant 0 : i32
      %dma_start3A_468 = arith.constant 0 : i32
      %dma_start3A_469 = tpu.memref_slice %arg7[%dma_start3A_462, %dma_start3A_467, %dma_start3A_468] : memref<4x2x128xi32, #tpu.memory_space<vmem>> -> memref<1x2x128xi32, #tpu.memory_space<vmem>>
      %dma_start3A_470 = tpu.memref_squeeze %dma_start3A_469 : memref<1x2x128xi32, #tpu.memory_space<vmem>> -> memref<2x128xi32, #tpu.memory_space<vmem>>
      tpu.enqueue_dma source(%arg4 : memref<2x128xi32, #tpu.memory_space<hbm>>) target(%dma_start3A_470 : memref<2x128xi32, #tpu.memory_space<vmem>>) target_semaphore(%arg12 : memref<!tpu.dma_semaphore, #tpu.memory_space<semaphore_mem>>)
    } else {
    }
    %dma_wait3A_271 = arith.constant 0 : i32
    %dma_wait3A_272 = arith.constant 0 : i32
    %dma_wait3A_273 = arith.constant 0 : i32
    %dma_wait3A_274 = tpu.memref_slice %arg7[%dma_wait3A_271, %dma_wait3A_272, %dma_wait3A_273] : memref<4x2x128xi32, #tpu.memory_space<vmem>> -> memref<1x2x128xi32, #tpu.memory_space<vmem>>
    %dma_wait3A_275 = tpu.memref_squeeze %dma_wait3A_274 : memref<1x2x128xi32, #tpu.memory_space<vmem>> -> memref<2x128xi32, #tpu.memory_space<vmem>>
    %dma_wait3A_276 = arith.constant 0 : i32
    %dma_wait3A_277 = arith.constant 0 : i32
    %dma_wait3A_278 = tpu.memref_slice %arg7[%dma_wait3A_271, %dma_wait3A_276, %dma_wait3A_277] : memref<4x2x128xi32, #tpu.memory_space<vmem>> -> memref<1x2x128xi32, #tpu.memory_space<vmem>>
    %dma_wait3A_279 = tpu.memref_squeeze %dma_wait3A_278 : memref<1x2x128xi32, #tpu.memory_space<vmem>> -> memref<2x128xi32, #tpu.memory_space<vmem>>
    tpu.wait_dma2 semaphore(%arg10 : memref<!tpu.dma_semaphore, #tpu.memory_space<semaphore_mem>>) src(%arg4 : memref<2x128xi32, #tpu.memory_space<hbm>>) dst(%dma_wait3A_279 : memref<2x128xi32, #tpu.memory_space<vmem>>)
    %dma_start3A_280 = arith.constant 0 : i32
    %dma_start3A_281 = arith.constant 0 : i32
    %dma_start3A_282 = arith.constant 0 : i32
    %dma_start3A_283 = arith.constant 0 : i32
    %dma_start3A_284 = arith.constant 0 : i32
    %dma_start3A_285 = tpu.memref_slice %arg8[%dma_start3A_282, %dma_start3A_283, %dma_start3A_284] : memref<2x128x128xf32, #tpu.memory_space<vmem>> -> memref<1x128x128xf32, #tpu.memory_space<vmem>>
    %dma_start3A_286 = tpu.memref_squeeze %dma_start3A_285 : memref<1x128x128xf32, #tpu.memory_space<vmem>> -> memref<128x128xf32, #tpu.memory_space<vmem>>
    %dma_start3A_287 = arith.constant 0 : i32
    %dma_start3A_288 = tpu.memref_slice %arg7[%dma_start3A_280, %dma_start3A_281, %dma_start3A_287] : memref<4x2x128xi32, #tpu.memory_space<vmem>> -> memref<1x1x128xi32, #tpu.memory_space<vmem>>
    %dma_start3A_289 = tpu.memref_squeeze %dma_start3A_288 : memref<1x1x128xi32, #tpu.memory_space<vmem>> -> memref<128xi32, #tpu.memory_space<vmem>>
    %dma_start3A_290 = arith.constant 0 : i32
    %dma_start3A_291 = arith.constant 0 : i32
    %dma_start3A_292 = tpu.memref_slice %arg2[%dma_start3A_290, %dma_start3A_291] : memref<10000x128xf32, #tpu.memory_space<hbm>> -> memref<10000x128xf32, #tpu.memory_space<hbm>>
    tpu.enqueue_indirect_dma source(%dma_start3A_292 : memref<10000x128xf32, #tpu.memory_space<hbm>>) target(%dma_start3A_286 : memref<128x128xf32, #tpu.memory_space<vmem>>) offsets(%dma_start3A_289 : memref<128xi32, #tpu.memory_space<vmem>>) semaphore(%arg14 : memref<!tpu.dma_semaphore, #tpu.memory_space<semaphore_mem>>)
    %dma_wait3A_293 = arith.constant 3 : i32
    %dma_wait3A_294 = arith.constant 0 : i32
    %dma_wait3A_295 = arith.constant 1 : i32
    %dma_wait3A_296 = arith.constant 0 : i32
    %dma_wait3A_297 = arith.constant 0 : i32
    %dma_wait3A_298 = tpu.memref_slice %arg8[%dma_wait3A_295, %dma_wait3A_296, %dma_wait3A_297] : memref<2x128x128xf32, #tpu.memory_space<vmem>> -> memref<1x128x128xf32, #tpu.memory_space<vmem>>
    %dma_wait3A_299 = tpu.memref_squeeze %dma_wait3A_298 : memref<1x128x128xf32, #tpu.memory_space<vmem>> -> memref<128x128xf32, #tpu.memory_space<vmem>>
    %dma_wait3A_300 = arith.constant 0 : i32
    %dma_wait3A_301 = tpu.memref_slice %arg7[%dma_wait3A_293, %dma_wait3A_294, %dma_wait3A_300] : memref<4x2x128xi32, #tpu.memory_space<vmem>> -> memref<1x1x128xi32, #tpu.memory_space<vmem>>
    %dma_wait3A_302 = tpu.memref_squeeze %dma_wait3A_301 : memref<1x1x128xi32, #tpu.memory_space<vmem>> -> memref<128xi32, #tpu.memory_space<vmem>>
    %dma_wait3A_303 = arith.constant 0 : i32
    %dma_wait3A_304 = arith.constant 0 : i32
    %dma_wait3A_305 = tpu.memref_slice %arg2[%dma_wait3A_303, %dma_wait3A_304] : memref<10000x128xf32, #tpu.memory_space<hbm>> -> memref<10000x128xf32, #tpu.memory_space<hbm>>
    tpu.wait_indirect_dma semaphore(%arg15 : memref<!tpu.dma_semaphore, #tpu.memory_space<semaphore_mem>>) src(%dma_wait3A_305 : memref<10000x128xf32, #tpu.memory_space<hbm>>) dst(%dma_wait3A_299 : memref<128x128xf32, #tpu.memory_space<vmem>>)
    %run_scoped3A_306 = arith.constant 1 : i32
    %run_scoped3A_307 = arith.constant 3 : i32
    %run_scoped3A_308 = arith.constant 1 : i32
    "tpu.region"() ({
      %run_scoped3A_462 = tpu.sem_alloc : memref<!tpu.dma_semaphore, #tpu.memory_space<semaphore_mem>>
      %dma_start3A_463 = arith.constant 0 : i32
      %dma_start3A_464 = arith.constant 0 : i32
      %dma_start3A_465 = tpu.memref_slice %arg8[%run_scoped3A_306, %dma_start3A_463, %dma_start3A_464] : memref<2x128x128xf32, #tpu.memory_space<vmem>> -> memref<1x128x128xf32, #tpu.memory_space<vmem>>
      %dma_start3A_466 = tpu.memref_squeeze %dma_start3A_465 : memref<1x128x128xf32, #tpu.memory_space<vmem>> -> memref<128x128xf32, #tpu.memory_space<vmem>>
      %dma_start3A_467 = arith.constant 0 : i32
      %dma_start3A_468 = tpu.memref_slice %arg7[%run_scoped3A_307, %run_scoped3A_308, %dma_start3A_467] : memref<4x2x128xi32, #tpu.memory_space<vmem>> -> memref<1x1x128xi32, #tpu.memory_space<vmem>>
      %dma_start3A_469 = tpu.memref_squeeze %dma_start3A_468 : memref<1x1x128xi32, #tpu.memory_space<vmem>> -> memref<128xi32, #tpu.memory_space<vmem>>
      %dma_start3A_470 = arith.constant 0 : i32
      %dma_start3A_471 = arith.constant 0 : i32
      %dma_start3A_472 = tpu.memref_slice %arg9[%dma_start3A_470, %dma_start3A_471] : memref<10240x128xf32, #tpu.memory_space<vmem_shared>> -> memref<10240x128xf32, #tpu.memory_space<vmem_shared>>
      tpu.enqueue_indirect_dma source(%dma_start3A_466 : memref<128x128xf32, #tpu.memory_space<vmem>>) target(%dma_start3A_472 : memref<10240x128xf32, #tpu.memory_space<vmem_shared>>) offsets(%dma_start3A_469 : memref<128xi32, #tpu.memory_space<vmem>>) semaphore(%run_scoped3A_462 : memref<!tpu.dma_semaphore, #tpu.memory_space<semaphore_mem>>) {add = true}
      %dma_wait3A_473 = arith.constant 0 : i32
      %dma_wait3A_474 = arith.constant 0 : i32
      %dma_wait3A_475 = tpu.memref_slice %arg8[%run_scoped3A_306, %dma_wait3A_473, %dma_wait3A_474] : memref<2x128x128xf32, #tpu.memory_space<vmem>> -> memref<1x128x128xf32, #tpu.memory_space<vmem>>
      %dma_wait3A_476 = tpu.memref_squeeze %dma_wait3A_475 : memref<1x128x128xf32, #tpu.memory_space<vmem>> -> memref<128x128xf32, #tpu.memory_space<vmem>>
      %dma_wait3A_477 = arith.constant 0 : i32
      %dma_wait3A_478 = tpu.memref_slice %arg7[%run_scoped3A_307, %run_scoped3A_308, %dma_wait3A_477] : memref<4x2x128xi32, #tpu.memory_space<vmem>> -> memref<1x1x128xi32, #tpu.memory_space<vmem>>
      %dma_wait3A_479 = tpu.memref_squeeze %dma_wait3A_478 : memref<1x1x128xi32, #tpu.memory_space<vmem>> -> memref<128xi32, #tpu.memory_space<vmem>>
      %dma_wait3A_480 = arith.constant 0 : i32
      %dma_wait3A_481 = arith.constant 0 : i32
      %dma_wait3A_482 = tpu.memref_slice %arg9[%dma_wait3A_480, %dma_wait3A_481] : memref<10240x128xf32, #tpu.memory_space<vmem_shared>> -> memref<10240x128xf32, #tpu.memory_space<vmem_shared>>
      tpu.wait_indirect_dma semaphore(%run_scoped3A_462 : memref<!tpu.dma_semaphore, #tpu.memory_space<semaphore_mem>>) src(%dma_wait3A_476 : memref<128x128xf32, #tpu.memory_space<vmem>>) dst(%dma_wait3A_482 : memref<10240x128xf32, #tpu.memory_space<vmem_shared>>)
      tpu.yield
    }) : () -> ()
    %add3A_309 = arith.constant 10112 : i32
    %add3A_310 = arith.addi %mul3A_6, %add3A_309 : i32
    %mul3A_311 = arith.constant 128 : i32
    %mul3A_312 = arith.muli %add3A, %mul3A_311 : i32
    %add3A_313 = arith.constant 319488 : i32
    %add3A_314 = arith.addi %add3A_313, %mul3A_312 : i32
    %jit3A_315 = arith.constant false
    %select_n3A_316 = arith.select %jit3A_315, %add3A_310, %add3A_314 : i32
    %gt3A_317 = arith.constant 79 : i32
    %gt3A_318 = arith.cmpi sgt, %add3A_4, %gt3A_317 : i32
    %convert_element_type3A_319 = arith.extui %gt3A_318 : i1 to i32
    %cond3A_320 = arith.constant 0 : i32
    %cond3A_321 = arith.cmpi ne, %convert_element_type3A_319, %cond3A_320 : i32
    scf.if %cond3A_321 {
      %dma_start3A_462 = arith.constant 3 : i32
      %dma_start3A_463 = arith.constant 0 : i32
      %dma_start3A_464 = arith.constant 0 : i32
      %dma_start3A_465 = tpu.memref_slice %arg7[%dma_start3A_462, %dma_start3A_463, %dma_start3A_464] : memref<4x2x128xi32, #tpu.memory_space<vmem>> -> memref<1x2x128xi32, #tpu.memory_space<vmem>>
      %dma_start3A_466 = tpu.memref_squeeze %dma_start3A_465 : memref<1x2x128xi32, #tpu.memory_space<vmem>> -> memref<2x128xi32, #tpu.memory_space<vmem>>
      %dma_start3A_467 = arith.constant 0 : i32
      %dma_start3A_468 = tpu.memref_slice %arg3[%dma_start3A_467, %select_n3A_316] : memref<2x320000xi32, #tpu.memory_space<hbm>> -> memref<2x128xi32, #tpu.memory_space<hbm>>
      %dma_start3A_469 = arith.constant 0 : i32
      %dma_start3A_470 = arith.constant 0 : i32
      %dma_start3A_471 = tpu.memref_slice %arg7[%dma_start3A_462, %dma_start3A_469, %dma_start3A_470] : memref<4x2x128xi32, #tpu.memory_space<vmem>> -> memref<1x2x128xi32, #tpu.memory_space<vmem>>
      %dma_start3A_472 = tpu.memref_squeeze %dma_start3A_471 : memref<1x2x128xi32, #tpu.memory_space<vmem>> -> memref<2x128xi32, #tpu.memory_space<vmem>>
      %dma_start3A_473 = arith.constant 0 : i32
      %dma_start3A_474 = tpu.memref_slice %arg3[%dma_start3A_473, %select_n3A_316] : memref<2x320000xi32, #tpu.memory_space<hbm>> -> memref<2x128xi32, #tpu.memory_space<hbm>>
      tpu.enqueue_dma source(%dma_start3A_474 : memref<2x128xi32, #tpu.memory_space<hbm>>) target(%dma_start3A_472 : memref<2x128xi32, #tpu.memory_space<vmem>>) target_semaphore(%arg13 : memref<!tpu.dma_semaphore, #tpu.memory_space<semaphore_mem>>)
    } else {
    }
    %le3A_322 = arith.constant 79 : i32
    %le3A_323 = arith.cmpi sle, %add3A_4, %le3A_322 : i32
    %convert_element_type3A_324 = arith.extui %le3A_323 : i1 to i32
    %cond3A_325 = arith.constant 0 : i32
    %cond3A_326 = arith.cmpi ne, %convert_element_type3A_324, %cond3A_325 : i32
    scf.if %cond3A_326 {
      %dma_start3A_462 = arith.constant 3 : i32
      %dma_start3A_463 = arith.constant 0 : i32
      %dma_start3A_464 = arith.constant 0 : i32
      %dma_start3A_465 = tpu.memref_slice %arg7[%dma_start3A_462, %dma_start3A_463, %dma_start3A_464] : memref<4x2x128xi32, #tpu.memory_space<vmem>> -> memref<1x2x128xi32, #tpu.memory_space<vmem>>
      %dma_start3A_466 = tpu.memref_squeeze %dma_start3A_465 : memref<1x2x128xi32, #tpu.memory_space<vmem>> -> memref<2x128xi32, #tpu.memory_space<vmem>>
      %dma_start3A_467 = arith.constant 0 : i32
      %dma_start3A_468 = arith.constant 0 : i32
      %dma_start3A_469 = tpu.memref_slice %arg7[%dma_start3A_462, %dma_start3A_467, %dma_start3A_468] : memref<4x2x128xi32, #tpu.memory_space<vmem>> -> memref<1x2x128xi32, #tpu.memory_space<vmem>>
      %dma_start3A_470 = tpu.memref_squeeze %dma_start3A_469 : memref<1x2x128xi32, #tpu.memory_space<vmem>> -> memref<2x128xi32, #tpu.memory_space<vmem>>
      tpu.enqueue_dma source(%arg4 : memref<2x128xi32, #tpu.memory_space<hbm>>) target(%dma_start3A_470 : memref<2x128xi32, #tpu.memory_space<vmem>>) target_semaphore(%arg13 : memref<!tpu.dma_semaphore, #tpu.memory_space<semaphore_mem>>)
    } else {
    }
    %dma_wait3A_327 = arith.constant 1 : i32
    %dma_wait3A_328 = arith.constant 0 : i32
    %dma_wait3A_329 = arith.constant 0 : i32
    %dma_wait3A_330 = tpu.memref_slice %arg7[%dma_wait3A_327, %dma_wait3A_328, %dma_wait3A_329] : memref<4x2x128xi32, #tpu.memory_space<vmem>> -> memref<1x2x128xi32, #tpu.memory_space<vmem>>
    %dma_wait3A_331 = tpu.memref_squeeze %dma_wait3A_330 : memref<1x2x128xi32, #tpu.memory_space<vmem>> -> memref<2x128xi32, #tpu.memory_space<vmem>>
    %dma_wait3A_332 = arith.constant 0 : i32
    %dma_wait3A_333 = arith.constant 0 : i32
    %dma_wait3A_334 = tpu.memref_slice %arg7[%dma_wait3A_327, %dma_wait3A_332, %dma_wait3A_333] : memref<4x2x128xi32, #tpu.memory_space<vmem>> -> memref<1x2x128xi32, #tpu.memory_space<vmem>>
    %dma_wait3A_335 = tpu.memref_squeeze %dma_wait3A_334 : memref<1x2x128xi32, #tpu.memory_space<vmem>> -> memref<2x128xi32, #tpu.memory_space<vmem>>
    tpu.wait_dma2 semaphore(%arg11 : memref<!tpu.dma_semaphore, #tpu.memory_space<semaphore_mem>>) src(%arg4 : memref<2x128xi32, #tpu.memory_space<hbm>>) dst(%dma_wait3A_335 : memref<2x128xi32, #tpu.memory_space<vmem>>)
    %dma_start3A_336 = arith.constant 1 : i32
    %dma_start3A_337 = arith.constant 0 : i32
    %dma_start3A_338 = arith.constant 1 : i32
    %dma_start3A_339 = arith.constant 0 : i32
    %dma_start3A_340 = arith.constant 0 : i32
    %dma_start3A_341 = tpu.memref_slice %arg8[%dma_start3A_338, %dma_start3A_339, %dma_start3A_340] : memref<2x128x128xf32, #tpu.memory_space<vmem>> -> memref<1x128x128xf32, #tpu.memory_space<vmem>>
    %dma_start3A_342 = tpu.memref_squeeze %dma_start3A_341 : memref<1x128x128xf32, #tpu.memory_space<vmem>> -> memref<128x128xf32, #tpu.memory_space<vmem>>
    %dma_start3A_343 = arith.constant 0 : i32
    %dma_start3A_344 = tpu.memref_slice %arg7[%dma_start3A_336, %dma_start3A_337, %dma_start3A_343] : memref<4x2x128xi32, #tpu.memory_space<vmem>> -> memref<1x1x128xi32, #tpu.memory_space<vmem>>
    %dma_start3A_345 = tpu.memref_squeeze %dma_start3A_344 : memref<1x1x128xi32, #tpu.memory_space<vmem>> -> memref<128xi32, #tpu.memory_space<vmem>>
    %dma_start3A_346 = arith.constant 0 : i32
    %dma_start3A_347 = arith.constant 0 : i32
    %dma_start3A_348 = tpu.memref_slice %arg2[%dma_start3A_346, %dma_start3A_347] : memref<10000x128xf32, #tpu.memory_space<hbm>> -> memref<10000x128xf32, #tpu.memory_space<hbm>>
    tpu.enqueue_indirect_dma source(%dma_start3A_348 : memref<10000x128xf32, #tpu.memory_space<hbm>>) target(%dma_start3A_342 : memref<128x128xf32, #tpu.memory_space<vmem>>) offsets(%dma_start3A_345 : memref<128xi32, #tpu.memory_space<vmem>>) semaphore(%arg15 : memref<!tpu.dma_semaphore, #tpu.memory_space<semaphore_mem>>)
    %dma_wait3A_349 = arith.constant 0 : i32
    %dma_wait3A_350 = arith.constant 0 : i32
    %dma_wait3A_351 = arith.constant 0 : i32
    %dma_wait3A_352 = arith.constant 0 : i32
    %dma_wait3A_353 = arith.constant 0 : i32
    %dma_wait3A_354 = tpu.memref_slice %arg8[%dma_wait3A_351, %dma_wait3A_352, %dma_wait3A_353] : memref<2x128x128xf32, #tpu.memory_space<vmem>> -> memref<1x128x128xf32, #tpu.memory_space<vmem>>
    %dma_wait3A_355 = tpu.memref_squeeze %dma_wait3A_354 : memref<1x128x128xf32, #tpu.memory_space<vmem>> -> memref<128x128xf32, #tpu.memory_space<vmem>>
    %dma_wait3A_356 = arith.constant 0 : i32
    %dma_wait3A_357 = tpu.memref_slice %arg7[%dma_wait3A_349, %dma_wait3A_350, %dma_wait3A_356] : memref<4x2x128xi32, #tpu.memory_space<vmem>> -> memref<1x1x128xi32, #tpu.memory_space<vmem>>
    %dma_wait3A_358 = tpu.memref_squeeze %dma_wait3A_357 : memref<1x1x128xi32, #tpu.memory_space<vmem>> -> memref<128xi32, #tpu.memory_space<vmem>>
    %dma_wait3A_359 = arith.constant 0 : i32
    %dma_wait3A_360 = arith.constant 0 : i32
    %dma_wait3A_361 = tpu.memref_slice %arg2[%dma_wait3A_359, %dma_wait3A_360] : memref<10000x128xf32, #tpu.memory_space<hbm>> -> memref<10000x128xf32, #tpu.memory_space<hbm>>
    tpu.wait_indirect_dma semaphore(%arg14 : memref<!tpu.dma_semaphore, #tpu.memory_space<semaphore_mem>>) src(%dma_wait3A_361 : memref<10000x128xf32, #tpu.memory_space<hbm>>) dst(%dma_wait3A_355 : memref<128x128xf32, #tpu.memory_space<vmem>>)
    %run_scoped3A_362 = arith.constant 0 : i32
    %run_scoped3A_363 = arith.constant 0 : i32
    %run_scoped3A_364 = arith.constant 1 : i32
    "tpu.region"() ({
      %run_scoped3A_462 = tpu.sem_alloc : memref<!tpu.dma_semaphore, #tpu.memory_space<semaphore_mem>>
      %dma_start3A_463 = arith.constant 0 : i32
      %dma_start3A_464 = arith.constant 0 : i32
      %dma_start3A_465 = tpu.memref_slice %arg8[%run_scoped3A_362, %dma_start3A_463, %dma_start3A_464] : memref<2x128x128xf32, #tpu.memory_space<vmem>> -> memref<1x128x128xf32, #tpu.memory_space<vmem>>
      %dma_start3A_466 = tpu.memref_squeeze %dma_start3A_465 : memref<1x128x128xf32, #tpu.memory_space<vmem>> -> memref<128x128xf32, #tpu.memory_space<vmem>>
      %dma_start3A_467 = arith.constant 0 : i32
      %dma_start3A_468 = tpu.memref_slice %arg7[%run_scoped3A_363, %run_scoped3A_364, %dma_start3A_467] : memref<4x2x128xi32, #tpu.memory_space<vmem>> -> memref<1x1x128xi32, #tpu.memory_space<vmem>>
      %dma_start3A_469 = tpu.memref_squeeze %dma_start3A_468 : memref<1x1x128xi32, #tpu.memory_space<vmem>> -> memref<128xi32, #tpu.memory_space<vmem>>
      %dma_start3A_470 = arith.constant 0 : i32
      %dma_start3A_471 = arith.constant 0 : i32
      %dma_start3A_472 = tpu.memref_slice %arg9[%dma_start3A_470, %dma_start3A_471] : memref<10240x128xf32, #tpu.memory_space<vmem_shared>> -> memref<10240x128xf32, #tpu.memory_space<vmem_shared>>
      tpu.enqueue_indirect_dma source(%dma_start3A_466 : memref<128x128xf32, #tpu.memory_space<vmem>>) target(%dma_start3A_472 : memref<10240x128xf32, #tpu.memory_space<vmem_shared>>) offsets(%dma_start3A_469 : memref<128xi32, #tpu.memory_space<vmem>>) semaphore(%run_scoped3A_462 : memref<!tpu.dma_semaphore, #tpu.memory_space<semaphore_mem>>) {add = true}
      %dma_wait3A_473 = arith.constant 0 : i32
      %dma_wait3A_474 = arith.constant 0 : i32
      %dma_wait3A_475 = tpu.memref_slice %arg8[%run_scoped3A_362, %dma_wait3A_473, %dma_wait3A_474] : memref<2x128x128xf32, #tpu.memory_space<vmem>> -> memref<1x128x128xf32, #tpu.memory_space<vmem>>
      %dma_wait3A_476 = tpu.memref_squeeze %dma_wait3A_475 : memref<1x128x128xf32, #tpu.memory_space<vmem>> -> memref<128x128xf32, #tpu.memory_space<vmem>>
      %dma_wait3A_477 = arith.constant 0 : i32
      %dma_wait3A_478 = tpu.memref_slice %arg7[%run_scoped3A_363, %run_scoped3A_364, %dma_wait3A_477] : memref<4x2x128xi32, #tpu.memory_space<vmem>> -> memref<1x1x128xi32, #tpu.memory_space<vmem>>
      %dma_wait3A_479 = tpu.memref_squeeze %dma_wait3A_478 : memref<1x1x128xi32, #tpu.memory_space<vmem>> -> memref<128xi32, #tpu.memory_space<vmem>>
      %dma_wait3A_480 = arith.constant 0 : i32
      %dma_wait3A_481 = arith.constant 0 : i32
      %dma_wait3A_482 = tpu.memref_slice %arg9[%dma_wait3A_480, %dma_wait3A_481] : memref<10240x128xf32, #tpu.memory_space<vmem_shared>> -> memref<10240x128xf32, #tpu.memory_space<vmem_shared>>
      tpu.wait_indirect_dma semaphore(%run_scoped3A_462 : memref<!tpu.dma_semaphore, #tpu.memory_space<semaphore_mem>>) src(%dma_wait3A_476 : memref<128x128xf32, #tpu.memory_space<vmem>>) dst(%dma_wait3A_482 : memref<10240x128xf32, #tpu.memory_space<vmem_shared>>)
      tpu.yield
    }) : () -> ()
    %dma_wait3A_365 = arith.constant 2 : i32
    %dma_wait3A_366 = arith.constant 0 : i32
    %dma_wait3A_367 = arith.constant 0 : i32
    %dma_wait3A_368 = tpu.memref_slice %arg7[%dma_wait3A_365, %dma_wait3A_366, %dma_wait3A_367] : memref<4x2x128xi32, #tpu.memory_space<vmem>> -> memref<1x2x128xi32, #tpu.memory_space<vmem>>
    %dma_wait3A_369 = tpu.memref_squeeze %dma_wait3A_368 : memref<1x2x128xi32, #tpu.memory_space<vmem>> -> memref<2x128xi32, #tpu.memory_space<vmem>>
    %dma_wait3A_370 = arith.constant 0 : i32
    %dma_wait3A_371 = arith.constant 0 : i32
    %dma_wait3A_372 = tpu.memref_slice %arg7[%dma_wait3A_365, %dma_wait3A_370, %dma_wait3A_371] : memref<4x2x128xi32, #tpu.memory_space<vmem>> -> memref<1x2x128xi32, #tpu.memory_space<vmem>>
    %dma_wait3A_373 = tpu.memref_squeeze %dma_wait3A_372 : memref<1x2x128xi32, #tpu.memory_space<vmem>> -> memref<2x128xi32, #tpu.memory_space<vmem>>
    tpu.wait_dma2 semaphore(%arg12 : memref<!tpu.dma_semaphore, #tpu.memory_space<semaphore_mem>>) src(%arg4 : memref<2x128xi32, #tpu.memory_space<hbm>>) dst(%dma_wait3A_373 : memref<2x128xi32, #tpu.memory_space<vmem>>)
    %dma_start3A_374 = arith.constant 2 : i32
    %dma_start3A_375 = arith.constant 0 : i32
    %dma_start3A_376 = arith.constant 0 : i32
    %dma_start3A_377 = arith.constant 0 : i32
    %dma_start3A_378 = arith.constant 0 : i32
    %dma_start3A_379 = tpu.memref_slice %arg8[%dma_start3A_376, %dma_start3A_377, %dma_start3A_378] : memref<2x128x128xf32, #tpu.memory_space<vmem>> -> memref<1x128x128xf32, #tpu.memory_space<vmem>>
    %dma_start3A_380 = tpu.memref_squeeze %dma_start3A_379 : memref<1x128x128xf32, #tpu.memory_space<vmem>> -> memref<128x128xf32, #tpu.memory_space<vmem>>
    %dma_start3A_381 = arith.constant 0 : i32
    %dma_start3A_382 = tpu.memref_slice %arg7[%dma_start3A_374, %dma_start3A_375, %dma_start3A_381] : memref<4x2x128xi32, #tpu.memory_space<vmem>> -> memref<1x1x128xi32, #tpu.memory_space<vmem>>
    %dma_start3A_383 = tpu.memref_squeeze %dma_start3A_382 : memref<1x1x128xi32, #tpu.memory_space<vmem>> -> memref<128xi32, #tpu.memory_space<vmem>>
    %dma_start3A_384 = arith.constant 0 : i32
    %dma_start3A_385 = arith.constant 0 : i32
    %dma_start3A_386 = tpu.memref_slice %arg2[%dma_start3A_384, %dma_start3A_385] : memref<10000x128xf32, #tpu.memory_space<hbm>> -> memref<10000x128xf32, #tpu.memory_space<hbm>>
    tpu.enqueue_indirect_dma source(%dma_start3A_386 : memref<10000x128xf32, #tpu.memory_space<hbm>>) target(%dma_start3A_380 : memref<128x128xf32, #tpu.memory_space<vmem>>) offsets(%dma_start3A_383 : memref<128xi32, #tpu.memory_space<vmem>>) semaphore(%arg14 : memref<!tpu.dma_semaphore, #tpu.memory_space<semaphore_mem>>)
    %dma_wait3A_387 = arith.constant 1 : i32
    %dma_wait3A_388 = arith.constant 0 : i32
    %dma_wait3A_389 = arith.constant 1 : i32
    %dma_wait3A_390 = arith.constant 0 : i32
    %dma_wait3A_391 = arith.constant 0 : i32
    %dma_wait3A_392 = tpu.memref_slice %arg8[%dma_wait3A_389, %dma_wait3A_390, %dma_wait3A_391] : memref<2x128x128xf32, #tpu.memory_space<vmem>> -> memref<1x128x128xf32, #tpu.memory_space<vmem>>
    %dma_wait3A_393 = tpu.memref_squeeze %dma_wait3A_392 : memref<1x128x128xf32, #tpu.memory_space<vmem>> -> memref<128x128xf32, #tpu.memory_space<vmem>>
    %dma_wait3A_394 = arith.constant 0 : i32
    %dma_wait3A_395 = tpu.memref_slice %arg7[%dma_wait3A_387, %dma_wait3A_388, %dma_wait3A_394] : memref<4x2x128xi32, #tpu.memory_space<vmem>> -> memref<1x1x128xi32, #tpu.memory_space<vmem>>
    %dma_wait3A_396 = tpu.memref_squeeze %dma_wait3A_395 : memref<1x1x128xi32, #tpu.memory_space<vmem>> -> memref<128xi32, #tpu.memory_space<vmem>>
    %dma_wait3A_397 = arith.constant 0 : i32
    %dma_wait3A_398 = arith.constant 0 : i32
    %dma_wait3A_399 = tpu.memref_slice %arg2[%dma_wait3A_397, %dma_wait3A_398] : memref<10000x128xf32, #tpu.memory_space<hbm>> -> memref<10000x128xf32, #tpu.memory_space<hbm>>
    tpu.wait_indirect_dma semaphore(%arg15 : memref<!tpu.dma_semaphore, #tpu.memory_space<semaphore_mem>>) src(%dma_wait3A_399 : memref<10000x128xf32, #tpu.memory_space<hbm>>) dst(%dma_wait3A_393 : memref<128x128xf32, #tpu.memory_space<vmem>>)
    %run_scoped3A_400 = arith.constant 1 : i32
    %run_scoped3A_401 = arith.constant 1 : i32
    %run_scoped3A_402 = arith.constant 1 : i32
    "tpu.region"() ({
      %run_scoped3A_462 = tpu.sem_alloc : memref<!tpu.dma_semaphore, #tpu.memory_space<semaphore_mem>>
      %dma_start3A_463 = arith.constant 0 : i32
      %dma_start3A_464 = arith.constant 0 : i32
      %dma_start3A_465 = tpu.memref_slice %arg8[%run_scoped3A_400, %dma_start3A_463, %dma_start3A_464] : memref<2x128x128xf32, #tpu.memory_space<vmem>> -> memref<1x128x128xf32, #tpu.memory_space<vmem>>
      %dma_start3A_466 = tpu.memref_squeeze %dma_start3A_465 : memref<1x128x128xf32, #tpu.memory_space<vmem>> -> memref<128x128xf32, #tpu.memory_space<vmem>>
      %dma_start3A_467 = arith.constant 0 : i32
      %dma_start3A_468 = tpu.memref_slice %arg7[%run_scoped3A_401, %run_scoped3A_402, %dma_start3A_467] : memref<4x2x128xi32, #tpu.memory_space<vmem>> -> memref<1x1x128xi32, #tpu.memory_space<vmem>>
      %dma_start3A_469 = tpu.memref_squeeze %dma_start3A_468 : memref<1x1x128xi32, #tpu.memory_space<vmem>> -> memref<128xi32, #tpu.memory_space<vmem>>
      %dma_start3A_470 = arith.constant 0 : i32
      %dma_start3A_471 = arith.constant 0 : i32
      %dma_start3A_472 = tpu.memref_slice %arg9[%dma_start3A_470, %dma_start3A_471] : memref<10240x128xf32, #tpu.memory_space<vmem_shared>> -> memref<10240x128xf32, #tpu.memory_space<vmem_shared>>
      tpu.enqueue_indirect_dma source(%dma_start3A_466 : memref<128x128xf32, #tpu.memory_space<vmem>>) target(%dma_start3A_472 : memref<10240x128xf32, #tpu.memory_space<vmem_shared>>) offsets(%dma_start3A_469 : memref<128xi32, #tpu.memory_space<vmem>>) semaphore(%run_scoped3A_462 : memref<!tpu.dma_semaphore, #tpu.memory_space<semaphore_mem>>) {add = true}
      %dma_wait3A_473 = arith.constant 0 : i32
      %dma_wait3A_474 = arith.constant 0 : i32
      %dma_wait3A_475 = tpu.memref_slice %arg8[%run_scoped3A_400, %dma_wait3A_473, %dma_wait3A_474] : memref<2x128x128xf32, #tpu.memory_space<vmem>> -> memref<1x128x128xf32, #tpu.memory_space<vmem>>
      %dma_wait3A_476 = tpu.memref_squeeze %dma_wait3A_475 : memref<1x128x128xf32, #tpu.memory_space<vmem>> -> memref<128x128xf32, #tpu.memory_space<vmem>>
      %dma_wait3A_477 = arith.constant 0 : i32
      %dma_wait3A_478 = tpu.memref_slice %arg7[%run_scoped3A_401, %run_scoped3A_402, %dma_wait3A_477] : memref<4x2x128xi32, #tpu.memory_space<vmem>> -> memref<1x1x128xi32, #tpu.memory_space<vmem>>
      %dma_wait3A_479 = tpu.memref_squeeze %dma_wait3A_478 : memref<1x1x128xi32, #tpu.memory_space<vmem>> -> memref<128xi32, #tpu.memory_space<vmem>>
      %dma_wait3A_480 = arith.constant 0 : i32
      %dma_wait3A_481 = arith.constant 0 : i32
      %dma_wait3A_482 = tpu.memref_slice %arg9[%dma_wait3A_480, %dma_wait3A_481] : memref<10240x128xf32, #tpu.memory_space<vmem_shared>> -> memref<10240x128xf32, #tpu.memory_space<vmem_shared>>
      tpu.wait_indirect_dma semaphore(%run_scoped3A_462 : memref<!tpu.dma_semaphore, #tpu.memory_space<semaphore_mem>>) src(%dma_wait3A_476 : memref<128x128xf32, #tpu.memory_space<vmem>>) dst(%dma_wait3A_482 : memref<10240x128xf32, #tpu.memory_space<vmem_shared>>)
      tpu.yield
    }) : () -> ()
    %dma_wait3A_403 = arith.constant 3 : i32
    %dma_wait3A_404 = arith.constant 0 : i32
    %dma_wait3A_405 = arith.constant 0 : i32
    %dma_wait3A_406 = tpu.memref_slice %arg7[%dma_wait3A_403, %dma_wait3A_404, %dma_wait3A_405] : memref<4x2x128xi32, #tpu.memory_space<vmem>> -> memref<1x2x128xi32, #tpu.memory_space<vmem>>
    %dma_wait3A_407 = tpu.memref_squeeze %dma_wait3A_406 : memref<1x2x128xi32, #tpu.memory_space<vmem>> -> memref<2x128xi32, #tpu.memory_space<vmem>>
    %dma_wait3A_408 = arith.constant 0 : i32
    %dma_wait3A_409 = arith.constant 0 : i32
    %dma_wait3A_410 = tpu.memref_slice %arg7[%dma_wait3A_403, %dma_wait3A_408, %dma_wait3A_409] : memref<4x2x128xi32, #tpu.memory_space<vmem>> -> memref<1x2x128xi32, #tpu.memory_space<vmem>>
    %dma_wait3A_411 = tpu.memref_squeeze %dma_wait3A_410 : memref<1x2x128xi32, #tpu.memory_space<vmem>> -> memref<2x128xi32, #tpu.memory_space<vmem>>
    tpu.wait_dma2 semaphore(%arg13 : memref<!tpu.dma_semaphore, #tpu.memory_space<semaphore_mem>>) src(%arg4 : memref<2x128xi32, #tpu.memory_space<hbm>>) dst(%dma_wait3A_411 : memref<2x128xi32, #tpu.memory_space<vmem>>)
    %dma_start3A_412 = arith.constant 3 : i32
    %dma_start3A_413 = arith.constant 0 : i32
    %dma_start3A_414 = arith.constant 1 : i32
    %dma_start3A_415 = arith.constant 0 : i32
    %dma_start3A_416 = arith.constant 0 : i32
    %dma_start3A_417 = tpu.memref_slice %arg8[%dma_start3A_414, %dma_start3A_415, %dma_start3A_416] : memref<2x128x128xf32, #tpu.memory_space<vmem>> -> memref<1x128x128xf32, #tpu.memory_space<vmem>>
    %dma_start3A_418 = tpu.memref_squeeze %dma_start3A_417 : memref<1x128x128xf32, #tpu.memory_space<vmem>> -> memref<128x128xf32, #tpu.memory_space<vmem>>
    %dma_start3A_419 = arith.constant 0 : i32
    %dma_start3A_420 = tpu.memref_slice %arg7[%dma_start3A_412, %dma_start3A_413, %dma_start3A_419] : memref<4x2x128xi32, #tpu.memory_space<vmem>> -> memref<1x1x128xi32, #tpu.memory_space<vmem>>
    %dma_start3A_421 = tpu.memref_squeeze %dma_start3A_420 : memref<1x1x128xi32, #tpu.memory_space<vmem>> -> memref<128xi32, #tpu.memory_space<vmem>>
    %dma_start3A_422 = arith.constant 0 : i32
    %dma_start3A_423 = arith.constant 0 : i32
    %dma_start3A_424 = tpu.memref_slice %arg2[%dma_start3A_422, %dma_start3A_423] : memref<10000x128xf32, #tpu.memory_space<hbm>> -> memref<10000x128xf32, #tpu.memory_space<hbm>>
    tpu.enqueue_indirect_dma source(%dma_start3A_424 : memref<10000x128xf32, #tpu.memory_space<hbm>>) target(%dma_start3A_418 : memref<128x128xf32, #tpu.memory_space<vmem>>) offsets(%dma_start3A_421 : memref<128xi32, #tpu.memory_space<vmem>>) semaphore(%arg15 : memref<!tpu.dma_semaphore, #tpu.memory_space<semaphore_mem>>)
    %dma_wait3A_425 = arith.constant 2 : i32
    %dma_wait3A_426 = arith.constant 0 : i32
    %dma_wait3A_427 = arith.constant 0 : i32
    %dma_wait3A_428 = arith.constant 0 : i32
    %dma_wait3A_429 = arith.constant 0 : i32
    %dma_wait3A_430 = tpu.memref_slice %arg8[%dma_wait3A_427, %dma_wait3A_428, %dma_wait3A_429] : memref<2x128x128xf32, #tpu.memory_space<vmem>> -> memref<1x128x128xf32, #tpu.memory_space<vmem>>
    %dma_wait3A_431 = tpu.memref_squeeze %dma_wait3A_430 : memref<1x128x128xf32, #tpu.memory_space<vmem>> -> memref<128x128xf32, #tpu.memory_space<vmem>>
    %dma_wait3A_432 = arith.constant 0 : i32
    %dma_wait3A_433 = tpu.memref_slice %arg7[%dma_wait3A_425, %dma_wait3A_426, %dma_wait3A_432] : memref<4x2x128xi32, #tpu.memory_space<vmem>> -> memref<1x1x128xi32, #tpu.memory_space<vmem>>
    %dma_wait3A_434 = tpu.memref_squeeze %dma_wait3A_433 : memref<1x1x128xi32, #tpu.memory_space<vmem>> -> memref<128xi32, #tpu.memory_space<vmem>>
    %dma_wait3A_435 = arith.constant 0 : i32
    %dma_wait3A_436 = arith.constant 0 : i32
    %dma_wait3A_437 = tpu.memref_slice %arg2[%dma_wait3A_435, %dma_wait3A_436] : memref<10000x128xf32, #tpu.memory_space<hbm>> -> memref<10000x128xf32, #tpu.memory_space<hbm>>
    tpu.wait_indirect_dma semaphore(%arg14 : memref<!tpu.dma_semaphore, #tpu.memory_space<semaphore_mem>>) src(%dma_wait3A_437 : memref<10000x128xf32, #tpu.memory_space<hbm>>) dst(%dma_wait3A_431 : memref<128x128xf32, #tpu.memory_space<vmem>>)
    %run_scoped3A_438 = arith.constant 0 : i32
    %run_scoped3A_439 = arith.constant 2 : i32
    %run_scoped3A_440 = arith.constant 1 : i32
    "tpu.region"() ({
      %run_scoped3A_462 = tpu.sem_alloc : memref<!tpu.dma_semaphore, #tpu.memory_space<semaphore_mem>>
      %dma_start3A_463 = arith.constant 0 : i32
      %dma_start3A_464 = arith.constant 0 : i32
      %dma_start3A_465 = tpu.memref_slice %arg8[%run_scoped3A_438, %dma_start3A_463, %dma_start3A_464] : memref<2x128x128xf32, #tpu.memory_space<vmem>> -> memref<1x128x128xf32, #tpu.memory_space<vmem>>
      %dma_start3A_466 = tpu.memref_squeeze %dma_start3A_465 : memref<1x128x128xf32, #tpu.memory_space<vmem>> -> memref<128x128xf32, #tpu.memory_space<vmem>>
      %dma_start3A_467 = arith.constant 0 : i32
      %dma_start3A_468 = tpu.memref_slice %arg7[%run_scoped3A_439, %run_scoped3A_440, %dma_start3A_467] : memref<4x2x128xi32, #tpu.memory_space<vmem>> -> memref<1x1x128xi32, #tpu.memory_space<vmem>>
      %dma_start3A_469 = tpu.memref_squeeze %dma_start3A_468 : memref<1x1x128xi32, #tpu.memory_space<vmem>> -> memref<128xi32, #tpu.memory_space<vmem>>
      %dma_start3A_470 = arith.constant 0 : i32
      %dma_start3A_471 = arith.constant 0 : i32
      %dma_start3A_472 = tpu.memref_slice %arg9[%dma_start3A_470, %dma_start3A_471] : memref<10240x128xf32, #tpu.memory_space<vmem_shared>> -> memref<10240x128xf32, #tpu.memory_space<vmem_shared>>
      tpu.enqueue_indirect_dma source(%dma_start3A_466 : memref<128x128xf32, #tpu.memory_space<vmem>>) target(%dma_start3A_472 : memref<10240x128xf32, #tpu.memory_space<vmem_shared>>) offsets(%dma_start3A_469 : memref<128xi32, #tpu.memory_space<vmem>>) semaphore(%run_scoped3A_462 : memref<!tpu.dma_semaphore, #tpu.memory_space<semaphore_mem>>) {add = true}
      %dma_wait3A_473 = arith.constant 0 : i32
      %dma_wait3A_474 = arith.constant 0 : i32
      %dma_wait3A_475 = tpu.memref_slice %arg8[%run_scoped3A_438, %dma_wait3A_473, %dma_wait3A_474] : memref<2x128x128xf32, #tpu.memory_space<vmem>> -> memref<1x128x128xf32, #tpu.memory_space<vmem>>
      %dma_wait3A_476 = tpu.memref_squeeze %dma_wait3A_475 : memref<1x128x128xf32, #tpu.memory_space<vmem>> -> memref<128x128xf32, #tpu.memory_space<vmem>>
      %dma_wait3A_477 = arith.constant 0 : i32
      %dma_wait3A_478 = tpu.memref_slice %arg7[%run_scoped3A_439, %run_scoped3A_440, %dma_wait3A_477] : memref<4x2x128xi32, #tpu.memory_space<vmem>> -> memref<1x1x128xi32, #tpu.memory_space<vmem>>
      %dma_wait3A_479 = tpu.memref_squeeze %dma_wait3A_478 : memref<1x1x128xi32, #tpu.memory_space<vmem>> -> memref<128xi32, #tpu.memory_space<vmem>>
      %dma_wait3A_480 = arith.constant 0 : i32
      %dma_wait3A_481 = arith.constant 0 : i32
      %dma_wait3A_482 = tpu.memref_slice %arg9[%dma_wait3A_480, %dma_wait3A_481] : memref<10240x128xf32, #tpu.memory_space<vmem_shared>> -> memref<10240x128xf32, #tpu.memory_space<vmem_shared>>
      tpu.wait_indirect_dma semaphore(%run_scoped3A_462 : memref<!tpu.dma_semaphore, #tpu.memory_space<semaphore_mem>>) src(%dma_wait3A_476 : memref<128x128xf32, #tpu.memory_space<vmem>>) dst(%dma_wait3A_482 : memref<10240x128xf32, #tpu.memory_space<vmem_shared>>)
      tpu.yield
    }) : () -> ()
    %dma_wait3A_441 = arith.constant 3 : i32
    %dma_wait3A_442 = arith.constant 0 : i32
    %dma_wait3A_443 = arith.constant 1 : i32
    %dma_wait3A_444 = arith.constant 0 : i32
    %dma_wait3A_445 = arith.constant 0 : i32
    %dma_wait3A_446 = tpu.memref_slice %arg8[%dma_wait3A_443, %dma_wait3A_444, %dma_wait3A_445] : memref<2x128x128xf32, #tpu.memory_space<vmem>> -> memref<1x128x128xf32, #tpu.memory_space<vmem>>
    %dma_wait3A_447 = tpu.memref_squeeze %dma_wait3A_446 : memref<1x128x128xf32, #tpu.memory_space<vmem>> -> memref<128x128xf32, #tpu.memory_space<vmem>>
    %dma_wait3A_448 = arith.constant 0 : i32
    %dma_wait3A_449 = tpu.memref_slice %arg7[%dma_wait3A_441, %dma_wait3A_442, %dma_wait3A_448] : memref<4x2x128xi32, #tpu.memory_space<vmem>> -> memref<1x1x128xi32, #tpu.memory_space<vmem>>
    %dma_wait3A_450 = tpu.memref_squeeze %dma_wait3A_449 : memref<1x1x128xi32, #tpu.memory_space<vmem>> -> memref<128xi32, #tpu.memory_space<vmem>>
    %dma_wait3A_451 = arith.constant 0 : i32
    %dma_wait3A_452 = arith.constant 0 : i32
    %dma_wait3A_453 = tpu.memref_slice %arg2[%dma_wait3A_451, %dma_wait3A_452] : memref<10000x128xf32, #tpu.memory_space<hbm>> -> memref<10000x128xf32, #tpu.memory_space<hbm>>
    tpu.wait_indirect_dma semaphore(%arg15 : memref<!tpu.dma_semaphore, #tpu.memory_space<semaphore_mem>>) src(%dma_wait3A_453 : memref<10000x128xf32, #tpu.memory_space<hbm>>) dst(%dma_wait3A_447 : memref<128x128xf32, #tpu.memory_space<vmem>>)
    %run_scoped3A_454 = arith.constant 1 : i32
    %run_scoped3A_455 = arith.constant 3 : i32
    %run_scoped3A_456 = arith.constant 1 : i32
    "tpu.region"() ({
      %run_scoped3A_462 = tpu.sem_alloc : memref<!tpu.dma_semaphore, #tpu.memory_space<semaphore_mem>>
      %dma_start3A_463 = arith.constant 0 : i32
      %dma_start3A_464 = arith.constant 0 : i32
      %dma_start3A_465 = tpu.memref_slice %arg8[%run_scoped3A_454, %dma_start3A_463, %dma_start3A_464] : memref<2x128x128xf32, #tpu.memory_space<vmem>> -> memref<1x128x128xf32, #tpu.memory_space<vmem>>
      %dma_start3A_466 = tpu.memref_squeeze %dma_start3A_465 : memref<1x128x128xf32, #tpu.memory_space<vmem>> -> memref<128x128xf32, #tpu.memory_space<vmem>>
      %dma_start3A_467 = arith.constant 0 : i32
      %dma_start3A_468 = tpu.memref_slice %arg7[%run_scoped3A_455, %run_scoped3A_456, %dma_start3A_467] : memref<4x2x128xi32, #tpu.memory_space<vmem>> -> memref<1x1x128xi32, #tpu.memory_space<vmem>>
      %dma_start3A_469 = tpu.memref_squeeze %dma_start3A_468 : memref<1x1x128xi32, #tpu.memory_space<vmem>> -> memref<128xi32, #tpu.memory_space<vmem>>
      %dma_start3A_470 = arith.constant 0 : i32
      %dma_start3A_471 = arith.constant 0 : i32
      %dma_start3A_472 = tpu.memref_slice %arg9[%dma_start3A_470, %dma_start3A_471] : memref<10240x128xf32, #tpu.memory_space<vmem_shared>> -> memref<10240x128xf32, #tpu.memory_space<vmem_shared>>
      tpu.enqueue_indirect_dma source(%dma_start3A_466 : memref<128x128xf32, #tpu.memory_space<vmem>>) target(%dma_start3A_472 : memref<10240x128xf32, #tpu.memory_space<vmem_shared>>) offsets(%dma_start3A_469 : memref<128xi32, #tpu.memory_space<vmem>>) semaphore(%run_scoped3A_462 : memref<!tpu.dma_semaphore, #tpu.memory_space<semaphore_mem>>) {add = true}
      %dma_wait3A_473 = arith.constant 0 : i32
      %dma_wait3A_474 = arith.constant 0 : i32
      %dma_wait3A_475 = tpu.memref_slice %arg8[%run_scoped3A_454, %dma_wait3A_473, %dma_wait3A_474] : memref<2x128x128xf32, #tpu.memory_space<vmem>> -> memref<1x128x128xf32, #tpu.memory_space<vmem>>
      %dma_wait3A_476 = tpu.memref_squeeze %dma_wait3A_475 : memref<1x128x128xf32, #tpu.memory_space<vmem>> -> memref<128x128xf32, #tpu.memory_space<vmem>>
      %dma_wait3A_477 = arith.constant 0 : i32
      %dma_wait3A_478 = tpu.memref_slice %arg7[%run_scoped3A_455, %run_scoped3A_456, %dma_wait3A_477] : memref<4x2x128xi32, #tpu.memory_space<vmem>> -> memref<1x1x128xi32, #tpu.memory_space<vmem>>
      %dma_wait3A_479 = tpu.memref_squeeze %dma_wait3A_478 : memref<1x1x128xi32, #tpu.memory_space<vmem>> -> memref<128xi32, #tpu.memory_space<vmem>>
      %dma_wait3A_480 = arith.constant 0 : i32
      %dma_wait3A_481 = arith.constant 0 : i32
      %dma_wait3A_482 = tpu.memref_slice %arg9[%dma_wait3A_480, %dma_wait3A_481] : memref<10240x128xf32, #tpu.memory_space<vmem_shared>> -> memref<10240x128xf32, #tpu.memory_space<vmem_shared>>
      tpu.wait_indirect_dma semaphore(%run_scoped3A_462 : memref<!tpu.dma_semaphore, #tpu.memory_space<semaphore_mem>>) src(%dma_wait3A_476 : memref<128x128xf32, #tpu.memory_space<vmem>>) dst(%dma_wait3A_482 : memref<10240x128xf32, #tpu.memory_space<vmem_shared>>)
      tpu.yield
    }) : () -> ()
    %barrier3A_457 = arith.constant 0 : index
    tpu.barrier barrier_id(%barrier3A_457)
    %mul3A_458 = arith.constant 640 : i32
    %mul3A_459 = arith.muli %arg1, %mul3A_458 : i32
    %mul3A_460 = arith.constant 640 : i32
    %mul3A_461 = arith.muli %arg1, %mul3A_460 : i32
    "tpu.region"() ({
      %run_scoped3A_462 = tpu.sem_alloc : memref<!tpu.dma_semaphore, #tpu.memory_space<semaphore_mem>>
      %dma_start3A_463 = arith.constant 0 : i32
      %dma_start3A_464 = tpu.memref_slice %arg6[%arg0, %mul3A_461, %dma_start3A_463] : memref<2x10240x128xf32, #tpu.memory_space<hbm>> -> memref<1x640x128xf32, #tpu.memory_space<hbm>>
      %dma_start3A_465 = tpu.memref_squeeze %dma_start3A_464 : memref<1x640x128xf32, #tpu.memory_space<hbm>> -> memref<640x128xf32, #tpu.memory_space<hbm>>
      %dma_start3A_466 = arith.constant 0 : i32
      %dma_start3A_467 = tpu.memref_slice %arg9[%mul3A_459, %dma_start3A_466] : memref<10240x128xf32, #tpu.memory_space<vmem_shared>> -> memref<640x128xf32, #tpu.memory_space<vmem_shared>>
      tpu.enqueue_dma source(%dma_start3A_467 : memref<640x128xf32, #tpu.memory_space<vmem_shared>>) target(%dma_start3A_465 : memref<640x128xf32, #tpu.memory_space<hbm>>) target_semaphore(%run_scoped3A_462 : memref<!tpu.dma_semaphore, #tpu.memory_space<semaphore_mem>>)
      %dma_wait3A_468 = arith.constant 0 : i32
      %dma_wait3A_469 = tpu.memref_slice %arg6[%arg0, %mul3A_461, %dma_wait3A_468] : memref<2x10240x128xf32, #tpu.memory_space<hbm>> -> memref<1x640x128xf32, #tpu.memory_space<hbm>>
      %dma_wait3A_470 = tpu.memref_squeeze %dma_wait3A_469 : memref<1x640x128xf32, #tpu.memory_space<hbm>> -> memref<640x128xf32, #tpu.memory_space<hbm>>
      %dma_wait3A_471 = arith.constant 0 : i32
      %dma_wait3A_472 = tpu.memref_slice %arg9[%mul3A_459, %dma_wait3A_471] : memref<10240x128xf32, #tpu.memory_space<vmem_shared>> -> memref<640x128xf32, #tpu.memory_space<vmem_shared>>
      tpu.wait_dma2 semaphore(%run_scoped3A_462 : memref<!tpu.dma_semaphore, #tpu.memory_space<semaphore_mem>>) src(%dma_wait3A_472 : memref<640x128xf32, #tpu.memory_space<vmem_shared>>) dst(%dma_wait3A_470 : memref<640x128xf32, #tpu.memory_space<hbm>>)
      tpu.yield
    }) : () -> ()
    return
  }
}

#map = affine_map<(d0, d1) -> (0, 0)>
#map1 = affine_map<(d0, d1) -> (0)>
module attributes {stable_mosaic.version = 14 : i64} {
  func.func @hist(%arg0: i32, %arg1: i32, %arg2: memref<2x320000xi32, #tpu.memory_space<hbm>>, %arg3: memref<2x128xi32, #tpu.memory_space<hbm>>, %arg4: memref<10240xf32, #tpu.memory_space<hbm>>, %arg5: memref<128xf32, #tpu.memory_space<hbm>>, %arg6: memref<2x10240xf32, #tpu.memory_space<hbm>>, %arg7: memref<8x2x128xi32, #tpu.memory_space<vmem>>, %arg8: memref<128xf32, #tpu.memory_space<vmem>>, %arg9: memref<10240xf32, #tpu.memory_space<vmem_shared>>, %arg10: memref<!tpu.dma_semaphore, #tpu.memory_space<semaphore_mem>>, %arg11: memref<!tpu.dma_semaphore, #tpu.memory_space<semaphore_mem>>, %arg12: memref<!tpu.dma_semaphore, #tpu.memory_space<semaphore_mem>>, %arg13: memref<!tpu.dma_semaphore, #tpu.memory_space<semaphore_mem>>, %arg14: memref<!tpu.dma_semaphore, #tpu.memory_space<semaphore_mem>>, %arg15: memref<!tpu.dma_semaphore, #tpu.memory_space<semaphore_mem>>, %arg16: memref<!tpu.dma_semaphore, #tpu.memory_space<semaphore_mem>>, %arg17: memref<!tpu.dma_semaphore, #tpu.memory_space<semaphore_mem>>, %arg18: memref<!tpu.dma_semaphore, #tpu.memory_space<semaphore_mem>>, %arg19: memref<!tpu.dma_semaphore, #tpu.memory_space<semaphore_mem>>) attributes {dimension_semantics = [#tpu.dimension_semantics<core_parallel>, #tpu.dimension_semantics<subcore_parallel>], iteration_bounds = array<i64: 2, 16>, scalar_prefetch = 0 : i64, scratch_operands = 13 : i64, tpu.core_type = #tpu.core_type<sc_vector_subcore>, window_params = [{transform_indices = #map}, {transform_indices = #map}, {transform_indices = #map1}, {transform_indices = #map1}, {transform_indices = #map}]} {
    %mul3A = arith.constant 2 : i32
    %mul3A_0 = arith.muli %arg1, %mul3A : i32
    %add3A = arith.addi %mul3A_0, %arg0 : i32
    %lt3A = arith.constant 4 : i32
    %lt3A_1 = arith.cmpi slt, %add3A, %lt3A : i32
    %jit3A = arith.constant 1 : i32
    %jit3A_2 = arith.constant 0 : i32
    %select_n3A = arith.select %lt3A_1, %jit3A, %jit3A_2 : i32
    %add3A_3 = arith.constant 78 : i32
    %add3A_4 = arith.addi %add3A_3, %select_n3A : i32
    %mul3A_5 = arith.constant 9984 : i32
    %mul3A_6 = arith.muli %add3A, %mul3A_5 : i32
    %mul3A_7 = arith.constant 640 : i32
    %mul3A_8 = arith.muli %arg1, %mul3A_7 : i32
    %mul3A_9 = arith.constant 640 : i32
    %mul3A_10 = arith.muli %arg1, %mul3A_9 : i32
    %dma_start3A = tpu.memref_slice %arg9[%mul3A_10] : memref<10240xf32, #tpu.memory_space<vmem_shared>> -> memref<640xf32, #tpu.memory_space<vmem_shared>>
    %dma_start3A_11 = tpu.memref_slice %arg4[%mul3A_8] : memref<10240xf32, #tpu.memory_space<hbm>> -> memref<640xf32, #tpu.memory_space<hbm>>
    tpu.enqueue_dma source(%dma_start3A_11 : memref<640xf32, #tpu.memory_space<hbm>>) target(%dma_start3A : memref<640xf32, #tpu.memory_space<vmem_shared>>) target_semaphore(%arg19 : memref<!tpu.dma_semaphore, #tpu.memory_space<semaphore_mem>>)
    "tpu.region"() ({
      %run_scoped3A = tpu.sem_alloc : memref<!tpu.dma_semaphore, #tpu.memory_space<semaphore_mem>>
      tpu.enqueue_dma source(%arg5 : memref<128xf32, #tpu.memory_space<hbm>>) target(%arg8 : memref<128xf32, #tpu.memory_space<vmem>>) target_semaphore(%run_scoped3A : memref<!tpu.dma_semaphore, #tpu.memory_space<semaphore_mem>>)
      tpu.wait_dma2 semaphore(%run_scoped3A : memref<!tpu.dma_semaphore, #tpu.memory_space<semaphore_mem>>) src(%arg5 : memref<128xf32, #tpu.memory_space<hbm>>) dst(%arg8 : memref<128xf32, #tpu.memory_space<vmem>>)
      tpu.yield
    }) : () -> ()
    %add3A_12 = arith.constant 0 : i32
    %add3A_13 = arith.addi %mul3A_6, %add3A_12 : i32
    %dma_start3A_14 = arith.constant 0 : i32
    %dma_start3A_15 = arith.constant 0 : i32
    %dma_start3A_16 = arith.constant 0 : i32
    %dma_start3A_17 = tpu.memref_slice %arg7[%dma_start3A_14, %dma_start3A_15, %dma_start3A_16] : memref<8x2x128xi32, #tpu.memory_space<vmem>> -> memref<1x2x128xi32, #tpu.memory_space<vmem>>
    %dma_start3A_18 = tpu.memref_squeeze %dma_start3A_17 : memref<1x2x128xi32, #tpu.memory_space<vmem>> -> memref<2x128xi32, #tpu.memory_space<vmem>>
    %dma_start3A_19 = arith.constant 0 : i32
    %dma_start3A_20 = tpu.memref_slice %arg2[%dma_start3A_19, %add3A_13] : memref<2x320000xi32, #tpu.memory_space<hbm>> -> memref<2x128xi32, #tpu.memory_space<hbm>>
    %dma_start3A_21 = arith.constant 0 : i32
    %dma_start3A_22 = arith.constant 0 : i32
    %dma_start3A_23 = tpu.memref_slice %arg7[%dma_start3A_14, %dma_start3A_21, %dma_start3A_22] : memref<8x2x128xi32, #tpu.memory_space<vmem>> -> memref<1x2x128xi32, #tpu.memory_space<vmem>>
    %dma_start3A_24 = tpu.memref_squeeze %dma_start3A_23 : memref<1x2x128xi32, #tpu.memory_space<vmem>> -> memref<2x128xi32, #tpu.memory_space<vmem>>
    %dma_start3A_25 = arith.constant 0 : i32
    %dma_start3A_26 = tpu.memref_slice %arg2[%dma_start3A_25, %add3A_13] : memref<2x320000xi32, #tpu.memory_space<hbm>> -> memref<2x128xi32, #tpu.memory_space<hbm>>
    tpu.enqueue_dma source(%dma_start3A_26 : memref<2x128xi32, #tpu.memory_space<hbm>>) target(%dma_start3A_24 : memref<2x128xi32, #tpu.memory_space<vmem>>) target_semaphore(%arg10 : memref<!tpu.dma_semaphore, #tpu.memory_space<semaphore_mem>>)
    %add3A_27 = arith.constant 128 : i32
    %add3A_28 = arith.addi %mul3A_6, %add3A_27 : i32
    %dma_start3A_29 = arith.constant 1 : i32
    %dma_start3A_30 = arith.constant 0 : i32
    %dma_start3A_31 = arith.constant 0 : i32
    %dma_start3A_32 = tpu.memref_slice %arg7[%dma_start3A_29, %dma_start3A_30, %dma_start3A_31] : memref<8x2x128xi32, #tpu.memory_space<vmem>> -> memref<1x2x128xi32, #tpu.memory_space<vmem>>
    %dma_start3A_33 = tpu.memref_squeeze %dma_start3A_32 : memref<1x2x128xi32, #tpu.memory_space<vmem>> -> memref<2x128xi32, #tpu.memory_space<vmem>>
    %dma_start3A_34 = arith.constant 0 : i32
    %dma_start3A_35 = tpu.memref_slice %arg2[%dma_start3A_34, %add3A_28] : memref<2x320000xi32, #tpu.memory_space<hbm>> -> memref<2x128xi32, #tpu.memory_space<hbm>>
    %dma_start3A_36 = arith.constant 0 : i32
    %dma_start3A_37 = arith.constant 0 : i32
    %dma_start3A_38 = tpu.memref_slice %arg7[%dma_start3A_29, %dma_start3A_36, %dma_start3A_37] : memref<8x2x128xi32, #tpu.memory_space<vmem>> -> memref<1x2x128xi32, #tpu.memory_space<vmem>>
    %dma_start3A_39 = tpu.memref_squeeze %dma_start3A_38 : memref<1x2x128xi32, #tpu.memory_space<vmem>> -> memref<2x128xi32, #tpu.memory_space<vmem>>
    %dma_start3A_40 = arith.constant 0 : i32
    %dma_start3A_41 = tpu.memref_slice %arg2[%dma_start3A_40, %add3A_28] : memref<2x320000xi32, #tpu.memory_space<hbm>> -> memref<2x128xi32, #tpu.memory_space<hbm>>
    tpu.enqueue_dma source(%dma_start3A_41 : memref<2x128xi32, #tpu.memory_space<hbm>>) target(%dma_start3A_39 : memref<2x128xi32, #tpu.memory_space<vmem>>) target_semaphore(%arg11 : memref<!tpu.dma_semaphore, #tpu.memory_space<semaphore_mem>>)
    %add3A_42 = arith.constant 256 : i32
    %add3A_43 = arith.addi %mul3A_6, %add3A_42 : i32
    %dma_start3A_44 = arith.constant 2 : i32
    %dma_start3A_45 = arith.constant 0 : i32
    %dma_start3A_46 = arith.constant 0 : i32
    %dma_start3A_47 = tpu.memref_slice %arg7[%dma_start3A_44, %dma_start3A_45, %dma_start3A_46] : memref<8x2x128xi32, #tpu.memory_space<vmem>> -> memref<1x2x128xi32, #tpu.memory_space<vmem>>
    %dma_start3A_48 = tpu.memref_squeeze %dma_start3A_47 : memref<1x2x128xi32, #tpu.memory_space<vmem>> -> memref<2x128xi32, #tpu.memory_space<vmem>>
    %dma_start3A_49 = arith.constant 0 : i32
    %dma_start3A_50 = tpu.memref_slice %arg2[%dma_start3A_49, %add3A_43] : memref<2x320000xi32, #tpu.memory_space<hbm>> -> memref<2x128xi32, #tpu.memory_space<hbm>>
    %dma_start3A_51 = arith.constant 0 : i32
    %dma_start3A_52 = arith.constant 0 : i32
    %dma_start3A_53 = tpu.memref_slice %arg7[%dma_start3A_44, %dma_start3A_51, %dma_start3A_52] : memref<8x2x128xi32, #tpu.memory_space<vmem>> -> memref<1x2x128xi32, #tpu.memory_space<vmem>>
    %dma_start3A_54 = tpu.memref_squeeze %dma_start3A_53 : memref<1x2x128xi32, #tpu.memory_space<vmem>> -> memref<2x128xi32, #tpu.memory_space<vmem>>
    %dma_start3A_55 = arith.constant 0 : i32
    %dma_start3A_56 = tpu.memref_slice %arg2[%dma_start3A_55, %add3A_43] : memref<2x320000xi32, #tpu.memory_space<hbm>> -> memref<2x128xi32, #tpu.memory_space<hbm>>
    tpu.enqueue_dma source(%dma_start3A_56 : memref<2x128xi32, #tpu.memory_space<hbm>>) target(%dma_start3A_54 : memref<2x128xi32, #tpu.memory_space<vmem>>) target_semaphore(%arg12 : memref<!tpu.dma_semaphore, #tpu.memory_space<semaphore_mem>>)
    %add3A_57 = arith.constant 384 : i32
    %add3A_58 = arith.addi %mul3A_6, %add3A_57 : i32
    %dma_start3A_59 = arith.constant 3 : i32
    %dma_start3A_60 = arith.constant 0 : i32
    %dma_start3A_61 = arith.constant 0 : i32
    %dma_start3A_62 = tpu.memref_slice %arg7[%dma_start3A_59, %dma_start3A_60, %dma_start3A_61] : memref<8x2x128xi32, #tpu.memory_space<vmem>> -> memref<1x2x128xi32, #tpu.memory_space<vmem>>
    %dma_start3A_63 = tpu.memref_squeeze %dma_start3A_62 : memref<1x2x128xi32, #tpu.memory_space<vmem>> -> memref<2x128xi32, #tpu.memory_space<vmem>>
    %dma_start3A_64 = arith.constant 0 : i32
    %dma_start3A_65 = tpu.memref_slice %arg2[%dma_start3A_64, %add3A_58] : memref<2x320000xi32, #tpu.memory_space<hbm>> -> memref<2x128xi32, #tpu.memory_space<hbm>>
    %dma_start3A_66 = arith.constant 0 : i32
    %dma_start3A_67 = arith.constant 0 : i32
    %dma_start3A_68 = tpu.memref_slice %arg7[%dma_start3A_59, %dma_start3A_66, %dma_start3A_67] : memref<8x2x128xi32, #tpu.memory_space<vmem>> -> memref<1x2x128xi32, #tpu.memory_space<vmem>>
    %dma_start3A_69 = tpu.memref_squeeze %dma_start3A_68 : memref<1x2x128xi32, #tpu.memory_space<vmem>> -> memref<2x128xi32, #tpu.memory_space<vmem>>
    %dma_start3A_70 = arith.constant 0 : i32
    %dma_start3A_71 = tpu.memref_slice %arg2[%dma_start3A_70, %add3A_58] : memref<2x320000xi32, #tpu.memory_space<hbm>> -> memref<2x128xi32, #tpu.memory_space<hbm>>
    tpu.enqueue_dma source(%dma_start3A_71 : memref<2x128xi32, #tpu.memory_space<hbm>>) target(%dma_start3A_69 : memref<2x128xi32, #tpu.memory_space<vmem>>) target_semaphore(%arg13 : memref<!tpu.dma_semaphore, #tpu.memory_space<semaphore_mem>>)
    %add3A_72 = arith.constant 512 : i32
    %add3A_73 = arith.addi %mul3A_6, %add3A_72 : i32
    %dma_start3A_74 = arith.constant 4 : i32
    %dma_start3A_75 = arith.constant 0 : i32
    %dma_start3A_76 = arith.constant 0 : i32
    %dma_start3A_77 = tpu.memref_slice %arg7[%dma_start3A_74, %dma_start3A_75, %dma_start3A_76] : memref<8x2x128xi32, #tpu.memory_space<vmem>> -> memref<1x2x128xi32, #tpu.memory_space<vmem>>
    %dma_start3A_78 = tpu.memref_squeeze %dma_start3A_77 : memref<1x2x128xi32, #tpu.memory_space<vmem>> -> memref<2x128xi32, #tpu.memory_space<vmem>>
    %dma_start3A_79 = arith.constant 0 : i32
    %dma_start3A_80 = tpu.memref_slice %arg2[%dma_start3A_79, %add3A_73] : memref<2x320000xi32, #tpu.memory_space<hbm>> -> memref<2x128xi32, #tpu.memory_space<hbm>>
    %dma_start3A_81 = arith.constant 0 : i32
    %dma_start3A_82 = arith.constant 0 : i32
    %dma_start3A_83 = tpu.memref_slice %arg7[%dma_start3A_74, %dma_start3A_81, %dma_start3A_82] : memref<8x2x128xi32, #tpu.memory_space<vmem>> -> memref<1x2x128xi32, #tpu.memory_space<vmem>>
    %dma_start3A_84 = tpu.memref_squeeze %dma_start3A_83 : memref<1x2x128xi32, #tpu.memory_space<vmem>> -> memref<2x128xi32, #tpu.memory_space<vmem>>
    %dma_start3A_85 = arith.constant 0 : i32
    %dma_start3A_86 = tpu.memref_slice %arg2[%dma_start3A_85, %add3A_73] : memref<2x320000xi32, #tpu.memory_space<hbm>> -> memref<2x128xi32, #tpu.memory_space<hbm>>
    tpu.enqueue_dma source(%dma_start3A_86 : memref<2x128xi32, #tpu.memory_space<hbm>>) target(%dma_start3A_84 : memref<2x128xi32, #tpu.memory_space<vmem>>) target_semaphore(%arg14 : memref<!tpu.dma_semaphore, #tpu.memory_space<semaphore_mem>>)
    %add3A_87 = arith.constant 640 : i32
    %add3A_88 = arith.addi %mul3A_6, %add3A_87 : i32
    %dma_start3A_89 = arith.constant 5 : i32
    %dma_start3A_90 = arith.constant 0 : i32
    %dma_start3A_91 = arith.constant 0 : i32
    %dma_start3A_92 = tpu.memref_slice %arg7[%dma_start3A_89, %dma_start3A_90, %dma_start3A_91] : memref<8x2x128xi32, #tpu.memory_space<vmem>> -> memref<1x2x128xi32, #tpu.memory_space<vmem>>
    %dma_start3A_93 = tpu.memref_squeeze %dma_start3A_92 : memref<1x2x128xi32, #tpu.memory_space<vmem>> -> memref<2x128xi32, #tpu.memory_space<vmem>>
    %dma_start3A_94 = arith.constant 0 : i32
    %dma_start3A_95 = tpu.memref_slice %arg2[%dma_start3A_94, %add3A_88] : memref<2x320000xi32, #tpu.memory_space<hbm>> -> memref<2x128xi32, #tpu.memory_space<hbm>>
    %dma_start3A_96 = arith.constant 0 : i32
    %dma_start3A_97 = arith.constant 0 : i32
    %dma_start3A_98 = tpu.memref_slice %arg7[%dma_start3A_89, %dma_start3A_96, %dma_start3A_97] : memref<8x2x128xi32, #tpu.memory_space<vmem>> -> memref<1x2x128xi32, #tpu.memory_space<vmem>>
    %dma_start3A_99 = tpu.memref_squeeze %dma_start3A_98 : memref<1x2x128xi32, #tpu.memory_space<vmem>> -> memref<2x128xi32, #tpu.memory_space<vmem>>
    %dma_start3A_100 = arith.constant 0 : i32
    %dma_start3A_101 = tpu.memref_slice %arg2[%dma_start3A_100, %add3A_88] : memref<2x320000xi32, #tpu.memory_space<hbm>> -> memref<2x128xi32, #tpu.memory_space<hbm>>
    tpu.enqueue_dma source(%dma_start3A_101 : memref<2x128xi32, #tpu.memory_space<hbm>>) target(%dma_start3A_99 : memref<2x128xi32, #tpu.memory_space<vmem>>) target_semaphore(%arg15 : memref<!tpu.dma_semaphore, #tpu.memory_space<semaphore_mem>>)
    %add3A_102 = arith.constant 768 : i32
    %add3A_103 = arith.addi %mul3A_6, %add3A_102 : i32
    %dma_start3A_104 = arith.constant 6 : i32
    %dma_start3A_105 = arith.constant 0 : i32
    %dma_start3A_106 = arith.constant 0 : i32
    %dma_start3A_107 = tpu.memref_slice %arg7[%dma_start3A_104, %dma_start3A_105, %dma_start3A_106] : memref<8x2x128xi32, #tpu.memory_space<vmem>> -> memref<1x2x128xi32, #tpu.memory_space<vmem>>
    %dma_start3A_108 = tpu.memref_squeeze %dma_start3A_107 : memref<1x2x128xi32, #tpu.memory_space<vmem>> -> memref<2x128xi32, #tpu.memory_space<vmem>>
    %dma_start3A_109 = arith.constant 0 : i32
    %dma_start3A_110 = tpu.memref_slice %arg2[%dma_start3A_109, %add3A_103] : memref<2x320000xi32, #tpu.memory_space<hbm>> -> memref<2x128xi32, #tpu.memory_space<hbm>>
    %dma_start3A_111 = arith.constant 0 : i32
    %dma_start3A_112 = arith.constant 0 : i32
    %dma_start3A_113 = tpu.memref_slice %arg7[%dma_start3A_104, %dma_start3A_111, %dma_start3A_112] : memref<8x2x128xi32, #tpu.memory_space<vmem>> -> memref<1x2x128xi32, #tpu.memory_space<vmem>>
    %dma_start3A_114 = tpu.memref_squeeze %dma_start3A_113 : memref<1x2x128xi32, #tpu.memory_space<vmem>> -> memref<2x128xi32, #tpu.memory_space<vmem>>
    %dma_start3A_115 = arith.constant 0 : i32
    %dma_start3A_116 = tpu.memref_slice %arg2[%dma_start3A_115, %add3A_103] : memref<2x320000xi32, #tpu.memory_space<hbm>> -> memref<2x128xi32, #tpu.memory_space<hbm>>
    tpu.enqueue_dma source(%dma_start3A_116 : memref<2x128xi32, #tpu.memory_space<hbm>>) target(%dma_start3A_114 : memref<2x128xi32, #tpu.memory_space<vmem>>) target_semaphore(%arg16 : memref<!tpu.dma_semaphore, #tpu.memory_space<semaphore_mem>>)
    %add3A_117 = arith.constant 896 : i32
    %add3A_118 = arith.addi %mul3A_6, %add3A_117 : i32
    %dma_start3A_119 = arith.constant 7 : i32
    %dma_start3A_120 = arith.constant 0 : i32
    %dma_start3A_121 = arith.constant 0 : i32
    %dma_start3A_122 = tpu.memref_slice %arg7[%dma_start3A_119, %dma_start3A_120, %dma_start3A_121] : memref<8x2x128xi32, #tpu.memory_space<vmem>> -> memref<1x2x128xi32, #tpu.memory_space<vmem>>
    %dma_start3A_123 = tpu.memref_squeeze %dma_start3A_122 : memref<1x2x128xi32, #tpu.memory_space<vmem>> -> memref<2x128xi32, #tpu.memory_space<vmem>>
    %dma_start3A_124 = arith.constant 0 : i32
    %dma_start3A_125 = tpu.memref_slice %arg2[%dma_start3A_124, %add3A_118] : memref<2x320000xi32, #tpu.memory_space<hbm>> -> memref<2x128xi32, #tpu.memory_space<hbm>>
    %dma_start3A_126 = arith.constant 0 : i32
    %dma_start3A_127 = arith.constant 0 : i32
    %dma_start3A_128 = tpu.memref_slice %arg7[%dma_start3A_119, %dma_start3A_126, %dma_start3A_127] : memref<8x2x128xi32, #tpu.memory_space<vmem>> -> memref<1x2x128xi32, #tpu.memory_space<vmem>>
    %dma_start3A_129 = tpu.memref_squeeze %dma_start3A_128 : memref<1x2x128xi32, #tpu.memory_space<vmem>> -> memref<2x128xi32, #tpu.memory_space<vmem>>
    %dma_start3A_130 = arith.constant 0 : i32
    %dma_start3A_131 = tpu.memref_slice %arg2[%dma_start3A_130, %add3A_118] : memref<2x320000xi32, #tpu.memory_space<hbm>> -> memref<2x128xi32, #tpu.memory_space<hbm>>
    tpu.enqueue_dma source(%dma_start3A_131 : memref<2x128xi32, #tpu.memory_space<hbm>>) target(%dma_start3A_129 : memref<2x128xi32, #tpu.memory_space<vmem>>) target_semaphore(%arg17 : memref<!tpu.dma_semaphore, #tpu.memory_space<semaphore_mem>>)
    %mul3A_132 = arith.constant 640 : i32
    %mul3A_133 = arith.muli %arg1, %mul3A_132 : i32
    %mul3A_134 = arith.constant 640 : i32
    %mul3A_135 = arith.muli %arg1, %mul3A_134 : i32
    %dma_wait3A = tpu.memref_slice %arg9[%mul3A_135] : memref<10240xf32, #tpu.memory_space<vmem_shared>> -> memref<640xf32, #tpu.memory_space<vmem_shared>>
    %dma_wait3A_136 = tpu.memref_slice %arg4[%mul3A_133] : memref<10240xf32, #tpu.memory_space<hbm>> -> memref<640xf32, #tpu.memory_space<hbm>>
    tpu.wait_dma2 semaphore(%arg19 : memref<!tpu.dma_semaphore, #tpu.memory_space<semaphore_mem>>) src(%dma_wait3A_136 : memref<640xf32, #tpu.memory_space<hbm>>) dst(%dma_wait3A : memref<640xf32, #tpu.memory_space<vmem_shared>>)
    %barrier3A = arith.constant 0 : index
    tpu.barrier barrier_id(%barrier3A)
    %scan3A = arith.constant 0 : i32
    %scan3A_137 = arith.constant 0 : i32
    %scan3A_138 = arith.constant 8 : i32
    %scan3A_139 = arith.addi %scan3A_137, %scan3A_138 : i32
    %scan3A_140 = arith.constant 1 : i32
    scf.for %scan3A_637 = %scan3A_137 to %scan3A_139 step %scan3A_140  : i32 {
      %dma_wait3A_638 = arith.constant 0 : i32
      %dma_wait3A_639 = arith.constant 0 : i32
      %dma_wait3A_640 = arith.constant 0 : i32
      %dma_wait3A_641 = tpu.memref_slice %arg7[%dma_wait3A_638, %dma_wait3A_639, %dma_wait3A_640] : memref<8x2x128xi32, #tpu.memory_space<vmem>> -> memref<1x2x128xi32, #tpu.memory_space<vmem>>
      %dma_wait3A_642 = tpu.memref_squeeze %dma_wait3A_641 : memref<1x2x128xi32, #tpu.memory_space<vmem>> -> memref<2x128xi32, #tpu.memory_space<vmem>>
      %dma_wait3A_643 = arith.constant 0 : i32
      %dma_wait3A_644 = arith.constant 0 : i32
      %dma_wait3A_645 = tpu.memref_slice %arg7[%dma_wait3A_638, %dma_wait3A_643, %dma_wait3A_644] : memref<8x2x128xi32, #tpu.memory_space<vmem>> -> memref<1x2x128xi32, #tpu.memory_space<vmem>>
      %dma_wait3A_646 = tpu.memref_squeeze %dma_wait3A_645 : memref<1x2x128xi32, #tpu.memory_space<vmem>> -> memref<2x128xi32, #tpu.memory_space<vmem>>
      tpu.wait_dma2 semaphore(%arg10 : memref<!tpu.dma_semaphore, #tpu.memory_space<semaphore_mem>>) src(%arg3 : memref<2x128xi32, #tpu.memory_space<hbm>>) dst(%dma_wait3A_646 : memref<2x128xi32, #tpu.memory_space<vmem>>)
      %dma_start3A_647 = arith.constant 0 : i32
      %dma_start3A_648 = arith.constant 1 : i32
      %dma_start3A_649 = arith.constant 0 : i32
      %dma_start3A_650 = tpu.memref_slice %arg7[%dma_start3A_647, %dma_start3A_648, %dma_start3A_649] : memref<8x2x128xi32, #tpu.memory_space<vmem>> -> memref<1x1x128xi32, #tpu.memory_space<vmem>>
      %dma_start3A_651 = tpu.memref_squeeze %dma_start3A_650 : memref<1x1x128xi32, #tpu.memory_space<vmem>> -> memref<128xi32, #tpu.memory_space<vmem>>
      %dma_start3A_652 = arith.constant 0 : i32
      %dma_start3A_653 = tpu.memref_slice %arg9[%dma_start3A_652] : memref<10240xf32, #tpu.memory_space<vmem_shared>> -> memref<10240xf32, #tpu.memory_space<vmem_shared>>
      tpu.enqueue_indirect_dma source(%arg8 : memref<128xf32, #tpu.memory_space<vmem>>) target(%dma_start3A_653 : memref<10240xf32, #tpu.memory_space<vmem_shared>>) offsets(%dma_start3A_651 : memref<128xi32, #tpu.memory_space<vmem>>) semaphore(%arg18 : memref<!tpu.dma_semaphore, #tpu.memory_space<semaphore_mem>>) {add = true}
      %dma_wait3A_654 = arith.constant 1 : i32
      %dma_wait3A_655 = arith.constant 0 : i32
      %dma_wait3A_656 = arith.constant 0 : i32
      %dma_wait3A_657 = tpu.memref_slice %arg7[%dma_wait3A_654, %dma_wait3A_655, %dma_wait3A_656] : memref<8x2x128xi32, #tpu.memory_space<vmem>> -> memref<1x2x128xi32, #tpu.memory_space<vmem>>
      %dma_wait3A_658 = tpu.memref_squeeze %dma_wait3A_657 : memref<1x2x128xi32, #tpu.memory_space<vmem>> -> memref<2x128xi32, #tpu.memory_space<vmem>>
      %dma_wait3A_659 = arith.constant 0 : i32
      %dma_wait3A_660 = arith.constant 0 : i32
      %dma_wait3A_661 = tpu.memref_slice %arg7[%dma_wait3A_654, %dma_wait3A_659, %dma_wait3A_660] : memref<8x2x128xi32, #tpu.memory_space<vmem>> -> memref<1x2x128xi32, #tpu.memory_space<vmem>>
      %dma_wait3A_662 = tpu.memref_squeeze %dma_wait3A_661 : memref<1x2x128xi32, #tpu.memory_space<vmem>> -> memref<2x128xi32, #tpu.memory_space<vmem>>
      tpu.wait_dma2 semaphore(%arg11 : memref<!tpu.dma_semaphore, #tpu.memory_space<semaphore_mem>>) src(%arg3 : memref<2x128xi32, #tpu.memory_space<hbm>>) dst(%dma_wait3A_662 : memref<2x128xi32, #tpu.memory_space<vmem>>)
      %dma_start3A_663 = arith.constant 1 : i32
      %dma_start3A_664 = arith.constant 1 : i32
      %dma_start3A_665 = arith.constant 0 : i32
      %dma_start3A_666 = tpu.memref_slice %arg7[%dma_start3A_663, %dma_start3A_664, %dma_start3A_665] : memref<8x2x128xi32, #tpu.memory_space<vmem>> -> memref<1x1x128xi32, #tpu.memory_space<vmem>>
      %dma_start3A_667 = tpu.memref_squeeze %dma_start3A_666 : memref<1x1x128xi32, #tpu.memory_space<vmem>> -> memref<128xi32, #tpu.memory_space<vmem>>
      %dma_start3A_668 = arith.constant 0 : i32
      %dma_start3A_669 = tpu.memref_slice %arg9[%dma_start3A_668] : memref<10240xf32, #tpu.memory_space<vmem_shared>> -> memref<10240xf32, #tpu.memory_space<vmem_shared>>
      tpu.enqueue_indirect_dma source(%arg8 : memref<128xf32, #tpu.memory_space<vmem>>) target(%dma_start3A_669 : memref<10240xf32, #tpu.memory_space<vmem_shared>>) offsets(%dma_start3A_667 : memref<128xi32, #tpu.memory_space<vmem>>) semaphore(%arg18 : memref<!tpu.dma_semaphore, #tpu.memory_space<semaphore_mem>>) {add = true}
      %dma_wait3A_670 = arith.constant 2 : i32
      %dma_wait3A_671 = arith.constant 0 : i32
      %dma_wait3A_672 = arith.constant 0 : i32
      %dma_wait3A_673 = tpu.memref_slice %arg7[%dma_wait3A_670, %dma_wait3A_671, %dma_wait3A_672] : memref<8x2x128xi32, #tpu.memory_space<vmem>> -> memref<1x2x128xi32, #tpu.memory_space<vmem>>
      %dma_wait3A_674 = tpu.memref_squeeze %dma_wait3A_673 : memref<1x2x128xi32, #tpu.memory_space<vmem>> -> memref<2x128xi32, #tpu.memory_space<vmem>>
      %dma_wait3A_675 = arith.constant 0 : i32
      %dma_wait3A_676 = arith.constant 0 : i32
      %dma_wait3A_677 = tpu.memref_slice %arg7[%dma_wait3A_670, %dma_wait3A_675, %dma_wait3A_676] : memref<8x2x128xi32, #tpu.memory_space<vmem>> -> memref<1x2x128xi32, #tpu.memory_space<vmem>>
      %dma_wait3A_678 = tpu.memref_squeeze %dma_wait3A_677 : memref<1x2x128xi32, #tpu.memory_space<vmem>> -> memref<2x128xi32, #tpu.memory_space<vmem>>
      tpu.wait_dma2 semaphore(%arg12 : memref<!tpu.dma_semaphore, #tpu.memory_space<semaphore_mem>>) src(%arg3 : memref<2x128xi32, #tpu.memory_space<hbm>>) dst(%dma_wait3A_678 : memref<2x128xi32, #tpu.memory_space<vmem>>)
      %dma_start3A_679 = arith.constant 2 : i32
      %dma_start3A_680 = arith.constant 1 : i32
      %dma_start3A_681 = arith.constant 0 : i32
      %dma_start3A_682 = tpu.memref_slice %arg7[%dma_start3A_679, %dma_start3A_680, %dma_start3A_681] : memref<8x2x128xi32, #tpu.memory_space<vmem>> -> memref<1x1x128xi32, #tpu.memory_space<vmem>>
      %dma_start3A_683 = tpu.memref_squeeze %dma_start3A_682 : memref<1x1x128xi32, #tpu.memory_space<vmem>> -> memref<128xi32, #tpu.memory_space<vmem>>
      %dma_start3A_684 = arith.constant 0 : i32
      %dma_start3A_685 = tpu.memref_slice %arg9[%dma_start3A_684] : memref<10240xf32, #tpu.memory_space<vmem_shared>> -> memref<10240xf32, #tpu.memory_space<vmem_shared>>
      tpu.enqueue_indirect_dma source(%arg8 : memref<128xf32, #tpu.memory_space<vmem>>) target(%dma_start3A_685 : memref<10240xf32, #tpu.memory_space<vmem_shared>>) offsets(%dma_start3A_683 : memref<128xi32, #tpu.memory_space<vmem>>) semaphore(%arg18 : memref<!tpu.dma_semaphore, #tpu.memory_space<semaphore_mem>>) {add = true}
      %dma_wait3A_686 = arith.constant 3 : i32
      %dma_wait3A_687 = arith.constant 0 : i32
      %dma_wait3A_688 = arith.constant 0 : i32
      %dma_wait3A_689 = tpu.memref_slice %arg7[%dma_wait3A_686, %dma_wait3A_687, %dma_wait3A_688] : memref<8x2x128xi32, #tpu.memory_space<vmem>> -> memref<1x2x128xi32, #tpu.memory_space<vmem>>
      %dma_wait3A_690 = tpu.memref_squeeze %dma_wait3A_689 : memref<1x2x128xi32, #tpu.memory_space<vmem>> -> memref<2x128xi32, #tpu.memory_space<vmem>>
      %dma_wait3A_691 = arith.constant 0 : i32
      %dma_wait3A_692 = arith.constant 0 : i32
      %dma_wait3A_693 = tpu.memref_slice %arg7[%dma_wait3A_686, %dma_wait3A_691, %dma_wait3A_692] : memref<8x2x128xi32, #tpu.memory_space<vmem>> -> memref<1x2x128xi32, #tpu.memory_space<vmem>>
      %dma_wait3A_694 = tpu.memref_squeeze %dma_wait3A_693 : memref<1x2x128xi32, #tpu.memory_space<vmem>> -> memref<2x128xi32, #tpu.memory_space<vmem>>
      tpu.wait_dma2 semaphore(%arg13 : memref<!tpu.dma_semaphore, #tpu.memory_space<semaphore_mem>>) src(%arg3 : memref<2x128xi32, #tpu.memory_space<hbm>>) dst(%dma_wait3A_694 : memref<2x128xi32, #tpu.memory_space<vmem>>)
      %dma_start3A_695 = arith.constant 3 : i32
      %dma_start3A_696 = arith.constant 1 : i32
      %dma_start3A_697 = arith.constant 0 : i32
      %dma_start3A_698 = tpu.memref_slice %arg7[%dma_start3A_695, %dma_start3A_696, %dma_start3A_697] : memref<8x2x128xi32, #tpu.memory_space<vmem>> -> memref<1x1x128xi32, #tpu.memory_space<vmem>>
      %dma_start3A_699 = tpu.memref_squeeze %dma_start3A_698 : memref<1x1x128xi32, #tpu.memory_space<vmem>> -> memref<128xi32, #tpu.memory_space<vmem>>
      %dma_start3A_700 = arith.constant 0 : i32
      %dma_start3A_701 = tpu.memref_slice %arg9[%dma_start3A_700] : memref<10240xf32, #tpu.memory_space<vmem_shared>> -> memref<10240xf32, #tpu.memory_space<vmem_shared>>
      tpu.enqueue_indirect_dma source(%arg8 : memref<128xf32, #tpu.memory_space<vmem>>) target(%dma_start3A_701 : memref<10240xf32, #tpu.memory_space<vmem_shared>>) offsets(%dma_start3A_699 : memref<128xi32, #tpu.memory_space<vmem>>) semaphore(%arg18 : memref<!tpu.dma_semaphore, #tpu.memory_space<semaphore_mem>>) {add = true}
      %dma_wait3A_702 = arith.constant 4 : i32
      %dma_wait3A_703 = arith.constant 0 : i32
      %dma_wait3A_704 = arith.constant 0 : i32
      %dma_wait3A_705 = tpu.memref_slice %arg7[%dma_wait3A_702, %dma_wait3A_703, %dma_wait3A_704] : memref<8x2x128xi32, #tpu.memory_space<vmem>> -> memref<1x2x128xi32, #tpu.memory_space<vmem>>
      %dma_wait3A_706 = tpu.memref_squeeze %dma_wait3A_705 : memref<1x2x128xi32, #tpu.memory_space<vmem>> -> memref<2x128xi32, #tpu.memory_space<vmem>>
      %dma_wait3A_707 = arith.constant 0 : i32
      %dma_wait3A_708 = arith.constant 0 : i32
      %dma_wait3A_709 = tpu.memref_slice %arg7[%dma_wait3A_702, %dma_wait3A_707, %dma_wait3A_708] : memref<8x2x128xi32, #tpu.memory_space<vmem>> -> memref<1x2x128xi32, #tpu.memory_space<vmem>>
      %dma_wait3A_710 = tpu.memref_squeeze %dma_wait3A_709 : memref<1x2x128xi32, #tpu.memory_space<vmem>> -> memref<2x128xi32, #tpu.memory_space<vmem>>
      tpu.wait_dma2 semaphore(%arg14 : memref<!tpu.dma_semaphore, #tpu.memory_space<semaphore_mem>>) src(%arg3 : memref<2x128xi32, #tpu.memory_space<hbm>>) dst(%dma_wait3A_710 : memref<2x128xi32, #tpu.memory_space<vmem>>)
      %dma_start3A_711 = arith.constant 4 : i32
      %dma_start3A_712 = arith.constant 1 : i32
      %dma_start3A_713 = arith.constant 0 : i32
      %dma_start3A_714 = tpu.memref_slice %arg7[%dma_start3A_711, %dma_start3A_712, %dma_start3A_713] : memref<8x2x128xi32, #tpu.memory_space<vmem>> -> memref<1x1x128xi32, #tpu.memory_space<vmem>>
      %dma_start3A_715 = tpu.memref_squeeze %dma_start3A_714 : memref<1x1x128xi32, #tpu.memory_space<vmem>> -> memref<128xi32, #tpu.memory_space<vmem>>
      %dma_start3A_716 = arith.constant 0 : i32
      %dma_start3A_717 = tpu.memref_slice %arg9[%dma_start3A_716] : memref<10240xf32, #tpu.memory_space<vmem_shared>> -> memref<10240xf32, #tpu.memory_space<vmem_shared>>
      tpu.enqueue_indirect_dma source(%arg8 : memref<128xf32, #tpu.memory_space<vmem>>) target(%dma_start3A_717 : memref<10240xf32, #tpu.memory_space<vmem_shared>>) offsets(%dma_start3A_715 : memref<128xi32, #tpu.memory_space<vmem>>) semaphore(%arg18 : memref<!tpu.dma_semaphore, #tpu.memory_space<semaphore_mem>>) {add = true}
      %dma_wait3A_718 = arith.constant 5 : i32
      %dma_wait3A_719 = arith.constant 0 : i32
      %dma_wait3A_720 = arith.constant 0 : i32
      %dma_wait3A_721 = tpu.memref_slice %arg7[%dma_wait3A_718, %dma_wait3A_719, %dma_wait3A_720] : memref<8x2x128xi32, #tpu.memory_space<vmem>> -> memref<1x2x128xi32, #tpu.memory_space<vmem>>
      %dma_wait3A_722 = tpu.memref_squeeze %dma_wait3A_721 : memref<1x2x128xi32, #tpu.memory_space<vmem>> -> memref<2x128xi32, #tpu.memory_space<vmem>>
      %dma_wait3A_723 = arith.constant 0 : i32
      %dma_wait3A_724 = arith.constant 0 : i32
      %dma_wait3A_725 = tpu.memref_slice %arg7[%dma_wait3A_718, %dma_wait3A_723, %dma_wait3A_724] : memref<8x2x128xi32, #tpu.memory_space<vmem>> -> memref<1x2x128xi32, #tpu.memory_space<vmem>>
      %dma_wait3A_726 = tpu.memref_squeeze %dma_wait3A_725 : memref<1x2x128xi32, #tpu.memory_space<vmem>> -> memref<2x128xi32, #tpu.memory_space<vmem>>
      tpu.wait_dma2 semaphore(%arg15 : memref<!tpu.dma_semaphore, #tpu.memory_space<semaphore_mem>>) src(%arg3 : memref<2x128xi32, #tpu.memory_space<hbm>>) dst(%dma_wait3A_726 : memref<2x128xi32, #tpu.memory_space<vmem>>)
      %dma_start3A_727 = arith.constant 5 : i32
      %dma_start3A_728 = arith.constant 1 : i32
      %dma_start3A_729 = arith.constant 0 : i32
      %dma_start3A_730 = tpu.memref_slice %arg7[%dma_start3A_727, %dma_start3A_728, %dma_start3A_729] : memref<8x2x128xi32, #tpu.memory_space<vmem>> -> memref<1x1x128xi32, #tpu.memory_space<vmem>>
      %dma_start3A_731 = tpu.memref_squeeze %dma_start3A_730 : memref<1x1x128xi32, #tpu.memory_space<vmem>> -> memref<128xi32, #tpu.memory_space<vmem>>
      %dma_start3A_732 = arith.constant 0 : i32
      %dma_start3A_733 = tpu.memref_slice %arg9[%dma_start3A_732] : memref<10240xf32, #tpu.memory_space<vmem_shared>> -> memref<10240xf32, #tpu.memory_space<vmem_shared>>
      tpu.enqueue_indirect_dma source(%arg8 : memref<128xf32, #tpu.memory_space<vmem>>) target(%dma_start3A_733 : memref<10240xf32, #tpu.memory_space<vmem_shared>>) offsets(%dma_start3A_731 : memref<128xi32, #tpu.memory_space<vmem>>) semaphore(%arg18 : memref<!tpu.dma_semaphore, #tpu.memory_space<semaphore_mem>>) {add = true}
      %dma_wait3A_734 = arith.constant 6 : i32
      %dma_wait3A_735 = arith.constant 0 : i32
      %dma_wait3A_736 = arith.constant 0 : i32
      %dma_wait3A_737 = tpu.memref_slice %arg7[%dma_wait3A_734, %dma_wait3A_735, %dma_wait3A_736] : memref<8x2x128xi32, #tpu.memory_space<vmem>> -> memref<1x2x128xi32, #tpu.memory_space<vmem>>
      %dma_wait3A_738 = tpu.memref_squeeze %dma_wait3A_737 : memref<1x2x128xi32, #tpu.memory_space<vmem>> -> memref<2x128xi32, #tpu.memory_space<vmem>>
      %dma_wait3A_739 = arith.constant 0 : i32
      %dma_wait3A_740 = arith.constant 0 : i32
      %dma_wait3A_741 = tpu.memref_slice %arg7[%dma_wait3A_734, %dma_wait3A_739, %dma_wait3A_740] : memref<8x2x128xi32, #tpu.memory_space<vmem>> -> memref<1x2x128xi32, #tpu.memory_space<vmem>>
      %dma_wait3A_742 = tpu.memref_squeeze %dma_wait3A_741 : memref<1x2x128xi32, #tpu.memory_space<vmem>> -> memref<2x128xi32, #tpu.memory_space<vmem>>
      tpu.wait_dma2 semaphore(%arg16 : memref<!tpu.dma_semaphore, #tpu.memory_space<semaphore_mem>>) src(%arg3 : memref<2x128xi32, #tpu.memory_space<hbm>>) dst(%dma_wait3A_742 : memref<2x128xi32, #tpu.memory_space<vmem>>)
      %dma_start3A_743 = arith.constant 6 : i32
      %dma_start3A_744 = arith.constant 1 : i32
      %dma_start3A_745 = arith.constant 0 : i32
      %dma_start3A_746 = tpu.memref_slice %arg7[%dma_start3A_743, %dma_start3A_744, %dma_start3A_745] : memref<8x2x128xi32, #tpu.memory_space<vmem>> -> memref<1x1x128xi32, #tpu.memory_space<vmem>>
      %dma_start3A_747 = tpu.memref_squeeze %dma_start3A_746 : memref<1x1x128xi32, #tpu.memory_space<vmem>> -> memref<128xi32, #tpu.memory_space<vmem>>
      %dma_start3A_748 = arith.constant 0 : i32
      %dma_start3A_749 = tpu.memref_slice %arg9[%dma_start3A_748] : memref<10240xf32, #tpu.memory_space<vmem_shared>> -> memref<10240xf32, #tpu.memory_space<vmem_shared>>
      tpu.enqueue_indirect_dma source(%arg8 : memref<128xf32, #tpu.memory_space<vmem>>) target(%dma_start3A_749 : memref<10240xf32, #tpu.memory_space<vmem_shared>>) offsets(%dma_start3A_747 : memref<128xi32, #tpu.memory_space<vmem>>) semaphore(%arg18 : memref<!tpu.dma_semaphore, #tpu.memory_space<semaphore_mem>>) {add = true}
      %dma_wait3A_750 = arith.constant 7 : i32
      %dma_wait3A_751 = arith.constant 0 : i32
      %dma_wait3A_752 = arith.constant 0 : i32
      %dma_wait3A_753 = tpu.memref_slice %arg7[%dma_wait3A_750, %dma_wait3A_751, %dma_wait3A_752] : memref<8x2x128xi32, #tpu.memory_space<vmem>> -> memref<1x2x128xi32, #tpu.memory_space<vmem>>
      %dma_wait3A_754 = tpu.memref_squeeze %dma_wait3A_753 : memref<1x2x128xi32, #tpu.memory_space<vmem>> -> memref<2x128xi32, #tpu.memory_space<vmem>>
      %dma_wait3A_755 = arith.constant 0 : i32
      %dma_wait3A_756 = arith.constant 0 : i32
      %dma_wait3A_757 = tpu.memref_slice %arg7[%dma_wait3A_750, %dma_wait3A_755, %dma_wait3A_756] : memref<8x2x128xi32, #tpu.memory_space<vmem>> -> memref<1x2x128xi32, #tpu.memory_space<vmem>>
      %dma_wait3A_758 = tpu.memref_squeeze %dma_wait3A_757 : memref<1x2x128xi32, #tpu.memory_space<vmem>> -> memref<2x128xi32, #tpu.memory_space<vmem>>
      tpu.wait_dma2 semaphore(%arg17 : memref<!tpu.dma_semaphore, #tpu.memory_space<semaphore_mem>>) src(%arg3 : memref<2x128xi32, #tpu.memory_space<hbm>>) dst(%dma_wait3A_758 : memref<2x128xi32, #tpu.memory_space<vmem>>)
      %dma_start3A_759 = arith.constant 7 : i32
      %dma_start3A_760 = arith.constant 1 : i32
      %dma_start3A_761 = arith.constant 0 : i32
      %dma_start3A_762 = tpu.memref_slice %arg7[%dma_start3A_759, %dma_start3A_760, %dma_start3A_761] : memref<8x2x128xi32, #tpu.memory_space<vmem>> -> memref<1x1x128xi32, #tpu.memory_space<vmem>>
      %dma_start3A_763 = tpu.memref_squeeze %dma_start3A_762 : memref<1x1x128xi32, #tpu.memory_space<vmem>> -> memref<128xi32, #tpu.memory_space<vmem>>
      %dma_start3A_764 = arith.constant 0 : i32
      %dma_start3A_765 = tpu.memref_slice %arg9[%dma_start3A_764] : memref<10240xf32, #tpu.memory_space<vmem_shared>> -> memref<10240xf32, #tpu.memory_space<vmem_shared>>
      tpu.enqueue_indirect_dma source(%arg8 : memref<128xf32, #tpu.memory_space<vmem>>) target(%dma_start3A_765 : memref<10240xf32, #tpu.memory_space<vmem_shared>>) offsets(%dma_start3A_763 : memref<128xi32, #tpu.memory_space<vmem>>) semaphore(%arg18 : memref<!tpu.dma_semaphore, #tpu.memory_space<semaphore_mem>>) {add = true}
      %dma_wait3A_766 = arith.constant 0 : i32
      %dma_wait3A_767 = arith.constant 1 : i32
      %dma_wait3A_768 = arith.constant 0 : i32
      %dma_wait3A_769 = tpu.memref_slice %arg7[%dma_wait3A_766, %dma_wait3A_767, %dma_wait3A_768] : memref<8x2x128xi32, #tpu.memory_space<vmem>> -> memref<1x1x128xi32, #tpu.memory_space<vmem>>
      %dma_wait3A_770 = tpu.memref_squeeze %dma_wait3A_769 : memref<1x1x128xi32, #tpu.memory_space<vmem>> -> memref<128xi32, #tpu.memory_space<vmem>>
      %dma_wait3A_771 = arith.constant 0 : i32
      %dma_wait3A_772 = tpu.memref_slice %arg9[%dma_wait3A_771] : memref<10240xf32, #tpu.memory_space<vmem_shared>> -> memref<10240xf32, #tpu.memory_space<vmem_shared>>
      tpu.wait_indirect_dma semaphore(%arg18 : memref<!tpu.dma_semaphore, #tpu.memory_space<semaphore_mem>>) src(%arg8 : memref<128xf32, #tpu.memory_space<vmem>>) dst(%dma_wait3A_772 : memref<10240xf32, #tpu.memory_space<vmem_shared>>)
      %mul3A_773 = arith.constant 8 : i32
      %mul3A_774 = arith.muli %mul3A_773, %scan3A_637 : i32
      %add3A_775 = arith.constant 0 : i32
      %add3A_776 = arith.addi %mul3A_774, %add3A_775 : i32
      %add3A_777 = arith.constant 8 : i32
      %add3A_778 = arith.addi %add3A_776, %add3A_777 : i32
      %mul3A_779 = arith.constant 128 : i32
      %mul3A_780 = arith.muli %add3A_778, %mul3A_779 : i32
      %add3A_781 = arith.addi %mul3A_6, %mul3A_780 : i32
      %dma_start3A_782 = arith.constant 0 : i32
      %dma_start3A_783 = arith.constant 0 : i32
      %dma_start3A_784 = arith.constant 0 : i32
      %dma_start3A_785 = tpu.memref_slice %arg7[%dma_start3A_782, %dma_start3A_783, %dma_start3A_784] : memref<8x2x128xi32, #tpu.memory_space<vmem>> -> memref<1x2x128xi32, #tpu.memory_space<vmem>>
      %dma_start3A_786 = tpu.memref_squeeze %dma_start3A_785 : memref<1x2x128xi32, #tpu.memory_space<vmem>> -> memref<2x128xi32, #tpu.memory_space<vmem>>
      %dma_start3A_787 = arith.constant 0 : i32
      %dma_start3A_788 = tpu.memref_slice %arg2[%dma_start3A_787, %add3A_781] : memref<2x320000xi32, #tpu.memory_space<hbm>> -> memref<2x128xi32, #tpu.memory_space<hbm>>
      %dma_start3A_789 = arith.constant 0 : i32
      %dma_start3A_790 = arith.constant 0 : i32
      %dma_start3A_791 = tpu.memref_slice %arg7[%dma_start3A_782, %dma_start3A_789, %dma_start3A_790] : memref<8x2x128xi32, #tpu.memory_space<vmem>> -> memref<1x2x128xi32, #tpu.memory_space<vmem>>
      %dma_start3A_792 = tpu.memref_squeeze %dma_start3A_791 : memref<1x2x128xi32, #tpu.memory_space<vmem>> -> memref<2x128xi32, #tpu.memory_space<vmem>>
      %dma_start3A_793 = arith.constant 0 : i32
      %dma_start3A_794 = tpu.memref_slice %arg2[%dma_start3A_793, %add3A_781] : memref<2x320000xi32, #tpu.memory_space<hbm>> -> memref<2x128xi32, #tpu.memory_space<hbm>>
      tpu.enqueue_dma source(%dma_start3A_794 : memref<2x128xi32, #tpu.memory_space<hbm>>) target(%dma_start3A_792 : memref<2x128xi32, #tpu.memory_space<vmem>>) target_semaphore(%arg10 : memref<!tpu.dma_semaphore, #tpu.memory_space<semaphore_mem>>)
      %dma_wait3A_795 = arith.constant 1 : i32
      %dma_wait3A_796 = arith.constant 1 : i32
      %dma_wait3A_797 = arith.constant 0 : i32
      %dma_wait3A_798 = tpu.memref_slice %arg7[%dma_wait3A_795, %dma_wait3A_796, %dma_wait3A_797] : memref<8x2x128xi32, #tpu.memory_space<vmem>> -> memref<1x1x128xi32, #tpu.memory_space<vmem>>
      %dma_wait3A_799 = tpu.memref_squeeze %dma_wait3A_798 : memref<1x1x128xi32, #tpu.memory_space<vmem>> -> memref<128xi32, #tpu.memory_space<vmem>>
      %dma_wait3A_800 = arith.constant 0 : i32
      %dma_wait3A_801 = tpu.memref_slice %arg9[%dma_wait3A_800] : memref<10240xf32, #tpu.memory_space<vmem_shared>> -> memref<10240xf32, #tpu.memory_space<vmem_shared>>
      tpu.wait_indirect_dma semaphore(%arg18 : memref<!tpu.dma_semaphore, #tpu.memory_space<semaphore_mem>>) src(%arg8 : memref<128xf32, #tpu.memory_space<vmem>>) dst(%dma_wait3A_801 : memref<10240xf32, #tpu.memory_space<vmem_shared>>)
      %mul3A_802 = arith.constant 8 : i32
      %mul3A_803 = arith.muli %mul3A_802, %scan3A_637 : i32
      %add3A_804 = arith.constant 1 : i32
      %add3A_805 = arith.addi %mul3A_803, %add3A_804 : i32
      %add3A_806 = arith.constant 8 : i32
      %add3A_807 = arith.addi %add3A_805, %add3A_806 : i32
      %mul3A_808 = arith.constant 128 : i32
      %mul3A_809 = arith.muli %add3A_807, %mul3A_808 : i32
      %add3A_810 = arith.addi %mul3A_6, %mul3A_809 : i32
      %dma_start3A_811 = arith.constant 1 : i32
      %dma_start3A_812 = arith.constant 0 : i32
      %dma_start3A_813 = arith.constant 0 : i32
      %dma_start3A_814 = tpu.memref_slice %arg7[%dma_start3A_811, %dma_start3A_812, %dma_start3A_813] : memref<8x2x128xi32, #tpu.memory_space<vmem>> -> memref<1x2x128xi32, #tpu.memory_space<vmem>>
      %dma_start3A_815 = tpu.memref_squeeze %dma_start3A_814 : memref<1x2x128xi32, #tpu.memory_space<vmem>> -> memref<2x128xi32, #tpu.memory_space<vmem>>
      %dma_start3A_816 = arith.constant 0 : i32
      %dma_start3A_817 = tpu.memref_slice %arg2[%dma_start3A_816, %add3A_810] : memref<2x320000xi32, #tpu.memory_space<hbm>> -> memref<2x128xi32, #tpu.memory_space<hbm>>
      %dma_start3A_818 = arith.constant 0 : i32
      %dma_start3A_819 = arith.constant 0 : i32
      %dma_start3A_820 = tpu.memref_slice %arg7[%dma_start3A_811, %dma_start3A_818, %dma_start3A_819] : memref<8x2x128xi32, #tpu.memory_space<vmem>> -> memref<1x2x128xi32, #tpu.memory_space<vmem>>
      %dma_start3A_821 = tpu.memref_squeeze %dma_start3A_820 : memref<1x2x128xi32, #tpu.memory_space<vmem>> -> memref<2x128xi32, #tpu.memory_space<vmem>>
      %dma_start3A_822 = arith.constant 0 : i32
      %dma_start3A_823 = tpu.memref_slice %arg2[%dma_start3A_822, %add3A_810] : memref<2x320000xi32, #tpu.memory_space<hbm>> -> memref<2x128xi32, #tpu.memory_space<hbm>>
      tpu.enqueue_dma source(%dma_start3A_823 : memref<2x128xi32, #tpu.memory_space<hbm>>) target(%dma_start3A_821 : memref<2x128xi32, #tpu.memory_space<vmem>>) target_semaphore(%arg11 : memref<!tpu.dma_semaphore, #tpu.memory_space<semaphore_mem>>)
      %dma_wait3A_824 = arith.constant 2 : i32
      %dma_wait3A_825 = arith.constant 1 : i32
      %dma_wait3A_826 = arith.constant 0 : i32
      %dma_wait3A_827 = tpu.memref_slice %arg7[%dma_wait3A_824, %dma_wait3A_825, %dma_wait3A_826] : memref<8x2x128xi32, #tpu.memory_space<vmem>> -> memref<1x1x128xi32, #tpu.memory_space<vmem>>
      %dma_wait3A_828 = tpu.memref_squeeze %dma_wait3A_827 : memref<1x1x128xi32, #tpu.memory_space<vmem>> -> memref<128xi32, #tpu.memory_space<vmem>>
      %dma_wait3A_829 = arith.constant 0 : i32
      %dma_wait3A_830 = tpu.memref_slice %arg9[%dma_wait3A_829] : memref<10240xf32, #tpu.memory_space<vmem_shared>> -> memref<10240xf32, #tpu.memory_space<vmem_shared>>
      tpu.wait_indirect_dma semaphore(%arg18 : memref<!tpu.dma_semaphore, #tpu.memory_space<semaphore_mem>>) src(%arg8 : memref<128xf32, #tpu.memory_space<vmem>>) dst(%dma_wait3A_830 : memref<10240xf32, #tpu.memory_space<vmem_shared>>)
      %mul3A_831 = arith.constant 8 : i32
      %mul3A_832 = arith.muli %mul3A_831, %scan3A_637 : i32
      %add3A_833 = arith.constant 2 : i32
      %add3A_834 = arith.addi %mul3A_832, %add3A_833 : i32
      %add3A_835 = arith.constant 8 : i32
      %add3A_836 = arith.addi %add3A_834, %add3A_835 : i32
      %mul3A_837 = arith.constant 128 : i32
      %mul3A_838 = arith.muli %add3A_836, %mul3A_837 : i32
      %add3A_839 = arith.addi %mul3A_6, %mul3A_838 : i32
      %dma_start3A_840 = arith.constant 2 : i32
      %dma_start3A_841 = arith.constant 0 : i32
      %dma_start3A_842 = arith.constant 0 : i32
      %dma_start3A_843 = tpu.memref_slice %arg7[%dma_start3A_840, %dma_start3A_841, %dma_start3A_842] : memref<8x2x128xi32, #tpu.memory_space<vmem>> -> memref<1x2x128xi32, #tpu.memory_space<vmem>>
      %dma_start3A_844 = tpu.memref_squeeze %dma_start3A_843 : memref<1x2x128xi32, #tpu.memory_space<vmem>> -> memref<2x128xi32, #tpu.memory_space<vmem>>
      %dma_start3A_845 = arith.constant 0 : i32
      %dma_start3A_846 = tpu.memref_slice %arg2[%dma_start3A_845, %add3A_839] : memref<2x320000xi32, #tpu.memory_space<hbm>> -> memref<2x128xi32, #tpu.memory_space<hbm>>
      %dma_start3A_847 = arith.constant 0 : i32
      %dma_start3A_848 = arith.constant 0 : i32
      %dma_start3A_849 = tpu.memref_slice %arg7[%dma_start3A_840, %dma_start3A_847, %dma_start3A_848] : memref<8x2x128xi32, #tpu.memory_space<vmem>> -> memref<1x2x128xi32, #tpu.memory_space<vmem>>
      %dma_start3A_850 = tpu.memref_squeeze %dma_start3A_849 : memref<1x2x128xi32, #tpu.memory_space<vmem>> -> memref<2x128xi32, #tpu.memory_space<vmem>>
      %dma_start3A_851 = arith.constant 0 : i32
      %dma_start3A_852 = tpu.memref_slice %arg2[%dma_start3A_851, %add3A_839] : memref<2x320000xi32, #tpu.memory_space<hbm>> -> memref<2x128xi32, #tpu.memory_space<hbm>>
      tpu.enqueue_dma source(%dma_start3A_852 : memref<2x128xi32, #tpu.memory_space<hbm>>) target(%dma_start3A_850 : memref<2x128xi32, #tpu.memory_space<vmem>>) target_semaphore(%arg12 : memref<!tpu.dma_semaphore, #tpu.memory_space<semaphore_mem>>)
      %dma_wait3A_853 = arith.constant 3 : i32
      %dma_wait3A_854 = arith.constant 1 : i32
      %dma_wait3A_855 = arith.constant 0 : i32
      %dma_wait3A_856 = tpu.memref_slice %arg7[%dma_wait3A_853, %dma_wait3A_854, %dma_wait3A_855] : memref<8x2x128xi32, #tpu.memory_space<vmem>> -> memref<1x1x128xi32, #tpu.memory_space<vmem>>
      %dma_wait3A_857 = tpu.memref_squeeze %dma_wait3A_856 : memref<1x1x128xi32, #tpu.memory_space<vmem>> -> memref<128xi32, #tpu.memory_space<vmem>>
      %dma_wait3A_858 = arith.constant 0 : i32
      %dma_wait3A_859 = tpu.memref_slice %arg9[%dma_wait3A_858] : memref<10240xf32, #tpu.memory_space<vmem_shared>> -> memref<10240xf32, #tpu.memory_space<vmem_shared>>
      tpu.wait_indirect_dma semaphore(%arg18 : memref<!tpu.dma_semaphore, #tpu.memory_space<semaphore_mem>>) src(%arg8 : memref<128xf32, #tpu.memory_space<vmem>>) dst(%dma_wait3A_859 : memref<10240xf32, #tpu.memory_space<vmem_shared>>)
      %mul3A_860 = arith.constant 8 : i32
      %mul3A_861 = arith.muli %mul3A_860, %scan3A_637 : i32
      %add3A_862 = arith.constant 3 : i32
      %add3A_863 = arith.addi %mul3A_861, %add3A_862 : i32
      %add3A_864 = arith.constant 8 : i32
      %add3A_865 = arith.addi %add3A_863, %add3A_864 : i32
      %mul3A_866 = arith.constant 128 : i32
      %mul3A_867 = arith.muli %add3A_865, %mul3A_866 : i32
      %add3A_868 = arith.addi %mul3A_6, %mul3A_867 : i32
      %dma_start3A_869 = arith.constant 3 : i32
      %dma_start3A_870 = arith.constant 0 : i32
      %dma_start3A_871 = arith.constant 0 : i32
      %dma_start3A_872 = tpu.memref_slice %arg7[%dma_start3A_869, %dma_start3A_870, %dma_start3A_871] : memref<8x2x128xi32, #tpu.memory_space<vmem>> -> memref<1x2x128xi32, #tpu.memory_space<vmem>>
      %dma_start3A_873 = tpu.memref_squeeze %dma_start3A_872 : memref<1x2x128xi32, #tpu.memory_space<vmem>> -> memref<2x128xi32, #tpu.memory_space<vmem>>
      %dma_start3A_874 = arith.constant 0 : i32
      %dma_start3A_875 = tpu.memref_slice %arg2[%dma_start3A_874, %add3A_868] : memref<2x320000xi32, #tpu.memory_space<hbm>> -> memref<2x128xi32, #tpu.memory_space<hbm>>
      %dma_start3A_876 = arith.constant 0 : i32
      %dma_start3A_877 = arith.constant 0 : i32
      %dma_start3A_878 = tpu.memref_slice %arg7[%dma_start3A_869, %dma_start3A_876, %dma_start3A_877] : memref<8x2x128xi32, #tpu.memory_space<vmem>> -> memref<1x2x128xi32, #tpu.memory_space<vmem>>
      %dma_start3A_879 = tpu.memref_squeeze %dma_start3A_878 : memref<1x2x128xi32, #tpu.memory_space<vmem>> -> memref<2x128xi32, #tpu.memory_space<vmem>>
      %dma_start3A_880 = arith.constant 0 : i32
      %dma_start3A_881 = tpu.memref_slice %arg2[%dma_start3A_880, %add3A_868] : memref<2x320000xi32, #tpu.memory_space<hbm>> -> memref<2x128xi32, #tpu.memory_space<hbm>>
      tpu.enqueue_dma source(%dma_start3A_881 : memref<2x128xi32, #tpu.memory_space<hbm>>) target(%dma_start3A_879 : memref<2x128xi32, #tpu.memory_space<vmem>>) target_semaphore(%arg13 : memref<!tpu.dma_semaphore, #tpu.memory_space<semaphore_mem>>)
      %dma_wait3A_882 = arith.constant 4 : i32
      %dma_wait3A_883 = arith.constant 1 : i32
      %dma_wait3A_884 = arith.constant 0 : i32
      %dma_wait3A_885 = tpu.memref_slice %arg7[%dma_wait3A_882, %dma_wait3A_883, %dma_wait3A_884] : memref<8x2x128xi32, #tpu.memory_space<vmem>> -> memref<1x1x128xi32, #tpu.memory_space<vmem>>
      %dma_wait3A_886 = tpu.memref_squeeze %dma_wait3A_885 : memref<1x1x128xi32, #tpu.memory_space<vmem>> -> memref<128xi32, #tpu.memory_space<vmem>>
      %dma_wait3A_887 = arith.constant 0 : i32
      %dma_wait3A_888 = tpu.memref_slice %arg9[%dma_wait3A_887] : memref<10240xf32, #tpu.memory_space<vmem_shared>> -> memref<10240xf32, #tpu.memory_space<vmem_shared>>
      tpu.wait_indirect_dma semaphore(%arg18 : memref<!tpu.dma_semaphore, #tpu.memory_space<semaphore_mem>>) src(%arg8 : memref<128xf32, #tpu.memory_space<vmem>>) dst(%dma_wait3A_888 : memref<10240xf32, #tpu.memory_space<vmem_shared>>)
      %mul3A_889 = arith.constant 8 : i32
      %mul3A_890 = arith.muli %mul3A_889, %scan3A_637 : i32
      %add3A_891 = arith.constant 4 : i32
      %add3A_892 = arith.addi %mul3A_890, %add3A_891 : i32
      %add3A_893 = arith.constant 8 : i32
      %add3A_894 = arith.addi %add3A_892, %add3A_893 : i32
      %mul3A_895 = arith.constant 128 : i32
      %mul3A_896 = arith.muli %add3A_894, %mul3A_895 : i32
      %add3A_897 = arith.addi %mul3A_6, %mul3A_896 : i32
      %dma_start3A_898 = arith.constant 4 : i32
      %dma_start3A_899 = arith.constant 0 : i32
      %dma_start3A_900 = arith.constant 0 : i32
      %dma_start3A_901 = tpu.memref_slice %arg7[%dma_start3A_898, %dma_start3A_899, %dma_start3A_900] : memref<8x2x128xi32, #tpu.memory_space<vmem>> -> memref<1x2x128xi32, #tpu.memory_space<vmem>>
      %dma_start3A_902 = tpu.memref_squeeze %dma_start3A_901 : memref<1x2x128xi32, #tpu.memory_space<vmem>> -> memref<2x128xi32, #tpu.memory_space<vmem>>
      %dma_start3A_903 = arith.constant 0 : i32
      %dma_start3A_904 = tpu.memref_slice %arg2[%dma_start3A_903, %add3A_897] : memref<2x320000xi32, #tpu.memory_space<hbm>> -> memref<2x128xi32, #tpu.memory_space<hbm>>
      %dma_start3A_905 = arith.constant 0 : i32
      %dma_start3A_906 = arith.constant 0 : i32
      %dma_start3A_907 = tpu.memref_slice %arg7[%dma_start3A_898, %dma_start3A_905, %dma_start3A_906] : memref<8x2x128xi32, #tpu.memory_space<vmem>> -> memref<1x2x128xi32, #tpu.memory_space<vmem>>
      %dma_start3A_908 = tpu.memref_squeeze %dma_start3A_907 : memref<1x2x128xi32, #tpu.memory_space<vmem>> -> memref<2x128xi32, #tpu.memory_space<vmem>>
      %dma_start3A_909 = arith.constant 0 : i32
      %dma_start3A_910 = tpu.memref_slice %arg2[%dma_start3A_909, %add3A_897] : memref<2x320000xi32, #tpu.memory_space<hbm>> -> memref<2x128xi32, #tpu.memory_space<hbm>>
      tpu.enqueue_dma source(%dma_start3A_910 : memref<2x128xi32, #tpu.memory_space<hbm>>) target(%dma_start3A_908 : memref<2x128xi32, #tpu.memory_space<vmem>>) target_semaphore(%arg14 : memref<!tpu.dma_semaphore, #tpu.memory_space<semaphore_mem>>)
      %dma_wait3A_911 = arith.constant 5 : i32
      %dma_wait3A_912 = arith.constant 1 : i32
      %dma_wait3A_913 = arith.constant 0 : i32
      %dma_wait3A_914 = tpu.memref_slice %arg7[%dma_wait3A_911, %dma_wait3A_912, %dma_wait3A_913] : memref<8x2x128xi32, #tpu.memory_space<vmem>> -> memref<1x1x128xi32, #tpu.memory_space<vmem>>
      %dma_wait3A_915 = tpu.memref_squeeze %dma_wait3A_914 : memref<1x1x128xi32, #tpu.memory_space<vmem>> -> memref<128xi32, #tpu.memory_space<vmem>>
      %dma_wait3A_916 = arith.constant 0 : i32
      %dma_wait3A_917 = tpu.memref_slice %arg9[%dma_wait3A_916] : memref<10240xf32, #tpu.memory_space<vmem_shared>> -> memref<10240xf32, #tpu.memory_space<vmem_shared>>
      tpu.wait_indirect_dma semaphore(%arg18 : memref<!tpu.dma_semaphore, #tpu.memory_space<semaphore_mem>>) src(%arg8 : memref<128xf32, #tpu.memory_space<vmem>>) dst(%dma_wait3A_917 : memref<10240xf32, #tpu.memory_space<vmem_shared>>)
      %mul3A_918 = arith.constant 8 : i32
      %mul3A_919 = arith.muli %mul3A_918, %scan3A_637 : i32
      %add3A_920 = arith.constant 5 : i32
      %add3A_921 = arith.addi %mul3A_919, %add3A_920 : i32
      %add3A_922 = arith.constant 8 : i32
      %add3A_923 = arith.addi %add3A_921, %add3A_922 : i32
      %mul3A_924 = arith.constant 128 : i32
      %mul3A_925 = arith.muli %add3A_923, %mul3A_924 : i32
      %add3A_926 = arith.addi %mul3A_6, %mul3A_925 : i32
      %dma_start3A_927 = arith.constant 5 : i32
      %dma_start3A_928 = arith.constant 0 : i32
      %dma_start3A_929 = arith.constant 0 : i32
      %dma_start3A_930 = tpu.memref_slice %arg7[%dma_start3A_927, %dma_start3A_928, %dma_start3A_929] : memref<8x2x128xi32, #tpu.memory_space<vmem>> -> memref<1x2x128xi32, #tpu.memory_space<vmem>>
      %dma_start3A_931 = tpu.memref_squeeze %dma_start3A_930 : memref<1x2x128xi32, #tpu.memory_space<vmem>> -> memref<2x128xi32, #tpu.memory_space<vmem>>
      %dma_start3A_932 = arith.constant 0 : i32
      %dma_start3A_933 = tpu.memref_slice %arg2[%dma_start3A_932, %add3A_926] : memref<2x320000xi32, #tpu.memory_space<hbm>> -> memref<2x128xi32, #tpu.memory_space<hbm>>
      %dma_start3A_934 = arith.constant 0 : i32
      %dma_start3A_935 = arith.constant 0 : i32
      %dma_start3A_936 = tpu.memref_slice %arg7[%dma_start3A_927, %dma_start3A_934, %dma_start3A_935] : memref<8x2x128xi32, #tpu.memory_space<vmem>> -> memref<1x2x128xi32, #tpu.memory_space<vmem>>
      %dma_start3A_937 = tpu.memref_squeeze %dma_start3A_936 : memref<1x2x128xi32, #tpu.memory_space<vmem>> -> memref<2x128xi32, #tpu.memory_space<vmem>>
      %dma_start3A_938 = arith.constant 0 : i32
      %dma_start3A_939 = tpu.memref_slice %arg2[%dma_start3A_938, %add3A_926] : memref<2x320000xi32, #tpu.memory_space<hbm>> -> memref<2x128xi32, #tpu.memory_space<hbm>>
      tpu.enqueue_dma source(%dma_start3A_939 : memref<2x128xi32, #tpu.memory_space<hbm>>) target(%dma_start3A_937 : memref<2x128xi32, #tpu.memory_space<vmem>>) target_semaphore(%arg15 : memref<!tpu.dma_semaphore, #tpu.memory_space<semaphore_mem>>)
      %dma_wait3A_940 = arith.constant 6 : i32
      %dma_wait3A_941 = arith.constant 1 : i32
      %dma_wait3A_942 = arith.constant 0 : i32
      %dma_wait3A_943 = tpu.memref_slice %arg7[%dma_wait3A_940, %dma_wait3A_941, %dma_wait3A_942] : memref<8x2x128xi32, #tpu.memory_space<vmem>> -> memref<1x1x128xi32, #tpu.memory_space<vmem>>
      %dma_wait3A_944 = tpu.memref_squeeze %dma_wait3A_943 : memref<1x1x128xi32, #tpu.memory_space<vmem>> -> memref<128xi32, #tpu.memory_space<vmem>>
      %dma_wait3A_945 = arith.constant 0 : i32
      %dma_wait3A_946 = tpu.memref_slice %arg9[%dma_wait3A_945] : memref<10240xf32, #tpu.memory_space<vmem_shared>> -> memref<10240xf32, #tpu.memory_space<vmem_shared>>
      tpu.wait_indirect_dma semaphore(%arg18 : memref<!tpu.dma_semaphore, #tpu.memory_space<semaphore_mem>>) src(%arg8 : memref<128xf32, #tpu.memory_space<vmem>>) dst(%dma_wait3A_946 : memref<10240xf32, #tpu.memory_space<vmem_shared>>)
      %mul3A_947 = arith.constant 8 : i32
      %mul3A_948 = arith.muli %mul3A_947, %scan3A_637 : i32
      %add3A_949 = arith.constant 6 : i32
      %add3A_950 = arith.addi %mul3A_948, %add3A_949 : i32
      %add3A_951 = arith.constant 8 : i32
      %add3A_952 = arith.addi %add3A_950, %add3A_951 : i32
      %mul3A_953 = arith.constant 128 : i32
      %mul3A_954 = arith.muli %add3A_952, %mul3A_953 : i32
      %add3A_955 = arith.addi %mul3A_6, %mul3A_954 : i32
      %dma_start3A_956 = arith.constant 6 : i32
      %dma_start3A_957 = arith.constant 0 : i32
      %dma_start3A_958 = arith.constant 0 : i32
      %dma_start3A_959 = tpu.memref_slice %arg7[%dma_start3A_956, %dma_start3A_957, %dma_start3A_958] : memref<8x2x128xi32, #tpu.memory_space<vmem>> -> memref<1x2x128xi32, #tpu.memory_space<vmem>>
      %dma_start3A_960 = tpu.memref_squeeze %dma_start3A_959 : memref<1x2x128xi32, #tpu.memory_space<vmem>> -> memref<2x128xi32, #tpu.memory_space<vmem>>
      %dma_start3A_961 = arith.constant 0 : i32
      %dma_start3A_962 = tpu.memref_slice %arg2[%dma_start3A_961, %add3A_955] : memref<2x320000xi32, #tpu.memory_space<hbm>> -> memref<2x128xi32, #tpu.memory_space<hbm>>
      %dma_start3A_963 = arith.constant 0 : i32
      %dma_start3A_964 = arith.constant 0 : i32
      %dma_start3A_965 = tpu.memref_slice %arg7[%dma_start3A_956, %dma_start3A_963, %dma_start3A_964] : memref<8x2x128xi32, #tpu.memory_space<vmem>> -> memref<1x2x128xi32, #tpu.memory_space<vmem>>
      %dma_start3A_966 = tpu.memref_squeeze %dma_start3A_965 : memref<1x2x128xi32, #tpu.memory_space<vmem>> -> memref<2x128xi32, #tpu.memory_space<vmem>>
      %dma_start3A_967 = arith.constant 0 : i32
      %dma_start3A_968 = tpu.memref_slice %arg2[%dma_start3A_967, %add3A_955] : memref<2x320000xi32, #tpu.memory_space<hbm>> -> memref<2x128xi32, #tpu.memory_space<hbm>>
      tpu.enqueue_dma source(%dma_start3A_968 : memref<2x128xi32, #tpu.memory_space<hbm>>) target(%dma_start3A_966 : memref<2x128xi32, #tpu.memory_space<vmem>>) target_semaphore(%arg16 : memref<!tpu.dma_semaphore, #tpu.memory_space<semaphore_mem>>)
      %dma_wait3A_969 = arith.constant 7 : i32
      %dma_wait3A_970 = arith.constant 1 : i32
      %dma_wait3A_971 = arith.constant 0 : i32
      %dma_wait3A_972 = tpu.memref_slice %arg7[%dma_wait3A_969, %dma_wait3A_970, %dma_wait3A_971] : memref<8x2x128xi32, #tpu.memory_space<vmem>> -> memref<1x1x128xi32, #tpu.memory_space<vmem>>
      %dma_wait3A_973 = tpu.memref_squeeze %dma_wait3A_972 : memref<1x1x128xi32, #tpu.memory_space<vmem>> -> memref<128xi32, #tpu.memory_space<vmem>>
      %dma_wait3A_974 = arith.constant 0 : i32
      %dma_wait3A_975 = tpu.memref_slice %arg9[%dma_wait3A_974] : memref<10240xf32, #tpu.memory_space<vmem_shared>> -> memref<10240xf32, #tpu.memory_space<vmem_shared>>
      tpu.wait_indirect_dma semaphore(%arg18 : memref<!tpu.dma_semaphore, #tpu.memory_space<semaphore_mem>>) src(%arg8 : memref<128xf32, #tpu.memory_space<vmem>>) dst(%dma_wait3A_975 : memref<10240xf32, #tpu.memory_space<vmem_shared>>)
      %mul3A_976 = arith.constant 8 : i32
      %mul3A_977 = arith.muli %mul3A_976, %scan3A_637 : i32
      %add3A_978 = arith.constant 7 : i32
      %add3A_979 = arith.addi %mul3A_977, %add3A_978 : i32
      %add3A_980 = arith.constant 8 : i32
      %add3A_981 = arith.addi %add3A_979, %add3A_980 : i32
      %mul3A_982 = arith.constant 128 : i32
      %mul3A_983 = arith.muli %add3A_981, %mul3A_982 : i32
      %add3A_984 = arith.addi %mul3A_6, %mul3A_983 : i32
      %dma_start3A_985 = arith.constant 7 : i32
      %dma_start3A_986 = arith.constant 0 : i32
      %dma_start3A_987 = arith.constant 0 : i32
      %dma_start3A_988 = tpu.memref_slice %arg7[%dma_start3A_985, %dma_start3A_986, %dma_start3A_987] : memref<8x2x128xi32, #tpu.memory_space<vmem>> -> memref<1x2x128xi32, #tpu.memory_space<vmem>>
      %dma_start3A_989 = tpu.memref_squeeze %dma_start3A_988 : memref<1x2x128xi32, #tpu.memory_space<vmem>> -> memref<2x128xi32, #tpu.memory_space<vmem>>
      %dma_start3A_990 = arith.constant 0 : i32
      %dma_start3A_991 = tpu.memref_slice %arg2[%dma_start3A_990, %add3A_984] : memref<2x320000xi32, #tpu.memory_space<hbm>> -> memref<2x128xi32, #tpu.memory_space<hbm>>
      %dma_start3A_992 = arith.constant 0 : i32
      %dma_start3A_993 = arith.constant 0 : i32
      %dma_start3A_994 = tpu.memref_slice %arg7[%dma_start3A_985, %dma_start3A_992, %dma_start3A_993] : memref<8x2x128xi32, #tpu.memory_space<vmem>> -> memref<1x2x128xi32, #tpu.memory_space<vmem>>
      %dma_start3A_995 = tpu.memref_squeeze %dma_start3A_994 : memref<1x2x128xi32, #tpu.memory_space<vmem>> -> memref<2x128xi32, #tpu.memory_space<vmem>>
      %dma_start3A_996 = arith.constant 0 : i32
      %dma_start3A_997 = tpu.memref_slice %arg2[%dma_start3A_996, %add3A_984] : memref<2x320000xi32, #tpu.memory_space<hbm>> -> memref<2x128xi32, #tpu.memory_space<hbm>>
      tpu.enqueue_dma source(%dma_start3A_997 : memref<2x128xi32, #tpu.memory_space<hbm>>) target(%dma_start3A_995 : memref<2x128xi32, #tpu.memory_space<vmem>>) target_semaphore(%arg17 : memref<!tpu.dma_semaphore, #tpu.memory_space<semaphore_mem>>)
    }
    %scan3A_141 = arith.constant 8 : i32
    %dma_wait3A_142 = arith.constant 0 : i32
    %dma_wait3A_143 = arith.constant 0 : i32
    %dma_wait3A_144 = arith.constant 0 : i32
    %dma_wait3A_145 = tpu.memref_slice %arg7[%dma_wait3A_142, %dma_wait3A_143, %dma_wait3A_144] : memref<8x2x128xi32, #tpu.memory_space<vmem>> -> memref<1x2x128xi32, #tpu.memory_space<vmem>>
    %dma_wait3A_146 = tpu.memref_squeeze %dma_wait3A_145 : memref<1x2x128xi32, #tpu.memory_space<vmem>> -> memref<2x128xi32, #tpu.memory_space<vmem>>
    %dma_wait3A_147 = arith.constant 0 : i32
    %dma_wait3A_148 = arith.constant 0 : i32
    %dma_wait3A_149 = tpu.memref_slice %arg7[%dma_wait3A_142, %dma_wait3A_147, %dma_wait3A_148] : memref<8x2x128xi32, #tpu.memory_space<vmem>> -> memref<1x2x128xi32, #tpu.memory_space<vmem>>
    %dma_wait3A_150 = tpu.memref_squeeze %dma_wait3A_149 : memref<1x2x128xi32, #tpu.memory_space<vmem>> -> memref<2x128xi32, #tpu.memory_space<vmem>>
    tpu.wait_dma2 semaphore(%arg10 : memref<!tpu.dma_semaphore, #tpu.memory_space<semaphore_mem>>) src(%arg3 : memref<2x128xi32, #tpu.memory_space<hbm>>) dst(%dma_wait3A_150 : memref<2x128xi32, #tpu.memory_space<vmem>>)
    %dma_start3A_151 = arith.constant 0 : i32
    %dma_start3A_152 = arith.constant 1 : i32
    %dma_start3A_153 = arith.constant 0 : i32
    %dma_start3A_154 = tpu.memref_slice %arg7[%dma_start3A_151, %dma_start3A_152, %dma_start3A_153] : memref<8x2x128xi32, #tpu.memory_space<vmem>> -> memref<1x1x128xi32, #tpu.memory_space<vmem>>
    %dma_start3A_155 = tpu.memref_squeeze %dma_start3A_154 : memref<1x1x128xi32, #tpu.memory_space<vmem>> -> memref<128xi32, #tpu.memory_space<vmem>>
    %dma_start3A_156 = arith.constant 0 : i32
    %dma_start3A_157 = tpu.memref_slice %arg9[%dma_start3A_156] : memref<10240xf32, #tpu.memory_space<vmem_shared>> -> memref<10240xf32, #tpu.memory_space<vmem_shared>>
    tpu.enqueue_indirect_dma source(%arg8 : memref<128xf32, #tpu.memory_space<vmem>>) target(%dma_start3A_157 : memref<10240xf32, #tpu.memory_space<vmem_shared>>) offsets(%dma_start3A_155 : memref<128xi32, #tpu.memory_space<vmem>>) semaphore(%arg18 : memref<!tpu.dma_semaphore, #tpu.memory_space<semaphore_mem>>) {add = true}
    %dma_wait3A_158 = arith.constant 1 : i32
    %dma_wait3A_159 = arith.constant 0 : i32
    %dma_wait3A_160 = arith.constant 0 : i32
    %dma_wait3A_161 = tpu.memref_slice %arg7[%dma_wait3A_158, %dma_wait3A_159, %dma_wait3A_160] : memref<8x2x128xi32, #tpu.memory_space<vmem>> -> memref<1x2x128xi32, #tpu.memory_space<vmem>>
    %dma_wait3A_162 = tpu.memref_squeeze %dma_wait3A_161 : memref<1x2x128xi32, #tpu.memory_space<vmem>> -> memref<2x128xi32, #tpu.memory_space<vmem>>
    %dma_wait3A_163 = arith.constant 0 : i32
    %dma_wait3A_164 = arith.constant 0 : i32
    %dma_wait3A_165 = tpu.memref_slice %arg7[%dma_wait3A_158, %dma_wait3A_163, %dma_wait3A_164] : memref<8x2x128xi32, #tpu.memory_space<vmem>> -> memref<1x2x128xi32, #tpu.memory_space<vmem>>
    %dma_wait3A_166 = tpu.memref_squeeze %dma_wait3A_165 : memref<1x2x128xi32, #tpu.memory_space<vmem>> -> memref<2x128xi32, #tpu.memory_space<vmem>>
    tpu.wait_dma2 semaphore(%arg11 : memref<!tpu.dma_semaphore, #tpu.memory_space<semaphore_mem>>) src(%arg3 : memref<2x128xi32, #tpu.memory_space<hbm>>) dst(%dma_wait3A_166 : memref<2x128xi32, #tpu.memory_space<vmem>>)
    %dma_start3A_167 = arith.constant 1 : i32
    %dma_start3A_168 = arith.constant 1 : i32
    %dma_start3A_169 = arith.constant 0 : i32
    %dma_start3A_170 = tpu.memref_slice %arg7[%dma_start3A_167, %dma_start3A_168, %dma_start3A_169] : memref<8x2x128xi32, #tpu.memory_space<vmem>> -> memref<1x1x128xi32, #tpu.memory_space<vmem>>
    %dma_start3A_171 = tpu.memref_squeeze %dma_start3A_170 : memref<1x1x128xi32, #tpu.memory_space<vmem>> -> memref<128xi32, #tpu.memory_space<vmem>>
    %dma_start3A_172 = arith.constant 0 : i32
    %dma_start3A_173 = tpu.memref_slice %arg9[%dma_start3A_172] : memref<10240xf32, #tpu.memory_space<vmem_shared>> -> memref<10240xf32, #tpu.memory_space<vmem_shared>>
    tpu.enqueue_indirect_dma source(%arg8 : memref<128xf32, #tpu.memory_space<vmem>>) target(%dma_start3A_173 : memref<10240xf32, #tpu.memory_space<vmem_shared>>) offsets(%dma_start3A_171 : memref<128xi32, #tpu.memory_space<vmem>>) semaphore(%arg18 : memref<!tpu.dma_semaphore, #tpu.memory_space<semaphore_mem>>) {add = true}
    %dma_wait3A_174 = arith.constant 2 : i32
    %dma_wait3A_175 = arith.constant 0 : i32
    %dma_wait3A_176 = arith.constant 0 : i32
    %dma_wait3A_177 = tpu.memref_slice %arg7[%dma_wait3A_174, %dma_wait3A_175, %dma_wait3A_176] : memref<8x2x128xi32, #tpu.memory_space<vmem>> -> memref<1x2x128xi32, #tpu.memory_space<vmem>>
    %dma_wait3A_178 = tpu.memref_squeeze %dma_wait3A_177 : memref<1x2x128xi32, #tpu.memory_space<vmem>> -> memref<2x128xi32, #tpu.memory_space<vmem>>
    %dma_wait3A_179 = arith.constant 0 : i32
    %dma_wait3A_180 = arith.constant 0 : i32
    %dma_wait3A_181 = tpu.memref_slice %arg7[%dma_wait3A_174, %dma_wait3A_179, %dma_wait3A_180] : memref<8x2x128xi32, #tpu.memory_space<vmem>> -> memref<1x2x128xi32, #tpu.memory_space<vmem>>
    %dma_wait3A_182 = tpu.memref_squeeze %dma_wait3A_181 : memref<1x2x128xi32, #tpu.memory_space<vmem>> -> memref<2x128xi32, #tpu.memory_space<vmem>>
    tpu.wait_dma2 semaphore(%arg12 : memref<!tpu.dma_semaphore, #tpu.memory_space<semaphore_mem>>) src(%arg3 : memref<2x128xi32, #tpu.memory_space<hbm>>) dst(%dma_wait3A_182 : memref<2x128xi32, #tpu.memory_space<vmem>>)
    %dma_start3A_183 = arith.constant 2 : i32
    %dma_start3A_184 = arith.constant 1 : i32
    %dma_start3A_185 = arith.constant 0 : i32
    %dma_start3A_186 = tpu.memref_slice %arg7[%dma_start3A_183, %dma_start3A_184, %dma_start3A_185] : memref<8x2x128xi32, #tpu.memory_space<vmem>> -> memref<1x1x128xi32, #tpu.memory_space<vmem>>
    %dma_start3A_187 = tpu.memref_squeeze %dma_start3A_186 : memref<1x1x128xi32, #tpu.memory_space<vmem>> -> memref<128xi32, #tpu.memory_space<vmem>>
    %dma_start3A_188 = arith.constant 0 : i32
    %dma_start3A_189 = tpu.memref_slice %arg9[%dma_start3A_188] : memref<10240xf32, #tpu.memory_space<vmem_shared>> -> memref<10240xf32, #tpu.memory_space<vmem_shared>>
    tpu.enqueue_indirect_dma source(%arg8 : memref<128xf32, #tpu.memory_space<vmem>>) target(%dma_start3A_189 : memref<10240xf32, #tpu.memory_space<vmem_shared>>) offsets(%dma_start3A_187 : memref<128xi32, #tpu.memory_space<vmem>>) semaphore(%arg18 : memref<!tpu.dma_semaphore, #tpu.memory_space<semaphore_mem>>) {add = true}
    %dma_wait3A_190 = arith.constant 3 : i32
    %dma_wait3A_191 = arith.constant 0 : i32
    %dma_wait3A_192 = arith.constant 0 : i32
    %dma_wait3A_193 = tpu.memref_slice %arg7[%dma_wait3A_190, %dma_wait3A_191, %dma_wait3A_192] : memref<8x2x128xi32, #tpu.memory_space<vmem>> -> memref<1x2x128xi32, #tpu.memory_space<vmem>>
    %dma_wait3A_194 = tpu.memref_squeeze %dma_wait3A_193 : memref<1x2x128xi32, #tpu.memory_space<vmem>> -> memref<2x128xi32, #tpu.memory_space<vmem>>
    %dma_wait3A_195 = arith.constant 0 : i32
    %dma_wait3A_196 = arith.constant 0 : i32
    %dma_wait3A_197 = tpu.memref_slice %arg7[%dma_wait3A_190, %dma_wait3A_195, %dma_wait3A_196] : memref<8x2x128xi32, #tpu.memory_space<vmem>> -> memref<1x2x128xi32, #tpu.memory_space<vmem>>
    %dma_wait3A_198 = tpu.memref_squeeze %dma_wait3A_197 : memref<1x2x128xi32, #tpu.memory_space<vmem>> -> memref<2x128xi32, #tpu.memory_space<vmem>>
    tpu.wait_dma2 semaphore(%arg13 : memref<!tpu.dma_semaphore, #tpu.memory_space<semaphore_mem>>) src(%arg3 : memref<2x128xi32, #tpu.memory_space<hbm>>) dst(%dma_wait3A_198 : memref<2x128xi32, #tpu.memory_space<vmem>>)
    %dma_start3A_199 = arith.constant 3 : i32
    %dma_start3A_200 = arith.constant 1 : i32
    %dma_start3A_201 = arith.constant 0 : i32
    %dma_start3A_202 = tpu.memref_slice %arg7[%dma_start3A_199, %dma_start3A_200, %dma_start3A_201] : memref<8x2x128xi32, #tpu.memory_space<vmem>> -> memref<1x1x128xi32, #tpu.memory_space<vmem>>
    %dma_start3A_203 = tpu.memref_squeeze %dma_start3A_202 : memref<1x1x128xi32, #tpu.memory_space<vmem>> -> memref<128xi32, #tpu.memory_space<vmem>>
    %dma_start3A_204 = arith.constant 0 : i32
    %dma_start3A_205 = tpu.memref_slice %arg9[%dma_start3A_204] : memref<10240xf32, #tpu.memory_space<vmem_shared>> -> memref<10240xf32, #tpu.memory_space<vmem_shared>>
    tpu.enqueue_indirect_dma source(%arg8 : memref<128xf32, #tpu.memory_space<vmem>>) target(%dma_start3A_205 : memref<10240xf32, #tpu.memory_space<vmem_shared>>) offsets(%dma_start3A_203 : memref<128xi32, #tpu.memory_space<vmem>>) semaphore(%arg18 : memref<!tpu.dma_semaphore, #tpu.memory_space<semaphore_mem>>) {add = true}
    %dma_wait3A_206 = arith.constant 4 : i32
    %dma_wait3A_207 = arith.constant 0 : i32
    %dma_wait3A_208 = arith.constant 0 : i32
    %dma_wait3A_209 = tpu.memref_slice %arg7[%dma_wait3A_206, %dma_wait3A_207, %dma_wait3A_208] : memref<8x2x128xi32, #tpu.memory_space<vmem>> -> memref<1x2x128xi32, #tpu.memory_space<vmem>>
    %dma_wait3A_210 = tpu.memref_squeeze %dma_wait3A_209 : memref<1x2x128xi32, #tpu.memory_space<vmem>> -> memref<2x128xi32, #tpu.memory_space<vmem>>
    %dma_wait3A_211 = arith.constant 0 : i32
    %dma_wait3A_212 = arith.constant 0 : i32
    %dma_wait3A_213 = tpu.memref_slice %arg7[%dma_wait3A_206, %dma_wait3A_211, %dma_wait3A_212] : memref<8x2x128xi32, #tpu.memory_space<vmem>> -> memref<1x2x128xi32, #tpu.memory_space<vmem>>
    %dma_wait3A_214 = tpu.memref_squeeze %dma_wait3A_213 : memref<1x2x128xi32, #tpu.memory_space<vmem>> -> memref<2x128xi32, #tpu.memory_space<vmem>>
    tpu.wait_dma2 semaphore(%arg14 : memref<!tpu.dma_semaphore, #tpu.memory_space<semaphore_mem>>) src(%arg3 : memref<2x128xi32, #tpu.memory_space<hbm>>) dst(%dma_wait3A_214 : memref<2x128xi32, #tpu.memory_space<vmem>>)
    %dma_start3A_215 = arith.constant 4 : i32
    %dma_start3A_216 = arith.constant 1 : i32
    %dma_start3A_217 = arith.constant 0 : i32
    %dma_start3A_218 = tpu.memref_slice %arg7[%dma_start3A_215, %dma_start3A_216, %dma_start3A_217] : memref<8x2x128xi32, #tpu.memory_space<vmem>> -> memref<1x1x128xi32, #tpu.memory_space<vmem>>
    %dma_start3A_219 = tpu.memref_squeeze %dma_start3A_218 : memref<1x1x128xi32, #tpu.memory_space<vmem>> -> memref<128xi32, #tpu.memory_space<vmem>>
    %dma_start3A_220 = arith.constant 0 : i32
    %dma_start3A_221 = tpu.memref_slice %arg9[%dma_start3A_220] : memref<10240xf32, #tpu.memory_space<vmem_shared>> -> memref<10240xf32, #tpu.memory_space<vmem_shared>>
    tpu.enqueue_indirect_dma source(%arg8 : memref<128xf32, #tpu.memory_space<vmem>>) target(%dma_start3A_221 : memref<10240xf32, #tpu.memory_space<vmem_shared>>) offsets(%dma_start3A_219 : memref<128xi32, #tpu.memory_space<vmem>>) semaphore(%arg18 : memref<!tpu.dma_semaphore, #tpu.memory_space<semaphore_mem>>) {add = true}
    %dma_wait3A_222 = arith.constant 5 : i32
    %dma_wait3A_223 = arith.constant 0 : i32
    %dma_wait3A_224 = arith.constant 0 : i32
    %dma_wait3A_225 = tpu.memref_slice %arg7[%dma_wait3A_222, %dma_wait3A_223, %dma_wait3A_224] : memref<8x2x128xi32, #tpu.memory_space<vmem>> -> memref<1x2x128xi32, #tpu.memory_space<vmem>>
    %dma_wait3A_226 = tpu.memref_squeeze %dma_wait3A_225 : memref<1x2x128xi32, #tpu.memory_space<vmem>> -> memref<2x128xi32, #tpu.memory_space<vmem>>
    %dma_wait3A_227 = arith.constant 0 : i32
    %dma_wait3A_228 = arith.constant 0 : i32
    %dma_wait3A_229 = tpu.memref_slice %arg7[%dma_wait3A_222, %dma_wait3A_227, %dma_wait3A_228] : memref<8x2x128xi32, #tpu.memory_space<vmem>> -> memref<1x2x128xi32, #tpu.memory_space<vmem>>
    %dma_wait3A_230 = tpu.memref_squeeze %dma_wait3A_229 : memref<1x2x128xi32, #tpu.memory_space<vmem>> -> memref<2x128xi32, #tpu.memory_space<vmem>>
    tpu.wait_dma2 semaphore(%arg15 : memref<!tpu.dma_semaphore, #tpu.memory_space<semaphore_mem>>) src(%arg3 : memref<2x128xi32, #tpu.memory_space<hbm>>) dst(%dma_wait3A_230 : memref<2x128xi32, #tpu.memory_space<vmem>>)
    %dma_start3A_231 = arith.constant 5 : i32
    %dma_start3A_232 = arith.constant 1 : i32
    %dma_start3A_233 = arith.constant 0 : i32
    %dma_start3A_234 = tpu.memref_slice %arg7[%dma_start3A_231, %dma_start3A_232, %dma_start3A_233] : memref<8x2x128xi32, #tpu.memory_space<vmem>> -> memref<1x1x128xi32, #tpu.memory_space<vmem>>
    %dma_start3A_235 = tpu.memref_squeeze %dma_start3A_234 : memref<1x1x128xi32, #tpu.memory_space<vmem>> -> memref<128xi32, #tpu.memory_space<vmem>>
    %dma_start3A_236 = arith.constant 0 : i32
    %dma_start3A_237 = tpu.memref_slice %arg9[%dma_start3A_236] : memref<10240xf32, #tpu.memory_space<vmem_shared>> -> memref<10240xf32, #tpu.memory_space<vmem_shared>>
    tpu.enqueue_indirect_dma source(%arg8 : memref<128xf32, #tpu.memory_space<vmem>>) target(%dma_start3A_237 : memref<10240xf32, #tpu.memory_space<vmem_shared>>) offsets(%dma_start3A_235 : memref<128xi32, #tpu.memory_space<vmem>>) semaphore(%arg18 : memref<!tpu.dma_semaphore, #tpu.memory_space<semaphore_mem>>) {add = true}
    %dma_wait3A_238 = arith.constant 6 : i32
    %dma_wait3A_239 = arith.constant 0 : i32
    %dma_wait3A_240 = arith.constant 0 : i32
    %dma_wait3A_241 = tpu.memref_slice %arg7[%dma_wait3A_238, %dma_wait3A_239, %dma_wait3A_240] : memref<8x2x128xi32, #tpu.memory_space<vmem>> -> memref<1x2x128xi32, #tpu.memory_space<vmem>>
    %dma_wait3A_242 = tpu.memref_squeeze %dma_wait3A_241 : memref<1x2x128xi32, #tpu.memory_space<vmem>> -> memref<2x128xi32, #tpu.memory_space<vmem>>
    %dma_wait3A_243 = arith.constant 0 : i32
    %dma_wait3A_244 = arith.constant 0 : i32
    %dma_wait3A_245 = tpu.memref_slice %arg7[%dma_wait3A_238, %dma_wait3A_243, %dma_wait3A_244] : memref<8x2x128xi32, #tpu.memory_space<vmem>> -> memref<1x2x128xi32, #tpu.memory_space<vmem>>
    %dma_wait3A_246 = tpu.memref_squeeze %dma_wait3A_245 : memref<1x2x128xi32, #tpu.memory_space<vmem>> -> memref<2x128xi32, #tpu.memory_space<vmem>>
    tpu.wait_dma2 semaphore(%arg16 : memref<!tpu.dma_semaphore, #tpu.memory_space<semaphore_mem>>) src(%arg3 : memref<2x128xi32, #tpu.memory_space<hbm>>) dst(%dma_wait3A_246 : memref<2x128xi32, #tpu.memory_space<vmem>>)
    %dma_start3A_247 = arith.constant 6 : i32
    %dma_start3A_248 = arith.constant 1 : i32
    %dma_start3A_249 = arith.constant 0 : i32
    %dma_start3A_250 = tpu.memref_slice %arg7[%dma_start3A_247, %dma_start3A_248, %dma_start3A_249] : memref<8x2x128xi32, #tpu.memory_space<vmem>> -> memref<1x1x128xi32, #tpu.memory_space<vmem>>
    %dma_start3A_251 = tpu.memref_squeeze %dma_start3A_250 : memref<1x1x128xi32, #tpu.memory_space<vmem>> -> memref<128xi32, #tpu.memory_space<vmem>>
    %dma_start3A_252 = arith.constant 0 : i32
    %dma_start3A_253 = tpu.memref_slice %arg9[%dma_start3A_252] : memref<10240xf32, #tpu.memory_space<vmem_shared>> -> memref<10240xf32, #tpu.memory_space<vmem_shared>>
    tpu.enqueue_indirect_dma source(%arg8 : memref<128xf32, #tpu.memory_space<vmem>>) target(%dma_start3A_253 : memref<10240xf32, #tpu.memory_space<vmem_shared>>) offsets(%dma_start3A_251 : memref<128xi32, #tpu.memory_space<vmem>>) semaphore(%arg18 : memref<!tpu.dma_semaphore, #tpu.memory_space<semaphore_mem>>) {add = true}
    %dma_wait3A_254 = arith.constant 7 : i32
    %dma_wait3A_255 = arith.constant 0 : i32
    %dma_wait3A_256 = arith.constant 0 : i32
    %dma_wait3A_257 = tpu.memref_slice %arg7[%dma_wait3A_254, %dma_wait3A_255, %dma_wait3A_256] : memref<8x2x128xi32, #tpu.memory_space<vmem>> -> memref<1x2x128xi32, #tpu.memory_space<vmem>>
    %dma_wait3A_258 = tpu.memref_squeeze %dma_wait3A_257 : memref<1x2x128xi32, #tpu.memory_space<vmem>> -> memref<2x128xi32, #tpu.memory_space<vmem>>
    %dma_wait3A_259 = arith.constant 0 : i32
    %dma_wait3A_260 = arith.constant 0 : i32
    %dma_wait3A_261 = tpu.memref_slice %arg7[%dma_wait3A_254, %dma_wait3A_259, %dma_wait3A_260] : memref<8x2x128xi32, #tpu.memory_space<vmem>> -> memref<1x2x128xi32, #tpu.memory_space<vmem>>
    %dma_wait3A_262 = tpu.memref_squeeze %dma_wait3A_261 : memref<1x2x128xi32, #tpu.memory_space<vmem>> -> memref<2x128xi32, #tpu.memory_space<vmem>>
    tpu.wait_dma2 semaphore(%arg17 : memref<!tpu.dma_semaphore, #tpu.memory_space<semaphore_mem>>) src(%arg3 : memref<2x128xi32, #tpu.memory_space<hbm>>) dst(%dma_wait3A_262 : memref<2x128xi32, #tpu.memory_space<vmem>>)
    %dma_start3A_263 = arith.constant 7 : i32
    %dma_start3A_264 = arith.constant 1 : i32
    %dma_start3A_265 = arith.constant 0 : i32
    %dma_start3A_266 = tpu.memref_slice %arg7[%dma_start3A_263, %dma_start3A_264, %dma_start3A_265] : memref<8x2x128xi32, #tpu.memory_space<vmem>> -> memref<1x1x128xi32, #tpu.memory_space<vmem>>
    %dma_start3A_267 = tpu.memref_squeeze %dma_start3A_266 : memref<1x1x128xi32, #tpu.memory_space<vmem>> -> memref<128xi32, #tpu.memory_space<vmem>>
    %dma_start3A_268 = arith.constant 0 : i32
    %dma_start3A_269 = tpu.memref_slice %arg9[%dma_start3A_268] : memref<10240xf32, #tpu.memory_space<vmem_shared>> -> memref<10240xf32, #tpu.memory_space<vmem_shared>>
    tpu.enqueue_indirect_dma source(%arg8 : memref<128xf32, #tpu.memory_space<vmem>>) target(%dma_start3A_269 : memref<10240xf32, #tpu.memory_space<vmem_shared>>) offsets(%dma_start3A_267 : memref<128xi32, #tpu.memory_space<vmem>>) semaphore(%arg18 : memref<!tpu.dma_semaphore, #tpu.memory_space<semaphore_mem>>) {add = true}
    %dma_wait3A_270 = arith.constant 0 : i32
    %dma_wait3A_271 = arith.constant 1 : i32
    %dma_wait3A_272 = arith.constant 0 : i32
    %dma_wait3A_273 = tpu.memref_slice %arg7[%dma_wait3A_270, %dma_wait3A_271, %dma_wait3A_272] : memref<8x2x128xi32, #tpu.memory_space<vmem>> -> memref<1x1x128xi32, #tpu.memory_space<vmem>>
    %dma_wait3A_274 = tpu.memref_squeeze %dma_wait3A_273 : memref<1x1x128xi32, #tpu.memory_space<vmem>> -> memref<128xi32, #tpu.memory_space<vmem>>
    %dma_wait3A_275 = arith.constant 0 : i32
    %dma_wait3A_276 = tpu.memref_slice %arg9[%dma_wait3A_275] : memref<10240xf32, #tpu.memory_space<vmem_shared>> -> memref<10240xf32, #tpu.memory_space<vmem_shared>>
    tpu.wait_indirect_dma semaphore(%arg18 : memref<!tpu.dma_semaphore, #tpu.memory_space<semaphore_mem>>) src(%arg8 : memref<128xf32, #tpu.memory_space<vmem>>) dst(%dma_wait3A_276 : memref<10240xf32, #tpu.memory_space<vmem_shared>>)
    %add3A_277 = arith.constant 9216 : i32
    %add3A_278 = arith.addi %mul3A_6, %add3A_277 : i32
    %dma_start3A_279 = arith.constant 0 : i32
    %dma_start3A_280 = arith.constant 0 : i32
    %dma_start3A_281 = arith.constant 0 : i32
    %dma_start3A_282 = tpu.memref_slice %arg7[%dma_start3A_279, %dma_start3A_280, %dma_start3A_281] : memref<8x2x128xi32, #tpu.memory_space<vmem>> -> memref<1x2x128xi32, #tpu.memory_space<vmem>>
    %dma_start3A_283 = tpu.memref_squeeze %dma_start3A_282 : memref<1x2x128xi32, #tpu.memory_space<vmem>> -> memref<2x128xi32, #tpu.memory_space<vmem>>
    %dma_start3A_284 = arith.constant 0 : i32
    %dma_start3A_285 = tpu.memref_slice %arg2[%dma_start3A_284, %add3A_278] : memref<2x320000xi32, #tpu.memory_space<hbm>> -> memref<2x128xi32, #tpu.memory_space<hbm>>
    %dma_start3A_286 = arith.constant 0 : i32
    %dma_start3A_287 = arith.constant 0 : i32
    %dma_start3A_288 = tpu.memref_slice %arg7[%dma_start3A_279, %dma_start3A_286, %dma_start3A_287] : memref<8x2x128xi32, #tpu.memory_space<vmem>> -> memref<1x2x128xi32, #tpu.memory_space<vmem>>
    %dma_start3A_289 = tpu.memref_squeeze %dma_start3A_288 : memref<1x2x128xi32, #tpu.memory_space<vmem>> -> memref<2x128xi32, #tpu.memory_space<vmem>>
    %dma_start3A_290 = arith.constant 0 : i32
    %dma_start3A_291 = tpu.memref_slice %arg2[%dma_start3A_290, %add3A_278] : memref<2x320000xi32, #tpu.memory_space<hbm>> -> memref<2x128xi32, #tpu.memory_space<hbm>>
    tpu.enqueue_dma source(%dma_start3A_291 : memref<2x128xi32, #tpu.memory_space<hbm>>) target(%dma_start3A_289 : memref<2x128xi32, #tpu.memory_space<vmem>>) target_semaphore(%arg10 : memref<!tpu.dma_semaphore, #tpu.memory_space<semaphore_mem>>)
    %dma_wait3A_292 = arith.constant 1 : i32
    %dma_wait3A_293 = arith.constant 1 : i32
    %dma_wait3A_294 = arith.constant 0 : i32
    %dma_wait3A_295 = tpu.memref_slice %arg7[%dma_wait3A_292, %dma_wait3A_293, %dma_wait3A_294] : memref<8x2x128xi32, #tpu.memory_space<vmem>> -> memref<1x1x128xi32, #tpu.memory_space<vmem>>
    %dma_wait3A_296 = tpu.memref_squeeze %dma_wait3A_295 : memref<1x1x128xi32, #tpu.memory_space<vmem>> -> memref<128xi32, #tpu.memory_space<vmem>>
    %dma_wait3A_297 = arith.constant 0 : i32
    %dma_wait3A_298 = tpu.memref_slice %arg9[%dma_wait3A_297] : memref<10240xf32, #tpu.memory_space<vmem_shared>> -> memref<10240xf32, #tpu.memory_space<vmem_shared>>
    tpu.wait_indirect_dma semaphore(%arg18 : memref<!tpu.dma_semaphore, #tpu.memory_space<semaphore_mem>>) src(%arg8 : memref<128xf32, #tpu.memory_space<vmem>>) dst(%dma_wait3A_298 : memref<10240xf32, #tpu.memory_space<vmem_shared>>)
    %add3A_299 = arith.constant 9344 : i32
    %add3A_300 = arith.addi %mul3A_6, %add3A_299 : i32
    %dma_start3A_301 = arith.constant 1 : i32
    %dma_start3A_302 = arith.constant 0 : i32
    %dma_start3A_303 = arith.constant 0 : i32
    %dma_start3A_304 = tpu.memref_slice %arg7[%dma_start3A_301, %dma_start3A_302, %dma_start3A_303] : memref<8x2x128xi32, #tpu.memory_space<vmem>> -> memref<1x2x128xi32, #tpu.memory_space<vmem>>
    %dma_start3A_305 = tpu.memref_squeeze %dma_start3A_304 : memref<1x2x128xi32, #tpu.memory_space<vmem>> -> memref<2x128xi32, #tpu.memory_space<vmem>>
    %dma_start3A_306 = arith.constant 0 : i32
    %dma_start3A_307 = tpu.memref_slice %arg2[%dma_start3A_306, %add3A_300] : memref<2x320000xi32, #tpu.memory_space<hbm>> -> memref<2x128xi32, #tpu.memory_space<hbm>>
    %dma_start3A_308 = arith.constant 0 : i32
    %dma_start3A_309 = arith.constant 0 : i32
    %dma_start3A_310 = tpu.memref_slice %arg7[%dma_start3A_301, %dma_start3A_308, %dma_start3A_309] : memref<8x2x128xi32, #tpu.memory_space<vmem>> -> memref<1x2x128xi32, #tpu.memory_space<vmem>>
    %dma_start3A_311 = tpu.memref_squeeze %dma_start3A_310 : memref<1x2x128xi32, #tpu.memory_space<vmem>> -> memref<2x128xi32, #tpu.memory_space<vmem>>
    %dma_start3A_312 = arith.constant 0 : i32
    %dma_start3A_313 = tpu.memref_slice %arg2[%dma_start3A_312, %add3A_300] : memref<2x320000xi32, #tpu.memory_space<hbm>> -> memref<2x128xi32, #tpu.memory_space<hbm>>
    tpu.enqueue_dma source(%dma_start3A_313 : memref<2x128xi32, #tpu.memory_space<hbm>>) target(%dma_start3A_311 : memref<2x128xi32, #tpu.memory_space<vmem>>) target_semaphore(%arg11 : memref<!tpu.dma_semaphore, #tpu.memory_space<semaphore_mem>>)
    %dma_wait3A_314 = arith.constant 2 : i32
    %dma_wait3A_315 = arith.constant 1 : i32
    %dma_wait3A_316 = arith.constant 0 : i32
    %dma_wait3A_317 = tpu.memref_slice %arg7[%dma_wait3A_314, %dma_wait3A_315, %dma_wait3A_316] : memref<8x2x128xi32, #tpu.memory_space<vmem>> -> memref<1x1x128xi32, #tpu.memory_space<vmem>>
    %dma_wait3A_318 = tpu.memref_squeeze %dma_wait3A_317 : memref<1x1x128xi32, #tpu.memory_space<vmem>> -> memref<128xi32, #tpu.memory_space<vmem>>
    %dma_wait3A_319 = arith.constant 0 : i32
    %dma_wait3A_320 = tpu.memref_slice %arg9[%dma_wait3A_319] : memref<10240xf32, #tpu.memory_space<vmem_shared>> -> memref<10240xf32, #tpu.memory_space<vmem_shared>>
    tpu.wait_indirect_dma semaphore(%arg18 : memref<!tpu.dma_semaphore, #tpu.memory_space<semaphore_mem>>) src(%arg8 : memref<128xf32, #tpu.memory_space<vmem>>) dst(%dma_wait3A_320 : memref<10240xf32, #tpu.memory_space<vmem_shared>>)
    %add3A_321 = arith.constant 9472 : i32
    %add3A_322 = arith.addi %mul3A_6, %add3A_321 : i32
    %dma_start3A_323 = arith.constant 2 : i32
    %dma_start3A_324 = arith.constant 0 : i32
    %dma_start3A_325 = arith.constant 0 : i32
    %dma_start3A_326 = tpu.memref_slice %arg7[%dma_start3A_323, %dma_start3A_324, %dma_start3A_325] : memref<8x2x128xi32, #tpu.memory_space<vmem>> -> memref<1x2x128xi32, #tpu.memory_space<vmem>>
    %dma_start3A_327 = tpu.memref_squeeze %dma_start3A_326 : memref<1x2x128xi32, #tpu.memory_space<vmem>> -> memref<2x128xi32, #tpu.memory_space<vmem>>
    %dma_start3A_328 = arith.constant 0 : i32
    %dma_start3A_329 = tpu.memref_slice %arg2[%dma_start3A_328, %add3A_322] : memref<2x320000xi32, #tpu.memory_space<hbm>> -> memref<2x128xi32, #tpu.memory_space<hbm>>
    %dma_start3A_330 = arith.constant 0 : i32
    %dma_start3A_331 = arith.constant 0 : i32
    %dma_start3A_332 = tpu.memref_slice %arg7[%dma_start3A_323, %dma_start3A_330, %dma_start3A_331] : memref<8x2x128xi32, #tpu.memory_space<vmem>> -> memref<1x2x128xi32, #tpu.memory_space<vmem>>
    %dma_start3A_333 = tpu.memref_squeeze %dma_start3A_332 : memref<1x2x128xi32, #tpu.memory_space<vmem>> -> memref<2x128xi32, #tpu.memory_space<vmem>>
    %dma_start3A_334 = arith.constant 0 : i32
    %dma_start3A_335 = tpu.memref_slice %arg2[%dma_start3A_334, %add3A_322] : memref<2x320000xi32, #tpu.memory_space<hbm>> -> memref<2x128xi32, #tpu.memory_space<hbm>>
    tpu.enqueue_dma source(%dma_start3A_335 : memref<2x128xi32, #tpu.memory_space<hbm>>) target(%dma_start3A_333 : memref<2x128xi32, #tpu.memory_space<vmem>>) target_semaphore(%arg12 : memref<!tpu.dma_semaphore, #tpu.memory_space<semaphore_mem>>)
    %dma_wait3A_336 = arith.constant 3 : i32
    %dma_wait3A_337 = arith.constant 1 : i32
    %dma_wait3A_338 = arith.constant 0 : i32
    %dma_wait3A_339 = tpu.memref_slice %arg7[%dma_wait3A_336, %dma_wait3A_337, %dma_wait3A_338] : memref<8x2x128xi32, #tpu.memory_space<vmem>> -> memref<1x1x128xi32, #tpu.memory_space<vmem>>
    %dma_wait3A_340 = tpu.memref_squeeze %dma_wait3A_339 : memref<1x1x128xi32, #tpu.memory_space<vmem>> -> memref<128xi32, #tpu.memory_space<vmem>>
    %dma_wait3A_341 = arith.constant 0 : i32
    %dma_wait3A_342 = tpu.memref_slice %arg9[%dma_wait3A_341] : memref<10240xf32, #tpu.memory_space<vmem_shared>> -> memref<10240xf32, #tpu.memory_space<vmem_shared>>
    tpu.wait_indirect_dma semaphore(%arg18 : memref<!tpu.dma_semaphore, #tpu.memory_space<semaphore_mem>>) src(%arg8 : memref<128xf32, #tpu.memory_space<vmem>>) dst(%dma_wait3A_342 : memref<10240xf32, #tpu.memory_space<vmem_shared>>)
    %add3A_343 = arith.constant 9600 : i32
    %add3A_344 = arith.addi %mul3A_6, %add3A_343 : i32
    %dma_start3A_345 = arith.constant 3 : i32
    %dma_start3A_346 = arith.constant 0 : i32
    %dma_start3A_347 = arith.constant 0 : i32
    %dma_start3A_348 = tpu.memref_slice %arg7[%dma_start3A_345, %dma_start3A_346, %dma_start3A_347] : memref<8x2x128xi32, #tpu.memory_space<vmem>> -> memref<1x2x128xi32, #tpu.memory_space<vmem>>
    %dma_start3A_349 = tpu.memref_squeeze %dma_start3A_348 : memref<1x2x128xi32, #tpu.memory_space<vmem>> -> memref<2x128xi32, #tpu.memory_space<vmem>>
    %dma_start3A_350 = arith.constant 0 : i32
    %dma_start3A_351 = tpu.memref_slice %arg2[%dma_start3A_350, %add3A_344] : memref<2x320000xi32, #tpu.memory_space<hbm>> -> memref<2x128xi32, #tpu.memory_space<hbm>>
    %dma_start3A_352 = arith.constant 0 : i32
    %dma_start3A_353 = arith.constant 0 : i32
    %dma_start3A_354 = tpu.memref_slice %arg7[%dma_start3A_345, %dma_start3A_352, %dma_start3A_353] : memref<8x2x128xi32, #tpu.memory_space<vmem>> -> memref<1x2x128xi32, #tpu.memory_space<vmem>>
    %dma_start3A_355 = tpu.memref_squeeze %dma_start3A_354 : memref<1x2x128xi32, #tpu.memory_space<vmem>> -> memref<2x128xi32, #tpu.memory_space<vmem>>
    %dma_start3A_356 = arith.constant 0 : i32
    %dma_start3A_357 = tpu.memref_slice %arg2[%dma_start3A_356, %add3A_344] : memref<2x320000xi32, #tpu.memory_space<hbm>> -> memref<2x128xi32, #tpu.memory_space<hbm>>
    tpu.enqueue_dma source(%dma_start3A_357 : memref<2x128xi32, #tpu.memory_space<hbm>>) target(%dma_start3A_355 : memref<2x128xi32, #tpu.memory_space<vmem>>) target_semaphore(%arg13 : memref<!tpu.dma_semaphore, #tpu.memory_space<semaphore_mem>>)
    %dma_wait3A_358 = arith.constant 4 : i32
    %dma_wait3A_359 = arith.constant 1 : i32
    %dma_wait3A_360 = arith.constant 0 : i32
    %dma_wait3A_361 = tpu.memref_slice %arg7[%dma_wait3A_358, %dma_wait3A_359, %dma_wait3A_360] : memref<8x2x128xi32, #tpu.memory_space<vmem>> -> memref<1x1x128xi32, #tpu.memory_space<vmem>>
    %dma_wait3A_362 = tpu.memref_squeeze %dma_wait3A_361 : memref<1x1x128xi32, #tpu.memory_space<vmem>> -> memref<128xi32, #tpu.memory_space<vmem>>
    %dma_wait3A_363 = arith.constant 0 : i32
    %dma_wait3A_364 = tpu.memref_slice %arg9[%dma_wait3A_363] : memref<10240xf32, #tpu.memory_space<vmem_shared>> -> memref<10240xf32, #tpu.memory_space<vmem_shared>>
    tpu.wait_indirect_dma semaphore(%arg18 : memref<!tpu.dma_semaphore, #tpu.memory_space<semaphore_mem>>) src(%arg8 : memref<128xf32, #tpu.memory_space<vmem>>) dst(%dma_wait3A_364 : memref<10240xf32, #tpu.memory_space<vmem_shared>>)
    %add3A_365 = arith.constant 9728 : i32
    %add3A_366 = arith.addi %mul3A_6, %add3A_365 : i32
    %dma_start3A_367 = arith.constant 4 : i32
    %dma_start3A_368 = arith.constant 0 : i32
    %dma_start3A_369 = arith.constant 0 : i32
    %dma_start3A_370 = tpu.memref_slice %arg7[%dma_start3A_367, %dma_start3A_368, %dma_start3A_369] : memref<8x2x128xi32, #tpu.memory_space<vmem>> -> memref<1x2x128xi32, #tpu.memory_space<vmem>>
    %dma_start3A_371 = tpu.memref_squeeze %dma_start3A_370 : memref<1x2x128xi32, #tpu.memory_space<vmem>> -> memref<2x128xi32, #tpu.memory_space<vmem>>
    %dma_start3A_372 = arith.constant 0 : i32
    %dma_start3A_373 = tpu.memref_slice %arg2[%dma_start3A_372, %add3A_366] : memref<2x320000xi32, #tpu.memory_space<hbm>> -> memref<2x128xi32, #tpu.memory_space<hbm>>
    %dma_start3A_374 = arith.constant 0 : i32
    %dma_start3A_375 = arith.constant 0 : i32
    %dma_start3A_376 = tpu.memref_slice %arg7[%dma_start3A_367, %dma_start3A_374, %dma_start3A_375] : memref<8x2x128xi32, #tpu.memory_space<vmem>> -> memref<1x2x128xi32, #tpu.memory_space<vmem>>
    %dma_start3A_377 = tpu.memref_squeeze %dma_start3A_376 : memref<1x2x128xi32, #tpu.memory_space<vmem>> -> memref<2x128xi32, #tpu.memory_space<vmem>>
    %dma_start3A_378 = arith.constant 0 : i32
    %dma_start3A_379 = tpu.memref_slice %arg2[%dma_start3A_378, %add3A_366] : memref<2x320000xi32, #tpu.memory_space<hbm>> -> memref<2x128xi32, #tpu.memory_space<hbm>>
    tpu.enqueue_dma source(%dma_start3A_379 : memref<2x128xi32, #tpu.memory_space<hbm>>) target(%dma_start3A_377 : memref<2x128xi32, #tpu.memory_space<vmem>>) target_semaphore(%arg14 : memref<!tpu.dma_semaphore, #tpu.memory_space<semaphore_mem>>)
    %dma_wait3A_380 = arith.constant 5 : i32
    %dma_wait3A_381 = arith.constant 1 : i32
    %dma_wait3A_382 = arith.constant 0 : i32
    %dma_wait3A_383 = tpu.memref_slice %arg7[%dma_wait3A_380, %dma_wait3A_381, %dma_wait3A_382] : memref<8x2x128xi32, #tpu.memory_space<vmem>> -> memref<1x1x128xi32, #tpu.memory_space<vmem>>
    %dma_wait3A_384 = tpu.memref_squeeze %dma_wait3A_383 : memref<1x1x128xi32, #tpu.memory_space<vmem>> -> memref<128xi32, #tpu.memory_space<vmem>>
    %dma_wait3A_385 = arith.constant 0 : i32
    %dma_wait3A_386 = tpu.memref_slice %arg9[%dma_wait3A_385] : memref<10240xf32, #tpu.memory_space<vmem_shared>> -> memref<10240xf32, #tpu.memory_space<vmem_shared>>
    tpu.wait_indirect_dma semaphore(%arg18 : memref<!tpu.dma_semaphore, #tpu.memory_space<semaphore_mem>>) src(%arg8 : memref<128xf32, #tpu.memory_space<vmem>>) dst(%dma_wait3A_386 : memref<10240xf32, #tpu.memory_space<vmem_shared>>)
    %add3A_387 = arith.constant 9856 : i32
    %add3A_388 = arith.addi %mul3A_6, %add3A_387 : i32
    %dma_start3A_389 = arith.constant 5 : i32
    %dma_start3A_390 = arith.constant 0 : i32
    %dma_start3A_391 = arith.constant 0 : i32
    %dma_start3A_392 = tpu.memref_slice %arg7[%dma_start3A_389, %dma_start3A_390, %dma_start3A_391] : memref<8x2x128xi32, #tpu.memory_space<vmem>> -> memref<1x2x128xi32, #tpu.memory_space<vmem>>
    %dma_start3A_393 = tpu.memref_squeeze %dma_start3A_392 : memref<1x2x128xi32, #tpu.memory_space<vmem>> -> memref<2x128xi32, #tpu.memory_space<vmem>>
    %dma_start3A_394 = arith.constant 0 : i32
    %dma_start3A_395 = tpu.memref_slice %arg2[%dma_start3A_394, %add3A_388] : memref<2x320000xi32, #tpu.memory_space<hbm>> -> memref<2x128xi32, #tpu.memory_space<hbm>>
    %dma_start3A_396 = arith.constant 0 : i32
    %dma_start3A_397 = arith.constant 0 : i32
    %dma_start3A_398 = tpu.memref_slice %arg7[%dma_start3A_389, %dma_start3A_396, %dma_start3A_397] : memref<8x2x128xi32, #tpu.memory_space<vmem>> -> memref<1x2x128xi32, #tpu.memory_space<vmem>>
    %dma_start3A_399 = tpu.memref_squeeze %dma_start3A_398 : memref<1x2x128xi32, #tpu.memory_space<vmem>> -> memref<2x128xi32, #tpu.memory_space<vmem>>
    %dma_start3A_400 = arith.constant 0 : i32
    %dma_start3A_401 = tpu.memref_slice %arg2[%dma_start3A_400, %add3A_388] : memref<2x320000xi32, #tpu.memory_space<hbm>> -> memref<2x128xi32, #tpu.memory_space<hbm>>
    tpu.enqueue_dma source(%dma_start3A_401 : memref<2x128xi32, #tpu.memory_space<hbm>>) target(%dma_start3A_399 : memref<2x128xi32, #tpu.memory_space<vmem>>) target_semaphore(%arg15 : memref<!tpu.dma_semaphore, #tpu.memory_space<semaphore_mem>>)
    %dma_wait3A_402 = arith.constant 6 : i32
    %dma_wait3A_403 = arith.constant 1 : i32
    %dma_wait3A_404 = arith.constant 0 : i32
    %dma_wait3A_405 = tpu.memref_slice %arg7[%dma_wait3A_402, %dma_wait3A_403, %dma_wait3A_404] : memref<8x2x128xi32, #tpu.memory_space<vmem>> -> memref<1x1x128xi32, #tpu.memory_space<vmem>>
    %dma_wait3A_406 = tpu.memref_squeeze %dma_wait3A_405 : memref<1x1x128xi32, #tpu.memory_space<vmem>> -> memref<128xi32, #tpu.memory_space<vmem>>
    %dma_wait3A_407 = arith.constant 0 : i32
    %dma_wait3A_408 = tpu.memref_slice %arg9[%dma_wait3A_407] : memref<10240xf32, #tpu.memory_space<vmem_shared>> -> memref<10240xf32, #tpu.memory_space<vmem_shared>>
    tpu.wait_indirect_dma semaphore(%arg18 : memref<!tpu.dma_semaphore, #tpu.memory_space<semaphore_mem>>) src(%arg8 : memref<128xf32, #tpu.memory_space<vmem>>) dst(%dma_wait3A_408 : memref<10240xf32, #tpu.memory_space<vmem_shared>>)
    %add3A_409 = arith.constant 9984 : i32
    %add3A_410 = arith.addi %mul3A_6, %add3A_409 : i32
    %mul3A_411 = arith.constant 128 : i32
    %mul3A_412 = arith.muli %add3A, %mul3A_411 : i32
    %add3A_413 = arith.constant 319488 : i32
    %add3A_414 = arith.addi %add3A_413, %mul3A_412 : i32
    %jit3A_415 = arith.constant false
    %select_n3A_416 = arith.select %jit3A_415, %add3A_410, %add3A_414 : i32
    %gt3A = arith.constant 78 : i32
    %gt3A_417 = arith.cmpi sgt, %add3A_4, %gt3A : i32
    %convert_element_type3A = arith.extui %gt3A_417 : i1 to i32
    %cond3A = arith.constant 0 : i32
    %cond3A_418 = arith.cmpi ne, %convert_element_type3A, %cond3A : i32
    scf.if %cond3A_418 {
      %dma_start3A_637 = arith.constant 6 : i32
      %dma_start3A_638 = arith.constant 0 : i32
      %dma_start3A_639 = arith.constant 0 : i32
      %dma_start3A_640 = tpu.memref_slice %arg7[%dma_start3A_637, %dma_start3A_638, %dma_start3A_639] : memref<8x2x128xi32, #tpu.memory_space<vmem>> -> memref<1x2x128xi32, #tpu.memory_space<vmem>>
      %dma_start3A_641 = tpu.memref_squeeze %dma_start3A_640 : memref<1x2x128xi32, #tpu.memory_space<vmem>> -> memref<2x128xi32, #tpu.memory_space<vmem>>
      %dma_start3A_642 = arith.constant 0 : i32
      %dma_start3A_643 = tpu.memref_slice %arg2[%dma_start3A_642, %select_n3A_416] : memref<2x320000xi32, #tpu.memory_space<hbm>> -> memref<2x128xi32, #tpu.memory_space<hbm>>
      %dma_start3A_644 = arith.constant 0 : i32
      %dma_start3A_645 = arith.constant 0 : i32
      %dma_start3A_646 = tpu.memref_slice %arg7[%dma_start3A_637, %dma_start3A_644, %dma_start3A_645] : memref<8x2x128xi32, #tpu.memory_space<vmem>> -> memref<1x2x128xi32, #tpu.memory_space<vmem>>
      %dma_start3A_647 = tpu.memref_squeeze %dma_start3A_646 : memref<1x2x128xi32, #tpu.memory_space<vmem>> -> memref<2x128xi32, #tpu.memory_space<vmem>>
      %dma_start3A_648 = arith.constant 0 : i32
      %dma_start3A_649 = tpu.memref_slice %arg2[%dma_start3A_648, %select_n3A_416] : memref<2x320000xi32, #tpu.memory_space<hbm>> -> memref<2x128xi32, #tpu.memory_space<hbm>>
      tpu.enqueue_dma source(%dma_start3A_649 : memref<2x128xi32, #tpu.memory_space<hbm>>) target(%dma_start3A_647 : memref<2x128xi32, #tpu.memory_space<vmem>>) target_semaphore(%arg16 : memref<!tpu.dma_semaphore, #tpu.memory_space<semaphore_mem>>)
    } else {
    }
    %le3A = arith.constant 78 : i32
    %le3A_419 = arith.cmpi sle, %add3A_4, %le3A : i32
    %convert_element_type3A_420 = arith.extui %le3A_419 : i1 to i32
    %cond3A_421 = arith.constant 0 : i32
    %cond3A_422 = arith.cmpi ne, %convert_element_type3A_420, %cond3A_421 : i32
    scf.if %cond3A_422 {
      %dma_start3A_637 = arith.constant 6 : i32
      %dma_start3A_638 = arith.constant 0 : i32
      %dma_start3A_639 = arith.constant 0 : i32
      %dma_start3A_640 = tpu.memref_slice %arg7[%dma_start3A_637, %dma_start3A_638, %dma_start3A_639] : memref<8x2x128xi32, #tpu.memory_space<vmem>> -> memref<1x2x128xi32, #tpu.memory_space<vmem>>
      %dma_start3A_641 = tpu.memref_squeeze %dma_start3A_640 : memref<1x2x128xi32, #tpu.memory_space<vmem>> -> memref<2x128xi32, #tpu.memory_space<vmem>>
      %dma_start3A_642 = arith.constant 0 : i32
      %dma_start3A_643 = arith.constant 0 : i32
      %dma_start3A_644 = tpu.memref_slice %arg7[%dma_start3A_637, %dma_start3A_642, %dma_start3A_643] : memref<8x2x128xi32, #tpu.memory_space<vmem>> -> memref<1x2x128xi32, #tpu.memory_space<vmem>>
      %dma_start3A_645 = tpu.memref_squeeze %dma_start3A_644 : memref<1x2x128xi32, #tpu.memory_space<vmem>> -> memref<2x128xi32, #tpu.memory_space<vmem>>
      tpu.enqueue_dma source(%arg3 : memref<2x128xi32, #tpu.memory_space<hbm>>) target(%dma_start3A_645 : memref<2x128xi32, #tpu.memory_space<vmem>>) target_semaphore(%arg16 : memref<!tpu.dma_semaphore, #tpu.memory_space<semaphore_mem>>)
    } else {
    }
    %dma_wait3A_423 = arith.constant 7 : i32
    %dma_wait3A_424 = arith.constant 1 : i32
    %dma_wait3A_425 = arith.constant 0 : i32
    %dma_wait3A_426 = tpu.memref_slice %arg7[%dma_wait3A_423, %dma_wait3A_424, %dma_wait3A_425] : memref<8x2x128xi32, #tpu.memory_space<vmem>> -> memref<1x1x128xi32, #tpu.memory_space<vmem>>
    %dma_wait3A_427 = tpu.memref_squeeze %dma_wait3A_426 : memref<1x1x128xi32, #tpu.memory_space<vmem>> -> memref<128xi32, #tpu.memory_space<vmem>>
    %dma_wait3A_428 = arith.constant 0 : i32
    %dma_wait3A_429 = tpu.memref_slice %arg9[%dma_wait3A_428] : memref<10240xf32, #tpu.memory_space<vmem_shared>> -> memref<10240xf32, #tpu.memory_space<vmem_shared>>
    tpu.wait_indirect_dma semaphore(%arg18 : memref<!tpu.dma_semaphore, #tpu.memory_space<semaphore_mem>>) src(%arg8 : memref<128xf32, #tpu.memory_space<vmem>>) dst(%dma_wait3A_429 : memref<10240xf32, #tpu.memory_space<vmem_shared>>)
    %add3A_430 = arith.constant 10112 : i32
    %add3A_431 = arith.addi %mul3A_6, %add3A_430 : i32
    %mul3A_432 = arith.constant 128 : i32
    %mul3A_433 = arith.muli %add3A, %mul3A_432 : i32
    %add3A_434 = arith.constant 319488 : i32
    %add3A_435 = arith.addi %add3A_434, %mul3A_433 : i32
    %jit3A_436 = arith.constant false
    %select_n3A_437 = arith.select %jit3A_436, %add3A_431, %add3A_435 : i32
    %gt3A_438 = arith.constant 79 : i32
    %gt3A_439 = arith.cmpi sgt, %add3A_4, %gt3A_438 : i32
    %convert_element_type3A_440 = arith.extui %gt3A_439 : i1 to i32
    %cond3A_441 = arith.constant 0 : i32
    %cond3A_442 = arith.cmpi ne, %convert_element_type3A_440, %cond3A_441 : i32
    scf.if %cond3A_442 {
      %dma_start3A_637 = arith.constant 7 : i32
      %dma_start3A_638 = arith.constant 0 : i32
      %dma_start3A_639 = arith.constant 0 : i32
      %dma_start3A_640 = tpu.memref_slice %arg7[%dma_start3A_637, %dma_start3A_638, %dma_start3A_639] : memref<8x2x128xi32, #tpu.memory_space<vmem>> -> memref<1x2x128xi32, #tpu.memory_space<vmem>>
      %dma_start3A_641 = tpu.memref_squeeze %dma_start3A_640 : memref<1x2x128xi32, #tpu.memory_space<vmem>> -> memref<2x128xi32, #tpu.memory_space<vmem>>
      %dma_start3A_642 = arith.constant 0 : i32
      %dma_start3A_643 = tpu.memref_slice %arg2[%dma_start3A_642, %select_n3A_437] : memref<2x320000xi32, #tpu.memory_space<hbm>> -> memref<2x128xi32, #tpu.memory_space<hbm>>
      %dma_start3A_644 = arith.constant 0 : i32
      %dma_start3A_645 = arith.constant 0 : i32
      %dma_start3A_646 = tpu.memref_slice %arg7[%dma_start3A_637, %dma_start3A_644, %dma_start3A_645] : memref<8x2x128xi32, #tpu.memory_space<vmem>> -> memref<1x2x128xi32, #tpu.memory_space<vmem>>
      %dma_start3A_647 = tpu.memref_squeeze %dma_start3A_646 : memref<1x2x128xi32, #tpu.memory_space<vmem>> -> memref<2x128xi32, #tpu.memory_space<vmem>>
      %dma_start3A_648 = arith.constant 0 : i32
      %dma_start3A_649 = tpu.memref_slice %arg2[%dma_start3A_648, %select_n3A_437] : memref<2x320000xi32, #tpu.memory_space<hbm>> -> memref<2x128xi32, #tpu.memory_space<hbm>>
      tpu.enqueue_dma source(%dma_start3A_649 : memref<2x128xi32, #tpu.memory_space<hbm>>) target(%dma_start3A_647 : memref<2x128xi32, #tpu.memory_space<vmem>>) target_semaphore(%arg17 : memref<!tpu.dma_semaphore, #tpu.memory_space<semaphore_mem>>)
    } else {
    }
    %le3A_443 = arith.constant 79 : i32
    %le3A_444 = arith.cmpi sle, %add3A_4, %le3A_443 : i32
    %convert_element_type3A_445 = arith.extui %le3A_444 : i1 to i32
    %cond3A_446 = arith.constant 0 : i32
    %cond3A_447 = arith.cmpi ne, %convert_element_type3A_445, %cond3A_446 : i32
    scf.if %cond3A_447 {
      %dma_start3A_637 = arith.constant 7 : i32
      %dma_start3A_638 = arith.constant 0 : i32
      %dma_start3A_639 = arith.constant 0 : i32
      %dma_start3A_640 = tpu.memref_slice %arg7[%dma_start3A_637, %dma_start3A_638, %dma_start3A_639] : memref<8x2x128xi32, #tpu.memory_space<vmem>> -> memref<1x2x128xi32, #tpu.memory_space<vmem>>
      %dma_start3A_641 = tpu.memref_squeeze %dma_start3A_640 : memref<1x2x128xi32, #tpu.memory_space<vmem>> -> memref<2x128xi32, #tpu.memory_space<vmem>>
      %dma_start3A_642 = arith.constant 0 : i32
      %dma_start3A_643 = arith.constant 0 : i32
      %dma_start3A_644 = tpu.memref_slice %arg7[%dma_start3A_637, %dma_start3A_642, %dma_start3A_643] : memref<8x2x128xi32, #tpu.memory_space<vmem>> -> memref<1x2x128xi32, #tpu.memory_space<vmem>>
      %dma_start3A_645 = tpu.memref_squeeze %dma_start3A_644 : memref<1x2x128xi32, #tpu.memory_space<vmem>> -> memref<2x128xi32, #tpu.memory_space<vmem>>
      tpu.enqueue_dma source(%arg3 : memref<2x128xi32, #tpu.memory_space<hbm>>) target(%dma_start3A_645 : memref<2x128xi32, #tpu.memory_space<vmem>>) target_semaphore(%arg17 : memref<!tpu.dma_semaphore, #tpu.memory_space<semaphore_mem>>)
    } else {
    }
    %dma_wait3A_448 = arith.constant 0 : i32
    %dma_wait3A_449 = arith.constant 0 : i32
    %dma_wait3A_450 = arith.constant 0 : i32
    %dma_wait3A_451 = tpu.memref_slice %arg7[%dma_wait3A_448, %dma_wait3A_449, %dma_wait3A_450] : memref<8x2x128xi32, #tpu.memory_space<vmem>> -> memref<1x2x128xi32, #tpu.memory_space<vmem>>
    %dma_wait3A_452 = tpu.memref_squeeze %dma_wait3A_451 : memref<1x2x128xi32, #tpu.memory_space<vmem>> -> memref<2x128xi32, #tpu.memory_space<vmem>>
    %dma_wait3A_453 = arith.constant 0 : i32
    %dma_wait3A_454 = arith.constant 0 : i32
    %dma_wait3A_455 = tpu.memref_slice %arg7[%dma_wait3A_448, %dma_wait3A_453, %dma_wait3A_454] : memref<8x2x128xi32, #tpu.memory_space<vmem>> -> memref<1x2x128xi32, #tpu.memory_space<vmem>>
    %dma_wait3A_456 = tpu.memref_squeeze %dma_wait3A_455 : memref<1x2x128xi32, #tpu.memory_space<vmem>> -> memref<2x128xi32, #tpu.memory_space<vmem>>
    tpu.wait_dma2 semaphore(%arg10 : memref<!tpu.dma_semaphore, #tpu.memory_space<semaphore_mem>>) src(%arg3 : memref<2x128xi32, #tpu.memory_space<hbm>>) dst(%dma_wait3A_456 : memref<2x128xi32, #tpu.memory_space<vmem>>)
    %dma_start3A_457 = arith.constant 0 : i32
    %dma_start3A_458 = arith.constant 1 : i32
    %dma_start3A_459 = arith.constant 0 : i32
    %dma_start3A_460 = tpu.memref_slice %arg7[%dma_start3A_457, %dma_start3A_458, %dma_start3A_459] : memref<8x2x128xi32, #tpu.memory_space<vmem>> -> memref<1x1x128xi32, #tpu.memory_space<vmem>>
    %dma_start3A_461 = tpu.memref_squeeze %dma_start3A_460 : memref<1x1x128xi32, #tpu.memory_space<vmem>> -> memref<128xi32, #tpu.memory_space<vmem>>
    %dma_start3A_462 = arith.constant 0 : i32
    %dma_start3A_463 = tpu.memref_slice %arg9[%dma_start3A_462] : memref<10240xf32, #tpu.memory_space<vmem_shared>> -> memref<10240xf32, #tpu.memory_space<vmem_shared>>
    tpu.enqueue_indirect_dma source(%arg8 : memref<128xf32, #tpu.memory_space<vmem>>) target(%dma_start3A_463 : memref<10240xf32, #tpu.memory_space<vmem_shared>>) offsets(%dma_start3A_461 : memref<128xi32, #tpu.memory_space<vmem>>) semaphore(%arg18 : memref<!tpu.dma_semaphore, #tpu.memory_space<semaphore_mem>>) {add = true}
    %dma_wait3A_464 = arith.constant 1 : i32
    %dma_wait3A_465 = arith.constant 0 : i32
    %dma_wait3A_466 = arith.constant 0 : i32
    %dma_wait3A_467 = tpu.memref_slice %arg7[%dma_wait3A_464, %dma_wait3A_465, %dma_wait3A_466] : memref<8x2x128xi32, #tpu.memory_space<vmem>> -> memref<1x2x128xi32, #tpu.memory_space<vmem>>
    %dma_wait3A_468 = tpu.memref_squeeze %dma_wait3A_467 : memref<1x2x128xi32, #tpu.memory_space<vmem>> -> memref<2x128xi32, #tpu.memory_space<vmem>>
    %dma_wait3A_469 = arith.constant 0 : i32
    %dma_wait3A_470 = arith.constant 0 : i32
    %dma_wait3A_471 = tpu.memref_slice %arg7[%dma_wait3A_464, %dma_wait3A_469, %dma_wait3A_470] : memref<8x2x128xi32, #tpu.memory_space<vmem>> -> memref<1x2x128xi32, #tpu.memory_space<vmem>>
    %dma_wait3A_472 = tpu.memref_squeeze %dma_wait3A_471 : memref<1x2x128xi32, #tpu.memory_space<vmem>> -> memref<2x128xi32, #tpu.memory_space<vmem>>
    tpu.wait_dma2 semaphore(%arg11 : memref<!tpu.dma_semaphore, #tpu.memory_space<semaphore_mem>>) src(%arg3 : memref<2x128xi32, #tpu.memory_space<hbm>>) dst(%dma_wait3A_472 : memref<2x128xi32, #tpu.memory_space<vmem>>)
    %dma_start3A_473 = arith.constant 1 : i32
    %dma_start3A_474 = arith.constant 1 : i32
    %dma_start3A_475 = arith.constant 0 : i32
    %dma_start3A_476 = tpu.memref_slice %arg7[%dma_start3A_473, %dma_start3A_474, %dma_start3A_475] : memref<8x2x128xi32, #tpu.memory_space<vmem>> -> memref<1x1x128xi32, #tpu.memory_space<vmem>>
    %dma_start3A_477 = tpu.memref_squeeze %dma_start3A_476 : memref<1x1x128xi32, #tpu.memory_space<vmem>> -> memref<128xi32, #tpu.memory_space<vmem>>
    %dma_start3A_478 = arith.constant 0 : i32
    %dma_start3A_479 = tpu.memref_slice %arg9[%dma_start3A_478] : memref<10240xf32, #tpu.memory_space<vmem_shared>> -> memref<10240xf32, #tpu.memory_space<vmem_shared>>
    tpu.enqueue_indirect_dma source(%arg8 : memref<128xf32, #tpu.memory_space<vmem>>) target(%dma_start3A_479 : memref<10240xf32, #tpu.memory_space<vmem_shared>>) offsets(%dma_start3A_477 : memref<128xi32, #tpu.memory_space<vmem>>) semaphore(%arg18 : memref<!tpu.dma_semaphore, #tpu.memory_space<semaphore_mem>>) {add = true}
    %dma_wait3A_480 = arith.constant 2 : i32
    %dma_wait3A_481 = arith.constant 0 : i32
    %dma_wait3A_482 = arith.constant 0 : i32
    %dma_wait3A_483 = tpu.memref_slice %arg7[%dma_wait3A_480, %dma_wait3A_481, %dma_wait3A_482] : memref<8x2x128xi32, #tpu.memory_space<vmem>> -> memref<1x2x128xi32, #tpu.memory_space<vmem>>
    %dma_wait3A_484 = tpu.memref_squeeze %dma_wait3A_483 : memref<1x2x128xi32, #tpu.memory_space<vmem>> -> memref<2x128xi32, #tpu.memory_space<vmem>>
    %dma_wait3A_485 = arith.constant 0 : i32
    %dma_wait3A_486 = arith.constant 0 : i32
    %dma_wait3A_487 = tpu.memref_slice %arg7[%dma_wait3A_480, %dma_wait3A_485, %dma_wait3A_486] : memref<8x2x128xi32, #tpu.memory_space<vmem>> -> memref<1x2x128xi32, #tpu.memory_space<vmem>>
    %dma_wait3A_488 = tpu.memref_squeeze %dma_wait3A_487 : memref<1x2x128xi32, #tpu.memory_space<vmem>> -> memref<2x128xi32, #tpu.memory_space<vmem>>
    tpu.wait_dma2 semaphore(%arg12 : memref<!tpu.dma_semaphore, #tpu.memory_space<semaphore_mem>>) src(%arg3 : memref<2x128xi32, #tpu.memory_space<hbm>>) dst(%dma_wait3A_488 : memref<2x128xi32, #tpu.memory_space<vmem>>)
    %dma_start3A_489 = arith.constant 2 : i32
    %dma_start3A_490 = arith.constant 1 : i32
    %dma_start3A_491 = arith.constant 0 : i32
    %dma_start3A_492 = tpu.memref_slice %arg7[%dma_start3A_489, %dma_start3A_490, %dma_start3A_491] : memref<8x2x128xi32, #tpu.memory_space<vmem>> -> memref<1x1x128xi32, #tpu.memory_space<vmem>>
    %dma_start3A_493 = tpu.memref_squeeze %dma_start3A_492 : memref<1x1x128xi32, #tpu.memory_space<vmem>> -> memref<128xi32, #tpu.memory_space<vmem>>
    %dma_start3A_494 = arith.constant 0 : i32
    %dma_start3A_495 = tpu.memref_slice %arg9[%dma_start3A_494] : memref<10240xf32, #tpu.memory_space<vmem_shared>> -> memref<10240xf32, #tpu.memory_space<vmem_shared>>
    tpu.enqueue_indirect_dma source(%arg8 : memref<128xf32, #tpu.memory_space<vmem>>) target(%dma_start3A_495 : memref<10240xf32, #tpu.memory_space<vmem_shared>>) offsets(%dma_start3A_493 : memref<128xi32, #tpu.memory_space<vmem>>) semaphore(%arg18 : memref<!tpu.dma_semaphore, #tpu.memory_space<semaphore_mem>>) {add = true}
    %dma_wait3A_496 = arith.constant 3 : i32
    %dma_wait3A_497 = arith.constant 0 : i32
    %dma_wait3A_498 = arith.constant 0 : i32
    %dma_wait3A_499 = tpu.memref_slice %arg7[%dma_wait3A_496, %dma_wait3A_497, %dma_wait3A_498] : memref<8x2x128xi32, #tpu.memory_space<vmem>> -> memref<1x2x128xi32, #tpu.memory_space<vmem>>
    %dma_wait3A_500 = tpu.memref_squeeze %dma_wait3A_499 : memref<1x2x128xi32, #tpu.memory_space<vmem>> -> memref<2x128xi32, #tpu.memory_space<vmem>>
    %dma_wait3A_501 = arith.constant 0 : i32
    %dma_wait3A_502 = arith.constant 0 : i32
    %dma_wait3A_503 = tpu.memref_slice %arg7[%dma_wait3A_496, %dma_wait3A_501, %dma_wait3A_502] : memref<8x2x128xi32, #tpu.memory_space<vmem>> -> memref<1x2x128xi32, #tpu.memory_space<vmem>>
    %dma_wait3A_504 = tpu.memref_squeeze %dma_wait3A_503 : memref<1x2x128xi32, #tpu.memory_space<vmem>> -> memref<2x128xi32, #tpu.memory_space<vmem>>
    tpu.wait_dma2 semaphore(%arg13 : memref<!tpu.dma_semaphore, #tpu.memory_space<semaphore_mem>>) src(%arg3 : memref<2x128xi32, #tpu.memory_space<hbm>>) dst(%dma_wait3A_504 : memref<2x128xi32, #tpu.memory_space<vmem>>)
    %dma_start3A_505 = arith.constant 3 : i32
    %dma_start3A_506 = arith.constant 1 : i32
    %dma_start3A_507 = arith.constant 0 : i32
    %dma_start3A_508 = tpu.memref_slice %arg7[%dma_start3A_505, %dma_start3A_506, %dma_start3A_507] : memref<8x2x128xi32, #tpu.memory_space<vmem>> -> memref<1x1x128xi32, #tpu.memory_space<vmem>>
    %dma_start3A_509 = tpu.memref_squeeze %dma_start3A_508 : memref<1x1x128xi32, #tpu.memory_space<vmem>> -> memref<128xi32, #tpu.memory_space<vmem>>
    %dma_start3A_510 = arith.constant 0 : i32
    %dma_start3A_511 = tpu.memref_slice %arg9[%dma_start3A_510] : memref<10240xf32, #tpu.memory_space<vmem_shared>> -> memref<10240xf32, #tpu.memory_space<vmem_shared>>
    tpu.enqueue_indirect_dma source(%arg8 : memref<128xf32, #tpu.memory_space<vmem>>) target(%dma_start3A_511 : memref<10240xf32, #tpu.memory_space<vmem_shared>>) offsets(%dma_start3A_509 : memref<128xi32, #tpu.memory_space<vmem>>) semaphore(%arg18 : memref<!tpu.dma_semaphore, #tpu.memory_space<semaphore_mem>>) {add = true}
    %dma_wait3A_512 = arith.constant 4 : i32
    %dma_wait3A_513 = arith.constant 0 : i32
    %dma_wait3A_514 = arith.constant 0 : i32
    %dma_wait3A_515 = tpu.memref_slice %arg7[%dma_wait3A_512, %dma_wait3A_513, %dma_wait3A_514] : memref<8x2x128xi32, #tpu.memory_space<vmem>> -> memref<1x2x128xi32, #tpu.memory_space<vmem>>
    %dma_wait3A_516 = tpu.memref_squeeze %dma_wait3A_515 : memref<1x2x128xi32, #tpu.memory_space<vmem>> -> memref<2x128xi32, #tpu.memory_space<vmem>>
    %dma_wait3A_517 = arith.constant 0 : i32
    %dma_wait3A_518 = arith.constant 0 : i32
    %dma_wait3A_519 = tpu.memref_slice %arg7[%dma_wait3A_512, %dma_wait3A_517, %dma_wait3A_518] : memref<8x2x128xi32, #tpu.memory_space<vmem>> -> memref<1x2x128xi32, #tpu.memory_space<vmem>>
    %dma_wait3A_520 = tpu.memref_squeeze %dma_wait3A_519 : memref<1x2x128xi32, #tpu.memory_space<vmem>> -> memref<2x128xi32, #tpu.memory_space<vmem>>
    tpu.wait_dma2 semaphore(%arg14 : memref<!tpu.dma_semaphore, #tpu.memory_space<semaphore_mem>>) src(%arg3 : memref<2x128xi32, #tpu.memory_space<hbm>>) dst(%dma_wait3A_520 : memref<2x128xi32, #tpu.memory_space<vmem>>)
    %dma_start3A_521 = arith.constant 4 : i32
    %dma_start3A_522 = arith.constant 1 : i32
    %dma_start3A_523 = arith.constant 0 : i32
    %dma_start3A_524 = tpu.memref_slice %arg7[%dma_start3A_521, %dma_start3A_522, %dma_start3A_523] : memref<8x2x128xi32, #tpu.memory_space<vmem>> -> memref<1x1x128xi32, #tpu.memory_space<vmem>>
    %dma_start3A_525 = tpu.memref_squeeze %dma_start3A_524 : memref<1x1x128xi32, #tpu.memory_space<vmem>> -> memref<128xi32, #tpu.memory_space<vmem>>
    %dma_start3A_526 = arith.constant 0 : i32
    %dma_start3A_527 = tpu.memref_slice %arg9[%dma_start3A_526] : memref<10240xf32, #tpu.memory_space<vmem_shared>> -> memref<10240xf32, #tpu.memory_space<vmem_shared>>
    tpu.enqueue_indirect_dma source(%arg8 : memref<128xf32, #tpu.memory_space<vmem>>) target(%dma_start3A_527 : memref<10240xf32, #tpu.memory_space<vmem_shared>>) offsets(%dma_start3A_525 : memref<128xi32, #tpu.memory_space<vmem>>) semaphore(%arg18 : memref<!tpu.dma_semaphore, #tpu.memory_space<semaphore_mem>>) {add = true}
    %dma_wait3A_528 = arith.constant 5 : i32
    %dma_wait3A_529 = arith.constant 0 : i32
    %dma_wait3A_530 = arith.constant 0 : i32
    %dma_wait3A_531 = tpu.memref_slice %arg7[%dma_wait3A_528, %dma_wait3A_529, %dma_wait3A_530] : memref<8x2x128xi32, #tpu.memory_space<vmem>> -> memref<1x2x128xi32, #tpu.memory_space<vmem>>
    %dma_wait3A_532 = tpu.memref_squeeze %dma_wait3A_531 : memref<1x2x128xi32, #tpu.memory_space<vmem>> -> memref<2x128xi32, #tpu.memory_space<vmem>>
    %dma_wait3A_533 = arith.constant 0 : i32
    %dma_wait3A_534 = arith.constant 0 : i32
    %dma_wait3A_535 = tpu.memref_slice %arg7[%dma_wait3A_528, %dma_wait3A_533, %dma_wait3A_534] : memref<8x2x128xi32, #tpu.memory_space<vmem>> -> memref<1x2x128xi32, #tpu.memory_space<vmem>>
    %dma_wait3A_536 = tpu.memref_squeeze %dma_wait3A_535 : memref<1x2x128xi32, #tpu.memory_space<vmem>> -> memref<2x128xi32, #tpu.memory_space<vmem>>
    tpu.wait_dma2 semaphore(%arg15 : memref<!tpu.dma_semaphore, #tpu.memory_space<semaphore_mem>>) src(%arg3 : memref<2x128xi32, #tpu.memory_space<hbm>>) dst(%dma_wait3A_536 : memref<2x128xi32, #tpu.memory_space<vmem>>)
    %dma_start3A_537 = arith.constant 5 : i32
    %dma_start3A_538 = arith.constant 1 : i32
    %dma_start3A_539 = arith.constant 0 : i32
    %dma_start3A_540 = tpu.memref_slice %arg7[%dma_start3A_537, %dma_start3A_538, %dma_start3A_539] : memref<8x2x128xi32, #tpu.memory_space<vmem>> -> memref<1x1x128xi32, #tpu.memory_space<vmem>>
    %dma_start3A_541 = tpu.memref_squeeze %dma_start3A_540 : memref<1x1x128xi32, #tpu.memory_space<vmem>> -> memref<128xi32, #tpu.memory_space<vmem>>
    %dma_start3A_542 = arith.constant 0 : i32
    %dma_start3A_543 = tpu.memref_slice %arg9[%dma_start3A_542] : memref<10240xf32, #tpu.memory_space<vmem_shared>> -> memref<10240xf32, #tpu.memory_space<vmem_shared>>
    tpu.enqueue_indirect_dma source(%arg8 : memref<128xf32, #tpu.memory_space<vmem>>) target(%dma_start3A_543 : memref<10240xf32, #tpu.memory_space<vmem_shared>>) offsets(%dma_start3A_541 : memref<128xi32, #tpu.memory_space<vmem>>) semaphore(%arg18 : memref<!tpu.dma_semaphore, #tpu.memory_space<semaphore_mem>>) {add = true}
    %dma_wait3A_544 = arith.constant 6 : i32
    %dma_wait3A_545 = arith.constant 0 : i32
    %dma_wait3A_546 = arith.constant 0 : i32
    %dma_wait3A_547 = tpu.memref_slice %arg7[%dma_wait3A_544, %dma_wait3A_545, %dma_wait3A_546] : memref<8x2x128xi32, #tpu.memory_space<vmem>> -> memref<1x2x128xi32, #tpu.memory_space<vmem>>
    %dma_wait3A_548 = tpu.memref_squeeze %dma_wait3A_547 : memref<1x2x128xi32, #tpu.memory_space<vmem>> -> memref<2x128xi32, #tpu.memory_space<vmem>>
    %dma_wait3A_549 = arith.constant 0 : i32
    %dma_wait3A_550 = arith.constant 0 : i32
    %dma_wait3A_551 = tpu.memref_slice %arg7[%dma_wait3A_544, %dma_wait3A_549, %dma_wait3A_550] : memref<8x2x128xi32, #tpu.memory_space<vmem>> -> memref<1x2x128xi32, #tpu.memory_space<vmem>>
    %dma_wait3A_552 = tpu.memref_squeeze %dma_wait3A_551 : memref<1x2x128xi32, #tpu.memory_space<vmem>> -> memref<2x128xi32, #tpu.memory_space<vmem>>
    tpu.wait_dma2 semaphore(%arg16 : memref<!tpu.dma_semaphore, #tpu.memory_space<semaphore_mem>>) src(%arg3 : memref<2x128xi32, #tpu.memory_space<hbm>>) dst(%dma_wait3A_552 : memref<2x128xi32, #tpu.memory_space<vmem>>)
    %dma_start3A_553 = arith.constant 6 : i32
    %dma_start3A_554 = arith.constant 1 : i32
    %dma_start3A_555 = arith.constant 0 : i32
    %dma_start3A_556 = tpu.memref_slice %arg7[%dma_start3A_553, %dma_start3A_554, %dma_start3A_555] : memref<8x2x128xi32, #tpu.memory_space<vmem>> -> memref<1x1x128xi32, #tpu.memory_space<vmem>>
    %dma_start3A_557 = tpu.memref_squeeze %dma_start3A_556 : memref<1x1x128xi32, #tpu.memory_space<vmem>> -> memref<128xi32, #tpu.memory_space<vmem>>
    %dma_start3A_558 = arith.constant 0 : i32
    %dma_start3A_559 = tpu.memref_slice %arg9[%dma_start3A_558] : memref<10240xf32, #tpu.memory_space<vmem_shared>> -> memref<10240xf32, #tpu.memory_space<vmem_shared>>
    tpu.enqueue_indirect_dma source(%arg8 : memref<128xf32, #tpu.memory_space<vmem>>) target(%dma_start3A_559 : memref<10240xf32, #tpu.memory_space<vmem_shared>>) offsets(%dma_start3A_557 : memref<128xi32, #tpu.memory_space<vmem>>) semaphore(%arg18 : memref<!tpu.dma_semaphore, #tpu.memory_space<semaphore_mem>>) {add = true}
    %dma_wait3A_560 = arith.constant 7 : i32
    %dma_wait3A_561 = arith.constant 0 : i32
    %dma_wait3A_562 = arith.constant 0 : i32
    %dma_wait3A_563 = tpu.memref_slice %arg7[%dma_wait3A_560, %dma_wait3A_561, %dma_wait3A_562] : memref<8x2x128xi32, #tpu.memory_space<vmem>> -> memref<1x2x128xi32, #tpu.memory_space<vmem>>
    %dma_wait3A_564 = tpu.memref_squeeze %dma_wait3A_563 : memref<1x2x128xi32, #tpu.memory_space<vmem>> -> memref<2x128xi32, #tpu.memory_space<vmem>>
    %dma_wait3A_565 = arith.constant 0 : i32
    %dma_wait3A_566 = arith.constant 0 : i32
    %dma_wait3A_567 = tpu.memref_slice %arg7[%dma_wait3A_560, %dma_wait3A_565, %dma_wait3A_566] : memref<8x2x128xi32, #tpu.memory_space<vmem>> -> memref<1x2x128xi32, #tpu.memory_space<vmem>>
    %dma_wait3A_568 = tpu.memref_squeeze %dma_wait3A_567 : memref<1x2x128xi32, #tpu.memory_space<vmem>> -> memref<2x128xi32, #tpu.memory_space<vmem>>
    tpu.wait_dma2 semaphore(%arg17 : memref<!tpu.dma_semaphore, #tpu.memory_space<semaphore_mem>>) src(%arg3 : memref<2x128xi32, #tpu.memory_space<hbm>>) dst(%dma_wait3A_568 : memref<2x128xi32, #tpu.memory_space<vmem>>)
    %dma_start3A_569 = arith.constant 7 : i32
    %dma_start3A_570 = arith.constant 1 : i32
    %dma_start3A_571 = arith.constant 0 : i32
    %dma_start3A_572 = tpu.memref_slice %arg7[%dma_start3A_569, %dma_start3A_570, %dma_start3A_571] : memref<8x2x128xi32, #tpu.memory_space<vmem>> -> memref<1x1x128xi32, #tpu.memory_space<vmem>>
    %dma_start3A_573 = tpu.memref_squeeze %dma_start3A_572 : memref<1x1x128xi32, #tpu.memory_space<vmem>> -> memref<128xi32, #tpu.memory_space<vmem>>
    %dma_start3A_574 = arith.constant 0 : i32
    %dma_start3A_575 = tpu.memref_slice %arg9[%dma_start3A_574] : memref<10240xf32, #tpu.memory_space<vmem_shared>> -> memref<10240xf32, #tpu.memory_space<vmem_shared>>
    tpu.enqueue_indirect_dma source(%arg8 : memref<128xf32, #tpu.memory_space<vmem>>) target(%dma_start3A_575 : memref<10240xf32, #tpu.memory_space<vmem_shared>>) offsets(%dma_start3A_573 : memref<128xi32, #tpu.memory_space<vmem>>) semaphore(%arg18 : memref<!tpu.dma_semaphore, #tpu.memory_space<semaphore_mem>>) {add = true}
    %dma_wait3A_576 = arith.constant 0 : i32
    %dma_wait3A_577 = arith.constant 1 : i32
    %dma_wait3A_578 = arith.constant 0 : i32
    %dma_wait3A_579 = tpu.memref_slice %arg7[%dma_wait3A_576, %dma_wait3A_577, %dma_wait3A_578] : memref<8x2x128xi32, #tpu.memory_space<vmem>> -> memref<1x1x128xi32, #tpu.memory_space<vmem>>
    %dma_wait3A_580 = tpu.memref_squeeze %dma_wait3A_579 : memref<1x1x128xi32, #tpu.memory_space<vmem>> -> memref<128xi32, #tpu.memory_space<vmem>>
    %dma_wait3A_581 = arith.constant 0 : i32
    %dma_wait3A_582 = tpu.memref_slice %arg9[%dma_wait3A_581] : memref<10240xf32, #tpu.memory_space<vmem_shared>> -> memref<10240xf32, #tpu.memory_space<vmem_shared>>
    tpu.wait_indirect_dma semaphore(%arg18 : memref<!tpu.dma_semaphore, #tpu.memory_space<semaphore_mem>>) src(%arg8 : memref<128xf32, #tpu.memory_space<vmem>>) dst(%dma_wait3A_582 : memref<10240xf32, #tpu.memory_space<vmem_shared>>)
    %dma_wait3A_583 = arith.constant 1 : i32
    %dma_wait3A_584 = arith.constant 1 : i32
    %dma_wait3A_585 = arith.constant 0 : i32
    %dma_wait3A_586 = tpu.memref_slice %arg7[%dma_wait3A_583, %dma_wait3A_584, %dma_wait3A_585] : memref<8x2x128xi32, #tpu.memory_space<vmem>> -> memref<1x1x128xi32, #tpu.memory_space<vmem>>
    %dma_wait3A_587 = tpu.memref_squeeze %dma_wait3A_586 : memref<1x1x128xi32, #tpu.memory_space<vmem>> -> memref<128xi32, #tpu.memory_space<vmem>>
    %dma_wait3A_588 = arith.constant 0 : i32
    %dma_wait3A_589 = tpu.memref_slice %arg9[%dma_wait3A_588] : memref<10240xf32, #tpu.memory_space<vmem_shared>> -> memref<10240xf32, #tpu.memory_space<vmem_shared>>
    tpu.wait_indirect_dma semaphore(%arg18 : memref<!tpu.dma_semaphore, #tpu.memory_space<semaphore_mem>>) src(%arg8 : memref<128xf32, #tpu.memory_space<vmem>>) dst(%dma_wait3A_589 : memref<10240xf32, #tpu.memory_space<vmem_shared>>)
    %dma_wait3A_590 = arith.constant 2 : i32
    %dma_wait3A_591 = arith.constant 1 : i32
    %dma_wait3A_592 = arith.constant 0 : i32
    %dma_wait3A_593 = tpu.memref_slice %arg7[%dma_wait3A_590, %dma_wait3A_591, %dma_wait3A_592] : memref<8x2x128xi32, #tpu.memory_space<vmem>> -> memref<1x1x128xi32, #tpu.memory_space<vmem>>
    %dma_wait3A_594 = tpu.memref_squeeze %dma_wait3A_593 : memref<1x1x128xi32, #tpu.memory_space<vmem>> -> memref<128xi32, #tpu.memory_space<vmem>>
    %dma_wait3A_595 = arith.constant 0 : i32
    %dma_wait3A_596 = tpu.memref_slice %arg9[%dma_wait3A_595] : memref<10240xf32, #tpu.memory_space<vmem_shared>> -> memref<10240xf32, #tpu.memory_space<vmem_shared>>
    tpu.wait_indirect_dma semaphore(%arg18 : memref<!tpu.dma_semaphore, #tpu.memory_space<semaphore_mem>>) src(%arg8 : memref<128xf32, #tpu.memory_space<vmem>>) dst(%dma_wait3A_596 : memref<10240xf32, #tpu.memory_space<vmem_shared>>)
    %dma_wait3A_597 = arith.constant 3 : i32
    %dma_wait3A_598 = arith.constant 1 : i32
    %dma_wait3A_599 = arith.constant 0 : i32
    %dma_wait3A_600 = tpu.memref_slice %arg7[%dma_wait3A_597, %dma_wait3A_598, %dma_wait3A_599] : memref<8x2x128xi32, #tpu.memory_space<vmem>> -> memref<1x1x128xi32, #tpu.memory_space<vmem>>
    %dma_wait3A_601 = tpu.memref_squeeze %dma_wait3A_600 : memref<1x1x128xi32, #tpu.memory_space<vmem>> -> memref<128xi32, #tpu.memory_space<vmem>>
    %dma_wait3A_602 = arith.constant 0 : i32
    %dma_wait3A_603 = tpu.memref_slice %arg9[%dma_wait3A_602] : memref<10240xf32, #tpu.memory_space<vmem_shared>> -> memref<10240xf32, #tpu.memory_space<vmem_shared>>
    tpu.wait_indirect_dma semaphore(%arg18 : memref<!tpu.dma_semaphore, #tpu.memory_space<semaphore_mem>>) src(%arg8 : memref<128xf32, #tpu.memory_space<vmem>>) dst(%dma_wait3A_603 : memref<10240xf32, #tpu.memory_space<vmem_shared>>)
    %dma_wait3A_604 = arith.constant 4 : i32
    %dma_wait3A_605 = arith.constant 1 : i32
    %dma_wait3A_606 = arith.constant 0 : i32
    %dma_wait3A_607 = tpu.memref_slice %arg7[%dma_wait3A_604, %dma_wait3A_605, %dma_wait3A_606] : memref<8x2x128xi32, #tpu.memory_space<vmem>> -> memref<1x1x128xi32, #tpu.memory_space<vmem>>
    %dma_wait3A_608 = tpu.memref_squeeze %dma_wait3A_607 : memref<1x1x128xi32, #tpu.memory_space<vmem>> -> memref<128xi32, #tpu.memory_space<vmem>>
    %dma_wait3A_609 = arith.constant 0 : i32
    %dma_wait3A_610 = tpu.memref_slice %arg9[%dma_wait3A_609] : memref<10240xf32, #tpu.memory_space<vmem_shared>> -> memref<10240xf32, #tpu.memory_space<vmem_shared>>
    tpu.wait_indirect_dma semaphore(%arg18 : memref<!tpu.dma_semaphore, #tpu.memory_space<semaphore_mem>>) src(%arg8 : memref<128xf32, #tpu.memory_space<vmem>>) dst(%dma_wait3A_610 : memref<10240xf32, #tpu.memory_space<vmem_shared>>)
    %dma_wait3A_611 = arith.constant 5 : i32
    %dma_wait3A_612 = arith.constant 1 : i32
    %dma_wait3A_613 = arith.constant 0 : i32
    %dma_wait3A_614 = tpu.memref_slice %arg7[%dma_wait3A_611, %dma_wait3A_612, %dma_wait3A_613] : memref<8x2x128xi32, #tpu.memory_space<vmem>> -> memref<1x1x128xi32, #tpu.memory_space<vmem>>
    %dma_wait3A_615 = tpu.memref_squeeze %dma_wait3A_614 : memref<1x1x128xi32, #tpu.memory_space<vmem>> -> memref<128xi32, #tpu.memory_space<vmem>>
    %dma_wait3A_616 = arith.constant 0 : i32
    %dma_wait3A_617 = tpu.memref_slice %arg9[%dma_wait3A_616] : memref<10240xf32, #tpu.memory_space<vmem_shared>> -> memref<10240xf32, #tpu.memory_space<vmem_shared>>
    tpu.wait_indirect_dma semaphore(%arg18 : memref<!tpu.dma_semaphore, #tpu.memory_space<semaphore_mem>>) src(%arg8 : memref<128xf32, #tpu.memory_space<vmem>>) dst(%dma_wait3A_617 : memref<10240xf32, #tpu.memory_space<vmem_shared>>)
    %dma_wait3A_618 = arith.constant 6 : i32
    %dma_wait3A_619 = arith.constant 1 : i32
    %dma_wait3A_620 = arith.constant 0 : i32
    %dma_wait3A_621 = tpu.memref_slice %arg7[%dma_wait3A_618, %dma_wait3A_619, %dma_wait3A_620] : memref<8x2x128xi32, #tpu.memory_space<vmem>> -> memref<1x1x128xi32, #tpu.memory_space<vmem>>
    %dma_wait3A_622 = tpu.memref_squeeze %dma_wait3A_621 : memref<1x1x128xi32, #tpu.memory_space<vmem>> -> memref<128xi32, #tpu.memory_space<vmem>>
    %dma_wait3A_623 = arith.constant 0 : i32
    %dma_wait3A_624 = tpu.memref_slice %arg9[%dma_wait3A_623] : memref<10240xf32, #tpu.memory_space<vmem_shared>> -> memref<10240xf32, #tpu.memory_space<vmem_shared>>
    tpu.wait_indirect_dma semaphore(%arg18 : memref<!tpu.dma_semaphore, #tpu.memory_space<semaphore_mem>>) src(%arg8 : memref<128xf32, #tpu.memory_space<vmem>>) dst(%dma_wait3A_624 : memref<10240xf32, #tpu.memory_space<vmem_shared>>)
    %dma_wait3A_625 = arith.constant 7 : i32
    %dma_wait3A_626 = arith.constant 1 : i32
    %dma_wait3A_627 = arith.constant 0 : i32
    %dma_wait3A_628 = tpu.memref_slice %arg7[%dma_wait3A_625, %dma_wait3A_626, %dma_wait3A_627] : memref<8x2x128xi32, #tpu.memory_space<vmem>> -> memref<1x1x128xi32, #tpu.memory_space<vmem>>
    %dma_wait3A_629 = tpu.memref_squeeze %dma_wait3A_628 : memref<1x1x128xi32, #tpu.memory_space<vmem>> -> memref<128xi32, #tpu.memory_space<vmem>>
    %dma_wait3A_630 = arith.constant 0 : i32
    %dma_wait3A_631 = tpu.memref_slice %arg9[%dma_wait3A_630] : memref<10240xf32, #tpu.memory_space<vmem_shared>> -> memref<10240xf32, #tpu.memory_space<vmem_shared>>
    tpu.wait_indirect_dma semaphore(%arg18 : memref<!tpu.dma_semaphore, #tpu.memory_space<semaphore_mem>>) src(%arg8 : memref<128xf32, #tpu.memory_space<vmem>>) dst(%dma_wait3A_631 : memref<10240xf32, #tpu.memory_space<vmem_shared>>)
    %barrier3A_632 = arith.constant 0 : index
    tpu.barrier barrier_id(%barrier3A_632)
    %mul3A_633 = arith.constant 640 : i32
    %mul3A_634 = arith.muli %arg1, %mul3A_633 : i32
    %mul3A_635 = arith.constant 640 : i32
    %mul3A_636 = arith.muli %arg1, %mul3A_635 : i32
    "tpu.region"() ({
      %run_scoped3A = tpu.sem_alloc : memref<!tpu.dma_semaphore, #tpu.memory_space<semaphore_mem>>
      %dma_start3A_637 = tpu.memref_slice %arg6[%arg0, %mul3A_636] : memref<2x10240xf32, #tpu.memory_space<hbm>> -> memref<1x640xf32, #tpu.memory_space<hbm>>
      %dma_start3A_638 = tpu.memref_squeeze %dma_start3A_637 : memref<1x640xf32, #tpu.memory_space<hbm>> -> memref<640xf32, #tpu.memory_space<hbm>>
      %dma_start3A_639 = tpu.memref_slice %arg9[%mul3A_634] : memref<10240xf32, #tpu.memory_space<vmem_shared>> -> memref<640xf32, #tpu.memory_space<vmem_shared>>
      tpu.enqueue_dma source(%dma_start3A_639 : memref<640xf32, #tpu.memory_space<vmem_shared>>) target(%dma_start3A_638 : memref<640xf32, #tpu.memory_space<hbm>>) target_semaphore(%run_scoped3A : memref<!tpu.dma_semaphore, #tpu.memory_space<semaphore_mem>>)
      %dma_wait3A_640 = tpu.memref_slice %arg6[%arg0, %mul3A_636] : memref<2x10240xf32, #tpu.memory_space<hbm>> -> memref<1x640xf32, #tpu.memory_space<hbm>>
      %dma_wait3A_641 = tpu.memref_squeeze %dma_wait3A_640 : memref<1x640xf32, #tpu.memory_space<hbm>> -> memref<640xf32, #tpu.memory_space<hbm>>
      %dma_wait3A_642 = tpu.memref_slice %arg9[%mul3A_634] : memref<10240xf32, #tpu.memory_space<vmem_shared>> -> memref<640xf32, #tpu.memory_space<vmem_shared>>
      tpu.wait_dma2 semaphore(%run_scoped3A : memref<!tpu.dma_semaphore, #tpu.memory_space<semaphore_mem>>) src(%dma_wait3A_642 : memref<640xf32, #tpu.memory_space<vmem_shared>>) dst(%dma_wait3A_641 : memref<640xf32, #tpu.memory_space<hbm>>)
      tpu.yield
    }) : () -> ()
    return
  }
}

#map = affine_map<(d0, d1) -> (0, 0)>
#map1 = affine_map<(d0, d1) -> (0, 0, 0)>
module attributes {stable_mosaic.version = 14 : i64} {
  func.func @scat(%arg0: i32, %arg1: i32, %arg2: memref<10000x128xf32, #tpu.memory_space<hbm>>, %arg3: memref<2x320000xi32, #tpu.memory_space<hbm>>, %arg4: memref<2x128xi32, #tpu.memory_space<hbm>>, %arg5: memref<10240x128xf32, #tpu.memory_space<hbm>>, %arg6: memref<2x10240x128xf32, #tpu.memory_space<hbm>>, %arg7: memref<4x2x128xi32, #tpu.memory_space<vmem>>, %arg8: memref<2x128x128xf32, #tpu.memory_space<vmem>>, %arg9: memref<10240x128xf32, #tpu.memory_space<vmem_shared>>, %arg10: memref<!tpu.dma_semaphore, #tpu.memory_space<semaphore_mem>>, %arg11: memref<!tpu.dma_semaphore, #tpu.memory_space<semaphore_mem>>, %arg12: memref<!tpu.dma_semaphore, #tpu.memory_space<semaphore_mem>>, %arg13: memref<!tpu.dma_semaphore, #tpu.memory_space<semaphore_mem>>, %arg14: memref<!tpu.dma_semaphore, #tpu.memory_space<semaphore_mem>>, %arg15: memref<!tpu.dma_semaphore, #tpu.memory_space<semaphore_mem>>, %arg16: memref<!tpu.dma_semaphore, #tpu.memory_space<semaphore_mem>>, %arg17: memref<!tpu.dma_semaphore, #tpu.memory_space<semaphore_mem>>, %arg18: memref<!tpu.dma_semaphore, #tpu.memory_space<semaphore_mem>>) attributes {dimension_semantics = [#tpu.dimension_semantics<core_parallel>, #tpu.dimension_semantics<subcore_parallel>], iteration_bounds = array<i64: 2, 16>, scalar_prefetch = 0 : i64, scratch_operands = 12 : i64, tpu.core_type = #tpu.core_type<sc_vector_subcore>, window_params = [{transform_indices = #map}, {transform_indices = #map}, {transform_indices = #map}, {transform_indices = #map}, {transform_indices = #map1}]} {
    %mul3A = arith.constant 2 : i32
    %mul3A_0 = arith.muli %arg1, %mul3A : i32
    %add3A = arith.addi %mul3A_0, %arg0 : i32
    %lt3A = arith.constant 4 : i32
    %lt3A_1 = arith.cmpi slt, %add3A, %lt3A : i32
    %jit3A = arith.constant 1 : i32
    %jit3A_2 = arith.constant 0 : i32
    %select_n3A = arith.select %lt3A_1, %jit3A, %jit3A_2 : i32
    %add3A_3 = arith.constant 78 : i32
    %add3A_4 = arith.addi %add3A_3, %select_n3A : i32
    %mul3A_5 = arith.constant 9984 : i32
    %mul3A_6 = arith.muli %add3A, %mul3A_5 : i32
    %mul3A_7 = arith.constant 640 : i32
    %mul3A_8 = arith.muli %arg1, %mul3A_7 : i32
    %mul3A_9 = arith.constant 640 : i32
    %mul3A_10 = arith.muli %arg1, %mul3A_9 : i32
    %dma_start3A = arith.constant 0 : i32
    %dma_start3A_11 = tpu.memref_slice %arg9[%mul3A_10, %dma_start3A] : memref<10240x128xf32, #tpu.memory_space<vmem_shared>> -> memref<640x128xf32, #tpu.memory_space<vmem_shared>>
    %dma_start3A_12 = arith.constant 0 : i32
    %dma_start3A_13 = tpu.memref_slice %arg5[%mul3A_8, %dma_start3A_12] : memref<10240x128xf32, #tpu.memory_space<hbm>> -> memref<640x128xf32, #tpu.memory_space<hbm>>
    tpu.enqueue_dma source(%dma_start3A_13 : memref<640x128xf32, #tpu.memory_space<hbm>>) target(%dma_start3A_11 : memref<640x128xf32, #tpu.memory_space<vmem_shared>>) target_semaphore(%arg18 : memref<!tpu.dma_semaphore, #tpu.memory_space<semaphore_mem>>)
    %add3A_14 = arith.constant 0 : i32
    %add3A_15 = arith.addi %mul3A_6, %add3A_14 : i32
    %dma_start3A_16 = arith.constant 0 : i32
    %dma_start3A_17 = arith.constant 0 : i32
    %dma_start3A_18 = arith.constant 0 : i32
    %dma_start3A_19 = tpu.memref_slice %arg7[%dma_start3A_16, %dma_start3A_17, %dma_start3A_18] : memref<4x2x128xi32, #tpu.memory_space<vmem>> -> memref<1x2x128xi32, #tpu.memory_space<vmem>>
    %dma_start3A_20 = tpu.memref_squeeze %dma_start3A_19 : memref<1x2x128xi32, #tpu.memory_space<vmem>> -> memref<2x128xi32, #tpu.memory_space<vmem>>
    %dma_start3A_21 = arith.constant 0 : i32
    %dma_start3A_22 = tpu.memref_slice %arg3[%dma_start3A_21, %add3A_15] : memref<2x320000xi32, #tpu.memory_space<hbm>> -> memref<2x128xi32, #tpu.memory_space<hbm>>
    %dma_start3A_23 = arith.constant 0 : i32
    %dma_start3A_24 = arith.constant 0 : i32
    %dma_start3A_25 = tpu.memref_slice %arg7[%dma_start3A_16, %dma_start3A_23, %dma_start3A_24] : memref<4x2x128xi32, #tpu.memory_space<vmem>> -> memref<1x2x128xi32, #tpu.memory_space<vmem>>
    %dma_start3A_26 = tpu.memref_squeeze %dma_start3A_25 : memref<1x2x128xi32, #tpu.memory_space<vmem>> -> memref<2x128xi32, #tpu.memory_space<vmem>>
    %dma_start3A_27 = arith.constant 0 : i32
    %dma_start3A_28 = tpu.memref_slice %arg3[%dma_start3A_27, %add3A_15] : memref<2x320000xi32, #tpu.memory_space<hbm>> -> memref<2x128xi32, #tpu.memory_space<hbm>>
    tpu.enqueue_dma source(%dma_start3A_28 : memref<2x128xi32, #tpu.memory_space<hbm>>) target(%dma_start3A_26 : memref<2x128xi32, #tpu.memory_space<vmem>>) target_semaphore(%arg10 : memref<!tpu.dma_semaphore, #tpu.memory_space<semaphore_mem>>)
    %add3A_29 = arith.constant 128 : i32
    %add3A_30 = arith.addi %mul3A_6, %add3A_29 : i32
    %dma_start3A_31 = arith.constant 1 : i32
    %dma_start3A_32 = arith.constant 0 : i32
    %dma_start3A_33 = arith.constant 0 : i32
    %dma_start3A_34 = tpu.memref_slice %arg7[%dma_start3A_31, %dma_start3A_32, %dma_start3A_33] : memref<4x2x128xi32, #tpu.memory_space<vmem>> -> memref<1x2x128xi32, #tpu.memory_space<vmem>>
    %dma_start3A_35 = tpu.memref_squeeze %dma_start3A_34 : memref<1x2x128xi32, #tpu.memory_space<vmem>> -> memref<2x128xi32, #tpu.memory_space<vmem>>
    %dma_start3A_36 = arith.constant 0 : i32
    %dma_start3A_37 = tpu.memref_slice %arg3[%dma_start3A_36, %add3A_30] : memref<2x320000xi32, #tpu.memory_space<hbm>> -> memref<2x128xi32, #tpu.memory_space<hbm>>
    %dma_start3A_38 = arith.constant 0 : i32
    %dma_start3A_39 = arith.constant 0 : i32
    %dma_start3A_40 = tpu.memref_slice %arg7[%dma_start3A_31, %dma_start3A_38, %dma_start3A_39] : memref<4x2x128xi32, #tpu.memory_space<vmem>> -> memref<1x2x128xi32, #tpu.memory_space<vmem>>
    %dma_start3A_41 = tpu.memref_squeeze %dma_start3A_40 : memref<1x2x128xi32, #tpu.memory_space<vmem>> -> memref<2x128xi32, #tpu.memory_space<vmem>>
    %dma_start3A_42 = arith.constant 0 : i32
    %dma_start3A_43 = tpu.memref_slice %arg3[%dma_start3A_42, %add3A_30] : memref<2x320000xi32, #tpu.memory_space<hbm>> -> memref<2x128xi32, #tpu.memory_space<hbm>>
    tpu.enqueue_dma source(%dma_start3A_43 : memref<2x128xi32, #tpu.memory_space<hbm>>) target(%dma_start3A_41 : memref<2x128xi32, #tpu.memory_space<vmem>>) target_semaphore(%arg11 : memref<!tpu.dma_semaphore, #tpu.memory_space<semaphore_mem>>)
    %add3A_44 = arith.constant 256 : i32
    %add3A_45 = arith.addi %mul3A_6, %add3A_44 : i32
    %dma_start3A_46 = arith.constant 2 : i32
    %dma_start3A_47 = arith.constant 0 : i32
    %dma_start3A_48 = arith.constant 0 : i32
    %dma_start3A_49 = tpu.memref_slice %arg7[%dma_start3A_46, %dma_start3A_47, %dma_start3A_48] : memref<4x2x128xi32, #tpu.memory_space<vmem>> -> memref<1x2x128xi32, #tpu.memory_space<vmem>>
    %dma_start3A_50 = tpu.memref_squeeze %dma_start3A_49 : memref<1x2x128xi32, #tpu.memory_space<vmem>> -> memref<2x128xi32, #tpu.memory_space<vmem>>
    %dma_start3A_51 = arith.constant 0 : i32
    %dma_start3A_52 = tpu.memref_slice %arg3[%dma_start3A_51, %add3A_45] : memref<2x320000xi32, #tpu.memory_space<hbm>> -> memref<2x128xi32, #tpu.memory_space<hbm>>
    %dma_start3A_53 = arith.constant 0 : i32
    %dma_start3A_54 = arith.constant 0 : i32
    %dma_start3A_55 = tpu.memref_slice %arg7[%dma_start3A_46, %dma_start3A_53, %dma_start3A_54] : memref<4x2x128xi32, #tpu.memory_space<vmem>> -> memref<1x2x128xi32, #tpu.memory_space<vmem>>
    %dma_start3A_56 = tpu.memref_squeeze %dma_start3A_55 : memref<1x2x128xi32, #tpu.memory_space<vmem>> -> memref<2x128xi32, #tpu.memory_space<vmem>>
    %dma_start3A_57 = arith.constant 0 : i32
    %dma_start3A_58 = tpu.memref_slice %arg3[%dma_start3A_57, %add3A_45] : memref<2x320000xi32, #tpu.memory_space<hbm>> -> memref<2x128xi32, #tpu.memory_space<hbm>>
    tpu.enqueue_dma source(%dma_start3A_58 : memref<2x128xi32, #tpu.memory_space<hbm>>) target(%dma_start3A_56 : memref<2x128xi32, #tpu.memory_space<vmem>>) target_semaphore(%arg12 : memref<!tpu.dma_semaphore, #tpu.memory_space<semaphore_mem>>)
    %add3A_59 = arith.constant 384 : i32
    %add3A_60 = arith.addi %mul3A_6, %add3A_59 : i32
    %dma_start3A_61 = arith.constant 3 : i32
    %dma_start3A_62 = arith.constant 0 : i32
    %dma_start3A_63 = arith.constant 0 : i32
    %dma_start3A_64 = tpu.memref_slice %arg7[%dma_start3A_61, %dma_start3A_62, %dma_start3A_63] : memref<4x2x128xi32, #tpu.memory_space<vmem>> -> memref<1x2x128xi32, #tpu.memory_space<vmem>>
    %dma_start3A_65 = tpu.memref_squeeze %dma_start3A_64 : memref<1x2x128xi32, #tpu.memory_space<vmem>> -> memref<2x128xi32, #tpu.memory_space<vmem>>
    %dma_start3A_66 = arith.constant 0 : i32
    %dma_start3A_67 = tpu.memref_slice %arg3[%dma_start3A_66, %add3A_60] : memref<2x320000xi32, #tpu.memory_space<hbm>> -> memref<2x128xi32, #tpu.memory_space<hbm>>
    %dma_start3A_68 = arith.constant 0 : i32
    %dma_start3A_69 = arith.constant 0 : i32
    %dma_start3A_70 = tpu.memref_slice %arg7[%dma_start3A_61, %dma_start3A_68, %dma_start3A_69] : memref<4x2x128xi32, #tpu.memory_space<vmem>> -> memref<1x2x128xi32, #tpu.memory_space<vmem>>
    %dma_start3A_71 = tpu.memref_squeeze %dma_start3A_70 : memref<1x2x128xi32, #tpu.memory_space<vmem>> -> memref<2x128xi32, #tpu.memory_space<vmem>>
    %dma_start3A_72 = arith.constant 0 : i32
    %dma_start3A_73 = tpu.memref_slice %arg3[%dma_start3A_72, %add3A_60] : memref<2x320000xi32, #tpu.memory_space<hbm>> -> memref<2x128xi32, #tpu.memory_space<hbm>>
    tpu.enqueue_dma source(%dma_start3A_73 : memref<2x128xi32, #tpu.memory_space<hbm>>) target(%dma_start3A_71 : memref<2x128xi32, #tpu.memory_space<vmem>>) target_semaphore(%arg13 : memref<!tpu.dma_semaphore, #tpu.memory_space<semaphore_mem>>)
    %dma_wait3A = arith.constant 0 : i32
    %dma_wait3A_74 = arith.constant 0 : i32
    %dma_wait3A_75 = arith.constant 0 : i32
    %dma_wait3A_76 = tpu.memref_slice %arg7[%dma_wait3A, %dma_wait3A_74, %dma_wait3A_75] : memref<4x2x128xi32, #tpu.memory_space<vmem>> -> memref<1x2x128xi32, #tpu.memory_space<vmem>>
    %dma_wait3A_77 = tpu.memref_squeeze %dma_wait3A_76 : memref<1x2x128xi32, #tpu.memory_space<vmem>> -> memref<2x128xi32, #tpu.memory_space<vmem>>
    %dma_wait3A_78 = arith.constant 0 : i32
    %dma_wait3A_79 = arith.constant 0 : i32
    %dma_wait3A_80 = tpu.memref_slice %arg7[%dma_wait3A, %dma_wait3A_78, %dma_wait3A_79] : memref<4x2x128xi32, #tpu.memory_space<vmem>> -> memref<1x2x128xi32, #tpu.memory_space<vmem>>
    %dma_wait3A_81 = tpu.memref_squeeze %dma_wait3A_80 : memref<1x2x128xi32, #tpu.memory_space<vmem>> -> memref<2x128xi32, #tpu.memory_space<vmem>>
    tpu.wait_dma2 semaphore(%arg10 : memref<!tpu.dma_semaphore, #tpu.memory_space<semaphore_mem>>) src(%arg4 : memref<2x128xi32, #tpu.memory_space<hbm>>) dst(%dma_wait3A_81 : memref<2x128xi32, #tpu.memory_space<vmem>>)
    %dma_start3A_82 = arith.constant 0 : i32
    %dma_start3A_83 = arith.constant 0 : i32
    %dma_start3A_84 = arith.constant 0 : i32
    %dma_start3A_85 = arith.constant 0 : i32
    %dma_start3A_86 = arith.constant 0 : i32
    %dma_start3A_87 = tpu.memref_slice %arg8[%dma_start3A_84, %dma_start3A_85, %dma_start3A_86] : memref<2x128x128xf32, #tpu.memory_space<vmem>> -> memref<1x128x128xf32, #tpu.memory_space<vmem>>
    %dma_start3A_88 = tpu.memref_squeeze %dma_start3A_87 : memref<1x128x128xf32, #tpu.memory_space<vmem>> -> memref<128x128xf32, #tpu.memory_space<vmem>>
    %dma_start3A_89 = arith.constant 0 : i32
    %dma_start3A_90 = tpu.memref_slice %arg7[%dma_start3A_82, %dma_start3A_83, %dma_start3A_89] : memref<4x2x128xi32, #tpu.memory_space<vmem>> -> memref<1x1x128xi32, #tpu.memory_space<vmem>>
    %dma_start3A_91 = tpu.memref_squeeze %dma_start3A_90 : memref<1x1x128xi32, #tpu.memory_space<vmem>> -> memref<128xi32, #tpu.memory_space<vmem>>
    %dma_start3A_92 = arith.constant 0 : i32
    %dma_start3A_93 = arith.constant 0 : i32
    %dma_start3A_94 = tpu.memref_slice %arg2[%dma_start3A_92, %dma_start3A_93] : memref<10000x128xf32, #tpu.memory_space<hbm>> -> memref<10000x128xf32, #tpu.memory_space<hbm>>
    tpu.enqueue_indirect_dma source(%dma_start3A_94 : memref<10000x128xf32, #tpu.memory_space<hbm>>) target(%dma_start3A_88 : memref<128x128xf32, #tpu.memory_space<vmem>>) offsets(%dma_start3A_91 : memref<128xi32, #tpu.memory_space<vmem>>) semaphore(%arg14 : memref<!tpu.dma_semaphore, #tpu.memory_space<semaphore_mem>>)
    %mul3A_95 = arith.constant 640 : i32
    %mul3A_96 = arith.muli %arg1, %mul3A_95 : i32
    %mul3A_97 = arith.constant 640 : i32
    %mul3A_98 = arith.muli %arg1, %mul3A_97 : i32
    %dma_wait3A_99 = arith.constant 0 : i32
    %dma_wait3A_100 = tpu.memref_slice %arg9[%mul3A_98, %dma_wait3A_99] : memref<10240x128xf32, #tpu.memory_space<vmem_shared>> -> memref<640x128xf32, #tpu.memory_space<vmem_shared>>
    %dma_wait3A_101 = arith.constant 0 : i32
    %dma_wait3A_102 = tpu.memref_slice %arg5[%mul3A_96, %dma_wait3A_101] : memref<10240x128xf32, #tpu.memory_space<hbm>> -> memref<640x128xf32, #tpu.memory_space<hbm>>
    tpu.wait_dma2 semaphore(%arg18 : memref<!tpu.dma_semaphore, #tpu.memory_space<semaphore_mem>>) src(%dma_wait3A_102 : memref<640x128xf32, #tpu.memory_space<hbm>>) dst(%dma_wait3A_100 : memref<640x128xf32, #tpu.memory_space<vmem_shared>>)
    %barrier3A = arith.constant 0 : index
    tpu.barrier barrier_id(%barrier3A)
    %scan3A = arith.constant 0 : i32
    %scan3A_103 = arith.constant 0 : i32
    %scan3A_104 = arith.constant 18 : i32
    %scan3A_105 = arith.addi %scan3A_103, %scan3A_104 : i32
    %scan3A_106 = arith.constant 1 : i32
    scf.for %scan3A_462 = %scan3A_103 to %scan3A_105 step %scan3A_106  : i32 {
      %dma_wait3A_463 = arith.constant 1 : i32
      %dma_wait3A_464 = arith.constant 0 : i32
      %dma_wait3A_465 = arith.constant 0 : i32
      %dma_wait3A_466 = tpu.memref_slice %arg7[%dma_wait3A_463, %dma_wait3A_464, %dma_wait3A_465] : memref<4x2x128xi32, #tpu.memory_space<vmem>> -> memref<1x2x128xi32, #tpu.memory_space<vmem>>
      %dma_wait3A_467 = tpu.memref_squeeze %dma_wait3A_466 : memref<1x2x128xi32, #tpu.memory_space<vmem>> -> memref<2x128xi32, #tpu.memory_space<vmem>>
      %dma_wait3A_468 = arith.constant 0 : i32
      %dma_wait3A_469 = arith.constant 0 : i32
      %dma_wait3A_470 = tpu.memref_slice %arg7[%dma_wait3A_463, %dma_wait3A_468, %dma_wait3A_469] : memref<4x2x128xi32, #tpu.memory_space<vmem>> -> memref<1x2x128xi32, #tpu.memory_space<vmem>>
      %dma_wait3A_471 = tpu.memref_squeeze %dma_wait3A_470 : memref<1x2x128xi32, #tpu.memory_space<vmem>> -> memref<2x128xi32, #tpu.memory_space<vmem>>
      tpu.wait_dma2 semaphore(%arg11 : memref<!tpu.dma_semaphore, #tpu.memory_space<semaphore_mem>>) src(%arg4 : memref<2x128xi32, #tpu.memory_space<hbm>>) dst(%dma_wait3A_471 : memref<2x128xi32, #tpu.memory_space<vmem>>)
      %dma_start3A_472 = arith.constant 1 : i32
      %dma_start3A_473 = arith.constant 0 : i32
      %dma_start3A_474 = arith.constant 1 : i32
      %dma_start3A_475 = arith.constant 0 : i32
      %dma_start3A_476 = arith.constant 0 : i32
      %dma_start3A_477 = tpu.memref_slice %arg8[%dma_start3A_474, %dma_start3A_475, %dma_start3A_476] : memref<2x128x128xf32, #tpu.memory_space<vmem>> -> memref<1x128x128xf32, #tpu.memory_space<vmem>>
      %dma_start3A_478 = tpu.memref_squeeze %dma_start3A_477 : memref<1x128x128xf32, #tpu.memory_space<vmem>> -> memref<128x128xf32, #tpu.memory_space<vmem>>
      %dma_start3A_479 = arith.constant 0 : i32
      %dma_start3A_480 = tpu.memref_slice %arg7[%dma_start3A_472, %dma_start3A_473, %dma_start3A_479] : memref<4x2x128xi32, #tpu.memory_space<vmem>> -> memref<1x1x128xi32, #tpu.memory_space<vmem>>
      %dma_start3A_481 = tpu.memref_squeeze %dma_start3A_480 : memref<1x1x128xi32, #tpu.memory_space<vmem>> -> memref<128xi32, #tpu.memory_space<vmem>>
      %dma_start3A_482 = arith.constant 0 : i32
      %dma_start3A_483 = arith.constant 0 : i32
      %dma_start3A_484 = tpu.memref_slice %arg2[%dma_start3A_482, %dma_start3A_483] : memref<10000x128xf32, #tpu.memory_space<hbm>> -> memref<10000x128xf32, #tpu.memory_space<hbm>>
      tpu.enqueue_indirect_dma source(%dma_start3A_484 : memref<10000x128xf32, #tpu.memory_space<hbm>>) target(%dma_start3A_478 : memref<128x128xf32, #tpu.memory_space<vmem>>) offsets(%dma_start3A_481 : memref<128xi32, #tpu.memory_space<vmem>>) semaphore(%arg15 : memref<!tpu.dma_semaphore, #tpu.memory_space<semaphore_mem>>)
      %dma_wait3A_485 = arith.constant 0 : i32
      %dma_wait3A_486 = arith.constant 0 : i32
      %dma_wait3A_487 = arith.constant 0 : i32
      %dma_wait3A_488 = arith.constant 0 : i32
      %dma_wait3A_489 = arith.constant 0 : i32
      %dma_wait3A_490 = tpu.memref_slice %arg8[%dma_wait3A_487, %dma_wait3A_488, %dma_wait3A_489] : memref<2x128x128xf32, #tpu.memory_space<vmem>> -> memref<1x128x128xf32, #tpu.memory_space<vmem>>
      %dma_wait3A_491 = tpu.memref_squeeze %dma_wait3A_490 : memref<1x128x128xf32, #tpu.memory_space<vmem>> -> memref<128x128xf32, #tpu.memory_space<vmem>>
      %dma_wait3A_492 = arith.constant 0 : i32
      %dma_wait3A_493 = tpu.memref_slice %arg7[%dma_wait3A_485, %dma_wait3A_486, %dma_wait3A_492] : memref<4x2x128xi32, #tpu.memory_space<vmem>> -> memref<1x1x128xi32, #tpu.memory_space<vmem>>
      %dma_wait3A_494 = tpu.memref_squeeze %dma_wait3A_493 : memref<1x1x128xi32, #tpu.memory_space<vmem>> -> memref<128xi32, #tpu.memory_space<vmem>>
      %dma_wait3A_495 = arith.constant 0 : i32
      %dma_wait3A_496 = arith.constant 0 : i32
      %dma_wait3A_497 = tpu.memref_slice %arg2[%dma_wait3A_495, %dma_wait3A_496] : memref<10000x128xf32, #tpu.memory_space<hbm>> -> memref<10000x128xf32, #tpu.memory_space<hbm>>
      tpu.wait_indirect_dma semaphore(%arg14 : memref<!tpu.dma_semaphore, #tpu.memory_space<semaphore_mem>>) src(%dma_wait3A_497 : memref<10000x128xf32, #tpu.memory_space<hbm>>) dst(%dma_wait3A_491 : memref<128x128xf32, #tpu.memory_space<vmem>>)
      %run_scoped3A_498 = arith.constant 0 : i32
      %run_scoped3A_499 = arith.constant 0 : i32
      %run_scoped3A_500 = arith.constant 1 : i32
      "tpu.region"() ({
        %run_scoped3A_703 = tpu.sem_alloc : memref<!tpu.dma_semaphore, #tpu.memory_space<semaphore_mem>>
        %dma_start3A_704 = arith.constant 0 : i32
        %dma_start3A_705 = arith.constant 0 : i32
        %dma_start3A_706 = tpu.memref_slice %arg8[%run_scoped3A_498, %dma_start3A_704, %dma_start3A_705] : memref<2x128x128xf32, #tpu.memory_space<vmem>> -> memref<1x128x128xf32, #tpu.memory_space<vmem>>
        %dma_start3A_707 = tpu.memref_squeeze %dma_start3A_706 : memref<1x128x128xf32, #tpu.memory_space<vmem>> -> memref<128x128xf32, #tpu.memory_space<vmem>>
        %dma_start3A_708 = arith.constant 0 : i32
        %dma_start3A_709 = tpu.memref_slice %arg7[%run_scoped3A_499, %run_scoped3A_500, %dma_start3A_708] : memref<4x2x128xi32, #tpu.memory_space<vmem>> -> memref<1x1x128xi32, #tpu.memory_space<vmem>>
        %dma_start3A_710 = tpu.memref_squeeze %dma_start3A_709 : memref<1x1x128xi32, #tpu.memory_space<vmem>> -> memref<128xi32, #tpu.memory_space<vmem>>
        %dma_start3A_711 = arith.constant 0 : i32
        %dma_start3A_712 = arith.constant 0 : i32
        %dma_start3A_713 = tpu.memref_slice %arg9[%dma_start3A_711, %dma_start3A_712] : memref<10240x128xf32, #tpu.memory_space<vmem_shared>> -> memref<10240x128xf32, #tpu.memory_space<vmem_shared>>
        tpu.enqueue_indirect_dma source(%dma_start3A_707 : memref<128x128xf32, #tpu.memory_space<vmem>>) target(%dma_start3A_713 : memref<10240x128xf32, #tpu.memory_space<vmem_shared>>) offsets(%dma_start3A_710 : memref<128xi32, #tpu.memory_space<vmem>>) semaphore(%run_scoped3A_703 : memref<!tpu.dma_semaphore, #tpu.memory_space<semaphore_mem>>) {add = true}
        %dma_wait3A_714 = arith.constant 0 : i32
        %dma_wait3A_715 = arith.constant 0 : i32
        %dma_wait3A_716 = tpu.memref_slice %arg8[%run_scoped3A_498, %dma_wait3A_714, %dma_wait3A_715] : memref<2x128x128xf32, #tpu.memory_space<vmem>> -> memref<1x128x128xf32, #tpu.memory_space<vmem>>
        %dma_wait3A_717 = tpu.memref_squeeze %dma_wait3A_716 : memref<1x128x128xf32, #tpu.memory_space<vmem>> -> memref<128x128xf32, #tpu.memory_space<vmem>>
        %dma_wait3A_718 = arith.constant 0 : i32
        %dma_wait3A_719 = tpu.memref_slice %arg7[%run_scoped3A_499, %run_scoped3A_500, %dma_wait3A_718] : memref<4x2x128xi32, #tpu.memory_space<vmem>> -> memref<1x1x128xi32, #tpu.memory_space<vmem>>
        %dma_wait3A_720 = tpu.memref_squeeze %dma_wait3A_719 : memref<1x1x128xi32, #tpu.memory_space<vmem>> -> memref<128xi32, #tpu.memory_space<vmem>>
        %dma_wait3A_721 = arith.constant 0 : i32
        %dma_wait3A_722 = arith.constant 0 : i32
        %dma_wait3A_723 = tpu.memref_slice %arg9[%dma_wait3A_721, %dma_wait3A_722] : memref<10240x128xf32, #tpu.memory_space<vmem_shared>> -> memref<10240x128xf32, #tpu.memory_space<vmem_shared>>
        tpu.wait_indirect_dma semaphore(%run_scoped3A_703 : memref<!tpu.dma_semaphore, #tpu.memory_space<semaphore_mem>>) src(%dma_wait3A_717 : memref<128x128xf32, #tpu.memory_space<vmem>>) dst(%dma_wait3A_723 : memref<10240x128xf32, #tpu.memory_space<vmem_shared>>)
        tpu.yield
      }) : () -> ()
      %mul3A_501 = arith.constant 4 : i32
      %mul3A_502 = arith.muli %mul3A_501, %scan3A_462 : i32
      %add3A_503 = arith.constant 0 : i32
      %add3A_504 = arith.addi %mul3A_502, %add3A_503 : i32
      %add3A_505 = arith.constant 4 : i32
      %add3A_506 = arith.addi %add3A_504, %add3A_505 : i32
      %mul3A_507 = arith.constant 128 : i32
      %mul3A_508 = arith.muli %add3A_506, %mul3A_507 : i32
      %add3A_509 = arith.addi %mul3A_6, %mul3A_508 : i32
      %dma_start3A_510 = arith.constant 0 : i32
      %dma_start3A_511 = arith.constant 0 : i32
      %dma_start3A_512 = arith.constant 0 : i32
      %dma_start3A_513 = tpu.memref_slice %arg7[%dma_start3A_510, %dma_start3A_511, %dma_start3A_512] : memref<4x2x128xi32, #tpu.memory_space<vmem>> -> memref<1x2x128xi32, #tpu.memory_space<vmem>>
      %dma_start3A_514 = tpu.memref_squeeze %dma_start3A_513 : memref<1x2x128xi32, #tpu.memory_space<vmem>> -> memref<2x128xi32, #tpu.memory_space<vmem>>
      %dma_start3A_515 = arith.constant 0 : i32
      %dma_start3A_516 = tpu.memref_slice %arg3[%dma_start3A_515, %add3A_509] : memref<2x320000xi32, #tpu.memory_space<hbm>> -> memref<2x128xi32, #tpu.memory_space<hbm>>
      %dma_start3A_517 = arith.constant 0 : i32
      %dma_start3A_518 = arith.constant 0 : i32
      %dma_start3A_519 = tpu.memref_slice %arg7[%dma_start3A_510, %dma_start3A_517, %dma_start3A_518] : memref<4x2x128xi32, #tpu.memory_space<vmem>> -> memref<1x2x128xi32, #tpu.memory_space<vmem>>
      %dma_start3A_520 = tpu.memref_squeeze %dma_start3A_519 : memref<1x2x128xi32, #tpu.memory_space<vmem>> -> memref<2x128xi32, #tpu.memory_space<vmem>>
      %dma_start3A_521 = arith.constant 0 : i32
      %dma_start3A_522 = tpu.memref_slice %arg3[%dma_start3A_521, %add3A_509] : memref<2x320000xi32, #tpu.memory_space<hbm>> -> memref<2x128xi32, #tpu.memory_space<hbm>>
      tpu.enqueue_dma source(%dma_start3A_522 : memref<2x128xi32, #tpu.memory_space<hbm>>) target(%dma_start3A_520 : memref<2x128xi32, #tpu.memory_space<vmem>>) target_semaphore(%arg10 : memref<!tpu.dma_semaphore, #tpu.memory_space<semaphore_mem>>)
      %dma_wait3A_523 = arith.constant 2 : i32
      %dma_wait3A_524 = arith.constant 0 : i32
      %dma_wait3A_525 = arith.constant 0 : i32
      %dma_wait3A_526 = tpu.memref_slice %arg7[%dma_wait3A_523, %dma_wait3A_524, %dma_wait3A_525] : memref<4x2x128xi32, #tpu.memory_space<vmem>> -> memref<1x2x128xi32, #tpu.memory_space<vmem>>
      %dma_wait3A_527 = tpu.memref_squeeze %dma_wait3A_526 : memref<1x2x128xi32, #tpu.memory_space<vmem>> -> memref<2x128xi32, #tpu.memory_space<vmem>>
      %dma_wait3A_528 = arith.constant 0 : i32
      %dma_wait3A_529 = arith.constant 0 : i32
      %dma_wait3A_530 = tpu.memref_slice %arg7[%dma_wait3A_523, %dma_wait3A_528, %dma_wait3A_529] : memref<4x2x128xi32, #tpu.memory_space<vmem>> -> memref<1x2x128xi32, #tpu.memory_space<vmem>>
      %dma_wait3A_531 = tpu.memref_squeeze %dma_wait3A_530 : memref<1x2x128xi32, #tpu.memory_space<vmem>> -> memref<2x128xi32, #tpu.memory_space<vmem>>
      tpu.wait_dma2 semaphore(%arg12 : memref<!tpu.dma_semaphore, #tpu.memory_space<semaphore_mem>>) src(%arg4 : memref<2x128xi32, #tpu.memory_space<hbm>>) dst(%dma_wait3A_531 : memref<2x128xi32, #tpu.memory_space<vmem>>)
      %dma_start3A_532 = arith.constant 2 : i32
      %dma_start3A_533 = arith.constant 0 : i32
      %dma_start3A_534 = arith.constant 0 : i32
      %dma_start3A_535 = arith.constant 0 : i32
      %dma_start3A_536 = arith.constant 0 : i32
      %dma_start3A_537 = tpu.memref_slice %arg8[%dma_start3A_534, %dma_start3A_535, %dma_start3A_536] : memref<2x128x128xf32, #tpu.memory_space<vmem>> -> memref<1x128x128xf32, #tpu.memory_space<vmem>>
      %dma_start3A_538 = tpu.memref_squeeze %dma_start3A_537 : memref<1x128x128xf32, #tpu.memory_space<vmem>> -> memref<128x128xf32, #tpu.memory_space<vmem>>
      %dma_start3A_539 = arith.constant 0 : i32
      %dma_start3A_540 = tpu.memref_slice %arg7[%dma_start3A_532, %dma_start3A_533, %dma_start3A_539] : memref<4x2x128xi32, #tpu.memory_space<vmem>> -> memref<1x1x128xi32, #tpu.memory_space<vmem>>
      %dma_start3A_541 = tpu.memref_squeeze %dma_start3A_540 : memref<1x1x128xi32, #tpu.memory_space<vmem>> -> memref<128xi32, #tpu.memory_space<vmem>>
      %dma_start3A_542 = arith.constant 0 : i32
      %dma_start3A_543 = arith.constant 0 : i32
      %dma_start3A_544 = tpu.memref_slice %arg2[%dma_start3A_542, %dma_start3A_543] : memref<10000x128xf32, #tpu.memory_space<hbm>> -> memref<10000x128xf32, #tpu.memory_space<hbm>>
      tpu.enqueue_indirect_dma source(%dma_start3A_544 : memref<10000x128xf32, #tpu.memory_space<hbm>>) target(%dma_start3A_538 : memref<128x128xf32, #tpu.memory_space<vmem>>) offsets(%dma_start3A_541 : memref<128xi32, #tpu.memory_space<vmem>>) semaphore(%arg14 : memref<!tpu.dma_semaphore, #tpu.memory_space<semaphore_mem>>)
      %dma_wait3A_545 = arith.constant 1 : i32
      %dma_wait3A_546 = arith.constant 0 : i32
      %dma_wait3A_547 = arith.constant 1 : i32
      %dma_wait3A_548 = arith.constant 0 : i32
      %dma_wait3A_549 = arith.constant 0 : i32
      %dma_wait3A_550 = tpu.memref_slice %arg8[%dma_wait3A_547, %dma_wait3A_548, %dma_wait3A_549] : memref<2x128x128xf32, #tpu.memory_space<vmem>> -> memref<1x128x128xf32, #tpu.memory_space<vmem>>
      %dma_wait3A_551 = tpu.memref_squeeze %dma_wait3A_550 : memref<1x128x128xf32, #tpu.memory_space<vmem>> -> memref<128x128xf32, #tpu.memory_space<vmem>>
      %dma_wait3A_552 = arith.constant 0 : i32
      %dma_wait3A_553 = tpu.memref_slice %arg7[%dma_wait3A_545, %dma_wait3A_546, %dma_wait3A_552] : memref<4x2x128xi32, #tpu.memory_space<vmem>> -> memref<1x1x128xi32, #tpu.memory_space<vmem>>
      %dma_wait3A_554 = tpu.memref_squeeze %dma_wait3A_553 : memref<1x1x128xi32, #tpu.memory_space<vmem>> -> memref<128xi32, #tpu.memory_space<vmem>>
      %dma_wait3A_555 = arith.constant 0 : i32
      %dma_wait3A_556 = arith.constant 0 : i32
      %dma_wait3A_557 = tpu.memref_slice %arg2[%dma_wait3A_555, %dma_wait3A_556] : memref<10000x128xf32, #tpu.memory_space<hbm>> -> memref<10000x128xf32, #tpu.memory_space<hbm>>
      tpu.wait_indirect_dma semaphore(%arg15 : memref<!tpu.dma_semaphore, #tpu.memory_space<semaphore_mem>>) src(%dma_wait3A_557 : memref<10000x128xf32, #tpu.memory_space<hbm>>) dst(%dma_wait3A_551 : memref<128x128xf32, #tpu.memory_space<vmem>>)
      %run_scoped3A_558 = arith.constant 1 : i32
      %run_scoped3A_559 = arith.constant 1 : i32
      %run_scoped3A_560 = arith.constant 1 : i32
      "tpu.region"() ({
        %run_scoped3A_703 = tpu.sem_alloc : memref<!tpu.dma_semaphore, #tpu.memory_space<semaphore_mem>>
        %dma_start3A_704 = arith.constant 0 : i32
        %dma_start3A_705 = arith.constant 0 : i32
        %dma_start3A_706 = tpu.memref_slice %arg8[%run_scoped3A_558, %dma_start3A_704, %dma_start3A_705] : memref<2x128x128xf32, #tpu.memory_space<vmem>> -> memref<1x128x128xf32, #tpu.memory_space<vmem>>
        %dma_start3A_707 = tpu.memref_squeeze %dma_start3A_706 : memref<1x128x128xf32, #tpu.memory_space<vmem>> -> memref<128x128xf32, #tpu.memory_space<vmem>>
        %dma_start3A_708 = arith.constant 0 : i32
        %dma_start3A_709 = tpu.memref_slice %arg7[%run_scoped3A_559, %run_scoped3A_560, %dma_start3A_708] : memref<4x2x128xi32, #tpu.memory_space<vmem>> -> memref<1x1x128xi32, #tpu.memory_space<vmem>>
        %dma_start3A_710 = tpu.memref_squeeze %dma_start3A_709 : memref<1x1x128xi32, #tpu.memory_space<vmem>> -> memref<128xi32, #tpu.memory_space<vmem>>
        %dma_start3A_711 = arith.constant 0 : i32
        %dma_start3A_712 = arith.constant 0 : i32
        %dma_start3A_713 = tpu.memref_slice %arg9[%dma_start3A_711, %dma_start3A_712] : memref<10240x128xf32, #tpu.memory_space<vmem_shared>> -> memref<10240x128xf32, #tpu.memory_space<vmem_shared>>
        tpu.enqueue_indirect_dma source(%dma_start3A_707 : memref<128x128xf32, #tpu.memory_space<vmem>>) target(%dma_start3A_713 : memref<10240x128xf32, #tpu.memory_space<vmem_shared>>) offsets(%dma_start3A_710 : memref<128xi32, #tpu.memory_space<vmem>>) semaphore(%run_scoped3A_703 : memref<!tpu.dma_semaphore, #tpu.memory_space<semaphore_mem>>) {add = true}
        %dma_wait3A_714 = arith.constant 0 : i32
        %dma_wait3A_715 = arith.constant 0 : i32
        %dma_wait3A_716 = tpu.memref_slice %arg8[%run_scoped3A_558, %dma_wait3A_714, %dma_wait3A_715] : memref<2x128x128xf32, #tpu.memory_space<vmem>> -> memref<1x128x128xf32, #tpu.memory_space<vmem>>
        %dma_wait3A_717 = tpu.memref_squeeze %dma_wait3A_716 : memref<1x128x128xf32, #tpu.memory_space<vmem>> -> memref<128x128xf32, #tpu.memory_space<vmem>>
        %dma_wait3A_718 = arith.constant 0 : i32
        %dma_wait3A_719 = tpu.memref_slice %arg7[%run_scoped3A_559, %run_scoped3A_560, %dma_wait3A_718] : memref<4x2x128xi32, #tpu.memory_space<vmem>> -> memref<1x1x128xi32, #tpu.memory_space<vmem>>
        %dma_wait3A_720 = tpu.memref_squeeze %dma_wait3A_719 : memref<1x1x128xi32, #tpu.memory_space<vmem>> -> memref<128xi32, #tpu.memory_space<vmem>>
        %dma_wait3A_721 = arith.constant 0 : i32
        %dma_wait3A_722 = arith.constant 0 : i32
        %dma_wait3A_723 = tpu.memref_slice %arg9[%dma_wait3A_721, %dma_wait3A_722] : memref<10240x128xf32, #tpu.memory_space<vmem_shared>> -> memref<10240x128xf32, #tpu.memory_space<vmem_shared>>
        tpu.wait_indirect_dma semaphore(%run_scoped3A_703 : memref<!tpu.dma_semaphore, #tpu.memory_space<semaphore_mem>>) src(%dma_wait3A_717 : memref<128x128xf32, #tpu.memory_space<vmem>>) dst(%dma_wait3A_723 : memref<10240x128xf32, #tpu.memory_space<vmem_shared>>)
        tpu.yield
      }) : () -> ()
      %mul3A_561 = arith.constant 4 : i32
      %mul3A_562 = arith.muli %mul3A_561, %scan3A_462 : i32
      %add3A_563 = arith.constant 1 : i32
      %add3A_564 = arith.addi %mul3A_562, %add3A_563 : i32
      %add3A_565 = arith.constant 4 : i32
      %add3A_566 = arith.addi %add3A_564, %add3A_565 : i32
      %mul3A_567 = arith.constant 128 : i32
      %mul3A_568 = arith.muli %add3A_566, %mul3A_567 : i32
      %add3A_569 = arith.addi %mul3A_6, %mul3A_568 : i32
      %dma_start3A_570 = arith.constant 1 : i32
      %dma_start3A_571 = arith.constant 0 : i32
      %dma_start3A_572 = arith.constant 0 : i32
      %dma_start3A_573 = tpu.memref_slice %arg7[%dma_start3A_570, %dma_start3A_571, %dma_start3A_572] : memref<4x2x128xi32, #tpu.memory_space<vmem>> -> memref<1x2x128xi32, #tpu.memory_space<vmem>>
      %dma_start3A_574 = tpu.memref_squeeze %dma_start3A_573 : memref<1x2x128xi32, #tpu.memory_space<vmem>> -> memref<2x128xi32, #tpu.memory_space<vmem>>
      %dma_start3A_575 = arith.constant 0 : i32
      %dma_start3A_576 = tpu.memref_slice %arg3[%dma_start3A_575, %add3A_569] : memref<2x320000xi32, #tpu.memory_space<hbm>> -> memref<2x128xi32, #tpu.memory_space<hbm>>
      %dma_start3A_577 = arith.constant 0 : i32
      %dma_start3A_578 = arith.constant 0 : i32
      %dma_start3A_579 = tpu.memref_slice %arg7[%dma_start3A_570, %dma_start3A_577, %dma_start3A_578] : memref<4x2x128xi32, #tpu.memory_space<vmem>> -> memref<1x2x128xi32, #tpu.memory_space<vmem>>
      %dma_start3A_580 = tpu.memref_squeeze %dma_start3A_579 : memref<1x2x128xi32, #tpu.memory_space<vmem>> -> memref<2x128xi32, #tpu.memory_space<vmem>>
      %dma_start3A_581 = arith.constant 0 : i32
      %dma_start3A_582 = tpu.memref_slice %arg3[%dma_start3A_581, %add3A_569] : memref<2x320000xi32, #tpu.memory_space<hbm>> -> memref<2x128xi32, #tpu.memory_space<hbm>>
      tpu.enqueue_dma source(%dma_start3A_582 : memref<2x128xi32, #tpu.memory_space<hbm>>) target(%dma_start3A_580 : memref<2x128xi32, #tpu.memory_space<vmem>>) target_semaphore(%arg11 : memref<!tpu.dma_semaphore, #tpu.memory_space<semaphore_mem>>)
      %dma_wait3A_583 = arith.constant 3 : i32
      %dma_wait3A_584 = arith.constant 0 : i32
      %dma_wait3A_585 = arith.constant 0 : i32
      %dma_wait3A_586 = tpu.memref_slice %arg7[%dma_wait3A_583, %dma_wait3A_584, %dma_wait3A_585] : memref<4x2x128xi32, #tpu.memory_space<vmem>> -> memref<1x2x128xi32, #tpu.memory_space<vmem>>
      %dma_wait3A_587 = tpu.memref_squeeze %dma_wait3A_586 : memref<1x2x128xi32, #tpu.memory_space<vmem>> -> memref<2x128xi32, #tpu.memory_space<vmem>>
      %dma_wait3A_588 = arith.constant 0 : i32
      %dma_wait3A_589 = arith.constant 0 : i32
      %dma_wait3A_590 = tpu.memref_slice %arg7[%dma_wait3A_583, %dma_wait3A_588, %dma_wait3A_589] : memref<4x2x128xi32, #tpu.memory_space<vmem>> -> memref<1x2x128xi32, #tpu.memory_space<vmem>>
      %dma_wait3A_591 = tpu.memref_squeeze %dma_wait3A_590 : memref<1x2x128xi32, #tpu.memory_space<vmem>> -> memref<2x128xi32, #tpu.memory_space<vmem>>
      tpu.wait_dma2 semaphore(%arg13 : memref<!tpu.dma_semaphore, #tpu.memory_space<semaphore_mem>>) src(%arg4 : memref<2x128xi32, #tpu.memory_space<hbm>>) dst(%dma_wait3A_591 : memref<2x128xi32, #tpu.memory_space<vmem>>)
      %dma_start3A_592 = arith.constant 3 : i32
      %dma_start3A_593 = arith.constant 0 : i32
      %dma_start3A_594 = arith.constant 1 : i32
      %dma_start3A_595 = arith.constant 0 : i32
      %dma_start3A_596 = arith.constant 0 : i32
      %dma_start3A_597 = tpu.memref_slice %arg8[%dma_start3A_594, %dma_start3A_595, %dma_start3A_596] : memref<2x128x128xf32, #tpu.memory_space<vmem>> -> memref<1x128x128xf32, #tpu.memory_space<vmem>>
      %dma_start3A_598 = tpu.memref_squeeze %dma_start3A_597 : memref<1x128x128xf32, #tpu.memory_space<vmem>> -> memref<128x128xf32, #tpu.memory_space<vmem>>
      %dma_start3A_599 = arith.constant 0 : i32
      %dma_start3A_600 = tpu.memref_slice %arg7[%dma_start3A_592, %dma_start3A_593, %dma_start3A_599] : memref<4x2x128xi32, #tpu.memory_space<vmem>> -> memref<1x1x128xi32, #tpu.memory_space<vmem>>
      %dma_start3A_601 = tpu.memref_squeeze %dma_start3A_600 : memref<1x1x128xi32, #tpu.memory_space<vmem>> -> memref<128xi32, #tpu.memory_space<vmem>>
      %dma_start3A_602 = arith.constant 0 : i32
      %dma_start3A_603 = arith.constant 0 : i32
      %dma_start3A_604 = tpu.memref_slice %arg2[%dma_start3A_602, %dma_start3A_603] : memref<10000x128xf32, #tpu.memory_space<hbm>> -> memref<10000x128xf32, #tpu.memory_space<hbm>>
      tpu.enqueue_indirect_dma source(%dma_start3A_604 : memref<10000x128xf32, #tpu.memory_space<hbm>>) target(%dma_start3A_598 : memref<128x128xf32, #tpu.memory_space<vmem>>) offsets(%dma_start3A_601 : memref<128xi32, #tpu.memory_space<vmem>>) semaphore(%arg15 : memref<!tpu.dma_semaphore, #tpu.memory_space<semaphore_mem>>)
      %dma_wait3A_605 = arith.constant 2 : i32
      %dma_wait3A_606 = arith.constant 0 : i32
      %dma_wait3A_607 = arith.constant 0 : i32
      %dma_wait3A_608 = arith.constant 0 : i32
      %dma_wait3A_609 = arith.constant 0 : i32
      %dma_wait3A_610 = tpu.memref_slice %arg8[%dma_wait3A_607, %dma_wait3A_608, %dma_wait3A_609] : memref<2x128x128xf32, #tpu.memory_space<vmem>> -> memref<1x128x128xf32, #tpu.memory_space<vmem>>
      %dma_wait3A_611 = tpu.memref_squeeze %dma_wait3A_610 : memref<1x128x128xf32, #tpu.memory_space<vmem>> -> memref<128x128xf32, #tpu.memory_space<vmem>>
      %dma_wait3A_612 = arith.constant 0 : i32
      %dma_wait3A_613 = tpu.memref_slice %arg7[%dma_wait3A_605, %dma_wait3A_606, %dma_wait3A_612] : memref<4x2x128xi32, #tpu.memory_space<vmem>> -> memref<1x1x128xi32, #tpu.memory_space<vmem>>
      %dma_wait3A_614 = tpu.memref_squeeze %dma_wait3A_613 : memref<1x1x128xi32, #tpu.memory_space<vmem>> -> memref<128xi32, #tpu.memory_space<vmem>>
      %dma_wait3A_615 = arith.constant 0 : i32
      %dma_wait3A_616 = arith.constant 0 : i32
      %dma_wait3A_617 = tpu.memref_slice %arg2[%dma_wait3A_615, %dma_wait3A_616] : memref<10000x128xf32, #tpu.memory_space<hbm>> -> memref<10000x128xf32, #tpu.memory_space<hbm>>
      tpu.wait_indirect_dma semaphore(%arg14 : memref<!tpu.dma_semaphore, #tpu.memory_space<semaphore_mem>>) src(%dma_wait3A_617 : memref<10000x128xf32, #tpu.memory_space<hbm>>) dst(%dma_wait3A_611 : memref<128x128xf32, #tpu.memory_space<vmem>>)
      %run_scoped3A_618 = arith.constant 0 : i32
      %run_scoped3A_619 = arith.constant 2 : i32
      %run_scoped3A_620 = arith.constant 1 : i32
      "tpu.region"() ({
        %run_scoped3A_703 = tpu.sem_alloc : memref<!tpu.dma_semaphore, #tpu.memory_space<semaphore_mem>>
        %dma_start3A_704 = arith.constant 0 : i32
        %dma_start3A_705 = arith.constant 0 : i32
        %dma_start3A_706 = tpu.memref_slice %arg8[%run_scoped3A_618, %dma_start3A_704, %dma_start3A_705] : memref<2x128x128xf32, #tpu.memory_space<vmem>> -> memref<1x128x128xf32, #tpu.memory_space<vmem>>
        %dma_start3A_707 = tpu.memref_squeeze %dma_start3A_706 : memref<1x128x128xf32, #tpu.memory_space<vmem>> -> memref<128x128xf32, #tpu.memory_space<vmem>>
        %dma_start3A_708 = arith.constant 0 : i32
        %dma_start3A_709 = tpu.memref_slice %arg7[%run_scoped3A_619, %run_scoped3A_620, %dma_start3A_708] : memref<4x2x128xi32, #tpu.memory_space<vmem>> -> memref<1x1x128xi32, #tpu.memory_space<vmem>>
        %dma_start3A_710 = tpu.memref_squeeze %dma_start3A_709 : memref<1x1x128xi32, #tpu.memory_space<vmem>> -> memref<128xi32, #tpu.memory_space<vmem>>
        %dma_start3A_711 = arith.constant 0 : i32
        %dma_start3A_712 = arith.constant 0 : i32
        %dma_start3A_713 = tpu.memref_slice %arg9[%dma_start3A_711, %dma_start3A_712] : memref<10240x128xf32, #tpu.memory_space<vmem_shared>> -> memref<10240x128xf32, #tpu.memory_space<vmem_shared>>
        tpu.enqueue_indirect_dma source(%dma_start3A_707 : memref<128x128xf32, #tpu.memory_space<vmem>>) target(%dma_start3A_713 : memref<10240x128xf32, #tpu.memory_space<vmem_shared>>) offsets(%dma_start3A_710 : memref<128xi32, #tpu.memory_space<vmem>>) semaphore(%run_scoped3A_703 : memref<!tpu.dma_semaphore, #tpu.memory_space<semaphore_mem>>) {add = true}
        %dma_wait3A_714 = arith.constant 0 : i32
        %dma_wait3A_715 = arith.constant 0 : i32
        %dma_wait3A_716 = tpu.memref_slice %arg8[%run_scoped3A_618, %dma_wait3A_714, %dma_wait3A_715] : memref<2x128x128xf32, #tpu.memory_space<vmem>> -> memref<1x128x128xf32, #tpu.memory_space<vmem>>
        %dma_wait3A_717 = tpu.memref_squeeze %dma_wait3A_716 : memref<1x128x128xf32, #tpu.memory_space<vmem>> -> memref<128x128xf32, #tpu.memory_space<vmem>>
        %dma_wait3A_718 = arith.constant 0 : i32
        %dma_wait3A_719 = tpu.memref_slice %arg7[%run_scoped3A_619, %run_scoped3A_620, %dma_wait3A_718] : memref<4x2x128xi32, #tpu.memory_space<vmem>> -> memref<1x1x128xi32, #tpu.memory_space<vmem>>
        %dma_wait3A_720 = tpu.memref_squeeze %dma_wait3A_719 : memref<1x1x128xi32, #tpu.memory_space<vmem>> -> memref<128xi32, #tpu.memory_space<vmem>>
        %dma_wait3A_721 = arith.constant 0 : i32
        %dma_wait3A_722 = arith.constant 0 : i32
        %dma_wait3A_723 = tpu.memref_slice %arg9[%dma_wait3A_721, %dma_wait3A_722] : memref<10240x128xf32, #tpu.memory_space<vmem_shared>> -> memref<10240x128xf32, #tpu.memory_space<vmem_shared>>
        tpu.wait_indirect_dma semaphore(%run_scoped3A_703 : memref<!tpu.dma_semaphore, #tpu.memory_space<semaphore_mem>>) src(%dma_wait3A_717 : memref<128x128xf32, #tpu.memory_space<vmem>>) dst(%dma_wait3A_723 : memref<10240x128xf32, #tpu.memory_space<vmem_shared>>)
        tpu.yield
      }) : () -> ()
      %mul3A_621 = arith.constant 4 : i32
      %mul3A_622 = arith.muli %mul3A_621, %scan3A_462 : i32
      %add3A_623 = arith.constant 2 : i32
      %add3A_624 = arith.addi %mul3A_622, %add3A_623 : i32
      %add3A_625 = arith.constant 4 : i32
      %add3A_626 = arith.addi %add3A_624, %add3A_625 : i32
      %mul3A_627 = arith.constant 128 : i32
      %mul3A_628 = arith.muli %add3A_626, %mul3A_627 : i32
      %add3A_629 = arith.addi %mul3A_6, %mul3A_628 : i32
      %dma_start3A_630 = arith.constant 2 : i32
      %dma_start3A_631 = arith.constant 0 : i32
      %dma_start3A_632 = arith.constant 0 : i32
      %dma_start3A_633 = tpu.memref_slice %arg7[%dma_start3A_630, %dma_start3A_631, %dma_start3A_632] : memref<4x2x128xi32, #tpu.memory_space<vmem>> -> memref<1x2x128xi32, #tpu.memory_space<vmem>>
      %dma_start3A_634 = tpu.memref_squeeze %dma_start3A_633 : memref<1x2x128xi32, #tpu.memory_space<vmem>> -> memref<2x128xi32, #tpu.memory_space<vmem>>
      %dma_start3A_635 = arith.constant 0 : i32
      %dma_start3A_636 = tpu.memref_slice %arg3[%dma_start3A_635, %add3A_629] : memref<2x320000xi32, #tpu.memory_space<hbm>> -> memref<2x128xi32, #tpu.memory_space<hbm>>
      %dma_start3A_637 = arith.constant 0 : i32
      %dma_start3A_638 = arith.constant 0 : i32
      %dma_start3A_639 = tpu.memref_slice %arg7[%dma_start3A_630, %dma_start3A_637, %dma_start3A_638] : memref<4x2x128xi32, #tpu.memory_space<vmem>> -> memref<1x2x128xi32, #tpu.memory_space<vmem>>
      %dma_start3A_640 = tpu.memref_squeeze %dma_start3A_639 : memref<1x2x128xi32, #tpu.memory_space<vmem>> -> memref<2x128xi32, #tpu.memory_space<vmem>>
      %dma_start3A_641 = arith.constant 0 : i32
      %dma_start3A_642 = tpu.memref_slice %arg3[%dma_start3A_641, %add3A_629] : memref<2x320000xi32, #tpu.memory_space<hbm>> -> memref<2x128xi32, #tpu.memory_space<hbm>>
      tpu.enqueue_dma source(%dma_start3A_642 : memref<2x128xi32, #tpu.memory_space<hbm>>) target(%dma_start3A_640 : memref<2x128xi32, #tpu.memory_space<vmem>>) target_semaphore(%arg12 : memref<!tpu.dma_semaphore, #tpu.memory_space<semaphore_mem>>)
      %dma_wait3A_643 = arith.constant 0 : i32
      %dma_wait3A_644 = arith.constant 0 : i32
      %dma_wait3A_645 = arith.constant 0 : i32
      %dma_wait3A_646 = tpu.memref_slice %arg7[%dma_wait3A_643, %dma_wait3A_644, %dma_wait3A_645] : memref<4x2x128xi32, #tpu.memory_space<vmem>> -> memref<1x2x128xi32, #tpu.memory_space<vmem>>
      %dma_wait3A_647 = tpu.memref_squeeze %dma_wait3A_646 : memref<1x2x128xi32, #tpu.memory_space<vmem>> -> memref<2x128xi32, #tpu.memory_space<vmem>>
      %dma_wait3A_648 = arith.constant 0 : i32
      %dma_wait3A_649 = arith.constant 0 : i32
      %dma_wait3A_650 = tpu.memref_slice %arg7[%dma_wait3A_643, %dma_wait3A_648, %dma_wait3A_649] : memref<4x2x128xi32, #tpu.memory_space<vmem>> -> memref<1x2x128xi32, #tpu.memory_space<vmem>>
      %dma_wait3A_651 = tpu.memref_squeeze %dma_wait3A_650 : memref<1x2x128xi32, #tpu.memory_space<vmem>> -> memref<2x128xi32, #tpu.memory_space<vmem>>
      tpu.wait_dma2 semaphore(%arg10 : memref<!tpu.dma_semaphore, #tpu.memory_space<semaphore_mem>>) src(%arg4 : memref<2x128xi32, #tpu.memory_space<hbm>>) dst(%dma_wait3A_651 : memref<2x128xi32, #tpu.memory_space<vmem>>)
      %dma_start3A_652 = arith.constant 0 : i32
      %dma_start3A_653 = arith.constant 0 : i32
      %dma_start3A_654 = arith.constant 0 : i32
      %dma_start3A_655 = arith.constant 0 : i32
      %dma_start3A_656 = arith.constant 0 : i32
      %dma_start3A_657 = tpu.memref_slice %arg8[%dma_start3A_654, %dma_start3A_655, %dma_start3A_656] : memref<2x128x128xf32, #tpu.memory_space<vmem>> -> memref<1x128x128xf32, #tpu.memory_space<vmem>>
      %dma_start3A_658 = tpu.memref_squeeze %dma_start3A_657 : memref<1x128x128xf32, #tpu.memory_space<vmem>> -> memref<128x128xf32, #tpu.memory_space<vmem>>
      %dma_start3A_659 = arith.constant 0 : i32
      %dma_start3A_660 = tpu.memref_slice %arg7[%dma_start3A_652, %dma_start3A_653, %dma_start3A_659] : memref<4x2x128xi32, #tpu.memory_space<vmem>> -> memref<1x1x128xi32, #tpu.memory_space<vmem>>
      %dma_start3A_661 = tpu.memref_squeeze %dma_start3A_660 : memref<1x1x128xi32, #tpu.memory_space<vmem>> -> memref<128xi32, #tpu.memory_space<vmem>>
      %dma_start3A_662 = arith.constant 0 : i32
      %dma_start3A_663 = arith.constant 0 : i32
      %dma_start3A_664 = tpu.memref_slice %arg2[%dma_start3A_662, %dma_start3A_663] : memref<10000x128xf32, #tpu.memory_space<hbm>> -> memref<10000x128xf32, #tpu.memory_space<hbm>>
      tpu.enqueue_indirect_dma source(%dma_start3A_664 : memref<10000x128xf32, #tpu.memory_space<hbm>>) target(%dma_start3A_658 : memref<128x128xf32, #tpu.memory_space<vmem>>) offsets(%dma_start3A_661 : memref<128xi32, #tpu.memory_space<vmem>>) semaphore(%arg14 : memref<!tpu.dma_semaphore, #tpu.memory_space<semaphore_mem>>)
      %dma_wait3A_665 = arith.constant 3 : i32
      %dma_wait3A_666 = arith.constant 0 : i32
      %dma_wait3A_667 = arith.constant 1 : i32
      %dma_wait3A_668 = arith.constant 0 : i32
      %dma_wait3A_669 = arith.constant 0 : i32
      %dma_wait3A_670 = tpu.memref_slice %arg8[%dma_wait3A_667, %dma_wait3A_668, %dma_wait3A_669] : memref<2x128x128xf32, #tpu.memory_space<vmem>> -> memref<1x128x128xf32, #tpu.memory_space<vmem>>
      %dma_wait3A_671 = tpu.memref_squeeze %dma_wait3A_670 : memref<1x128x128xf32, #tpu.memory_space<vmem>> -> memref<128x128xf32, #tpu.memory_space<vmem>>
      %dma_wait3A_672 = arith.constant 0 : i32
      %dma_wait3A_673 = tpu.memref_slice %arg7[%dma_wait3A_665, %dma_wait3A_666, %dma_wait3A_672] : memref<4x2x128xi32, #tpu.memory_space<vmem>> -> memref<1x1x128xi32, #tpu.memory_space<vmem>>
      %dma_wait3A_674 = tpu.memref_squeeze %dma_wait3A_673 : memref<1x1x128xi32, #tpu.memory_space<vmem>> -> memref<128xi32, #tpu.memory_space<vmem>>
      %dma_wait3A_675 = arith.constant 0 : i32
      %dma_wait3A_676 = arith.constant 0 : i32
      %dma_wait3A_677 = tpu.memref_slice %arg2[%dma_wait3A_675, %dma_wait3A_676] : memref<10000x128xf32, #tpu.memory_space<hbm>> -> memref<10000x128xf32, #tpu.memory_space<hbm>>
      tpu.wait_indirect_dma semaphore(%arg15 : memref<!tpu.dma_semaphore, #tpu.memory_space<semaphore_mem>>) src(%dma_wait3A_677 : memref<10000x128xf32, #tpu.memory_space<hbm>>) dst(%dma_wait3A_671 : memref<128x128xf32, #tpu.memory_space<vmem>>)
      %run_scoped3A_678 = arith.constant 1 : i32
      %run_scoped3A_679 = arith.constant 3 : i32
      %run_scoped3A_680 = arith.constant 1 : i32
      "tpu.region"() ({
        %run_scoped3A_703 = tpu.sem_alloc : memref<!tpu.dma_semaphore, #tpu.memory_space<semaphore_mem>>
        %dma_start3A_704 = arith.constant 0 : i32
        %dma_start3A_705 = arith.constant 0 : i32
        %dma_start3A_706 = tpu.memref_slice %arg8[%run_scoped3A_678, %dma_start3A_704, %dma_start3A_705] : memref<2x128x128xf32, #tpu.memory_space<vmem>> -> memref<1x128x128xf32, #tpu.memory_space<vmem>>
        %dma_start3A_707 = tpu.memref_squeeze %dma_start3A_706 : memref<1x128x128xf32, #tpu.memory_space<vmem>> -> memref<128x128xf32, #tpu.memory_space<vmem>>
        %dma_start3A_708 = arith.constant 0 : i32
        %dma_start3A_709 = tpu.memref_slice %arg7[%run_scoped3A_679, %run_scoped3A_680, %dma_start3A_708] : memref<4x2x128xi32, #tpu.memory_space<vmem>> -> memref<1x1x128xi32, #tpu.memory_space<vmem>>
        %dma_start3A_710 = tpu.memref_squeeze %dma_start3A_709 : memref<1x1x128xi32, #tpu.memory_space<vmem>> -> memref<128xi32, #tpu.memory_space<vmem>>
        %dma_start3A_711 = arith.constant 0 : i32
        %dma_start3A_712 = arith.constant 0 : i32
        %dma_start3A_713 = tpu.memref_slice %arg9[%dma_start3A_711, %dma_start3A_712] : memref<10240x128xf32, #tpu.memory_space<vmem_shared>> -> memref<10240x128xf32, #tpu.memory_space<vmem_shared>>
        tpu.enqueue_indirect_dma source(%dma_start3A_707 : memref<128x128xf32, #tpu.memory_space<vmem>>) target(%dma_start3A_713 : memref<10240x128xf32, #tpu.memory_space<vmem_shared>>) offsets(%dma_start3A_710 : memref<128xi32, #tpu.memory_space<vmem>>) semaphore(%run_scoped3A_703 : memref<!tpu.dma_semaphore, #tpu.memory_space<semaphore_mem>>) {add = true}
        %dma_wait3A_714 = arith.constant 0 : i32
        %dma_wait3A_715 = arith.constant 0 : i32
        %dma_wait3A_716 = tpu.memref_slice %arg8[%run_scoped3A_678, %dma_wait3A_714, %dma_wait3A_715] : memref<2x128x128xf32, #tpu.memory_space<vmem>> -> memref<1x128x128xf32, #tpu.memory_space<vmem>>
        %dma_wait3A_717 = tpu.memref_squeeze %dma_wait3A_716 : memref<1x128x128xf32, #tpu.memory_space<vmem>> -> memref<128x128xf32, #tpu.memory_space<vmem>>
        %dma_wait3A_718 = arith.constant 0 : i32
        %dma_wait3A_719 = tpu.memref_slice %arg7[%run_scoped3A_679, %run_scoped3A_680, %dma_wait3A_718] : memref<4x2x128xi32, #tpu.memory_space<vmem>> -> memref<1x1x128xi32, #tpu.memory_space<vmem>>
        %dma_wait3A_720 = tpu.memref_squeeze %dma_wait3A_719 : memref<1x1x128xi32, #tpu.memory_space<vmem>> -> memref<128xi32, #tpu.memory_space<vmem>>
        %dma_wait3A_721 = arith.constant 0 : i32
        %dma_wait3A_722 = arith.constant 0 : i32
        %dma_wait3A_723 = tpu.memref_slice %arg9[%dma_wait3A_721, %dma_wait3A_722] : memref<10240x128xf32, #tpu.memory_space<vmem_shared>> -> memref<10240x128xf32, #tpu.memory_space<vmem_shared>>
        tpu.wait_indirect_dma semaphore(%run_scoped3A_703 : memref<!tpu.dma_semaphore, #tpu.memory_space<semaphore_mem>>) src(%dma_wait3A_717 : memref<128x128xf32, #tpu.memory_space<vmem>>) dst(%dma_wait3A_723 : memref<10240x128xf32, #tpu.memory_space<vmem_shared>>)
        tpu.yield
      }) : () -> ()
      %mul3A_681 = arith.constant 4 : i32
      %mul3A_682 = arith.muli %mul3A_681, %scan3A_462 : i32
      %add3A_683 = arith.constant 3 : i32
      %add3A_684 = arith.addi %mul3A_682, %add3A_683 : i32
      %add3A_685 = arith.constant 4 : i32
      %add3A_686 = arith.addi %add3A_684, %add3A_685 : i32
      %mul3A_687 = arith.constant 128 : i32
      %mul3A_688 = arith.muli %add3A_686, %mul3A_687 : i32
      %add3A_689 = arith.addi %mul3A_6, %mul3A_688 : i32
      %dma_start3A_690 = arith.constant 3 : i32
      %dma_start3A_691 = arith.constant 0 : i32
      %dma_start3A_692 = arith.constant 0 : i32
      %dma_start3A_693 = tpu.memref_slice %arg7[%dma_start3A_690, %dma_start3A_691, %dma_start3A_692] : memref<4x2x128xi32, #tpu.memory_space<vmem>> -> memref<1x2x128xi32, #tpu.memory_space<vmem>>
      %dma_start3A_694 = tpu.memref_squeeze %dma_start3A_693 : memref<1x2x128xi32, #tpu.memory_space<vmem>> -> memref<2x128xi32, #tpu.memory_space<vmem>>
      %dma_start3A_695 = arith.constant 0 : i32
      %dma_start3A_696 = tpu.memref_slice %arg3[%dma_start3A_695, %add3A_689] : memref<2x320000xi32, #tpu.memory_space<hbm>> -> memref<2x128xi32, #tpu.memory_space<hbm>>
      %dma_start3A_697 = arith.constant 0 : i32
      %dma_start3A_698 = arith.constant 0 : i32
      %dma_start3A_699 = tpu.memref_slice %arg7[%dma_start3A_690, %dma_start3A_697, %dma_start3A_698] : memref<4x2x128xi32, #tpu.memory_space<vmem>> -> memref<1x2x128xi32, #tpu.memory_space<vmem>>
      %dma_start3A_700 = tpu.memref_squeeze %dma_start3A_699 : memref<1x2x128xi32, #tpu.memory_space<vmem>> -> memref<2x128xi32, #tpu.memory_space<vmem>>
      %dma_start3A_701 = arith.constant 0 : i32
      %dma_start3A_702 = tpu.memref_slice %arg3[%dma_start3A_701, %add3A_689] : memref<2x320000xi32, #tpu.memory_space<hbm>> -> memref<2x128xi32, #tpu.memory_space<hbm>>
      tpu.enqueue_dma source(%dma_start3A_702 : memref<2x128xi32, #tpu.memory_space<hbm>>) target(%dma_start3A_700 : memref<2x128xi32, #tpu.memory_space<vmem>>) target_semaphore(%arg13 : memref<!tpu.dma_semaphore, #tpu.memory_space<semaphore_mem>>)
    }
    %scan3A_107 = arith.constant 18 : i32
    %dma_wait3A_108 = arith.constant 1 : i32
    %dma_wait3A_109 = arith.constant 0 : i32
    %dma_wait3A_110 = arith.constant 0 : i32
    %dma_wait3A_111 = tpu.memref_slice %arg7[%dma_wait3A_108, %dma_wait3A_109, %dma_wait3A_110] : memref<4x2x128xi32, #tpu.memory_space<vmem>> -> memref<1x2x128xi32, #tpu.memory_space<vmem>>
    %dma_wait3A_112 = tpu.memref_squeeze %dma_wait3A_111 : memref<1x2x128xi32, #tpu.memory_space<vmem>> -> memref<2x128xi32, #tpu.memory_space<vmem>>
    %dma_wait3A_113 = arith.constant 0 : i32
    %dma_wait3A_114 = arith.constant 0 : i32
    %dma_wait3A_115 = tpu.memref_slice %arg7[%dma_wait3A_108, %dma_wait3A_113, %dma_wait3A_114] : memref<4x2x128xi32, #tpu.memory_space<vmem>> -> memref<1x2x128xi32, #tpu.memory_space<vmem>>
    %dma_wait3A_116 = tpu.memref_squeeze %dma_wait3A_115 : memref<1x2x128xi32, #tpu.memory_space<vmem>> -> memref<2x128xi32, #tpu.memory_space<vmem>>
    tpu.wait_dma2 semaphore(%arg11 : memref<!tpu.dma_semaphore, #tpu.memory_space<semaphore_mem>>) src(%arg4 : memref<2x128xi32, #tpu.memory_space<hbm>>) dst(%dma_wait3A_116 : memref<2x128xi32, #tpu.memory_space<vmem>>)
    %dma_start3A_117 = arith.constant 1 : i32
    %dma_start3A_118 = arith.constant 0 : i32
    %dma_start3A_119 = arith.constant 1 : i32
    %dma_start3A_120 = arith.constant 0 : i32
    %dma_start3A_121 = arith.constant 0 : i32
    %dma_start3A_122 = tpu.memref_slice %arg8[%dma_start3A_119, %dma_start3A_120, %dma_start3A_121] : memref<2x128x128xf32, #tpu.memory_space<vmem>> -> memref<1x128x128xf32, #tpu.memory_space<vmem>>
    %dma_start3A_123 = tpu.memref_squeeze %dma_start3A_122 : memref<1x128x128xf32, #tpu.memory_space<vmem>> -> memref<128x128xf32, #tpu.memory_space<vmem>>
    %dma_start3A_124 = arith.constant 0 : i32
    %dma_start3A_125 = tpu.memref_slice %arg7[%dma_start3A_117, %dma_start3A_118, %dma_start3A_124] : memref<4x2x128xi32, #tpu.memory_space<vmem>> -> memref<1x1x128xi32, #tpu.memory_space<vmem>>
    %dma_start3A_126 = tpu.memref_squeeze %dma_start3A_125 : memref<1x1x128xi32, #tpu.memory_space<vmem>> -> memref<128xi32, #tpu.memory_space<vmem>>
    %dma_start3A_127 = arith.constant 0 : i32
    %dma_start3A_128 = arith.constant 0 : i32
    %dma_start3A_129 = tpu.memref_slice %arg2[%dma_start3A_127, %dma_start3A_128] : memref<10000x128xf32, #tpu.memory_space<hbm>> -> memref<10000x128xf32, #tpu.memory_space<hbm>>
    tpu.enqueue_indirect_dma source(%dma_start3A_129 : memref<10000x128xf32, #tpu.memory_space<hbm>>) target(%dma_start3A_123 : memref<128x128xf32, #tpu.memory_space<vmem>>) offsets(%dma_start3A_126 : memref<128xi32, #tpu.memory_space<vmem>>) semaphore(%arg15 : memref<!tpu.dma_semaphore, #tpu.memory_space<semaphore_mem>>)
    %dma_wait3A_130 = arith.constant 0 : i32
    %dma_wait3A_131 = arith.constant 0 : i32
    %dma_wait3A_132 = arith.constant 0 : i32
    %dma_wait3A_133 = arith.constant 0 : i32
    %dma_wait3A_134 = arith.constant 0 : i32
    %dma_wait3A_135 = tpu.memref_slice %arg8[%dma_wait3A_132, %dma_wait3A_133, %dma_wait3A_134] : memref<2x128x128xf32, #tpu.memory_space<vmem>> -> memref<1x128x128xf32, #tpu.memory_space<vmem>>
    %dma_wait3A_136 = tpu.memref_squeeze %dma_wait3A_135 : memref<1x128x128xf32, #tpu.memory_space<vmem>> -> memref<128x128xf32, #tpu.memory_space<vmem>>
    %dma_wait3A_137 = arith.constant 0 : i32
    %dma_wait3A_138 = tpu.memref_slice %arg7[%dma_wait3A_130, %dma_wait3A_131, %dma_wait3A_137] : memref<4x2x128xi32, #tpu.memory_space<vmem>> -> memref<1x1x128xi32, #tpu.memory_space<vmem>>
    %dma_wait3A_139 = tpu.memref_squeeze %dma_wait3A_138 : memref<1x1x128xi32, #tpu.memory_space<vmem>> -> memref<128xi32, #tpu.memory_space<vmem>>
    %dma_wait3A_140 = arith.constant 0 : i32
    %dma_wait3A_141 = arith.constant 0 : i32
    %dma_wait3A_142 = tpu.memref_slice %arg2[%dma_wait3A_140, %dma_wait3A_141] : memref<10000x128xf32, #tpu.memory_space<hbm>> -> memref<10000x128xf32, #tpu.memory_space<hbm>>
    tpu.wait_indirect_dma semaphore(%arg14 : memref<!tpu.dma_semaphore, #tpu.memory_space<semaphore_mem>>) src(%dma_wait3A_142 : memref<10000x128xf32, #tpu.memory_space<hbm>>) dst(%dma_wait3A_136 : memref<128x128xf32, #tpu.memory_space<vmem>>)
    %run_scoped3A = arith.constant 0 : i32
    %run_scoped3A_143 = arith.constant 0 : i32
    %run_scoped3A_144 = arith.constant 1 : i32
    "tpu.region"() ({
      %run_scoped3A_462 = tpu.sem_alloc : memref<!tpu.dma_semaphore, #tpu.memory_space<semaphore_mem>>
      %dma_start3A_463 = arith.constant 0 : i32
      %dma_start3A_464 = arith.constant 0 : i32
      %dma_start3A_465 = tpu.memref_slice %arg8[%run_scoped3A, %dma_start3A_463, %dma_start3A_464] : memref<2x128x128xf32, #tpu.memory_space<vmem>> -> memref<1x128x128xf32, #tpu.memory_space<vmem>>
      %dma_start3A_466 = tpu.memref_squeeze %dma_start3A_465 : memref<1x128x128xf32, #tpu.memory_space<vmem>> -> memref<128x128xf32, #tpu.memory_space<vmem>>
      %dma_start3A_467 = arith.constant 0 : i32
      %dma_start3A_468 = tpu.memref_slice %arg7[%run_scoped3A_143, %run_scoped3A_144, %dma_start3A_467] : memref<4x2x128xi32, #tpu.memory_space<vmem>> -> memref<1x1x128xi32, #tpu.memory_space<vmem>>
      %dma_start3A_469 = tpu.memref_squeeze %dma_start3A_468 : memref<1x1x128xi32, #tpu.memory_space<vmem>> -> memref<128xi32, #tpu.memory_space<vmem>>
      %dma_start3A_470 = arith.constant 0 : i32
      %dma_start3A_471 = arith.constant 0 : i32
      %dma_start3A_472 = tpu.memref_slice %arg9[%dma_start3A_470, %dma_start3A_471] : memref<10240x128xf32, #tpu.memory_space<vmem_shared>> -> memref<10240x128xf32, #tpu.memory_space<vmem_shared>>
      tpu.enqueue_indirect_dma source(%dma_start3A_466 : memref<128x128xf32, #tpu.memory_space<vmem>>) target(%dma_start3A_472 : memref<10240x128xf32, #tpu.memory_space<vmem_shared>>) offsets(%dma_start3A_469 : memref<128xi32, #tpu.memory_space<vmem>>) semaphore(%run_scoped3A_462 : memref<!tpu.dma_semaphore, #tpu.memory_space<semaphore_mem>>) {add = true}
      %dma_wait3A_473 = arith.constant 0 : i32
      %dma_wait3A_474 = arith.constant 0 : i32
      %dma_wait3A_475 = tpu.memref_slice %arg8[%run_scoped3A, %dma_wait3A_473, %dma_wait3A_474] : memref<2x128x128xf32, #tpu.memory_space<vmem>> -> memref<1x128x128xf32, #tpu.memory_space<vmem>>
      %dma_wait3A_476 = tpu.memref_squeeze %dma_wait3A_475 : memref<1x128x128xf32, #tpu.memory_space<vmem>> -> memref<128x128xf32, #tpu.memory_space<vmem>>
      %dma_wait3A_477 = arith.constant 0 : i32
      %dma_wait3A_478 = tpu.memref_slice %arg7[%run_scoped3A_143, %run_scoped3A_144, %dma_wait3A_477] : memref<4x2x128xi32, #tpu.memory_space<vmem>> -> memref<1x1x128xi32, #tpu.memory_space<vmem>>
      %dma_wait3A_479 = tpu.memref_squeeze %dma_wait3A_478 : memref<1x1x128xi32, #tpu.memory_space<vmem>> -> memref<128xi32, #tpu.memory_space<vmem>>
      %dma_wait3A_480 = arith.constant 0 : i32
      %dma_wait3A_481 = arith.constant 0 : i32
      %dma_wait3A_482 = tpu.memref_slice %arg9[%dma_wait3A_480, %dma_wait3A_481] : memref<10240x128xf32, #tpu.memory_space<vmem_shared>> -> memref<10240x128xf32, #tpu.memory_space<vmem_shared>>
      tpu.wait_indirect_dma semaphore(%run_scoped3A_462 : memref<!tpu.dma_semaphore, #tpu.memory_space<semaphore_mem>>) src(%dma_wait3A_476 : memref<128x128xf32, #tpu.memory_space<vmem>>) dst(%dma_wait3A_482 : memref<10240x128xf32, #tpu.memory_space<vmem_shared>>)
      tpu.yield
    }) : () -> ()
    %add3A_145 = arith.constant 9728 : i32
    %add3A_146 = arith.addi %mul3A_6, %add3A_145 : i32
    %mul3A_147 = arith.constant 128 : i32
    %mul3A_148 = arith.muli %add3A, %mul3A_147 : i32
    %add3A_149 = arith.constant 319488 : i32
    %add3A_150 = arith.addi %add3A_149, %mul3A_148 : i32
    %jit3A_151 = arith.constant true
    %select_n3A_152 = arith.select %jit3A_151, %add3A_146, %add3A_150 : i32
    %gt3A = arith.constant 76 : i32
    %gt3A_153 = arith.cmpi sgt, %add3A_4, %gt3A : i32
    %convert_element_type3A = arith.extui %gt3A_153 : i1 to i32
    %cond3A = arith.constant 0 : i32
    %cond3A_154 = arith.cmpi ne, %convert_element_type3A, %cond3A : i32
    scf.if %cond3A_154 {
      %dma_start3A_462 = arith.constant 0 : i32
      %dma_start3A_463 = arith.constant 0 : i32
      %dma_start3A_464 = arith.constant 0 : i32
      %dma_start3A_465 = tpu.memref_slice %arg7[%dma_start3A_462, %dma_start3A_463, %dma_start3A_464] : memref<4x2x128xi32, #tpu.memory_space<vmem>> -> memref<1x2x128xi32, #tpu.memory_space<vmem>>
      %dma_start3A_466 = tpu.memref_squeeze %dma_start3A_465 : memref<1x2x128xi32, #tpu.memory_space<vmem>> -> memref<2x128xi32, #tpu.memory_space<vmem>>
      %dma_start3A_467 = arith.constant 0 : i32
      %dma_start3A_468 = tpu.memref_slice %arg3[%dma_start3A_467, %select_n3A_152] : memref<2x320000xi32, #tpu.memory_space<hbm>> -> memref<2x128xi32, #tpu.memory_space<hbm>>
      %dma_start3A_469 = arith.constant 0 : i32
      %dma_start3A_470 = arith.constant 0 : i32
      %dma_start3A_471 = tpu.memref_slice %arg7[%dma_start3A_462, %dma_start3A_469, %dma_start3A_470] : memref<4x2x128xi32, #tpu.memory_space<vmem>> -> memref<1x2x128xi32, #tpu.memory_space<vmem>>
      %dma_start3A_472 = tpu.memref_squeeze %dma_start3A_471 : memref<1x2x128xi32, #tpu.memory_space<vmem>> -> memref<2x128xi32, #tpu.memory_space<vmem>>
      %dma_start3A_473 = arith.constant 0 : i32
      %dma_start3A_474 = tpu.memref_slice %arg3[%dma_start3A_473, %select_n3A_152] : memref<2x320000xi32, #tpu.memory_space<hbm>> -> memref<2x128xi32, #tpu.memory_space<hbm>>
      tpu.enqueue_dma source(%dma_start3A_474 : memref<2x128xi32, #tpu.memory_space<hbm>>) target(%dma_start3A_472 : memref<2x128xi32, #tpu.memory_space<vmem>>) target_semaphore(%arg10 : memref<!tpu.dma_semaphore, #tpu.memory_space<semaphore_mem>>)
    } else {
    }
    %le3A = arith.constant 76 : i32
    %le3A_155 = arith.cmpi sle, %add3A_4, %le3A : i32
    %convert_element_type3A_156 = arith.extui %le3A_155 : i1 to i32
    %cond3A_157 = arith.constant 0 : i32
    %cond3A_158 = arith.cmpi ne, %convert_element_type3A_156, %cond3A_157 : i32
    scf.if %cond3A_158 {
      %dma_start3A_462 = arith.constant 0 : i32
      %dma_start3A_463 = arith.constant 0 : i32
      %dma_start3A_464 = arith.constant 0 : i32
      %dma_start3A_465 = tpu.memref_slice %arg7[%dma_start3A_462, %dma_start3A_463, %dma_start3A_464] : memref<4x2x128xi32, #tpu.memory_space<vmem>> -> memref<1x2x128xi32, #tpu.memory_space<vmem>>
      %dma_start3A_466 = tpu.memref_squeeze %dma_start3A_465 : memref<1x2x128xi32, #tpu.memory_space<vmem>> -> memref<2x128xi32, #tpu.memory_space<vmem>>
      %dma_start3A_467 = arith.constant 0 : i32
      %dma_start3A_468 = arith.constant 0 : i32
      %dma_start3A_469 = tpu.memref_slice %arg7[%dma_start3A_462, %dma_start3A_467, %dma_start3A_468] : memref<4x2x128xi32, #tpu.memory_space<vmem>> -> memref<1x2x128xi32, #tpu.memory_space<vmem>>
      %dma_start3A_470 = tpu.memref_squeeze %dma_start3A_469 : memref<1x2x128xi32, #tpu.memory_space<vmem>> -> memref<2x128xi32, #tpu.memory_space<vmem>>
      tpu.enqueue_dma source(%arg4 : memref<2x128xi32, #tpu.memory_space<hbm>>) target(%dma_start3A_470 : memref<2x128xi32, #tpu.memory_space<vmem>>) target_semaphore(%arg10 : memref<!tpu.dma_semaphore, #tpu.memory_space<semaphore_mem>>)
    } else {
    }
    %dma_wait3A_159 = arith.constant 2 : i32
    %dma_wait3A_160 = arith.constant 0 : i32
    %dma_wait3A_161 = arith.constant 0 : i32
    %dma_wait3A_162 = tpu.memref_slice %arg7[%dma_wait3A_159, %dma_wait3A_160, %dma_wait3A_161] : memref<4x2x128xi32, #tpu.memory_space<vmem>> -> memref<1x2x128xi32, #tpu.memory_space<vmem>>
    %dma_wait3A_163 = tpu.memref_squeeze %dma_wait3A_162 : memref<1x2x128xi32, #tpu.memory_space<vmem>> -> memref<2x128xi32, #tpu.memory_space<vmem>>
    %dma_wait3A_164 = arith.constant 0 : i32
    %dma_wait3A_165 = arith.constant 0 : i32
    %dma_wait3A_166 = tpu.memref_slice %arg7[%dma_wait3A_159, %dma_wait3A_164, %dma_wait3A_165] : memref<4x2x128xi32, #tpu.memory_space<vmem>> -> memref<1x2x128xi32, #tpu.memory_space<vmem>>
    %dma_wait3A_167 = tpu.memref_squeeze %dma_wait3A_166 : memref<1x2x128xi32, #tpu.memory_space<vmem>> -> memref<2x128xi32, #tpu.memory_space<vmem>>
    tpu.wait_dma2 semaphore(%arg12 : memref<!tpu.dma_semaphore, #tpu.memory_space<semaphore_mem>>) src(%arg4 : memref<2x128xi32, #tpu.memory_space<hbm>>) dst(%dma_wait3A_167 : memref<2x128xi32, #tpu.memory_space<vmem>>)
    %dma_start3A_168 = arith.constant 2 : i32
    %dma_start3A_169 = arith.constant 0 : i32
    %dma_start3A_170 = arith.constant 0 : i32
    %dma_start3A_171 = arith.constant 0 : i32
    %dma_start3A_172 = arith.constant 0 : i32
    %dma_start3A_173 = tpu.memref_slice %arg8[%dma_start3A_170, %dma_start3A_171, %dma_start3A_172] : memref<2x128x128xf32, #tpu.memory_space<vmem>> -> memref<1x128x128xf32, #tpu.memory_space<vmem>>
    %dma_start3A_174 = tpu.memref_squeeze %dma_start3A_173 : memref<1x128x128xf32, #tpu.memory_space<vmem>> -> memref<128x128xf32, #tpu.memory_space<vmem>>
    %dma_start3A_175 = arith.constant 0 : i32
    %dma_start3A_176 = tpu.memref_slice %arg7[%dma_start3A_168, %dma_start3A_169, %dma_start3A_175] : memref<4x2x128xi32, #tpu.memory_space<vmem>> -> memref<1x1x128xi32, #tpu.memory_space<vmem>>
    %dma_start3A_177 = tpu.memref_squeeze %dma_start3A_176 : memref<1x1x128xi32, #tpu.memory_space<vmem>> -> memref<128xi32, #tpu.memory_space<vmem>>
    %dma_start3A_178 = arith.constant 0 : i32
    %dma_start3A_179 = arith.constant 0 : i32
    %dma_start3A_180 = tpu.memref_slice %arg2[%dma_start3A_178, %dma_start3A_179] : memref<10000x128xf32, #tpu.memory_space<hbm>> -> memref<10000x128xf32, #tpu.memory_space<hbm>>
    tpu.enqueue_indirect_dma source(%dma_start3A_180 : memref<10000x128xf32, #tpu.memory_space<hbm>>) target(%dma_start3A_174 : memref<128x128xf32, #tpu.memory_space<vmem>>) offsets(%dma_start3A_177 : memref<128xi32, #tpu.memory_space<vmem>>) semaphore(%arg14 : memref<!tpu.dma_semaphore, #tpu.memory_space<semaphore_mem>>)
    %dma_wait3A_181 = arith.constant 1 : i32
    %dma_wait3A_182 = arith.constant 0 : i32
    %dma_wait3A_183 = arith.constant 1 : i32
    %dma_wait3A_184 = arith.constant 0 : i32
    %dma_wait3A_185 = arith.constant 0 : i32
    %dma_wait3A_186 = tpu.memref_slice %arg8[%dma_wait3A_183, %dma_wait3A_184, %dma_wait3A_185] : memref<2x128x128xf32, #tpu.memory_space<vmem>> -> memref<1x128x128xf32, #tpu.memory_space<vmem>>
    %dma_wait3A_187 = tpu.memref_squeeze %dma_wait3A_186 : memref<1x128x128xf32, #tpu.memory_space<vmem>> -> memref<128x128xf32, #tpu.memory_space<vmem>>
    %dma_wait3A_188 = arith.constant 0 : i32
    %dma_wait3A_189 = tpu.memref_slice %arg7[%dma_wait3A_181, %dma_wait3A_182, %dma_wait3A_188] : memref<4x2x128xi32, #tpu.memory_space<vmem>> -> memref<1x1x128xi32, #tpu.memory_space<vmem>>
    %dma_wait3A_190 = tpu.memref_squeeze %dma_wait3A_189 : memref<1x1x128xi32, #tpu.memory_space<vmem>> -> memref<128xi32, #tpu.memory_space<vmem>>
    %dma_wait3A_191 = arith.constant 0 : i32
    %dma_wait3A_192 = arith.constant 0 : i32
    %dma_wait3A_193 = tpu.memref_slice %arg2[%dma_wait3A_191, %dma_wait3A_192] : memref<10000x128xf32, #tpu.memory_space<hbm>> -> memref<10000x128xf32, #tpu.memory_space<hbm>>
    tpu.wait_indirect_dma semaphore(%arg15 : memref<!tpu.dma_semaphore, #tpu.memory_space<semaphore_mem>>) src(%dma_wait3A_193 : memref<10000x128xf32, #tpu.memory_space<hbm>>) dst(%dma_wait3A_187 : memref<128x128xf32, #tpu.memory_space<vmem>>)
    %run_scoped3A_194 = arith.constant 1 : i32
    %run_scoped3A_195 = arith.constant 1 : i32
    %run_scoped3A_196 = arith.constant 1 : i32
    "tpu.region"() ({
      %run_scoped3A_462 = tpu.sem_alloc : memref<!tpu.dma_semaphore, #tpu.memory_space<semaphore_mem>>
      %dma_start3A_463 = arith.constant 0 : i32
      %dma_start3A_464 = arith.constant 0 : i32
      %dma_start3A_465 = tpu.memref_slice %arg8[%run_scoped3A_194, %dma_start3A_463, %dma_start3A_464] : memref<2x128x128xf32, #tpu.memory_space<vmem>> -> memref<1x128x128xf32, #tpu.memory_space<vmem>>
      %dma_start3A_466 = tpu.memref_squeeze %dma_start3A_465 : memref<1x128x128xf32, #tpu.memory_space<vmem>> -> memref<128x128xf32, #tpu.memory_space<vmem>>
      %dma_start3A_467 = arith.constant 0 : i32
      %dma_start3A_468 = tpu.memref_slice %arg7[%run_scoped3A_195, %run_scoped3A_196, %dma_start3A_467] : memref<4x2x128xi32, #tpu.memory_space<vmem>> -> memref<1x1x128xi32, #tpu.memory_space<vmem>>
      %dma_start3A_469 = tpu.memref_squeeze %dma_start3A_468 : memref<1x1x128xi32, #tpu.memory_space<vmem>> -> memref<128xi32, #tpu.memory_space<vmem>>
      %dma_start3A_470 = arith.constant 0 : i32
      %dma_start3A_471 = arith.constant 0 : i32
      %dma_start3A_472 = tpu.memref_slice %arg9[%dma_start3A_470, %dma_start3A_471] : memref<10240x128xf32, #tpu.memory_space<vmem_shared>> -> memref<10240x128xf32, #tpu.memory_space<vmem_shared>>
      tpu.enqueue_indirect_dma source(%dma_start3A_466 : memref<128x128xf32, #tpu.memory_space<vmem>>) target(%dma_start3A_472 : memref<10240x128xf32, #tpu.memory_space<vmem_shared>>) offsets(%dma_start3A_469 : memref<128xi32, #tpu.memory_space<vmem>>) semaphore(%run_scoped3A_462 : memref<!tpu.dma_semaphore, #tpu.memory_space<semaphore_mem>>) {add = true}
      %dma_wait3A_473 = arith.constant 0 : i32
      %dma_wait3A_474 = arith.constant 0 : i32
      %dma_wait3A_475 = tpu.memref_slice %arg8[%run_scoped3A_194, %dma_wait3A_473, %dma_wait3A_474] : memref<2x128x128xf32, #tpu.memory_space<vmem>> -> memref<1x128x128xf32, #tpu.memory_space<vmem>>
      %dma_wait3A_476 = tpu.memref_squeeze %dma_wait3A_475 : memref<1x128x128xf32, #tpu.memory_space<vmem>> -> memref<128x128xf32, #tpu.memory_space<vmem>>
      %dma_wait3A_477 = arith.constant 0 : i32
      %dma_wait3A_478 = tpu.memref_slice %arg7[%run_scoped3A_195, %run_scoped3A_196, %dma_wait3A_477] : memref<4x2x128xi32, #tpu.memory_space<vmem>> -> memref<1x1x128xi32, #tpu.memory_space<vmem>>
      %dma_wait3A_479 = tpu.memref_squeeze %dma_wait3A_478 : memref<1x1x128xi32, #tpu.memory_space<vmem>> -> memref<128xi32, #tpu.memory_space<vmem>>
      %dma_wait3A_480 = arith.constant 0 : i32
      %dma_wait3A_481 = arith.constant 0 : i32
      %dma_wait3A_482 = tpu.memref_slice %arg9[%dma_wait3A_480, %dma_wait3A_481] : memref<10240x128xf32, #tpu.memory_space<vmem_shared>> -> memref<10240x128xf32, #tpu.memory_space<vmem_shared>>
      tpu.wait_indirect_dma semaphore(%run_scoped3A_462 : memref<!tpu.dma_semaphore, #tpu.memory_space<semaphore_mem>>) src(%dma_wait3A_476 : memref<128x128xf32, #tpu.memory_space<vmem>>) dst(%dma_wait3A_482 : memref<10240x128xf32, #tpu.memory_space<vmem_shared>>)
      tpu.yield
    }) : () -> ()
    %add3A_197 = arith.constant 9856 : i32
    %add3A_198 = arith.addi %mul3A_6, %add3A_197 : i32
    %mul3A_199 = arith.constant 128 : i32
    %mul3A_200 = arith.muli %add3A, %mul3A_199 : i32
    %add3A_201 = arith.constant 319488 : i32
    %add3A_202 = arith.addi %add3A_201, %mul3A_200 : i32
    %jit3A_203 = arith.constant true
    %select_n3A_204 = arith.select %jit3A_203, %add3A_198, %add3A_202 : i32
    %gt3A_205 = arith.constant 77 : i32
    %gt3A_206 = arith.cmpi sgt, %add3A_4, %gt3A_205 : i32
    %convert_element_type3A_207 = arith.extui %gt3A_206 : i1 to i32
    %cond3A_208 = arith.constant 0 : i32
    %cond3A_209 = arith.cmpi ne, %convert_element_type3A_207, %cond3A_208 : i32
    scf.if %cond3A_209 {
      %dma_start3A_462 = arith.constant 1 : i32
      %dma_start3A_463 = arith.constant 0 : i32
      %dma_start3A_464 = arith.constant 0 : i32
      %dma_start3A_465 = tpu.memref_slice %arg7[%dma_start3A_462, %dma_start3A_463, %dma_start3A_464] : memref<4x2x128xi32, #tpu.memory_space<vmem>> -> memref<1x2x128xi32, #tpu.memory_space<vmem>>
      %dma_start3A_466 = tpu.memref_squeeze %dma_start3A_465 : memref<1x2x128xi32, #tpu.memory_space<vmem>> -> memref<2x128xi32, #tpu.memory_space<vmem>>
      %dma_start3A_467 = arith.constant 0 : i32
      %dma_start3A_468 = tpu.memref_slice %arg3[%dma_start3A_467, %select_n3A_204] : memref<2x320000xi32, #tpu.memory_space<hbm>> -> memref<2x128xi32, #tpu.memory_space<hbm>>
      %dma_start3A_469 = arith.constant 0 : i32
      %dma_start3A_470 = arith.constant 0 : i32
      %dma_start3A_471 = tpu.memref_slice %arg7[%dma_start3A_462, %dma_start3A_469, %dma_start3A_470] : memref<4x2x128xi32, #tpu.memory_space<vmem>> -> memref<1x2x128xi32, #tpu.memory_space<vmem>>
      %dma_start3A_472 = tpu.memref_squeeze %dma_start3A_471 : memref<1x2x128xi32, #tpu.memory_space<vmem>> -> memref<2x128xi32, #tpu.memory_space<vmem>>
      %dma_start3A_473 = arith.constant 0 : i32
      %dma_start3A_474 = tpu.memref_slice %arg3[%dma_start3A_473, %select_n3A_204] : memref<2x320000xi32, #tpu.memory_space<hbm>> -> memref<2x128xi32, #tpu.memory_space<hbm>>
      tpu.enqueue_dma source(%dma_start3A_474 : memref<2x128xi32, #tpu.memory_space<hbm>>) target(%dma_start3A_472 : memref<2x128xi32, #tpu.memory_space<vmem>>) target_semaphore(%arg11 : memref<!tpu.dma_semaphore, #tpu.memory_space<semaphore_mem>>)
    } else {
    }
    %le3A_210 = arith.constant 77 : i32
    %le3A_211 = arith.cmpi sle, %add3A_4, %le3A_210 : i32
    %convert_element_type3A_212 = arith.extui %le3A_211 : i1 to i32
    %cond3A_213 = arith.constant 0 : i32
    %cond3A_214 = arith.cmpi ne, %convert_element_type3A_212, %cond3A_213 : i32
    scf.if %cond3A_214 {
      %dma_start3A_462 = arith.constant 1 : i32
      %dma_start3A_463 = arith.constant 0 : i32
      %dma_start3A_464 = arith.constant 0 : i32
      %dma_start3A_465 = tpu.memref_slice %arg7[%dma_start3A_462, %dma_start3A_463, %dma_start3A_464] : memref<4x2x128xi32, #tpu.memory_space<vmem>> -> memref<1x2x128xi32, #tpu.memory_space<vmem>>
      %dma_start3A_466 = tpu.memref_squeeze %dma_start3A_465 : memref<1x2x128xi32, #tpu.memory_space<vmem>> -> memref<2x128xi32, #tpu.memory_space<vmem>>
      %dma_start3A_467 = arith.constant 0 : i32
      %dma_start3A_468 = arith.constant 0 : i32
      %dma_start3A_469 = tpu.memref_slice %arg7[%dma_start3A_462, %dma_start3A_467, %dma_start3A_468] : memref<4x2x128xi32, #tpu.memory_space<vmem>> -> memref<1x2x128xi32, #tpu.memory_space<vmem>>
      %dma_start3A_470 = tpu.memref_squeeze %dma_start3A_469 : memref<1x2x128xi32, #tpu.memory_space<vmem>> -> memref<2x128xi32, #tpu.memory_space<vmem>>
      tpu.enqueue_dma source(%arg4 : memref<2x128xi32, #tpu.memory_space<hbm>>) target(%dma_start3A_470 : memref<2x128xi32, #tpu.memory_space<vmem>>) target_semaphore(%arg11 : memref<!tpu.dma_semaphore, #tpu.memory_space<semaphore_mem>>)
    } else {
    }
    %dma_wait3A_215 = arith.constant 3 : i32
    %dma_wait3A_216 = arith.constant 0 : i32
    %dma_wait3A_217 = arith.constant 0 : i32
    %dma_wait3A_218 = tpu.memref_slice %arg7[%dma_wait3A_215, %dma_wait3A_216, %dma_wait3A_217] : memref<4x2x128xi32, #tpu.memory_space<vmem>> -> memref<1x2x128xi32, #tpu.memory_space<vmem>>
    %dma_wait3A_219 = tpu.memref_squeeze %dma_wait3A_218 : memref<1x2x128xi32, #tpu.memory_space<vmem>> -> memref<2x128xi32, #tpu.memory_space<vmem>>
    %dma_wait3A_220 = arith.constant 0 : i32
    %dma_wait3A_221 = arith.constant 0 : i32
    %dma_wait3A_222 = tpu.memref_slice %arg7[%dma_wait3A_215, %dma_wait3A_220, %dma_wait3A_221] : memref<4x2x128xi32, #tpu.memory_space<vmem>> -> memref<1x2x128xi32, #tpu.memory_space<vmem>>
    %dma_wait3A_223 = tpu.memref_squeeze %dma_wait3A_222 : memref<1x2x128xi32, #tpu.memory_space<vmem>> -> memref<2x128xi32, #tpu.memory_space<vmem>>
    tpu.wait_dma2 semaphore(%arg13 : memref<!tpu.dma_semaphore, #tpu.memory_space<semaphore_mem>>) src(%arg4 : memref<2x128xi32, #tpu.memory_space<hbm>>) dst(%dma_wait3A_223 : memref<2x128xi32, #tpu.memory_space<vmem>>)
    %dma_start3A_224 = arith.constant 3 : i32
    %dma_start3A_225 = arith.constant 0 : i32
    %dma_start3A_226 = arith.constant 1 : i32
    %dma_start3A_227 = arith.constant 0 : i32
    %dma_start3A_228 = arith.constant 0 : i32
    %dma_start3A_229 = tpu.memref_slice %arg8[%dma_start3A_226, %dma_start3A_227, %dma_start3A_228] : memref<2x128x128xf32, #tpu.memory_space<vmem>> -> memref<1x128x128xf32, #tpu.memory_space<vmem>>
    %dma_start3A_230 = tpu.memref_squeeze %dma_start3A_229 : memref<1x128x128xf32, #tpu.memory_space<vmem>> -> memref<128x128xf32, #tpu.memory_space<vmem>>
    %dma_start3A_231 = arith.constant 0 : i32
    %dma_start3A_232 = tpu.memref_slice %arg7[%dma_start3A_224, %dma_start3A_225, %dma_start3A_231] : memref<4x2x128xi32, #tpu.memory_space<vmem>> -> memref<1x1x128xi32, #tpu.memory_space<vmem>>
    %dma_start3A_233 = tpu.memref_squeeze %dma_start3A_232 : memref<1x1x128xi32, #tpu.memory_space<vmem>> -> memref<128xi32, #tpu.memory_space<vmem>>
    %dma_start3A_234 = arith.constant 0 : i32
    %dma_start3A_235 = arith.constant 0 : i32
    %dma_start3A_236 = tpu.memref_slice %arg2[%dma_start3A_234, %dma_start3A_235] : memref<10000x128xf32, #tpu.memory_space<hbm>> -> memref<10000x128xf32, #tpu.memory_space<hbm>>
    tpu.enqueue_indirect_dma source(%dma_start3A_236 : memref<10000x128xf32, #tpu.memory_space<hbm>>) target(%dma_start3A_230 : memref<128x128xf32, #tpu.memory_space<vmem>>) offsets(%dma_start3A_233 : memref<128xi32, #tpu.memory_space<vmem>>) semaphore(%arg15 : memref<!tpu.dma_semaphore, #tpu.memory_space<semaphore_mem>>)
    %dma_wait3A_237 = arith.constant 2 : i32
    %dma_wait3A_238 = arith.constant 0 : i32
    %dma_wait3A_239 = arith.constant 0 : i32
    %dma_wait3A_240 = arith.constant 0 : i32
    %dma_wait3A_241 = arith.constant 0 : i32
    %dma_wait3A_242 = tpu.memref_slice %arg8[%dma_wait3A_239, %dma_wait3A_240, %dma_wait3A_241] : memref<2x128x128xf32, #tpu.memory_space<vmem>> -> memref<1x128x128xf32, #tpu.memory_space<vmem>>
    %dma_wait3A_243 = tpu.memref_squeeze %dma_wait3A_242 : memref<1x128x128xf32, #tpu.memory_space<vmem>> -> memref<128x128xf32, #tpu.memory_space<vmem>>
    %dma_wait3A_244 = arith.constant 0 : i32
    %dma_wait3A_245 = tpu.memref_slice %arg7[%dma_wait3A_237, %dma_wait3A_238, %dma_wait3A_244] : memref<4x2x128xi32, #tpu.memory_space<vmem>> -> memref<1x1x128xi32, #tpu.memory_space<vmem>>
    %dma_wait3A_246 = tpu.memref_squeeze %dma_wait3A_245 : memref<1x1x128xi32, #tpu.memory_space<vmem>> -> memref<128xi32, #tpu.memory_space<vmem>>
    %dma_wait3A_247 = arith.constant 0 : i32
    %dma_wait3A_248 = arith.constant 0 : i32
    %dma_wait3A_249 = tpu.memref_slice %arg2[%dma_wait3A_247, %dma_wait3A_248] : memref<10000x128xf32, #tpu.memory_space<hbm>> -> memref<10000x128xf32, #tpu.memory_space<hbm>>
    tpu.wait_indirect_dma semaphore(%arg14 : memref<!tpu.dma_semaphore, #tpu.memory_space<semaphore_mem>>) src(%dma_wait3A_249 : memref<10000x128xf32, #tpu.memory_space<hbm>>) dst(%dma_wait3A_243 : memref<128x128xf32, #tpu.memory_space<vmem>>)
    %run_scoped3A_250 = arith.constant 0 : i32
    %run_scoped3A_251 = arith.constant 2 : i32
    %run_scoped3A_252 = arith.constant 1 : i32
    "tpu.region"() ({
      %run_scoped3A_462 = tpu.sem_alloc : memref<!tpu.dma_semaphore, #tpu.memory_space<semaphore_mem>>
      %dma_start3A_463 = arith.constant 0 : i32
      %dma_start3A_464 = arith.constant 0 : i32
      %dma_start3A_465 = tpu.memref_slice %arg8[%run_scoped3A_250, %dma_start3A_463, %dma_start3A_464] : memref<2x128x128xf32, #tpu.memory_space<vmem>> -> memref<1x128x128xf32, #tpu.memory_space<vmem>>
      %dma_start3A_466 = tpu.memref_squeeze %dma_start3A_465 : memref<1x128x128xf32, #tpu.memory_space<vmem>> -> memref<128x128xf32, #tpu.memory_space<vmem>>
      %dma_start3A_467 = arith.constant 0 : i32
      %dma_start3A_468 = tpu.memref_slice %arg7[%run_scoped3A_251, %run_scoped3A_252, %dma_start3A_467] : memref<4x2x128xi32, #tpu.memory_space<vmem>> -> memref<1x1x128xi32, #tpu.memory_space<vmem>>
      %dma_start3A_469 = tpu.memref_squeeze %dma_start3A_468 : memref<1x1x128xi32, #tpu.memory_space<vmem>> -> memref<128xi32, #tpu.memory_space<vmem>>
      %dma_start3A_470 = arith.constant 0 : i32
      %dma_start3A_471 = arith.constant 0 : i32
      %dma_start3A_472 = tpu.memref_slice %arg9[%dma_start3A_470, %dma_start3A_471] : memref<10240x128xf32, #tpu.memory_space<vmem_shared>> -> memref<10240x128xf32, #tpu.memory_space<vmem_shared>>
      tpu.enqueue_indirect_dma source(%dma_start3A_466 : memref<128x128xf32, #tpu.memory_space<vmem>>) target(%dma_start3A_472 : memref<10240x128xf32, #tpu.memory_space<vmem_shared>>) offsets(%dma_start3A_469 : memref<128xi32, #tpu.memory_space<vmem>>) semaphore(%run_scoped3A_462 : memref<!tpu.dma_semaphore, #tpu.memory_space<semaphore_mem>>) {add = true}
      %dma_wait3A_473 = arith.constant 0 : i32
      %dma_wait3A_474 = arith.constant 0 : i32
      %dma_wait3A_475 = tpu.memref_slice %arg8[%run_scoped3A_250, %dma_wait3A_473, %dma_wait3A_474] : memref<2x128x128xf32, #tpu.memory_space<vmem>> -> memref<1x128x128xf32, #tpu.memory_space<vmem>>
      %dma_wait3A_476 = tpu.memref_squeeze %dma_wait3A_475 : memref<1x128x128xf32, #tpu.memory_space<vmem>> -> memref<128x128xf32, #tpu.memory_space<vmem>>
      %dma_wait3A_477 = arith.constant 0 : i32
      %dma_wait3A_478 = tpu.memref_slice %arg7[%run_scoped3A_251, %run_scoped3A_252, %dma_wait3A_477] : memref<4x2x128xi32, #tpu.memory_space<vmem>> -> memref<1x1x128xi32, #tpu.memory_space<vmem>>
      %dma_wait3A_479 = tpu.memref_squeeze %dma_wait3A_478 : memref<1x1x128xi32, #tpu.memory_space<vmem>> -> memref<128xi32, #tpu.memory_space<vmem>>
      %dma_wait3A_480 = arith.constant 0 : i32
      %dma_wait3A_481 = arith.constant 0 : i32
      %dma_wait3A_482 = tpu.memref_slice %arg9[%dma_wait3A_480, %dma_wait3A_481] : memref<10240x128xf32, #tpu.memory_space<vmem_shared>> -> memref<10240x128xf32, #tpu.memory_space<vmem_shared>>
      tpu.wait_indirect_dma semaphore(%run_scoped3A_462 : memref<!tpu.dma_semaphore, #tpu.memory_space<semaphore_mem>>) src(%dma_wait3A_476 : memref<128x128xf32, #tpu.memory_space<vmem>>) dst(%dma_wait3A_482 : memref<10240x128xf32, #tpu.memory_space<vmem_shared>>)
      tpu.yield
    }) : () -> ()
    %add3A_253 = arith.constant 9984 : i32
    %add3A_254 = arith.addi %mul3A_6, %add3A_253 : i32
    %mul3A_255 = arith.constant 128 : i32
    %mul3A_256 = arith.muli %add3A, %mul3A_255 : i32
    %add3A_257 = arith.constant 319488 : i32
    %add3A_258 = arith.addi %add3A_257, %mul3A_256 : i32
    %jit3A_259 = arith.constant false
    %select_n3A_260 = arith.select %jit3A_259, %add3A_254, %add3A_258 : i32
    %gt3A_261 = arith.constant 78 : i32
    %gt3A_262 = arith.cmpi sgt, %add3A_4, %gt3A_261 : i32
    %convert_element_type3A_263 = arith.extui %gt3A_262 : i1 to i32
    %cond3A_264 = arith.constant 0 : i32
    %cond3A_265 = arith.cmpi ne, %convert_element_type3A_263, %cond3A_264 : i32
    scf.if %cond3A_265 {
      %dma_start3A_462 = arith.constant 2 : i32
      %dma_start3A_463 = arith.constant 0 : i32
      %dma_start3A_464 = arith.constant 0 : i32
      %dma_start3A_465 = tpu.memref_slice %arg7[%dma_start3A_462, %dma_start3A_463, %dma_start3A_464] : memref<4x2x128xi32, #tpu.memory_space<vmem>> -> memref<1x2x128xi32, #tpu.memory_space<vmem>>
      %dma_start3A_466 = tpu.memref_squeeze %dma_start3A_465 : memref<1x2x128xi32, #tpu.memory_space<vmem>> -> memref<2x128xi32, #tpu.memory_space<vmem>>
      %dma_start3A_467 = arith.constant 0 : i32
      %dma_start3A_468 = tpu.memref_slice %arg3[%dma_start3A_467, %select_n3A_260] : memref<2x320000xi32, #tpu.memory_space<hbm>> -> memref<2x128xi32, #tpu.memory_space<hbm>>
      %dma_start3A_469 = arith.constant 0 : i32
      %dma_start3A_470 = arith.constant 0 : i32
      %dma_start3A_471 = tpu.memref_slice %arg7[%dma_start3A_462, %dma_start3A_469, %dma_start3A_470] : memref<4x2x128xi32, #tpu.memory_space<vmem>> -> memref<1x2x128xi32, #tpu.memory_space<vmem>>
      %dma_start3A_472 = tpu.memref_squeeze %dma_start3A_471 : memref<1x2x128xi32, #tpu.memory_space<vmem>> -> memref<2x128xi32, #tpu.memory_space<vmem>>
      %dma_start3A_473 = arith.constant 0 : i32
      %dma_start3A_474 = tpu.memref_slice %arg3[%dma_start3A_473, %select_n3A_260] : memref<2x320000xi32, #tpu.memory_space<hbm>> -> memref<2x128xi32, #tpu.memory_space<hbm>>
      tpu.enqueue_dma source(%dma_start3A_474 : memref<2x128xi32, #tpu.memory_space<hbm>>) target(%dma_start3A_472 : memref<2x128xi32, #tpu.memory_space<vmem>>) target_semaphore(%arg12 : memref<!tpu.dma_semaphore, #tpu.memory_space<semaphore_mem>>)
    } else {
    }
    %le3A_266 = arith.constant 78 : i32
    %le3A_267 = arith.cmpi sle, %add3A_4, %le3A_266 : i32
    %convert_element_type3A_268 = arith.extui %le3A_267 : i1 to i32
    %cond3A_269 = arith.constant 0 : i32
    %cond3A_270 = arith.cmpi ne, %convert_element_type3A_268, %cond3A_269 : i32
    scf.if %cond3A_270 {
      %dma_start3A_462 = arith.constant 2 : i32
      %dma_start3A_463 = arith.constant 0 : i32
      %dma_start3A_464 = arith.constant 0 : i32
      %dma_start3A_465 = tpu.memref_slice %arg7[%dma_start3A_462, %dma_start3A_463, %dma_start3A_464] : memref<4x2x128xi32, #tpu.memory_space<vmem>> -> memref<1x2x128xi32, #tpu.memory_space<vmem>>
      %dma_start3A_466 = tpu.memref_squeeze %dma_start3A_465 : memref<1x2x128xi32, #tpu.memory_space<vmem>> -> memref<2x128xi32, #tpu.memory_space<vmem>>
      %dma_start3A_467 = arith.constant 0 : i32
      %dma_start3A_468 = arith.constant 0 : i32
      %dma_start3A_469 = tpu.memref_slice %arg7[%dma_start3A_462, %dma_start3A_467, %dma_start3A_468] : memref<4x2x128xi32, #tpu.memory_space<vmem>> -> memref<1x2x128xi32, #tpu.memory_space<vmem>>
      %dma_start3A_470 = tpu.memref_squeeze %dma_start3A_469 : memref<1x2x128xi32, #tpu.memory_space<vmem>> -> memref<2x128xi32, #tpu.memory_space<vmem>>
      tpu.enqueue_dma source(%arg4 : memref<2x128xi32, #tpu.memory_space<hbm>>) target(%dma_start3A_470 : memref<2x128xi32, #tpu.memory_space<vmem>>) target_semaphore(%arg12 : memref<!tpu.dma_semaphore, #tpu.memory_space<semaphore_mem>>)
    } else {
    }
    %dma_wait3A_271 = arith.constant 0 : i32
    %dma_wait3A_272 = arith.constant 0 : i32
    %dma_wait3A_273 = arith.constant 0 : i32
    %dma_wait3A_274 = tpu.memref_slice %arg7[%dma_wait3A_271, %dma_wait3A_272, %dma_wait3A_273] : memref<4x2x128xi32, #tpu.memory_space<vmem>> -> memref<1x2x128xi32, #tpu.memory_space<vmem>>
    %dma_wait3A_275 = tpu.memref_squeeze %dma_wait3A_274 : memref<1x2x128xi32, #tpu.memory_space<vmem>> -> memref<2x128xi32, #tpu.memory_space<vmem>>
    %dma_wait3A_276 = arith.constant 0 : i32
    %dma_wait3A_277 = arith.constant 0 : i32
    %dma_wait3A_278 = tpu.memref_slice %arg7[%dma_wait3A_271, %dma_wait3A_276, %dma_wait3A_277] : memref<4x2x128xi32, #tpu.memory_space<vmem>> -> memref<1x2x128xi32, #tpu.memory_space<vmem>>
    %dma_wait3A_279 = tpu.memref_squeeze %dma_wait3A_278 : memref<1x2x128xi32, #tpu.memory_space<vmem>> -> memref<2x128xi32, #tpu.memory_space<vmem>>
    tpu.wait_dma2 semaphore(%arg10 : memref<!tpu.dma_semaphore, #tpu.memory_space<semaphore_mem>>) src(%arg4 : memref<2x128xi32, #tpu.memory_space<hbm>>) dst(%dma_wait3A_279 : memref<2x128xi32, #tpu.memory_space<vmem>>)
    %dma_start3A_280 = arith.constant 0 : i32
    %dma_start3A_281 = arith.constant 0 : i32
    %dma_start3A_282 = arith.constant 0 : i32
    %dma_start3A_283 = arith.constant 0 : i32
    %dma_start3A_284 = arith.constant 0 : i32
    %dma_start3A_285 = tpu.memref_slice %arg8[%dma_start3A_282, %dma_start3A_283, %dma_start3A_284] : memref<2x128x128xf32, #tpu.memory_space<vmem>> -> memref<1x128x128xf32, #tpu.memory_space<vmem>>
    %dma_start3A_286 = tpu.memref_squeeze %dma_start3A_285 : memref<1x128x128xf32, #tpu.memory_space<vmem>> -> memref<128x128xf32, #tpu.memory_space<vmem>>
    %dma_start3A_287 = arith.constant 0 : i32
    %dma_start3A_288 = tpu.memref_slice %arg7[%dma_start3A_280, %dma_start3A_281, %dma_start3A_287] : memref<4x2x128xi32, #tpu.memory_space<vmem>> -> memref<1x1x128xi32, #tpu.memory_space<vmem>>
    %dma_start3A_289 = tpu.memref_squeeze %dma_start3A_288 : memref<1x1x128xi32, #tpu.memory_space<vmem>> -> memref<128xi32, #tpu.memory_space<vmem>>
    %dma_start3A_290 = arith.constant 0 : i32
    %dma_start3A_291 = arith.constant 0 : i32
    %dma_start3A_292 = tpu.memref_slice %arg2[%dma_start3A_290, %dma_start3A_291] : memref<10000x128xf32, #tpu.memory_space<hbm>> -> memref<10000x128xf32, #tpu.memory_space<hbm>>
    tpu.enqueue_indirect_dma source(%dma_start3A_292 : memref<10000x128xf32, #tpu.memory_space<hbm>>) target(%dma_start3A_286 : memref<128x128xf32, #tpu.memory_space<vmem>>) offsets(%dma_start3A_289 : memref<128xi32, #tpu.memory_space<vmem>>) semaphore(%arg14 : memref<!tpu.dma_semaphore, #tpu.memory_space<semaphore_mem>>)
    %dma_wait3A_293 = arith.constant 3 : i32
    %dma_wait3A_294 = arith.constant 0 : i32
    %dma_wait3A_295 = arith.constant 1 : i32
    %dma_wait3A_296 = arith.constant 0 : i32
    %dma_wait3A_297 = arith.constant 0 : i32
    %dma_wait3A_298 = tpu.memref_slice %arg8[%dma_wait3A_295, %dma_wait3A_296, %dma_wait3A_297] : memref<2x128x128xf32, #tpu.memory_space<vmem>> -> memref<1x128x128xf32, #tpu.memory_space<vmem>>
    %dma_wait3A_299 = tpu.memref_squeeze %dma_wait3A_298 : memref<1x128x128xf32, #tpu.memory_space<vmem>> -> memref<128x128xf32, #tpu.memory_space<vmem>>
    %dma_wait3A_300 = arith.constant 0 : i32
    %dma_wait3A_301 = tpu.memref_slice %arg7[%dma_wait3A_293, %dma_wait3A_294, %dma_wait3A_300] : memref<4x2x128xi32, #tpu.memory_space<vmem>> -> memref<1x1x128xi32, #tpu.memory_space<vmem>>
    %dma_wait3A_302 = tpu.memref_squeeze %dma_wait3A_301 : memref<1x1x128xi32, #tpu.memory_space<vmem>> -> memref<128xi32, #tpu.memory_space<vmem>>
    %dma_wait3A_303 = arith.constant 0 : i32
    %dma_wait3A_304 = arith.constant 0 : i32
    %dma_wait3A_305 = tpu.memref_slice %arg2[%dma_wait3A_303, %dma_wait3A_304] : memref<10000x128xf32, #tpu.memory_space<hbm>> -> memref<10000x128xf32, #tpu.memory_space<hbm>>
    tpu.wait_indirect_dma semaphore(%arg15 : memref<!tpu.dma_semaphore, #tpu.memory_space<semaphore_mem>>) src(%dma_wait3A_305 : memref<10000x128xf32, #tpu.memory_space<hbm>>) dst(%dma_wait3A_299 : memref<128x128xf32, #tpu.memory_space<vmem>>)
    %run_scoped3A_306 = arith.constant 1 : i32
    %run_scoped3A_307 = arith.constant 3 : i32
    %run_scoped3A_308 = arith.constant 1 : i32
    "tpu.region"() ({
      %run_scoped3A_462 = tpu.sem_alloc : memref<!tpu.dma_semaphore, #tpu.memory_space<semaphore_mem>>
      %dma_start3A_463 = arith.constant 0 : i32
      %dma_start3A_464 = arith.constant 0 : i32
      %dma_start3A_465 = tpu.memref_slice %arg8[%run_scoped3A_306, %dma_start3A_463, %dma_start3A_464] : memref<2x128x128xf32, #tpu.memory_space<vmem>> -> memref<1x128x128xf32, #tpu.memory_space<vmem>>
      %dma_start3A_466 = tpu.memref_squeeze %dma_start3A_465 : memref<1x128x128xf32, #tpu.memory_space<vmem>> -> memref<128x128xf32, #tpu.memory_space<vmem>>
      %dma_start3A_467 = arith.constant 0 : i32
      %dma_start3A_468 = tpu.memref_slice %arg7[%run_scoped3A_307, %run_scoped3A_308, %dma_start3A_467] : memref<4x2x128xi32, #tpu.memory_space<vmem>> -> memref<1x1x128xi32, #tpu.memory_space<vmem>>
      %dma_start3A_469 = tpu.memref_squeeze %dma_start3A_468 : memref<1x1x128xi32, #tpu.memory_space<vmem>> -> memref<128xi32, #tpu.memory_space<vmem>>
      %dma_start3A_470 = arith.constant 0 : i32
      %dma_start3A_471 = arith.constant 0 : i32
      %dma_start3A_472 = tpu.memref_slice %arg9[%dma_start3A_470, %dma_start3A_471] : memref<10240x128xf32, #tpu.memory_space<vmem_shared>> -> memref<10240x128xf32, #tpu.memory_space<vmem_shared>>
      tpu.enqueue_indirect_dma source(%dma_start3A_466 : memref<128x128xf32, #tpu.memory_space<vmem>>) target(%dma_start3A_472 : memref<10240x128xf32, #tpu.memory_space<vmem_shared>>) offsets(%dma_start3A_469 : memref<128xi32, #tpu.memory_space<vmem>>) semaphore(%run_scoped3A_462 : memref<!tpu.dma_semaphore, #tpu.memory_space<semaphore_mem>>) {add = true}
      %dma_wait3A_473 = arith.constant 0 : i32
      %dma_wait3A_474 = arith.constant 0 : i32
      %dma_wait3A_475 = tpu.memref_slice %arg8[%run_scoped3A_306, %dma_wait3A_473, %dma_wait3A_474] : memref<2x128x128xf32, #tpu.memory_space<vmem>> -> memref<1x128x128xf32, #tpu.memory_space<vmem>>
      %dma_wait3A_476 = tpu.memref_squeeze %dma_wait3A_475 : memref<1x128x128xf32, #tpu.memory_space<vmem>> -> memref<128x128xf32, #tpu.memory_space<vmem>>
      %dma_wait3A_477 = arith.constant 0 : i32
      %dma_wait3A_478 = tpu.memref_slice %arg7[%run_scoped3A_307, %run_scoped3A_308, %dma_wait3A_477] : memref<4x2x128xi32, #tpu.memory_space<vmem>> -> memref<1x1x128xi32, #tpu.memory_space<vmem>>
      %dma_wait3A_479 = tpu.memref_squeeze %dma_wait3A_478 : memref<1x1x128xi32, #tpu.memory_space<vmem>> -> memref<128xi32, #tpu.memory_space<vmem>>
      %dma_wait3A_480 = arith.constant 0 : i32
      %dma_wait3A_481 = arith.constant 0 : i32
      %dma_wait3A_482 = tpu.memref_slice %arg9[%dma_wait3A_480, %dma_wait3A_481] : memref<10240x128xf32, #tpu.memory_space<vmem_shared>> -> memref<10240x128xf32, #tpu.memory_space<vmem_shared>>
      tpu.wait_indirect_dma semaphore(%run_scoped3A_462 : memref<!tpu.dma_semaphore, #tpu.memory_space<semaphore_mem>>) src(%dma_wait3A_476 : memref<128x128xf32, #tpu.memory_space<vmem>>) dst(%dma_wait3A_482 : memref<10240x128xf32, #tpu.memory_space<vmem_shared>>)
      tpu.yield
    }) : () -> ()
    %add3A_309 = arith.constant 10112 : i32
    %add3A_310 = arith.addi %mul3A_6, %add3A_309 : i32
    %mul3A_311 = arith.constant 128 : i32
    %mul3A_312 = arith.muli %add3A, %mul3A_311 : i32
    %add3A_313 = arith.constant 319488 : i32
    %add3A_314 = arith.addi %add3A_313, %mul3A_312 : i32
    %jit3A_315 = arith.constant false
    %select_n3A_316 = arith.select %jit3A_315, %add3A_310, %add3A_314 : i32
    %gt3A_317 = arith.constant 79 : i32
    %gt3A_318 = arith.cmpi sgt, %add3A_4, %gt3A_317 : i32
    %convert_element_type3A_319 = arith.extui %gt3A_318 : i1 to i32
    %cond3A_320 = arith.constant 0 : i32
    %cond3A_321 = arith.cmpi ne, %convert_element_type3A_319, %cond3A_320 : i32
    scf.if %cond3A_321 {
      %dma_start3A_462 = arith.constant 3 : i32
      %dma_start3A_463 = arith.constant 0 : i32
      %dma_start3A_464 = arith.constant 0 : i32
      %dma_start3A_465 = tpu.memref_slice %arg7[%dma_start3A_462, %dma_start3A_463, %dma_start3A_464] : memref<4x2x128xi32, #tpu.memory_space<vmem>> -> memref<1x2x128xi32, #tpu.memory_space<vmem>>
      %dma_start3A_466 = tpu.memref_squeeze %dma_start3A_465 : memref<1x2x128xi32, #tpu.memory_space<vmem>> -> memref<2x128xi32, #tpu.memory_space<vmem>>
      %dma_start3A_467 = arith.constant 0 : i32
      %dma_start3A_468 = tpu.memref_slice %arg3[%dma_start3A_467, %select_n3A_316] : memref<2x320000xi32, #tpu.memory_space<hbm>> -> memref<2x128xi32, #tpu.memory_space<hbm>>
      %dma_start3A_469 = arith.constant 0 : i32
      %dma_start3A_470 = arith.constant 0 : i32
      %dma_start3A_471 = tpu.memref_slice %arg7[%dma_start3A_462, %dma_start3A_469, %dma_start3A_470] : memref<4x2x128xi32, #tpu.memory_space<vmem>> -> memref<1x2x128xi32, #tpu.memory_space<vmem>>
      %dma_start3A_472 = tpu.memref_squeeze %dma_start3A_471 : memref<1x2x128xi32, #tpu.memory_space<vmem>> -> memref<2x128xi32, #tpu.memory_space<vmem>>
      %dma_start3A_473 = arith.constant 0 : i32
      %dma_start3A_474 = tpu.memref_slice %arg3[%dma_start3A_473, %select_n3A_316] : memref<2x320000xi32, #tpu.memory_space<hbm>> -> memref<2x128xi32, #tpu.memory_space<hbm>>
      tpu.enqueue_dma source(%dma_start3A_474 : memref<2x128xi32, #tpu.memory_space<hbm>>) target(%dma_start3A_472 : memref<2x128xi32, #tpu.memory_space<vmem>>) target_semaphore(%arg13 : memref<!tpu.dma_semaphore, #tpu.memory_space<semaphore_mem>>)
    } else {
    }
    %le3A_322 = arith.constant 79 : i32
    %le3A_323 = arith.cmpi sle, %add3A_4, %le3A_322 : i32
    %convert_element_type3A_324 = arith.extui %le3A_323 : i1 to i32
    %cond3A_325 = arith.constant 0 : i32
    %cond3A_326 = arith.cmpi ne, %convert_element_type3A_324, %cond3A_325 : i32
    scf.if %cond3A_326 {
      %dma_start3A_462 = arith.constant 3 : i32
      %dma_start3A_463 = arith.constant 0 : i32
      %dma_start3A_464 = arith.constant 0 : i32
      %dma_start3A_465 = tpu.memref_slice %arg7[%dma_start3A_462, %dma_start3A_463, %dma_start3A_464] : memref<4x2x128xi32, #tpu.memory_space<vmem>> -> memref<1x2x128xi32, #tpu.memory_space<vmem>>
      %dma_start3A_466 = tpu.memref_squeeze %dma_start3A_465 : memref<1x2x128xi32, #tpu.memory_space<vmem>> -> memref<2x128xi32, #tpu.memory_space<vmem>>
      %dma_start3A_467 = arith.constant 0 : i32
      %dma_start3A_468 = arith.constant 0 : i32
      %dma_start3A_469 = tpu.memref_slice %arg7[%dma_start3A_462, %dma_start3A_467, %dma_start3A_468] : memref<4x2x128xi32, #tpu.memory_space<vmem>> -> memref<1x2x128xi32, #tpu.memory_space<vmem>>
      %dma_start3A_470 = tpu.memref_squeeze %dma_start3A_469 : memref<1x2x128xi32, #tpu.memory_space<vmem>> -> memref<2x128xi32, #tpu.memory_space<vmem>>
      tpu.enqueue_dma source(%arg4 : memref<2x128xi32, #tpu.memory_space<hbm>>) target(%dma_start3A_470 : memref<2x128xi32, #tpu.memory_space<vmem>>) target_semaphore(%arg13 : memref<!tpu.dma_semaphore, #tpu.memory_space<semaphore_mem>>)
    } else {
    }
    %dma_wait3A_327 = arith.constant 1 : i32
    %dma_wait3A_328 = arith.constant 0 : i32
    %dma_wait3A_329 = arith.constant 0 : i32
    %dma_wait3A_330 = tpu.memref_slice %arg7[%dma_wait3A_327, %dma_wait3A_328, %dma_wait3A_329] : memref<4x2x128xi32, #tpu.memory_space<vmem>> -> memref<1x2x128xi32, #tpu.memory_space<vmem>>
    %dma_wait3A_331 = tpu.memref_squeeze %dma_wait3A_330 : memref<1x2x128xi32, #tpu.memory_space<vmem>> -> memref<2x128xi32, #tpu.memory_space<vmem>>
    %dma_wait3A_332 = arith.constant 0 : i32
    %dma_wait3A_333 = arith.constant 0 : i32
    %dma_wait3A_334 = tpu.memref_slice %arg7[%dma_wait3A_327, %dma_wait3A_332, %dma_wait3A_333] : memref<4x2x128xi32, #tpu.memory_space<vmem>> -> memref<1x2x128xi32, #tpu.memory_space<vmem>>
    %dma_wait3A_335 = tpu.memref_squeeze %dma_wait3A_334 : memref<1x2x128xi32, #tpu.memory_space<vmem>> -> memref<2x128xi32, #tpu.memory_space<vmem>>
    tpu.wait_dma2 semaphore(%arg11 : memref<!tpu.dma_semaphore, #tpu.memory_space<semaphore_mem>>) src(%arg4 : memref<2x128xi32, #tpu.memory_space<hbm>>) dst(%dma_wait3A_335 : memref<2x128xi32, #tpu.memory_space<vmem>>)
    %dma_start3A_336 = arith.constant 1 : i32
    %dma_start3A_337 = arith.constant 0 : i32
    %dma_start3A_338 = arith.constant 1 : i32
    %dma_start3A_339 = arith.constant 0 : i32
    %dma_start3A_340 = arith.constant 0 : i32
    %dma_start3A_341 = tpu.memref_slice %arg8[%dma_start3A_338, %dma_start3A_339, %dma_start3A_340] : memref<2x128x128xf32, #tpu.memory_space<vmem>> -> memref<1x128x128xf32, #tpu.memory_space<vmem>>
    %dma_start3A_342 = tpu.memref_squeeze %dma_start3A_341 : memref<1x128x128xf32, #tpu.memory_space<vmem>> -> memref<128x128xf32, #tpu.memory_space<vmem>>
    %dma_start3A_343 = arith.constant 0 : i32
    %dma_start3A_344 = tpu.memref_slice %arg7[%dma_start3A_336, %dma_start3A_337, %dma_start3A_343] : memref<4x2x128xi32, #tpu.memory_space<vmem>> -> memref<1x1x128xi32, #tpu.memory_space<vmem>>
    %dma_start3A_345 = tpu.memref_squeeze %dma_start3A_344 : memref<1x1x128xi32, #tpu.memory_space<vmem>> -> memref<128xi32, #tpu.memory_space<vmem>>
    %dma_start3A_346 = arith.constant 0 : i32
    %dma_start3A_347 = arith.constant 0 : i32
    %dma_start3A_348 = tpu.memref_slice %arg2[%dma_start3A_346, %dma_start3A_347] : memref<10000x128xf32, #tpu.memory_space<hbm>> -> memref<10000x128xf32, #tpu.memory_space<hbm>>
    tpu.enqueue_indirect_dma source(%dma_start3A_348 : memref<10000x128xf32, #tpu.memory_space<hbm>>) target(%dma_start3A_342 : memref<128x128xf32, #tpu.memory_space<vmem>>) offsets(%dma_start3A_345 : memref<128xi32, #tpu.memory_space<vmem>>) semaphore(%arg15 : memref<!tpu.dma_semaphore, #tpu.memory_space<semaphore_mem>>)
    %dma_wait3A_349 = arith.constant 0 : i32
    %dma_wait3A_350 = arith.constant 0 : i32
    %dma_wait3A_351 = arith.constant 0 : i32
    %dma_wait3A_352 = arith.constant 0 : i32
    %dma_wait3A_353 = arith.constant 0 : i32
    %dma_wait3A_354 = tpu.memref_slice %arg8[%dma_wait3A_351, %dma_wait3A_352, %dma_wait3A_353] : memref<2x128x128xf32, #tpu.memory_space<vmem>> -> memref<1x128x128xf32, #tpu.memory_space<vmem>>
    %dma_wait3A_355 = tpu.memref_squeeze %dma_wait3A_354 : memref<1x128x128xf32, #tpu.memory_space<vmem>> -> memref<128x128xf32, #tpu.memory_space<vmem>>
    %dma_wait3A_356 = arith.constant 0 : i32
    %dma_wait3A_357 = tpu.memref_slice %arg7[%dma_wait3A_349, %dma_wait3A_350, %dma_wait3A_356] : memref<4x2x128xi32, #tpu.memory_space<vmem>> -> memref<1x1x128xi32, #tpu.memory_space<vmem>>
    %dma_wait3A_358 = tpu.memref_squeeze %dma_wait3A_357 : memref<1x1x128xi32, #tpu.memory_space<vmem>> -> memref<128xi32, #tpu.memory_space<vmem>>
    %dma_wait3A_359 = arith.constant 0 : i32
    %dma_wait3A_360 = arith.constant 0 : i32
    %dma_wait3A_361 = tpu.memref_slice %arg2[%dma_wait3A_359, %dma_wait3A_360] : memref<10000x128xf32, #tpu.memory_space<hbm>> -> memref<10000x128xf32, #tpu.memory_space<hbm>>
    tpu.wait_indirect_dma semaphore(%arg14 : memref<!tpu.dma_semaphore, #tpu.memory_space<semaphore_mem>>) src(%dma_wait3A_361 : memref<10000x128xf32, #tpu.memory_space<hbm>>) dst(%dma_wait3A_355 : memref<128x128xf32, #tpu.memory_space<vmem>>)
    %run_scoped3A_362 = arith.constant 0 : i32
    %run_scoped3A_363 = arith.constant 0 : i32
    %run_scoped3A_364 = arith.constant 1 : i32
    "tpu.region"() ({
      %run_scoped3A_462 = tpu.sem_alloc : memref<!tpu.dma_semaphore, #tpu.memory_space<semaphore_mem>>
      %dma_start3A_463 = arith.constant 0 : i32
      %dma_start3A_464 = arith.constant 0 : i32
      %dma_start3A_465 = tpu.memref_slice %arg8[%run_scoped3A_362, %dma_start3A_463, %dma_start3A_464] : memref<2x128x128xf32, #tpu.memory_space<vmem>> -> memref<1x128x128xf32, #tpu.memory_space<vmem>>
      %dma_start3A_466 = tpu.memref_squeeze %dma_start3A_465 : memref<1x128x128xf32, #tpu.memory_space<vmem>> -> memref<128x128xf32, #tpu.memory_space<vmem>>
      %dma_start3A_467 = arith.constant 0 : i32
      %dma_start3A_468 = tpu.memref_slice %arg7[%run_scoped3A_363, %run_scoped3A_364, %dma_start3A_467] : memref<4x2x128xi32, #tpu.memory_space<vmem>> -> memref<1x1x128xi32, #tpu.memory_space<vmem>>
      %dma_start3A_469 = tpu.memref_squeeze %dma_start3A_468 : memref<1x1x128xi32, #tpu.memory_space<vmem>> -> memref<128xi32, #tpu.memory_space<vmem>>
      %dma_start3A_470 = arith.constant 0 : i32
      %dma_start3A_471 = arith.constant 0 : i32
      %dma_start3A_472 = tpu.memref_slice %arg9[%dma_start3A_470, %dma_start3A_471] : memref<10240x128xf32, #tpu.memory_space<vmem_shared>> -> memref<10240x128xf32, #tpu.memory_space<vmem_shared>>
      tpu.enqueue_indirect_dma source(%dma_start3A_466 : memref<128x128xf32, #tpu.memory_space<vmem>>) target(%dma_start3A_472 : memref<10240x128xf32, #tpu.memory_space<vmem_shared>>) offsets(%dma_start3A_469 : memref<128xi32, #tpu.memory_space<vmem>>) semaphore(%run_scoped3A_462 : memref<!tpu.dma_semaphore, #tpu.memory_space<semaphore_mem>>) {add = true}
      %dma_wait3A_473 = arith.constant 0 : i32
      %dma_wait3A_474 = arith.constant 0 : i32
      %dma_wait3A_475 = tpu.memref_slice %arg8[%run_scoped3A_362, %dma_wait3A_473, %dma_wait3A_474] : memref<2x128x128xf32, #tpu.memory_space<vmem>> -> memref<1x128x128xf32, #tpu.memory_space<vmem>>
      %dma_wait3A_476 = tpu.memref_squeeze %dma_wait3A_475 : memref<1x128x128xf32, #tpu.memory_space<vmem>> -> memref<128x128xf32, #tpu.memory_space<vmem>>
      %dma_wait3A_477 = arith.constant 0 : i32
      %dma_wait3A_478 = tpu.memref_slice %arg7[%run_scoped3A_363, %run_scoped3A_364, %dma_wait3A_477] : memref<4x2x128xi32, #tpu.memory_space<vmem>> -> memref<1x1x128xi32, #tpu.memory_space<vmem>>
      %dma_wait3A_479 = tpu.memref_squeeze %dma_wait3A_478 : memref<1x1x128xi32, #tpu.memory_space<vmem>> -> memref<128xi32, #tpu.memory_space<vmem>>
      %dma_wait3A_480 = arith.constant 0 : i32
      %dma_wait3A_481 = arith.constant 0 : i32
      %dma_wait3A_482 = tpu.memref_slice %arg9[%dma_wait3A_480, %dma_wait3A_481] : memref<10240x128xf32, #tpu.memory_space<vmem_shared>> -> memref<10240x128xf32, #tpu.memory_space<vmem_shared>>
      tpu.wait_indirect_dma semaphore(%run_scoped3A_462 : memref<!tpu.dma_semaphore, #tpu.memory_space<semaphore_mem>>) src(%dma_wait3A_476 : memref<128x128xf32, #tpu.memory_space<vmem>>) dst(%dma_wait3A_482 : memref<10240x128xf32, #tpu.memory_space<vmem_shared>>)
      tpu.yield
    }) : () -> ()
    %dma_wait3A_365 = arith.constant 2 : i32
    %dma_wait3A_366 = arith.constant 0 : i32
    %dma_wait3A_367 = arith.constant 0 : i32
    %dma_wait3A_368 = tpu.memref_slice %arg7[%dma_wait3A_365, %dma_wait3A_366, %dma_wait3A_367] : memref<4x2x128xi32, #tpu.memory_space<vmem>> -> memref<1x2x128xi32, #tpu.memory_space<vmem>>
    %dma_wait3A_369 = tpu.memref_squeeze %dma_wait3A_368 : memref<1x2x128xi32, #tpu.memory_space<vmem>> -> memref<2x128xi32, #tpu.memory_space<vmem>>
    %dma_wait3A_370 = arith.constant 0 : i32
    %dma_wait3A_371 = arith.constant 0 : i32
    %dma_wait3A_372 = tpu.memref_slice %arg7[%dma_wait3A_365, %dma_wait3A_370, %dma_wait3A_371] : memref<4x2x128xi32, #tpu.memory_space<vmem>> -> memref<1x2x128xi32, #tpu.memory_space<vmem>>
    %dma_wait3A_373 = tpu.memref_squeeze %dma_wait3A_372 : memref<1x2x128xi32, #tpu.memory_space<vmem>> -> memref<2x128xi32, #tpu.memory_space<vmem>>
    tpu.wait_dma2 semaphore(%arg12 : memref<!tpu.dma_semaphore, #tpu.memory_space<semaphore_mem>>) src(%arg4 : memref<2x128xi32, #tpu.memory_space<hbm>>) dst(%dma_wait3A_373 : memref<2x128xi32, #tpu.memory_space<vmem>>)
    %dma_start3A_374 = arith.constant 2 : i32
    %dma_start3A_375 = arith.constant 0 : i32
    %dma_start3A_376 = arith.constant 0 : i32
    %dma_start3A_377 = arith.constant 0 : i32
    %dma_start3A_378 = arith.constant 0 : i32
    %dma_start3A_379 = tpu.memref_slice %arg8[%dma_start3A_376, %dma_start3A_377, %dma_start3A_378] : memref<2x128x128xf32, #tpu.memory_space<vmem>> -> memref<1x128x128xf32, #tpu.memory_space<vmem>>
    %dma_start3A_380 = tpu.memref_squeeze %dma_start3A_379 : memref<1x128x128xf32, #tpu.memory_space<vmem>> -> memref<128x128xf32, #tpu.memory_space<vmem>>
    %dma_start3A_381 = arith.constant 0 : i32
    %dma_start3A_382 = tpu.memref_slice %arg7[%dma_start3A_374, %dma_start3A_375, %dma_start3A_381] : memref<4x2x128xi32, #tpu.memory_space<vmem>> -> memref<1x1x128xi32, #tpu.memory_space<vmem>>
    %dma_start3A_383 = tpu.memref_squeeze %dma_start3A_382 : memref<1x1x128xi32, #tpu.memory_space<vmem>> -> memref<128xi32, #tpu.memory_space<vmem>>
    %dma_start3A_384 = arith.constant 0 : i32
    %dma_start3A_385 = arith.constant 0 : i32
    %dma_start3A_386 = tpu.memref_slice %arg2[%dma_start3A_384, %dma_start3A_385] : memref<10000x128xf32, #tpu.memory_space<hbm>> -> memref<10000x128xf32, #tpu.memory_space<hbm>>
    tpu.enqueue_indirect_dma source(%dma_start3A_386 : memref<10000x128xf32, #tpu.memory_space<hbm>>) target(%dma_start3A_380 : memref<128x128xf32, #tpu.memory_space<vmem>>) offsets(%dma_start3A_383 : memref<128xi32, #tpu.memory_space<vmem>>) semaphore(%arg14 : memref<!tpu.dma_semaphore, #tpu.memory_space<semaphore_mem>>)
    %dma_wait3A_387 = arith.constant 1 : i32
    %dma_wait3A_388 = arith.constant 0 : i32
    %dma_wait3A_389 = arith.constant 1 : i32
    %dma_wait3A_390 = arith.constant 0 : i32
    %dma_wait3A_391 = arith.constant 0 : i32
    %dma_wait3A_392 = tpu.memref_slice %arg8[%dma_wait3A_389, %dma_wait3A_390, %dma_wait3A_391] : memref<2x128x128xf32, #tpu.memory_space<vmem>> -> memref<1x128x128xf32, #tpu.memory_space<vmem>>
    %dma_wait3A_393 = tpu.memref_squeeze %dma_wait3A_392 : memref<1x128x128xf32, #tpu.memory_space<vmem>> -> memref<128x128xf32, #tpu.memory_space<vmem>>
    %dma_wait3A_394 = arith.constant 0 : i32
    %dma_wait3A_395 = tpu.memref_slice %arg7[%dma_wait3A_387, %dma_wait3A_388, %dma_wait3A_394] : memref<4x2x128xi32, #tpu.memory_space<vmem>> -> memref<1x1x128xi32, #tpu.memory_space<vmem>>
    %dma_wait3A_396 = tpu.memref_squeeze %dma_wait3A_395 : memref<1x1x128xi32, #tpu.memory_space<vmem>> -> memref<128xi32, #tpu.memory_space<vmem>>
    %dma_wait3A_397 = arith.constant 0 : i32
    %dma_wait3A_398 = arith.constant 0 : i32
    %dma_wait3A_399 = tpu.memref_slice %arg2[%dma_wait3A_397, %dma_wait3A_398] : memref<10000x128xf32, #tpu.memory_space<hbm>> -> memref<10000x128xf32, #tpu.memory_space<hbm>>
    tpu.wait_indirect_dma semaphore(%arg15 : memref<!tpu.dma_semaphore, #tpu.memory_space<semaphore_mem>>) src(%dma_wait3A_399 : memref<10000x128xf32, #tpu.memory_space<hbm>>) dst(%dma_wait3A_393 : memref<128x128xf32, #tpu.memory_space<vmem>>)
    %run_scoped3A_400 = arith.constant 1 : i32
    %run_scoped3A_401 = arith.constant 1 : i32
    %run_scoped3A_402 = arith.constant 1 : i32
    "tpu.region"() ({
      %run_scoped3A_462 = tpu.sem_alloc : memref<!tpu.dma_semaphore, #tpu.memory_space<semaphore_mem>>
      %dma_start3A_463 = arith.constant 0 : i32
      %dma_start3A_464 = arith.constant 0 : i32
      %dma_start3A_465 = tpu.memref_slice %arg8[%run_scoped3A_400, %dma_start3A_463, %dma_start3A_464] : memref<2x128x128xf32, #tpu.memory_space<vmem>> -> memref<1x128x128xf32, #tpu.memory_space<vmem>>
      %dma_start3A_466 = tpu.memref_squeeze %dma_start3A_465 : memref<1x128x128xf32, #tpu.memory_space<vmem>> -> memref<128x128xf32, #tpu.memory_space<vmem>>
      %dma_start3A_467 = arith.constant 0 : i32
      %dma_start3A_468 = tpu.memref_slice %arg7[%run_scoped3A_401, %run_scoped3A_402, %dma_start3A_467] : memref<4x2x128xi32, #tpu.memory_space<vmem>> -> memref<1x1x128xi32, #tpu.memory_space<vmem>>
      %dma_start3A_469 = tpu.memref_squeeze %dma_start3A_468 : memref<1x1x128xi32, #tpu.memory_space<vmem>> -> memref<128xi32, #tpu.memory_space<vmem>>
      %dma_start3A_470 = arith.constant 0 : i32
      %dma_start3A_471 = arith.constant 0 : i32
      %dma_start3A_472 = tpu.memref_slice %arg9[%dma_start3A_470, %dma_start3A_471] : memref<10240x128xf32, #tpu.memory_space<vmem_shared>> -> memref<10240x128xf32, #tpu.memory_space<vmem_shared>>
      tpu.enqueue_indirect_dma source(%dma_start3A_466 : memref<128x128xf32, #tpu.memory_space<vmem>>) target(%dma_start3A_472 : memref<10240x128xf32, #tpu.memory_space<vmem_shared>>) offsets(%dma_start3A_469 : memref<128xi32, #tpu.memory_space<vmem>>) semaphore(%run_scoped3A_462 : memref<!tpu.dma_semaphore, #tpu.memory_space<semaphore_mem>>) {add = true}
      %dma_wait3A_473 = arith.constant 0 : i32
      %dma_wait3A_474 = arith.constant 0 : i32
      %dma_wait3A_475 = tpu.memref_slice %arg8[%run_scoped3A_400, %dma_wait3A_473, %dma_wait3A_474] : memref<2x128x128xf32, #tpu.memory_space<vmem>> -> memref<1x128x128xf32, #tpu.memory_space<vmem>>
      %dma_wait3A_476 = tpu.memref_squeeze %dma_wait3A_475 : memref<1x128x128xf32, #tpu.memory_space<vmem>> -> memref<128x128xf32, #tpu.memory_space<vmem>>
      %dma_wait3A_477 = arith.constant 0 : i32
      %dma_wait3A_478 = tpu.memref_slice %arg7[%run_scoped3A_401, %run_scoped3A_402, %dma_wait3A_477] : memref<4x2x128xi32, #tpu.memory_space<vmem>> -> memref<1x1x128xi32, #tpu.memory_space<vmem>>
      %dma_wait3A_479 = tpu.memref_squeeze %dma_wait3A_478 : memref<1x1x128xi32, #tpu.memory_space<vmem>> -> memref<128xi32, #tpu.memory_space<vmem>>
      %dma_wait3A_480 = arith.constant 0 : i32
      %dma_wait3A_481 = arith.constant 0 : i32
      %dma_wait3A_482 = tpu.memref_slice %arg9[%dma_wait3A_480, %dma_wait3A_481] : memref<10240x128xf32, #tpu.memory_space<vmem_shared>> -> memref<10240x128xf32, #tpu.memory_space<vmem_shared>>
      tpu.wait_indirect_dma semaphore(%run_scoped3A_462 : memref<!tpu.dma_semaphore, #tpu.memory_space<semaphore_mem>>) src(%dma_wait3A_476 : memref<128x128xf32, #tpu.memory_space<vmem>>) dst(%dma_wait3A_482 : memref<10240x128xf32, #tpu.memory_space<vmem_shared>>)
      tpu.yield
    }) : () -> ()
    %dma_wait3A_403 = arith.constant 3 : i32
    %dma_wait3A_404 = arith.constant 0 : i32
    %dma_wait3A_405 = arith.constant 0 : i32
    %dma_wait3A_406 = tpu.memref_slice %arg7[%dma_wait3A_403, %dma_wait3A_404, %dma_wait3A_405] : memref<4x2x128xi32, #tpu.memory_space<vmem>> -> memref<1x2x128xi32, #tpu.memory_space<vmem>>
    %dma_wait3A_407 = tpu.memref_squeeze %dma_wait3A_406 : memref<1x2x128xi32, #tpu.memory_space<vmem>> -> memref<2x128xi32, #tpu.memory_space<vmem>>
    %dma_wait3A_408 = arith.constant 0 : i32
    %dma_wait3A_409 = arith.constant 0 : i32
    %dma_wait3A_410 = tpu.memref_slice %arg7[%dma_wait3A_403, %dma_wait3A_408, %dma_wait3A_409] : memref<4x2x128xi32, #tpu.memory_space<vmem>> -> memref<1x2x128xi32, #tpu.memory_space<vmem>>
    %dma_wait3A_411 = tpu.memref_squeeze %dma_wait3A_410 : memref<1x2x128xi32, #tpu.memory_space<vmem>> -> memref<2x128xi32, #tpu.memory_space<vmem>>
    tpu.wait_dma2 semaphore(%arg13 : memref<!tpu.dma_semaphore, #tpu.memory_space<semaphore_mem>>) src(%arg4 : memref<2x128xi32, #tpu.memory_space<hbm>>) dst(%dma_wait3A_411 : memref<2x128xi32, #tpu.memory_space<vmem>>)
    %dma_start3A_412 = arith.constant 3 : i32
    %dma_start3A_413 = arith.constant 0 : i32
    %dma_start3A_414 = arith.constant 1 : i32
    %dma_start3A_415 = arith.constant 0 : i32
    %dma_start3A_416 = arith.constant 0 : i32
    %dma_start3A_417 = tpu.memref_slice %arg8[%dma_start3A_414, %dma_start3A_415, %dma_start3A_416] : memref<2x128x128xf32, #tpu.memory_space<vmem>> -> memref<1x128x128xf32, #tpu.memory_space<vmem>>
    %dma_start3A_418 = tpu.memref_squeeze %dma_start3A_417 : memref<1x128x128xf32, #tpu.memory_space<vmem>> -> memref<128x128xf32, #tpu.memory_space<vmem>>
    %dma_start3A_419 = arith.constant 0 : i32
    %dma_start3A_420 = tpu.memref_slice %arg7[%dma_start3A_412, %dma_start3A_413, %dma_start3A_419] : memref<4x2x128xi32, #tpu.memory_space<vmem>> -> memref<1x1x128xi32, #tpu.memory_space<vmem>>
    %dma_start3A_421 = tpu.memref_squeeze %dma_start3A_420 : memref<1x1x128xi32, #tpu.memory_space<vmem>> -> memref<128xi32, #tpu.memory_space<vmem>>
    %dma_start3A_422 = arith.constant 0 : i32
    %dma_start3A_423 = arith.constant 0 : i32
    %dma_start3A_424 = tpu.memref_slice %arg2[%dma_start3A_422, %dma_start3A_423] : memref<10000x128xf32, #tpu.memory_space<hbm>> -> memref<10000x128xf32, #tpu.memory_space<hbm>>
    tpu.enqueue_indirect_dma source(%dma_start3A_424 : memref<10000x128xf32, #tpu.memory_space<hbm>>) target(%dma_start3A_418 : memref<128x128xf32, #tpu.memory_space<vmem>>) offsets(%dma_start3A_421 : memref<128xi32, #tpu.memory_space<vmem>>) semaphore(%arg15 : memref<!tpu.dma_semaphore, #tpu.memory_space<semaphore_mem>>)
    %dma_wait3A_425 = arith.constant 2 : i32
    %dma_wait3A_426 = arith.constant 0 : i32
    %dma_wait3A_427 = arith.constant 0 : i32
    %dma_wait3A_428 = arith.constant 0 : i32
    %dma_wait3A_429 = arith.constant 0 : i32
    %dma_wait3A_430 = tpu.memref_slice %arg8[%dma_wait3A_427, %dma_wait3A_428, %dma_wait3A_429] : memref<2x128x128xf32, #tpu.memory_space<vmem>> -> memref<1x128x128xf32, #tpu.memory_space<vmem>>
    %dma_wait3A_431 = tpu.memref_squeeze %dma_wait3A_430 : memref<1x128x128xf32, #tpu.memory_space<vmem>> -> memref<128x128xf32, #tpu.memory_space<vmem>>
    %dma_wait3A_432 = arith.constant 0 : i32
    %dma_wait3A_433 = tpu.memref_slice %arg7[%dma_wait3A_425, %dma_wait3A_426, %dma_wait3A_432] : memref<4x2x128xi32, #tpu.memory_space<vmem>> -> memref<1x1x128xi32, #tpu.memory_space<vmem>>
    %dma_wait3A_434 = tpu.memref_squeeze %dma_wait3A_433 : memref<1x1x128xi32, #tpu.memory_space<vmem>> -> memref<128xi32, #tpu.memory_space<vmem>>
    %dma_wait3A_435 = arith.constant 0 : i32
    %dma_wait3A_436 = arith.constant 0 : i32
    %dma_wait3A_437 = tpu.memref_slice %arg2[%dma_wait3A_435, %dma_wait3A_436] : memref<10000x128xf32, #tpu.memory_space<hbm>> -> memref<10000x128xf32, #tpu.memory_space<hbm>>
    tpu.wait_indirect_dma semaphore(%arg14 : memref<!tpu.dma_semaphore, #tpu.memory_space<semaphore_mem>>) src(%dma_wait3A_437 : memref<10000x128xf32, #tpu.memory_space<hbm>>) dst(%dma_wait3A_431 : memref<128x128xf32, #tpu.memory_space<vmem>>)
    %run_scoped3A_438 = arith.constant 0 : i32
    %run_scoped3A_439 = arith.constant 2 : i32
    %run_scoped3A_440 = arith.constant 1 : i32
    "tpu.region"() ({
      %run_scoped3A_462 = tpu.sem_alloc : memref<!tpu.dma_semaphore, #tpu.memory_space<semaphore_mem>>
      %dma_start3A_463 = arith.constant 0 : i32
      %dma_start3A_464 = arith.constant 0 : i32
      %dma_start3A_465 = tpu.memref_slice %arg8[%run_scoped3A_438, %dma_start3A_463, %dma_start3A_464] : memref<2x128x128xf32, #tpu.memory_space<vmem>> -> memref<1x128x128xf32, #tpu.memory_space<vmem>>
      %dma_start3A_466 = tpu.memref_squeeze %dma_start3A_465 : memref<1x128x128xf32, #tpu.memory_space<vmem>> -> memref<128x128xf32, #tpu.memory_space<vmem>>
      %dma_start3A_467 = arith.constant 0 : i32
      %dma_start3A_468 = tpu.memref_slice %arg7[%run_scoped3A_439, %run_scoped3A_440, %dma_start3A_467] : memref<4x2x128xi32, #tpu.memory_space<vmem>> -> memref<1x1x128xi32, #tpu.memory_space<vmem>>
      %dma_start3A_469 = tpu.memref_squeeze %dma_start3A_468 : memref<1x1x128xi32, #tpu.memory_space<vmem>> -> memref<128xi32, #tpu.memory_space<vmem>>
      %dma_start3A_470 = arith.constant 0 : i32
      %dma_start3A_471 = arith.constant 0 : i32
      %dma_start3A_472 = tpu.memref_slice %arg9[%dma_start3A_470, %dma_start3A_471] : memref<10240x128xf32, #tpu.memory_space<vmem_shared>> -> memref<10240x128xf32, #tpu.memory_space<vmem_shared>>
      tpu.enqueue_indirect_dma source(%dma_start3A_466 : memref<128x128xf32, #tpu.memory_space<vmem>>) target(%dma_start3A_472 : memref<10240x128xf32, #tpu.memory_space<vmem_shared>>) offsets(%dma_start3A_469 : memref<128xi32, #tpu.memory_space<vmem>>) semaphore(%run_scoped3A_462 : memref<!tpu.dma_semaphore, #tpu.memory_space<semaphore_mem>>) {add = true}
      %dma_wait3A_473 = arith.constant 0 : i32
      %dma_wait3A_474 = arith.constant 0 : i32
      %dma_wait3A_475 = tpu.memref_slice %arg8[%run_scoped3A_438, %dma_wait3A_473, %dma_wait3A_474] : memref<2x128x128xf32, #tpu.memory_space<vmem>> -> memref<1x128x128xf32, #tpu.memory_space<vmem>>
      %dma_wait3A_476 = tpu.memref_squeeze %dma_wait3A_475 : memref<1x128x128xf32, #tpu.memory_space<vmem>> -> memref<128x128xf32, #tpu.memory_space<vmem>>
      %dma_wait3A_477 = arith.constant 0 : i32
      %dma_wait3A_478 = tpu.memref_slice %arg7[%run_scoped3A_439, %run_scoped3A_440, %dma_wait3A_477] : memref<4x2x128xi32, #tpu.memory_space<vmem>> -> memref<1x1x128xi32, #tpu.memory_space<vmem>>
      %dma_wait3A_479 = tpu.memref_squeeze %dma_wait3A_478 : memref<1x1x128xi32, #tpu.memory_space<vmem>> -> memref<128xi32, #tpu.memory_space<vmem>>
      %dma_wait3A_480 = arith.constant 0 : i32
      %dma_wait3A_481 = arith.constant 0 : i32
      %dma_wait3A_482 = tpu.memref_slice %arg9[%dma_wait3A_480, %dma_wait3A_481] : memref<10240x128xf32, #tpu.memory_space<vmem_shared>> -> memref<10240x128xf32, #tpu.memory_space<vmem_shared>>
      tpu.wait_indirect_dma semaphore(%run_scoped3A_462 : memref<!tpu.dma_semaphore, #tpu.memory_space<semaphore_mem>>) src(%dma_wait3A_476 : memref<128x128xf32, #tpu.memory_space<vmem>>) dst(%dma_wait3A_482 : memref<10240x128xf32, #tpu.memory_space<vmem_shared>>)
      tpu.yield
    }) : () -> ()
    %dma_wait3A_441 = arith.constant 3 : i32
    %dma_wait3A_442 = arith.constant 0 : i32
    %dma_wait3A_443 = arith.constant 1 : i32
    %dma_wait3A_444 = arith.constant 0 : i32
    %dma_wait3A_445 = arith.constant 0 : i32
    %dma_wait3A_446 = tpu.memref_slice %arg8[%dma_wait3A_443, %dma_wait3A_444, %dma_wait3A_445] : memref<2x128x128xf32, #tpu.memory_space<vmem>> -> memref<1x128x128xf32, #tpu.memory_space<vmem>>
    %dma_wait3A_447 = tpu.memref_squeeze %dma_wait3A_446 : memref<1x128x128xf32, #tpu.memory_space<vmem>> -> memref<128x128xf32, #tpu.memory_space<vmem>>
    %dma_wait3A_448 = arith.constant 0 : i32
    %dma_wait3A_449 = tpu.memref_slice %arg7[%dma_wait3A_441, %dma_wait3A_442, %dma_wait3A_448] : memref<4x2x128xi32, #tpu.memory_space<vmem>> -> memref<1x1x128xi32, #tpu.memory_space<vmem>>
    %dma_wait3A_450 = tpu.memref_squeeze %dma_wait3A_449 : memref<1x1x128xi32, #tpu.memory_space<vmem>> -> memref<128xi32, #tpu.memory_space<vmem>>
    %dma_wait3A_451 = arith.constant 0 : i32
    %dma_wait3A_452 = arith.constant 0 : i32
    %dma_wait3A_453 = tpu.memref_slice %arg2[%dma_wait3A_451, %dma_wait3A_452] : memref<10000x128xf32, #tpu.memory_space<hbm>> -> memref<10000x128xf32, #tpu.memory_space<hbm>>
    tpu.wait_indirect_dma semaphore(%arg15 : memref<!tpu.dma_semaphore, #tpu.memory_space<semaphore_mem>>) src(%dma_wait3A_453 : memref<10000x128xf32, #tpu.memory_space<hbm>>) dst(%dma_wait3A_447 : memref<128x128xf32, #tpu.memory_space<vmem>>)
    %run_scoped3A_454 = arith.constant 1 : i32
    %run_scoped3A_455 = arith.constant 3 : i32
    %run_scoped3A_456 = arith.constant 1 : i32
    "tpu.region"() ({
      %run_scoped3A_462 = tpu.sem_alloc : memref<!tpu.dma_semaphore, #tpu.memory_space<semaphore_mem>>
      %dma_start3A_463 = arith.constant 0 : i32
      %dma_start3A_464 = arith.constant 0 : i32
      %dma_start3A_465 = tpu.memref_slice %arg8[%run_scoped3A_454, %dma_start3A_463, %dma_start3A_464] : memref<2x128x128xf32, #tpu.memory_space<vmem>> -> memref<1x128x128xf32, #tpu.memory_space<vmem>>
      %dma_start3A_466 = tpu.memref_squeeze %dma_start3A_465 : memref<1x128x128xf32, #tpu.memory_space<vmem>> -> memref<128x128xf32, #tpu.memory_space<vmem>>
      %dma_start3A_467 = arith.constant 0 : i32
      %dma_start3A_468 = tpu.memref_slice %arg7[%run_scoped3A_455, %run_scoped3A_456, %dma_start3A_467] : memref<4x2x128xi32, #tpu.memory_space<vmem>> -> memref<1x1x128xi32, #tpu.memory_space<vmem>>
      %dma_start3A_469 = tpu.memref_squeeze %dma_start3A_468 : memref<1x1x128xi32, #tpu.memory_space<vmem>> -> memref<128xi32, #tpu.memory_space<vmem>>
      %dma_start3A_470 = arith.constant 0 : i32
      %dma_start3A_471 = arith.constant 0 : i32
      %dma_start3A_472 = tpu.memref_slice %arg9[%dma_start3A_470, %dma_start3A_471] : memref<10240x128xf32, #tpu.memory_space<vmem_shared>> -> memref<10240x128xf32, #tpu.memory_space<vmem_shared>>
      tpu.enqueue_indirect_dma source(%dma_start3A_466 : memref<128x128xf32, #tpu.memory_space<vmem>>) target(%dma_start3A_472 : memref<10240x128xf32, #tpu.memory_space<vmem_shared>>) offsets(%dma_start3A_469 : memref<128xi32, #tpu.memory_space<vmem>>) semaphore(%run_scoped3A_462 : memref<!tpu.dma_semaphore, #tpu.memory_space<semaphore_mem>>) {add = true}
      %dma_wait3A_473 = arith.constant 0 : i32
      %dma_wait3A_474 = arith.constant 0 : i32
      %dma_wait3A_475 = tpu.memref_slice %arg8[%run_scoped3A_454, %dma_wait3A_473, %dma_wait3A_474] : memref<2x128x128xf32, #tpu.memory_space<vmem>> -> memref<1x128x128xf32, #tpu.memory_space<vmem>>
      %dma_wait3A_476 = tpu.memref_squeeze %dma_wait3A_475 : memref<1x128x128xf32, #tpu.memory_space<vmem>> -> memref<128x128xf32, #tpu.memory_space<vmem>>
      %dma_wait3A_477 = arith.constant 0 : i32
      %dma_wait3A_478 = tpu.memref_slice %arg7[%run_scoped3A_455, %run_scoped3A_456, %dma_wait3A_477] : memref<4x2x128xi32, #tpu.memory_space<vmem>> -> memref<1x1x128xi32, #tpu.memory_space<vmem>>
      %dma_wait3A_479 = tpu.memref_squeeze %dma_wait3A_478 : memref<1x1x128xi32, #tpu.memory_space<vmem>> -> memref<128xi32, #tpu.memory_space<vmem>>
      %dma_wait3A_480 = arith.constant 0 : i32
      %dma_wait3A_481 = arith.constant 0 : i32
      %dma_wait3A_482 = tpu.memref_slice %arg9[%dma_wait3A_480, %dma_wait3A_481] : memref<10240x128xf32, #tpu.memory_space<vmem_shared>> -> memref<10240x128xf32, #tpu.memory_space<vmem_shared>>
      tpu.wait_indirect_dma semaphore(%run_scoped3A_462 : memref<!tpu.dma_semaphore, #tpu.memory_space<semaphore_mem>>) src(%dma_wait3A_476 : memref<128x128xf32, #tpu.memory_space<vmem>>) dst(%dma_wait3A_482 : memref<10240x128xf32, #tpu.memory_space<vmem_shared>>)
      tpu.yield
    }) : () -> ()
    %barrier3A_457 = arith.constant 0 : index
    tpu.barrier barrier_id(%barrier3A_457)
    %mul3A_458 = arith.constant 640 : i32
    %mul3A_459 = arith.muli %arg1, %mul3A_458 : i32
    %mul3A_460 = arith.constant 640 : i32
    %mul3A_461 = arith.muli %arg1, %mul3A_460 : i32
    "tpu.region"() ({
      %run_scoped3A_462 = tpu.sem_alloc : memref<!tpu.dma_semaphore, #tpu.memory_space<semaphore_mem>>
      %dma_start3A_463 = arith.constant 0 : i32
      %dma_start3A_464 = tpu.memref_slice %arg6[%arg0, %mul3A_461, %dma_start3A_463] : memref<2x10240x128xf32, #tpu.memory_space<hbm>> -> memref<1x640x128xf32, #tpu.memory_space<hbm>>
      %dma_start3A_465 = tpu.memref_squeeze %dma_start3A_464 : memref<1x640x128xf32, #tpu.memory_space<hbm>> -> memref<640x128xf32, #tpu.memory_space<hbm>>
      %dma_start3A_466 = arith.constant 0 : i32
      %dma_start3A_467 = tpu.memref_slice %arg9[%mul3A_459, %dma_start3A_466] : memref<10240x128xf32, #tpu.memory_space<vmem_shared>> -> memref<640x128xf32, #tpu.memory_space<vmem_shared>>
      tpu.enqueue_dma source(%dma_start3A_467 : memref<640x128xf32, #tpu.memory_space<vmem_shared>>) target(%dma_start3A_465 : memref<640x128xf32, #tpu.memory_space<hbm>>) target_semaphore(%run_scoped3A_462 : memref<!tpu.dma_semaphore, #tpu.memory_space<semaphore_mem>>)
      %dma_wait3A_468 = arith.constant 0 : i32
      %dma_wait3A_469 = tpu.memref_slice %arg6[%arg0, %mul3A_461, %dma_wait3A_468] : memref<2x10240x128xf32, #tpu.memory_space<hbm>> -> memref<1x640x128xf32, #tpu.memory_space<hbm>>
      %dma_wait3A_470 = tpu.memref_squeeze %dma_wait3A_469 : memref<1x640x128xf32, #tpu.memory_space<hbm>> -> memref<640x128xf32, #tpu.memory_space<hbm>>
      %dma_wait3A_471 = arith.constant 0 : i32
      %dma_wait3A_472 = tpu.memref_slice %arg9[%mul3A_459, %dma_wait3A_471] : memref<10240x128xf32, #tpu.memory_space<vmem_shared>> -> memref<640x128xf32, #tpu.memory_space<vmem_shared>>
      tpu.wait_dma2 semaphore(%run_scoped3A_462 : memref<!tpu.dma_semaphore, #tpu.memory_space<semaphore_mem>>) src(%dma_wait3A_472 : memref<640x128xf32, #tpu.memory_space<vmem_shared>>) dst(%dma_wait3A_470 : memref<640x128xf32, #tpu.memory_space<hbm>>)
      tpu.yield
    }) : () -> ()
    return
  }
}

module attributes {stable_mosaic.version = 14 : i64} {
  func.func @_mm_body(%arg0: memref<10000x128xf32, #tpu.memory_space<vmem>>, %arg1: memref<128x128xf32, #tpu.memory_space<vmem>>, %arg2: memref<10000x128xf32, #tpu.memory_space<vmem>>) attributes {dimension_semantics = [], scalar_prefetch = 0 : i64, scratch_operands = 0 : i64, tpu.core_type = #tpu.core_type<tc>} {
    %get3A = arith.constant 0 : index
    %get3A_0 = arith.constant 0 : index
    %get3A_1 = vector.load %arg0[%get3A, %get3A_0] : memref<10000x128xf32, #tpu.memory_space<vmem>>, vector<10000x128xf32>
    %get3A_2 = arith.constant 0 : index
    %get3A_3 = arith.constant 0 : index
    %get3A_4 = vector.load %arg1[%get3A_2, %get3A_3] : memref<128x128xf32, #tpu.memory_space<vmem>>, vector<128x128xf32>
    %dot_general3A = arith.constant dense<0.000000e+00> : vector<10000x128xf32>
    %dot_general3A_5 = tpu.matmul %get3A_1, %get3A_4, %dot_general3A {dimension_numbers = #tpu.dot_dimension_numbers<[1], [0], [0], [1], [0, 0, 1, 1], [], []>, transpose_lhs_hint = false} : vector<10000x128xf32>, vector<128x128xf32>, vector<10000x128xf32> -> vector<10000x128xf32>
    %swap3A = arith.constant 0 : index
    %swap3A_6 = arith.constant 0 : index
    %swap3A_7 = vector.load %arg2[%swap3A, %swap3A_6] : memref<10000x128xf32, #tpu.memory_space<vmem>>, vector<10000x128xf32>
    tpu.vector_store %arg2[%swap3A, %swap3A_6], %dot_general3A_5 {strides = array<i32>} : memref<10000x128xf32, #tpu.memory_space<vmem>>, vector<10000x128xf32>,
    return
  }
}

module attributes {stable_mosaic.version = 14 : i64} {
  func.func @_scale_body(%arg0: memref<10000x128xf32, #tpu.memory_space<vmem>>, %arg1: memref<2x10240xf32, #tpu.memory_space<vmem>>, %arg2: memref<10000x128xf32, #tpu.memory_space<vmem>>) attributes {dimension_semantics = [], scalar_prefetch = 0 : i64, scratch_operands = 0 : i64, tpu.core_type = #tpu.core_type<tc>} {
    %get3A = arith.constant 0 : index
    %get3A_0 = arith.constant 0 : index
    %get3A_1 = vector.load %arg0[%get3A, %get3A_0] : memref<10000x128xf32, #tpu.memory_space<vmem>>, vector<10000x128xf32>
    %get3A_2 = arith.constant 0 : index
    %get3A_3 = arith.constant 0 : index
    %get3A_4 = vector.load %arg1[%get3A_2, %get3A_3] : memref<2x10240xf32, #tpu.memory_space<vmem>>, vector<2x10240xf32>
    %slice3A = vector.extract_strided_slice %get3A_4 {offsets = [0, 0], sizes = [1, 10000], strides = [1, 1]} : vector<2x10240xf32> to vector<1x10000xf32>
    %squeeze3A = vector.shape_cast %slice3A : vector<1x10000xf32> to vector<10000xf32>
    %add3A = arith.constant 1.000000e+00 : f32
    %add3A_5 = vector.broadcast %add3A : f32 to vector<10000xf32>
    %add3A_6 = arith.addf %add3A_5, %squeeze3A : vector<10000xf32>
    %slice3A_7 = vector.extract_strided_slice %get3A_4 {offsets = [1, 0], sizes = [1, 10000], strides = [1, 1]} : vector<2x10240xf32> to vector<1x10000xf32>
    %squeeze3A_8 = vector.shape_cast %slice3A_7 : vector<1x10000xf32> to vector<10000xf32>
    %add3A_9 = arith.addf %add3A_6, %squeeze3A_8 : vector<10000xf32>
    %rsqrt3A = math.rsqrt %add3A_9 : vector<10000xf32>
    %broadcast_in_dim3A = vector.shape_cast %rsqrt3A : vector<10000xf32> to vector<10000x1xf32>
    %mul3A = vector.broadcast %broadcast_in_dim3A : vector<10000x1xf32> to vector<10000x128xf32>
    %mul3A_10 = arith.mulf %get3A_1, %mul3A : vector<10000x128xf32>
    %swap3A = arith.constant 0 : index
    %swap3A_11 = arith.constant 0 : index
    %swap3A_12 = vector.load %arg2[%swap3A, %swap3A_11] : memref<10000x128xf32, #tpu.memory_space<vmem>>, vector<10000x128xf32>
    tpu.vector_store %arg2[%swap3A, %swap3A_11], %mul3A_10 {strides = array<i32>} : memref<10000x128xf32, #tpu.memory_space<vmem>>, vector<10000x128xf32>,
    return
  }
}

module attributes {stable_mosaic.version = 14 : i64} {
  func.func @_tc2_body(%arg0: memref<2x10240x128xf32, #tpu.memory_space<vmem>>, %arg1: memref<10000x128xf32, #tpu.memory_space<vmem>>, %arg2: memref<2x10240xf32, #tpu.memory_space<vmem>>, %arg3: memref<128x128xf32, #tpu.memory_space<vmem>>, %arg4: memref<128xf32, #tpu.memory_space<vmem>>, %arg5: memref<10000x128xf32, #tpu.memory_space<vmem>>) attributes {dimension_semantics = [], scalar_prefetch = 0 : i64, scratch_operands = 0 : i64, tpu.core_type = #tpu.core_type<tc>} {
    %get3A = arith.constant 0 : index
    %get3A_0 = arith.constant 0 : index
    %get3A_1 = vector.load %arg2[%get3A, %get3A_0] : memref<2x10240xf32, #tpu.memory_space<vmem>>, vector<2x10240xf32>
    %slice3A = vector.extract_strided_slice %get3A_1 {offsets = [0, 0], sizes = [1, 10000], strides = [1, 1]} : vector<2x10240xf32> to vector<1x10000xf32>
    %squeeze3A = vector.shape_cast %slice3A : vector<1x10000xf32> to vector<10000xf32>
    %add3A = arith.constant 1.000000e+00 : f32
    %add3A_2 = vector.broadcast %add3A : f32 to vector<10000xf32>
    %add3A_3 = arith.addf %add3A_2, %squeeze3A : vector<10000xf32>
    %slice3A_4 = vector.extract_strided_slice %get3A_1 {offsets = [1, 0], sizes = [1, 10000], strides = [1, 1]} : vector<2x10240xf32> to vector<1x10000xf32>
    %squeeze3A_5 = vector.shape_cast %slice3A_4 : vector<1x10000xf32> to vector<10000xf32>
    %add3A_6 = arith.addf %add3A_3, %squeeze3A_5 : vector<10000xf32>
    %rsqrt3A = math.rsqrt %add3A_6 : vector<10000xf32>
    %broadcast_in_dim3A = vector.shape_cast %rsqrt3A : vector<10000xf32> to vector<10000x1xf32>
    %get3A_7 = arith.constant 0 : index
    %get3A_8 = arith.constant 0 : index
    %get3A_9 = arith.constant 0 : index
    %get3A_10 = vector.load %arg0[%get3A_7, %get3A_8, %get3A_9] : memref<2x10240x128xf32, #tpu.memory_space<vmem>>, vector<1x10000x128xf32>
    %get3A_11 = vector.shape_cast %get3A_10 : vector<1x10000x128xf32> to vector<10000x128xf32>
    %get3A_12 = arith.constant 1 : index
    %get3A_13 = arith.constant 0 : index
    %get3A_14 = arith.constant 0 : index
    %get3A_15 = vector.load %arg0[%get3A_12, %get3A_13, %get3A_14] : memref<2x10240x128xf32, #tpu.memory_space<vmem>>, vector<1x10000x128xf32>
    %get3A_16 = vector.shape_cast %get3A_15 : vector<1x10000x128xf32> to vector<10000x128xf32>
    %add3A_17 = arith.addf %get3A_11, %get3A_16 : vector<10000x128xf32>
    %get3A_18 = arith.constant 0 : index
    %get3A_19 = arith.constant 0 : index
    %get3A_20 = vector.load %arg1[%get3A_18, %get3A_19] : memref<10000x128xf32, #tpu.memory_space<vmem>>, vector<10000x128xf32>
    %add3A_21 = arith.addf %add3A_17, %get3A_20 : vector<10000x128xf32>
    %mul3A = vector.broadcast %broadcast_in_dim3A : vector<10000x1xf32> to vector<10000x128xf32>
    %mul3A_22 = arith.mulf %mul3A, %add3A_21 : vector<10000x128xf32>
    %get3A_23 = arith.constant 0 : index
    %get3A_24 = vector.load %arg4[%get3A_23] : memref<128xf32, #tpu.memory_space<vmem>>, vector<128xf32>
    %broadcast_in_dim3A_25 = vector.shape_cast %get3A_24 : vector<128xf32> to vector<1x128xf32>
    %add3A_26 = vector.broadcast %broadcast_in_dim3A_25 : vector<1x128xf32> to vector<10000x128xf32>
    %add3A_27 = arith.addf %mul3A_22, %add3A_26 : vector<10000x128xf32>
    %ge3A = arith.constant 0.000000e+00 : f32
    %ge3A_28 = vector.broadcast %ge3A : f32 to vector<10000x128xf32>
    %ge3A_29 = arith.cmpf oge, %add3A_27, %ge3A_28 : vector<10000x128xf32>
    %mul3A_30 = arith.constant 0.00999999977 : f32
    %mul3A_31 = vector.broadcast %mul3A_30 : f32 to vector<10000x128xf32>
    %mul3A_32 = arith.mulf %mul3A_31, %add3A_27 : vector<10000x128xf32>
    %select_n3A = arith.select %ge3A_29, %add3A_27, %mul3A_32 : vector<10000x128xi1>, vector<10000x128xf32>
    %get3A_33 = arith.constant 0 : index
    %get3A_34 = arith.constant 0 : index
    %get3A_35 = vector.load %arg3[%get3A_33, %get3A_34] : memref<128x128xf32, #tpu.memory_space<vmem>>, vector<128x128xf32>
    %dot_general3A = arith.constant dense<0.000000e+00> : vector<10000x128xf32>
    %dot_general3A_36 = tpu.matmul %select_n3A, %get3A_35, %dot_general3A {dimension_numbers = #tpu.dot_dimension_numbers<[1], [0], [0], [1], [0, 0, 1, 1], [], []>, transpose_lhs_hint = false} : vector<10000x128xf32>, vector<128x128xf32>, vector<10000x128xf32> -> vector<10000x128xf32>
    %mul3A_37 = vector.broadcast %broadcast_in_dim3A : vector<10000x1xf32> to vector<10000x128xf32>
    %mul3A_38 = arith.mulf %dot_general3A_36, %mul3A_37 : vector<10000x128xf32>
    %swap3A = arith.constant 0 : index
    %swap3A_39 = arith.constant 0 : index
    %swap3A_40 = vector.load %arg5[%swap3A, %swap3A_39] : memref<10000x128xf32, #tpu.memory_space<vmem>>, vector<10000x128xf32>
    tpu.vector_store %arg5[%swap3A, %swap3A_39], %mul3A_38 {strides = array<i32>} : memref<10000x128xf32, #tpu.memory_space<vmem>>, vector<10000x128xf32>,
    return
  }
}

module attributes {stable_mosaic.version = 14 : i64} {
  func.func @_tc3_body(%arg0: memref<2x10240x128xf32, #tpu.memory_space<vmem>>, %arg1: memref<10000x128xf32, #tpu.memory_space<vmem>>, %arg2: memref<2x10240xf32, #tpu.memory_space<vmem>>, %arg3: memref<128xf32, #tpu.memory_space<vmem>>, %arg4: memref<10000x128xf32, #tpu.memory_space<vmem>>) attributes {dimension_semantics = [], scalar_prefetch = 0 : i64, scratch_operands = 0 : i64, tpu.core_type = #tpu.core_type<tc>} {
    %get3A = arith.constant 0 : index
    %get3A_0 = arith.constant 0 : index
    %get3A_1 = vector.load %arg2[%get3A, %get3A_0] : memref<2x10240xf32, #tpu.memory_space<vmem>>, vector<2x10240xf32>
    %slice3A = vector.extract_strided_slice %get3A_1 {offsets = [0, 0], sizes = [1, 10000], strides = [1, 1]} : vector<2x10240xf32> to vector<1x10000xf32>
    %squeeze3A = vector.shape_cast %slice3A : vector<1x10000xf32> to vector<10000xf32>
    %add3A = arith.constant 1.000000e+00 : f32
    %add3A_2 = vector.broadcast %add3A : f32 to vector<10000xf32>
    %add3A_3 = arith.addf %add3A_2, %squeeze3A : vector<10000xf32>
    %slice3A_4 = vector.extract_strided_slice %get3A_1 {offsets = [1, 0], sizes = [1, 10000], strides = [1, 1]} : vector<2x10240xf32> to vector<1x10000xf32>
    %squeeze3A_5 = vector.shape_cast %slice3A_4 : vector<1x10000xf32> to vector<10000xf32>
    %add3A_6 = arith.addf %add3A_3, %squeeze3A_5 : vector<10000xf32>
    %rsqrt3A = math.rsqrt %add3A_6 : vector<10000xf32>
    %broadcast_in_dim3A = vector.shape_cast %rsqrt3A : vector<10000xf32> to vector<10000x1xf32>
    %get3A_7 = arith.constant 0 : index
    %get3A_8 = arith.constant 0 : index
    %get3A_9 = arith.constant 0 : index
    %get3A_10 = vector.load %arg0[%get3A_7, %get3A_8, %get3A_9] : memref<2x10240x128xf32, #tpu.memory_space<vmem>>, vector<1x10000x128xf32>
    %get3A_11 = vector.shape_cast %get3A_10 : vector<1x10000x128xf32> to vector<10000x128xf32>
    %get3A_12 = arith.constant 1 : index
    %get3A_13 = arith.constant 0 : index
    %get3A_14 = arith.constant 0 : index
    %get3A_15 = vector.load %arg0[%get3A_12, %get3A_13, %get3A_14] : memref<2x10240x128xf32, #tpu.memory_space<vmem>>, vector<1x10000x128xf32>
    %get3A_16 = vector.shape_cast %get3A_15 : vector<1x10000x128xf32> to vector<10000x128xf32>
    %add3A_17 = arith.addf %get3A_11, %get3A_16 : vector<10000x128xf32>
    %get3A_18 = arith.constant 0 : index
    %get3A_19 = arith.constant 0 : index
    %get3A_20 = vector.load %arg1[%get3A_18, %get3A_19] : memref<10000x128xf32, #tpu.memory_space<vmem>>, vector<10000x128xf32>
    %add3A_21 = arith.addf %add3A_17, %get3A_20 : vector<10000x128xf32>
    %mul3A = vector.broadcast %broadcast_in_dim3A : vector<10000x1xf32> to vector<10000x128xf32>
    %mul3A_22 = arith.mulf %mul3A, %add3A_21 : vector<10000x128xf32>
    %get3A_23 = arith.constant 0 : index
    %get3A_24 = vector.load %arg3[%get3A_23] : memref<128xf32, #tpu.memory_space<vmem>>, vector<128xf32>
    %broadcast_in_dim3A_25 = vector.shape_cast %get3A_24 : vector<128xf32> to vector<1x128xf32>
    %add3A_26 = vector.broadcast %broadcast_in_dim3A_25 : vector<1x128xf32> to vector<10000x128xf32>
    %add3A_27 = arith.addf %mul3A_22, %add3A_26 : vector<10000x128xf32>
    %swap3A = arith.constant 0 : index
    %swap3A_28 = arith.constant 0 : index
    %swap3A_29 = vector.load %arg4[%swap3A, %swap3A_28] : memref<10000x128xf32, #tpu.memory_space<vmem>>, vector<10000x128xf32>
    tpu.vector_store %arg4[%swap3A, %swap3A_28], %add3A_27 {strides = array<i32>} : memref<10000x128xf32, #tpu.memory_space<vmem>>, vector<10000x128xf32>,
    return
  }
}

</mosaic_0001>

<sc_bundles>
// kernel: kernel.12.cloned.1.call-start
scs
__scs_entry_jumppad:
0x0: {  	(pc) =	sbr.rel $0x88, $3  }
0x1: {  	(tag) =	ssettag $0x0;
	lr =	simm.s32 $0x1  }
0x2: {  	[smem:$0x3F9B] =	sst lr;
	_ =	strace $0xD0000000  }
0x3: {  	_ = 	snop  }
0x4: {  	_ = 	snop  }
0x5: {  	_ = 	snop  }
0x6: {  	_ = 	snop  }
0x7: {  	_ = 	snop  }
__scs_overlays_trampoline_lowered:
0x8: {  	[smem:$0x3FAA] =	sst s0  }
0x9: {  	[smem:$0x3FAB] =	sst s1  }
0xa: {  	[smem:$0x3FAC] =	sst s2  }
0xb: {  	[smem:$0x3FAD] =	sst s3  }
0xc: {  	[smem:$0x3FAE] =	sst s4  }
0xd: {  	[smem:$0x3FAF] =	sst s5  }
0xe: {  	[smem:$0x3FB0] =	sst s6  }
0xf: {  	[smem:$0x3FB1] =	sst s7  }
0x10: {  	[smem:$0x3FB2] =	sst s8  }
0x11: {  	[smem:$0x3FB3] =	sst s9;
	s0 =	simm.s32 @!p0 $0x0  }
0x12: {  	s1 =	sld [smem:$0x3F99];
	s0 =	simm.s32 @p0 $0x1  }
0x13: {  	[smem:$0x3FB4] =	sst s0;
	s0 =	simm.s32 @!p1 $0x0  }
0x14: {  	s2 =	sld [smem:$0x3F98];
	s0 =	simm.s32 @p1 $0x1  }
0x15: {  	[smem:$0x3FB5] =	sst s0;
	s0 =	simm.s32 @!p2 $0x0  }
0x16: {  	s3 =	sld [smem:$0x3FDB];
	s0 =	simm.s32 @p2 $0x1  }
0x17: {  	s4 =	simm.s32 $0x1BF5;
	[smem:$0x3FB7] =	sst s0  }
0x18: {  	s0 =	sld [smem:$0x3F9A];
	_ =	swait.ge [sflag:s4], $0x0  }
0x19: {  	s7 =	sld [smem:$0x3F9B]  }
0x1a: {  	s8 =	sadd.s32 $0xFFFFE003, lr  }
0x1b: {  	s9 =	sadd.s32 $0xFFFFFEF7, lr;
	s5 =	simm.s32 $0xFFFFFFFF;
	p2 =	slt.u32 s8, $0xFFFFF086  }
0x1c: {  	p1 =	slt.u32 s9, $0xF7A;
	s5 =	simm.s32 @!p2 $0x0  }
0x1d: {  	s5 =	simm.s32 @p1 $0x1;
	p0 =	seq.s32 s7, s2  }
0x1e: {  	s7 =	smul.u32 @!p0 $0xF7A, s2;
	p2 =	seq.s32 @!p0 s5, $0x0  }
0x1f: {  	s9 =	smul.u32 $0xF7A, s1;
	s8 =	simm.s32 @!p0 $0x1BF5;
	p2 =	por !p2, p0  }
0x20: {  	[sflag:s8] =	ssyncset.s32 @!p0 $0xFFFFF086;
	s6 =	sadd.s32 @!p0 s3, s7;
	s7 =	simm.s32 @!p0 $0x108  }
0x21: {  	s3 =	sadd.s32 s3, s9;
	s6 =	sadd.s32 @!p0 $0x88, s6;
	s7 =	simm.s32 @p2 $0x1082  }
0x22: {  	[simem:s7], [sflag:s8] =	dma.local @!p0 [hbm:s6], $0xF7A  }
0x23: {  	s9 =	sor.u32 $0xD0000000, s2;
	s6 =	simm.s32 $0x108;
	_ =	swait.ge @!p0 [sflag:s8], $0x0  }
0x24: {  	s3 =	sadd.s32 $0x88, s3;
	s6 =	simm.s32 @!p1 $0x1082;
	[sflag:s4] =	ssyncset.s32 $0xFFFFF086  }
0x25: {  	[simem:s6], [sflag:s4] =	dma.local [hbm:s3], $0xF7A  }
0x26: {  	[smem:$0x3F9B] =	sst s1;
	(tag) =	ssettag s2;
	_ =	strace s9  }
0x27: {  	s1 =	sld [smem:$0x3FAB]  }
0x28: {  	s2 =	sld [smem:$0x3FAC]  }
0x29: {  	s4 =	sld [smem:$0x3FAE]  }
0x2a: {  	p0 =	seq.s32 s5, $0x0;
	s5 =	sld [smem:$0x3FAF]  }
0x2b: {  	s6 =	sld [smem:$0x3FB0]  }
0x2c: {  	s7 =	sld [smem:$0x3FB1]  }
0x2d: {  	s3 =	simm.s32 $0x108;
	s8 =	sld [smem:$0x3FB2]  }
0x2e: {  	s3 =	simm.s32 @!p0 $0x1082;
	s9 =	sld [smem:$0x3FB3]  }
0x2f: {  	lr =	sadd.s32 s0, s3;
	s0 =	sld [smem:$0x3FAA]  }
0x30: {  	s3 =	sld [smem:$0x3FAD]  }
0x31: {  	[smem:$0x3FB6] =	sst s10  }
0x32: {  	s10 =	sld [smem:$0x3FB4];
	_ =	sdelay $0x3  }
0x33: {  	p0 =	seq.s32 s10, $0x1;
	s10 =	sld [smem:$0x3FB6];
	_ =	sdelay $0x3  }
0x34: {  	[smem:$0x3FB6] =	sst s10  }
0x35: {  	s10 =	sld [smem:$0x3FB5];
	_ =	sdelay $0x3  }
0x36: {  	p1 =	seq.s32 s10, $0x1;
	s10 =	sld [smem:$0x3FB6];
	_ =	sdelay $0x3  }
0x37: {  	[smem:$0x3FB6] =	sst s10  }
0x38: {  	s10 =	sld [smem:$0x3FB7]  }
0x39: {  	_ = 	snop;
	(pc) =	sbr.ind lr, $3  }
0x3a: {  	_ = 	snop  }
0x3b: {  	_ = 	snop  }
0x3c: {  	p2 =	seq.s32 s10, $0x1;
	s10 =	sld [smem:$0x3FB6]  }
0x3d: {  	_ =	shalt  }
0x3e: {  	_ =	shalt  }
0x3f: {  	_ =	shalt  }
0x40: {  	_ =	shalt  }
0x41: {  	_ =	shalt  }
0x42: {  	_ =	shalt  }
0x43: {  	_ =	shalt  }
0x44: {  	_ =	shalt  }
0x45: {  	_ =	shalt  }
0x46: {  	_ =	shalt  }
0x47: {  	_ =	shalt  }
0x48: {  	_ =	shalt  }
0x49: {  	_ =	shalt  }
0x4a: {  	_ =	shalt  }
0x4b: {  	_ =	shalt  }
0x4c: {  	_ =	shalt  }
0x4d: {  	_ =	shalt  }
0x4e: {  	_ =	shalt  }
0x4f: {  	_ =	shalt  }
0x50: {  	_ =	shalt  }
0x51: {  	_ =	shalt  }
0x52: {  	_ =	shalt  }
0x53: {  	_ =	shalt  }
0x54: {  	_ =	shalt  }
0x55: {  	_ =	shalt  }
0x56: {  	_ =	shalt  }
0x57: {  	_ =	shalt  }
0x58: {  	_ =	shalt  }
0x59: {  	_ =	shalt  }
0x5a: {  	_ =	shalt  }
0x5b: {  	_ =	shalt  }
0x5c: {  	_ =	shalt  }
0x5d: {  	_ =	shalt  }
0x5e: {  	_ =	shalt  }
0x5f: {  	_ =	shalt  }
0x60: {  	_ =	shalt  }
0x61: {  	_ =	shalt  }
0x62: {  	_ =	shalt  }
0x63: {  	_ =	shalt  }
0x64: {  	_ =	shalt  }
0x65: {  	_ =	shalt  }
0x66: {  	_ =	shalt  }
0x67: {  	_ =	shalt  }
0x68: {  	_ =	shalt  }
0x69: {  	_ =	shalt  }
0x6a: {  	_ =	shalt  }
0x6b: {  	_ =	shalt  }
0x6c: {  	_ =	shalt  }
0x6d: {  	_ =	shalt  }
0x6e: {  	_ =	shalt  }
0x6f: {  	_ =	shalt  }
0x70: {  	_ =	shalt  }
0x71: {  	_ =	shalt  }
0x72: {  	_ =	shalt  }
0x73: {  	_ =	shalt  }
0x74: {  	_ =	shalt  }
0x75: {  	_ =	shalt  }
0x76: {  	_ =	shalt  }
0x77: {  	_ =	shalt  }
0x78: {  	_ =	shalt  }
0x79: {  	_ =	shalt  }
0x7a: {  	_ =	shalt  }
0x7b: {  	_ =	shalt  }
0x7c: {  	_ =	shalt  }
0x7d: {  	_ =	shalt  }
0x7e: {  	_ =	shalt  }
0x7f: {  	_ =	shalt  }
0x80: {  	_ =	shalt  }
0x81: {  	_ =	shalt  }
0x82: {  	_ =	shalt  }
0x83: {  	_ =	shalt  }
0x84: {  	_ =	shalt  }
0x85: {  	_ =	shalt  }
0x86: {  	_ =	shalt  }
0x87: {  	_ =	shalt  }
.Lfunc_end0:
.L_simem_size_0:
called_computation.1_lowered:
.L_overlay_start_0:
0x88: {  	s2 =	sld [smem:$0x3FD9]  }
0x89: {  	s3 =	sld [smem:$0x3FFE];
	_ =	sdelay $0x1  }
0x8a: {  	s1 =	srdreg.scid  }
0x8b: {  	s0 =	sand.u32 $0x1, s1  }
0x8c: {  	s17 =	sshll.u32 s0, $0xA;
	s2 =	sadd.s32 s3, s2  }
0x8d: {  	s2 =	sadd.s32 s2, s17  }
0x8e: {  	[smem:$0x3FC2] =	sst s2  }
0x8f: {  	_ = 	snop  }
0x90: {  	s2 =	sld [smem:$0x3FC8]  }
0x91: {  	s18 =	sld [smem:$0x3FD0];
	(tm) =	ssettm $0x1  }
0x92: {  	s4 =	sld [smem:$0x3FFB];
	_ =	sdelay $0x3  }
0x93: {  	_ =	strace s4  }
0x94: {  	s4 =	sld [smem:$0x3FFC];
	_ =	sdelay $0x3  }
0x95: {  	_ =	strace s4  }
0x96: {  	s4 =	sld [smem:$0x3FFD];
	_ =	sdelay $0x3  }
0x97: {  	_ =	strace s4  }
0x98: {  	_ =	strace $0x8FFFFFFF  }
0x99: {  	s19 =	sld [smem:$0x3FDB];
	_ =	sdelay $0x1  }
0x9a: {  	s5 =	simm.s32 $_scs_section_size  }
0x9b: {  	s6 =	simm.s32 $_size__tile_overlayer_lowered;
	s7 =	simm.s32 $_tile_overlayer_lowered  }
0x9c: {  	s22 =	simm.s32 $0x1BFF;
	s21 =	sshll.u32 s7, $0x1;
	s4 =	sadd.s32 s5, s19  }
0x9d: {  	s8 =	simm.s32 $0x0;
	s20 =	sshll.u32 s6, $0x1;
	s6 =	sadd.s32 s21, s4  }
0x9e: {  	[timem:s8], [sflag:s22] =	dma.local [hbm:s6], s20  }
0x9f: {  	_ =	swait.ge [sflag:s22], s20  }
0xa0: {  	s5 =	ssub.s32 $0x0, s20;
	[sflag:s22] =	ssyncset.done $0x0  }
0xa1: {  	[sflag:s22] =	ssyncadd.s32 s5;
	_ =	sdelay $0x1  }
0xa2: {  	s23 =	simm.s32 $0x1B8B  }
0xa3: {  	_ =	swait.ge [sflag:s23], $0x1  }
0xa4: {  	[sflag:s23] =	ssyncset.done $0x0  }
0xa5: {  	s25 =	simm.s32 $0x1B8E;
	s24 =	sld [smem:$0x3FFE];
	[sflag:s23] =	ssyncadd.s32 $0xFFFFFFFF  }
0xa6: {  	s26 =	simm.s32 $execute0_lowered;
	[smem:$0x3FD2] =	sst s25  }
0xa7: {  	s6 =	sshll.u32 s26, $0x1;
	_ =	strace $0x80000049;
	[dreg:$0x1] =	wrdreg $0xFFFFFFFF  }
0xa8: {  	s28 =	simm.s32 $_size_execute0_lowered;
	s4 =	sadd.s32 s4, s6;
	[dreg:$0x0] =	wrdreg $0x0  }
0xa9: {  	s6 =	sshll.u32 s28, $0x1;
	[dreg:$0x2] =	wrdreg s4  }
0xaa: {  	[dreg:$0x3] =	wrdreg s6  }
0xab: {  	[dreg:$0x4] =	wrdreg $0xC0  }
0xac: {  	_ =	task [dreg:s8], $0x5FFFF  }
0xad: {  	[dreg:$0x1] =	wrdreg $0xFFFFFFFF  }
0xae: {  	[dreg:$0x0] =	wrdreg $0x60  }
0xaf: {  	[dreg:$0x2] =	wrdreg s18  }
0xb0: {  	[dreg:$0x3] =	wrdreg s2  }
0xb1: {  	[dreg:$0x4] =	wrdreg s24  }
0xb2: {  	[dreg:$0x5] =	wrdreg $0x84000  }
0xb3: {  	[dreg:$0x6] =	wrdreg $0x9  }
0xb4: {  	_ =	task.clear_ibuf [dreg:s8], $0x7FFFF;
	_ =	strace $0x90000049  }
0xb5: {  	s29 =	simm.s32 $0x9;
	_ =	strace $0x8000004B  }
0xb6: {  	_ =	swait.ge [sflag:s29], $0x1  }
0xb7: {  	[sflag:s29] =	ssyncadd.s32 $0xFFFFFFFF  }
0xb8: {  	_ =	strace $0x9000004B  }
0xb9: {  	_ =	sfence  }
0xba: {  	s30 =	sld [smem:$0x0];
	_ =	sdelay $0x2  }
0xbb: {  	s31 =	sshll.u32 s1, $0xD;
	s1 =	sshrl.u32 s1, $0x2  }
0xbc: {  	s3 =	sand.u32 $0x4000, s31;
	s1 =	sadd.s32 s1, s30  }
0xbd: {  	s0 =	sor.u32 s3, s0;
	s1 =	sshll.u32 s1, $0x11  }
0xbe: {  	s0 =	sor.u32 s1, s0  }
0xbf: {  	s0 =	sadd.s32 $0x8F2B, s0  }
0xc0: {  	[sflag:s0] =	ssyncadd.remote.s32 $0x1  }
0xc1: {  	_ =	sfence.sel $0xFFFF  }
0xc2: {  	[dreg:$0x0] =	wrdreg $0xFFFFFFFF;
	(pc) =	sbr.abs _section_cstart, $3  }
0xc3: {  	[dreg:$0x1] =	wrdreg $0xFFFFFFFF  }
0xc4: {  	_ =	task.clear_ibuf [dreg:s8], $0x2FFFF;
	_ =	strace $0x9FFFFFFF  }
0xc5: {  	(tm) =	ssettm $0x7FFFFFFF  }
tec
execute0_lowered:
.L_overlay_start_1:
0x0: {  	(tag) =	ssettag $0x1  }
0x1: {  	s1 =	rddreg [dreg:$0x0]  }
0x2: {  	s3 =	rddreg [dreg:$0x1]  }
0x3: {  	s0 =	rddreg [dreg:$0x2]  }
0x4: {  	s4 =	rddreg [dreg:$0x3]  }
0x5: {  	s12 =	stileid.u32;
	s2 =	srdreg.scid;
	s5 =	simm.s32 $0x0  }
0x6: {  	s28 =	simm.s32 $0x80;
	s29 =	simm.s32 $0x400;
	s30 =	simm.s32 $0x7  }
0x7: {  	s31 =	simm.s32 $0x2;
	s6 =	smul.u32 $0x14000, s12;
	s2 =	sand.u32 $0x1, s2  }
0x8: {  	[smem:$0x7FF] =	sst s5;
	s13 =	sadd.s32 $0x2600, s0;
	s11 =	smul.u32 $0x50000, s12  }
0x9: {  	s9 =	sshll.u32 s12, $0x1;
	s14 =	sshll.u32 s12, $0x6;
	s15 =	smul.u32 $0x4E00, s12  }
0xa: {  	p0 =	sgt.u32 s12, $0x1;
	s12 =	simm.s32 $0x280;
	s7 =	smul.u32 $0x140000, s2  }
0xb: {  	_ =	strace $0x8000004A;
	s21 =	ssub.s32 $0x2, s2;
	s9 =	sor.u32 s2, s9  }
0xc: {  	[dreg:$0x6] =	wrdreg s14;
	s26 =	sor.u32 $0x1C07, s14;
	s2 =	smul.u32 $0x2700, s2  }
0xd: {  	[dreg:$0xf] =	wrdreg s13;
	s14 =	simm.s32 $0x0;
	s8 =	sshrl.u32 s6, $0x3  }
0xe: {  	s10 =	sshrl.u32 s21, $0x1;
	s23 =	smul.u32 $0x9C0, s9;
	s24 =	sshrl.u32 s11, $0x2  }
0xf: {  	s25 =	smul.u32 $0x4E00, s9;
	[dreg:$0x8] =	wrdreg s26;
	s9 =	sshll.u32 s9, $0x5  }
0x10: {  	s11 =	simm.s32 $0x180;
	s8 =	sadd.s32 s8, s0;
	s6 =	sadd.s32 s6, s7  }
0x11: {  	s22 =	ssub.s32 s21, s10;
	s10 =	sadd.s32 s24, s4;
	s9 =	sadd.s32 s9, s3  }
0x12: {  	s2 =	sadd.s32 s2, s15;
	s6 =	sshrl.u32 s6, $0x3;
	s8 =	sadd.s32 $0x2800, s8  }
0x13: {  	s7 =	sadd.s32 s3, s23;
	s20 =	sadd.s32 $0x380, s2;
	s21 =	smax.u32 s22, $0x1  }
0x14: {  	s23 =	sadd.s32 $0x300, s2;
	s24 =	sadd.s32 $0x280, s2;
	[dreg:$0x7] =	wrdreg s8  }
0x15: {  	s0 =	sadd.s32 s6, s0;
	s8 =	sshrl.u32 s25, $0x3;
	[dreg:$0x9] =	wrdreg s7  }
0x16: {  	s16 =	sadd.s32 $0x20, s7;
	[dreg:$0x11] =	wrdreg s21;
	s22 =	sshrl.u32 s20, $0x2  }
0x17: {  	s25 =	sshrl.u32 s23, $0x2;
	s26 =	sshrl.u32 s24, $0x2;
	s21 =	sadd.s32 $0x200, s2  }
0x18: {  	s23 =	simm.s32 $0x100;
	s24 =	simm.s32 $0x200;
	s2 =	simm.s32 $0x5  }
0x19: {  	s6 =	simm.s32 $0x8;
	[dreg:$0xa] =	wrdreg s16;
	s7 =	sadd.s32 s3, s8  }
0x1a: {  	s16 =	sadd.s32 $0x13800, s9;
	s0 =	sadd.s32 $0x2A800, s0;
	s20 =	sadd.s32 s26, s3  }
0x1b: {  	s26 =	simm.s32 $0x1;
	s17 =	sadd.s32 $0x40, s7;
	[dreg:$0x10] =	wrdreg s0  }
0x1c: {  	s8 =	simm.s32 $0x3;
	s18 =	sadd.s32 $0x60, s7;
	[dreg:$0xb] =	wrdreg s17  }
0x1d: {  	s9 =	simm.s32 $0x6;
	s19 =	sadd.s32 $0x980, s7;
	[dreg:$0xc] =	wrdreg s18  }
0x1e: {  	s7 =	sadd.s32 $0x9A0, s7;
	s0 =	sadd.s32 s22, s3;
	[dreg:$0xd] =	wrdreg s19  }
0x1f: {  	s22 =	sshrl.u32 s10, $0x3;
	s16 =	smov.u32 @p0 s13;
	[dreg:$0xe] =	wrdreg s7  }
0x20: {  	s13 =	simm.s32 $0x380;
	[dreg:$0x5] =	wrdreg s0;
	s19 =	sadd.s32 s25, s3  }
0x21: {  	s25 =	simm.s32 $0x300;
	s0 =	simm.s32 $0x4400;
	s7 =	simm.s32 $0x4  }
.LBB2_1:
0x22: {  	s10 =	rddreg [dreg:$0x7]  }
0x23: {  	s15 =	rddreg [dreg:$0x8]  }
0x24: {  	[spmem:s22], [sflag:s15] =	dma.local [hbm:s10], $0x2800  }
0x25: {  	s10 =	rddreg [dreg:$0x9]  }
0x26: {  	[tilespmem:s5], [sflag:$0x1] =	stream.linear.gather [hbm4b:s10+s5], $0x100, $0x38;
	[tilespmem:$0x1C400] =	vst v63  }
0x27: {  	s18 =	rddreg [dreg:$0xa]  }
0x28: {  	[tilespmem:s23], [sflag:$0x2] =	stream.linear.gather [hbm4b:s18+s5], $0x100, $0x38;
	[tilespmem:$0x1C400] =	vst v63  }
0x29: {  	s15 =	rddreg [dreg:$0xb]  }
0x2a: {  	[tilespmem:s24], [sflag:$0x3] =	stream.linear.gather [hbm4b:s15+s5], $0x100, $0x38;
	[tilespmem:$0x1C400] =	vst v63  }
0x2b: {  	s17 =	rddreg [dreg:$0xc]  }
0x2c: {  	[tilespmem:s25], [sflag:$0x4] =	stream.linear.gather [hbm4b:s17+s5], $0x100, $0x38;
	[tilespmem:$0x1C400] =	vst v63  }
0x2d: {  	_ =	swait.ge [sflag:s26], $0x100  }
0x2e: {  	[sflag:s26] =	ssyncset.done $0x0  }
0x2f: {  	[sflag:s26] =	ssyncadd.s32 $0xFFFFFF00  }
0x30: {  	[tilespmem:s29], [sflag:$0x5] =	stream.indirect.gather [hbm4b:s1+s28], $0x80, s5, s28, $0xb8;
	[tilespmem:$0x1C400] =	vst v63  }
0x31: {  	_ =	swait.ge [sflag:s30], $0x2800  }
0x32: {  	[sflag:s30] =	ssyncset.done $0x0  }
0x33: {  	[sflag:s30] =	ssyncadd.s32 $0xFFFFD800  }
0x34: {  	[bflag:$0x0] =	sbarrier.arrive $0xFFFF  }
0x35: {  	_ =	swait.ge [sflag:s31], $0x100  }
0x36: {  	[sflag:s31] =	ssyncset.done $0x0  }
0x37: {  	[sflag:s31] =	ssyncadd.s32 $0xFFFFFF00  }
0x38: {  	[tilespmem:s0], [sflag:$0x6] =	stream.indirect.gather [hbm4b:s1+s28], $0x80, s23, s28, $0xb8;
	[tilespmem:$0x1C400] =	vst v63  }
0x39: {  	_ =	swait.ge [sflag:s2], $0x4000  }
0x3a: {  	[sflag:s2] =	ssyncset.done $0x0  }
0x3b: {  	[sflag:s2] =	ssyncadd.s32 $0xFFFFC000  }
0x3c: {  	[spmem:s4] =	stream.indirect.scatter.add.f32 [tilespmem:s29], [sflag:$0x8], $0x80, s28, s28, $0xb8;
	[tilespmem:$0x1C400] =	vst v63  }
0x3d: {  	_ =	swait.ge [sflag:s6], $0x4000  }
0x3e: {  	s18 =	sshrl.u32 s21, $0x2;
	[sflag:s6] =	ssyncset.done $0x0  }
0x3f: {  	s10 =	sadd.s32 s3, s18;
	[sflag:s6] =	ssyncadd.s32 $0xFFFFC000  }
0x40: {  	[tilespmem:s5], [sflag:$0x1] =	stream.linear.gather [hbm4b:s10+s5], $0x100, $0x38;
	[tilespmem:$0x1C400] =	vst v63  }
0x41: {  	_ =	swait.ge [sflag:s8], $0x100  }
0x42: {  	[sflag:s8] =	ssyncset.done $0x0  }
0x43: {  	[sflag:s8] =	ssyncadd.s32 $0xFFFFFF00  }
0x44: {  	[tilespmem:s29], [sflag:$0x5] =	stream.indirect.gather [hbm4b:s1+s28], $0x80, s24, s28, $0xb8;
	[tilespmem:$0x1C400] =	vst v63  }
0x45: {  	_ =	swait.ge [sflag:s9], $0x4000  }
0x46: {  	[sflag:s9] =	ssyncset.done $0x0  }
0x47: {  	[sflag:s9] =	ssyncadd.s32 $0xFFFFC000  }
0x48: {  	[spmem:s4] =	stream.indirect.scatter.add.f32 [tilespmem:s0], [sflag:$0x8], $0x80, s11, s28, $0xb8;
	[tilespmem:$0x1C400] =	vst v63  }
0x49: {  	_ =	swait.ge [sflag:s6], $0x4000  }
0x4a: {  	[sflag:s6] =	ssyncset.done $0x0  }
0x4b: {  	s15 =	sadd.s32 $0x0, s20;
	[sflag:s6] =	ssyncadd.s32 $0xFFFFC000  }
0x4c: {  	[tilespmem:s23], [sflag:$0x2] =	stream.linear.gather [hbm4b:s15+s5], $0x100, $0x38;
	[tilespmem:$0x1C400] =	vst v63  }
0x4d: {  	_ =	swait.ge [sflag:s7], $0x100  }
0x4e: {  	[sflag:s7] =	ssyncset.done $0x0  }
0x4f: {  	[sflag:s7] =	ssyncadd.s32 $0xFFFFFF00  }
0x50: {  	[tilespmem:s0], [sflag:$0x6] =	stream.indirect.gather [hbm4b:s1+s28], $0x80, s25, s28, $0xb8;
	[tilespmem:$0x1C400] =	vst v63  }
0x51: {  	_ =	swait.ge [sflag:s2], $0x4000  }
0x52: {  	[sflag:s2] =	ssyncset.done $0x0  }
0x53: {  	[sflag:s2] =	ssyncadd.s32 $0xFFFFC000  }
0x54: {  	[spmem:s4] =	stream.indirect.scatter.add.f32 [tilespmem:s29], [sflag:$0x8], $0x80, s12, s28, $0xb8;
	[tilespmem:$0x1C400] =	vst v63  }
0x55: {  	_ =	swait.ge [sflag:s6], $0x4000  }
0x56: {  	[sflag:s6] =	ssyncset.done $0x0  }
0x57: {  	s17 =	sadd.s32 $0x0, s19;
	[sflag:s6] =	ssyncadd.s32 $0xFFFFC000  }
0x58: {  	[tilespmem:s24], [sflag:$0x3] =	stream.linear.gather [hbm4b:s17+s5], $0x100, $0x38;
	[tilespmem:$0x1C400] =	vst v63  }
0x59: {  	_ =	swait.ge [sflag:s26], $0x100  }
0x5a: {  	[sflag:s26] =	ssyncset.done $0x0  }
0x5b: {  	[sflag:s26] =	ssyncadd.s32 $0xFFFFFF00  }
0x5c: {  	[tilespmem:s29], [sflag:$0x5] =	stream.indirect.gather [hbm4b:s1+s28], $0x80, s5, s28, $0xb8;
	[tilespmem:$0x1C400] =	vst v63  }
0x5d: {  	_ =	swait.ge [sflag:s9], $0x4000  }
0x5e: {  	[sflag:s9] =	ssyncset.done $0x0  }
0x5f: {  	[sflag:s9] =	ssyncadd.s32 $0xFFFFC000  }
0x60: {  	[spmem:s4] =	stream.indirect.scatter.add.f32 [tilespmem:s0], [sflag:$0x8], $0x80, s13, s28, $0xb8;
	[tilespmem:$0x1C400] =	vst v63  }
0x61: {  	_ =	swait.ge [sflag:s6], $0x4000  }
0x62: {  	s10 =	simm.s32 $0x80;
	s18 =	rddreg [dreg:$0x5];
	[sflag:s6] =	ssyncset.done $0x0  }
0x63: {  	s15 =	sadd.s32 $0x200, s21;
	[sflag:s6] =	ssyncadd.s32 $0xFFFFC000;
	s17 =	sadd.s32 $0x0, s18  }
.LBB2_2:
0x64: {  	[tilespmem:s25], [sflag:$0x4] =	stream.linear.gather [hbm4b:s17+s5], $0x100, $0x38;
	[tilespmem:$0x1C400] =	vst v63  }
0x65: {  	_ =	swait.ge [sflag:s31], $0x100  }
0x66: {  	[sflag:s31] =	ssyncset.done $0x0  }
0x67: {  	[sflag:s31] =	ssyncadd.s32 $0xFFFFFF00  }
0x68: {  	[tilespmem:s0], [sflag:$0x6] =	stream.indirect.gather [hbm4b:s1+s28], $0x80, s23, s28, $0xb8;
	[tilespmem:$0x1C400] =	vst v63  }
0x69: {  	_ =	swait.ge [sflag:s2], $0x4000  }
0x6a: {  	[sflag:s2] =	ssyncset.done $0x0  }
0x6b: {  	[sflag:s2] =	ssyncadd.s32 $0xFFFFC000  }
0x6c: {  	[spmem:s4] =	stream.indirect.scatter.add.f32 [tilespmem:s29], [sflag:$0x8], $0x80, s28, s28, $0xb8;
	[tilespmem:$0x1C400] =	vst v63  }
0x6d: {  	_ =	swait.ge [sflag:s6], $0x4000  }
0x6e: {  	s18 =	sshrl.u32 s15, $0x2;
	[sflag:s6] =	ssyncset.done $0x0  }
0x6f: {  	s18 =	sadd.s32 s3, s18;
	[sflag:s6] =	ssyncadd.s32 $0xFFFFC000  }
0x70: {  	[tilespmem:s5], [sflag:$0x1] =	stream.linear.gather [hbm4b:s18+s5], $0x100, $0x38;
	[tilespmem:$0x1C400] =	vst v63  }
0x71: {  	_ =	swait.ge [sflag:s8], $0x100  }
0x72: {  	[sflag:s8] =	ssyncset.done $0x0  }
0x73: {  	[sflag:s8] =	ssyncadd.s32 $0xFFFFFF00  }
0x74: {  	[tilespmem:s29], [sflag:$0x5] =	stream.indirect.gather [hbm4b:s1+s28], $0x80, s24, s28, $0xb8;
	[tilespmem:$0x1C400] =	vst v63  }
0x75: {  	_ =	swait.ge [sflag:s9], $0x4000  }
0x76: {  	[sflag:s9] =	ssyncset.done $0x0  }
0x77: {  	[sflag:s9] =	ssyncadd.s32 $0xFFFFC000  }
0x78: {  	[spmem:s4] =	stream.indirect.scatter.add.f32 [tilespmem:s0], [sflag:$0x8], $0x80, s11, s28, $0xb8;
	[tilespmem:$0x1C400] =	vst v63  }
0x79: {  	_ =	swait.ge [sflag:s6], $0x4000  }
0x7a: {  	s17 =	smov.u32 s10;
	[sflag:s6] =	ssyncset.done $0x0  }
0x7b: {  	s18 =	sadd.s32 s17, s20;
	[sflag:s6] =	ssyncadd.s32 $0xFFFFC000  }
0x7c: {  	[tilespmem:s23], [sflag:$0x2] =	stream.linear.gather [hbm4b:s18+s5], $0x100, $0x38;
	[tilespmem:$0x1C400] =	vst v63  }
0x7d: {  	_ =	swait.ge [sflag:s7], $0x100  }
0x7e: {  	[sflag:s7] =	ssyncset.done $0x0  }
0x7f: {  	[sflag:s7] =	ssyncadd.s32 $0xFFFFFF00  }
0x80: {  	[tilespmem:s0], [sflag:$0x6] =	stream.indirect.gather [hbm4b:s1+s28], $0x80, s25, s28, $0xb8;
	[tilespmem:$0x1C400] =	vst v63  }
0x81: {  	_ =	swait.ge [sflag:s2], $0x4000  }
0x82: {  	[sflag:s2] =	ssyncset.done $0x0  }
0x83: {  	[sflag:s2] =	ssyncadd.s32 $0xFFFFC000  }
0x84: {  	[spmem:s4] =	stream.indirect.scatter.add.f32 [tilespmem:s29], [sflag:$0x8], $0x80, s12, s28, $0xb8;
	[tilespmem:$0x1C400] =	vst v63  }
0x85: {  	_ =	swait.ge [sflag:s6], $0x4000  }
0x86: {  	[sflag:s6] =	ssyncset.done $0x0  }
0x87: {  	s18 =	sadd.s32 s17, s19;
	[sflag:s6] =	ssyncadd.s32 $0xFFFFC000  }
0x88: {  	[tilespmem:s24], [sflag:$0x3] =	stream.linear.gather [hbm4b:s18+s5], $0x100, $0x38;
	[tilespmem:$0x1C400] =	vst v63  }
0x89: {  	_ =	swait.ge [sflag:s26], $0x100  }
0x8a: {  	[sflag:s26] =	ssyncset.done $0x0  }
0x8b: {  	[sflag:s26] =	ssyncadd.s32 $0xFFFFFF00  }
0x8c: {  	[tilespmem:s29], [sflag:$0x5] =	stream.indirect.gather [hbm4b:s1+s28], $0x80, s5, s28, $0xb8;
	[tilespmem:$0x1C400] =	vst v63  }
0x8d: {  	_ =	swait.ge [sflag:s9], $0x4000  }
0x8e: {  	p0 =	sne.s32 s10, $0x880;
	[sflag:s9] =	ssyncset.done $0x0  }
.Ltmp0:
0x8f: {  	[sflag:s9] =	ssyncadd.s32 $0xFFFFC000;
	(pc) =	sbr.rel @p0 .LBB2_2-.Ltmp0, $4  }
0x90: {  	[spmem:s4] =	stream.indirect.scatter.add.f32 [tilespmem:s0], [sflag:$0x8], $0x80, s13, s28, $0xb8;
	[tilespmem:$0x1C400] =	vst v63  }
0x91: {  	_ =	swait.ge [sflag:s6], $0x4000  }
0x92: {  	s10 =	sadd.s32 $0x80, s10;
	[sflag:s6] =	ssyncset.done $0x0;
	s18 =	rddreg [dreg:$0x5]  }
0x93: {  	s15 =	sadd.s32 $0x200, s15;
	[sflag:s6] =	ssyncadd.s32 $0xFFFFC000;
	s17 =	sadd.s32 s17, s18  }
0x94: {  	[tilespmem:s25], [sflag:$0x4] =	stream.linear.gather [hbm4b:s17+s5], $0x100, $0x38;
	[tilespmem:$0x1C400] =	vst v63  }
0x95: {  	_ =	swait.ge [sflag:s31], $0x100  }
0x96: {  	[sflag:s31] =	ssyncset.done $0x0  }
0x97: {  	[sflag:s31] =	ssyncadd.s32 $0xFFFFFF00  }
0x98: {  	[tilespmem:s0], [sflag:$0x6] =	stream.indirect.gather [hbm4b:s1+s28], $0x80, s23, s28, $0xb8;
	[tilespmem:$0x1C400] =	vst v63  }
0x99: {  	_ =	swait.ge [sflag:s2], $0x4000  }
0x9a: {  	[sflag:s2] =	ssyncset.done $0x0  }
0x9b: {  	[sflag:s2] =	ssyncadd.s32 $0xFFFFC000  }
0x9c: {  	[spmem:s4] =	stream.indirect.scatter.add.f32 [tilespmem:s29], [sflag:$0x8], $0x80, s28, s28, $0xb8;
	[tilespmem:$0x1C400] =	vst v63  }
0x9d: {  	_ =	swait.ge [sflag:s6], $0x4000  }
0x9e: {  	[sflag:s6] =	ssyncset.done $0x0  }
0x9f: {  	s10 =	rddreg [dreg:$0xd];
	[sflag:s6] =	ssyncadd.s32 $0xFFFFC000  }
0xa0: {  	[tilespmem:s5], [sflag:$0x1] =	stream.linear.gather [hbm4b:s10+s5], $0x100, $0x38;
	[tilespmem:$0x1C400] =	vst v63  }
0xa1: {  	_ =	swait.ge [sflag:s8], $0x100  }
0xa2: {  	[sflag:s8] =	ssyncset.done $0x0  }
0xa3: {  	[sflag:s8] =	ssyncadd.s32 $0xFFFFFF00  }
0xa4: {  	[tilespmem:s29], [sflag:$0x5] =	stream.indirect.gather [hbm4b:s1+s28], $0x80, s24, s28, $0xb8;
	[tilespmem:$0x1C400] =	vst v63  }
0xa5: {  	_ =	swait.ge [sflag:s9], $0x4000  }
0xa6: {  	[sflag:s9] =	ssyncset.done $0x0  }
0xa7: {  	[sflag:s9] =	ssyncadd.s32 $0xFFFFC000  }
0xa8: {  	[spmem:s4] =	stream.indirect.scatter.add.f32 [tilespmem:s0], [sflag:$0x8], $0x80, s11, s28, $0xb8;
	[tilespmem:$0x1C400] =	vst v63  }
0xa9: {  	_ =	swait.ge [sflag:s6], $0x4000  }
0xaa: {  	[sflag:s6] =	ssyncset.done $0x0  }
0xab: {  	s18 =	rddreg [dreg:$0xe];
	[sflag:s6] =	ssyncadd.s32 $0xFFFFC000  }
0xac: {  	[tilespmem:s23], [sflag:$0x2] =	stream.linear.gather [hbm4b:s18+s5], $0x100, $0x38;
	[tilespmem:$0x1C400] =	vst v63  }
0xad: {  	_ =	swait.ge [sflag:s7], $0x100  }
0xae: {  	[sflag:s7] =	ssyncset.done $0x0  }
0xaf: {  	[sflag:s7] =	ssyncadd.s32 $0xFFFFFF00  }
0xb0: {  	[tilespmem:s0], [sflag:$0x6] =	stream.indirect.gather [hbm4b:s1+s28], $0x80, s25, s28, $0xb8;
	[tilespmem:$0x1C400] =	vst v63  }
0xb1: {  	_ =	swait.ge [sflag:s2], $0x4000  }
0xb2: {  	[sflag:s2] =	ssyncset.done $0x0  }
0xb3: {  	[sflag:s2] =	ssyncadd.s32 $0xFFFFC000  }
0xb4: {  	[spmem:s4] =	stream.indirect.scatter.add.f32 [tilespmem:s29], [sflag:$0x8], $0x80, s12, s28, $0xb8;
	[tilespmem:$0x1C400] =	vst v63  }
0xb5: {  	_ =	swait.ge [sflag:s6], $0x4000  }
0xb6: {  	[sflag:s6] =	ssyncset.done $0x0  }
0xb7: {  	[sflag:s6] =	ssyncadd.s32 $0xFFFFC000  }
0xb8: {  	[tilespmem:s24], [sflag:$0x3] =	stream.linear.gather [hbm4b:s16+s5], $0x100, $0x38;
	[tilespmem:$0x1C400] =	vst v63  }
0xb9: {  	_ =	swait.ge [sflag:s26], $0x100  }
0xba: {  	[sflag:s26] =	ssyncset.done $0x0  }
0xbb: {  	[sflag:s26] =	ssyncadd.s32 $0xFFFFFF00  }
0xbc: {  	[tilespmem:s29], [sflag:$0x5] =	stream.indirect.gather [hbm4b:s1+s28], $0x80, s5, s28, $0xb8;
	[tilespmem:$0x1C400] =	vst v63  }
0xbd: {  	_ =	swait.ge [sflag:s9], $0x4000  }
0xbe: {  	[sflag:s9] =	ssyncset.done $0x0  }
0xbf: {  	[sflag:s9] =	ssyncadd.s32 $0xFFFFC000  }
0xc0: {  	[spmem:s4] =	stream.indirect.scatter.add.f32 [tilespmem:s0], [sflag:$0x8], $0x80, s13, s28, $0xb8;
	[tilespmem:$0x1C400] =	vst v63  }
0xc1: {  	_ =	swait.ge [sflag:s6], $0x4000  }
0xc2: {  	[sflag:s6] =	ssyncset.done $0x0  }
0xc3: {  	s15 =	rddreg [dreg:$0xf];
	[sflag:s6] =	ssyncadd.s32 $0xFFFFC000  }
0xc4: {  	[tilespmem:s25], [sflag:$0x4] =	stream.linear.gather [hbm4b:s15+s5], $0x100, $0x38;
	[tilespmem:$0x1C400] =	vst v63  }
0xc5: {  	_ =	swait.ge [sflag:s31], $0x100  }
0xc6: {  	[sflag:s31] =	ssyncset.done $0x0  }
0xc7: {  	[sflag:s31] =	ssyncadd.s32 $0xFFFFFF00  }
0xc8: {  	[tilespmem:s0], [sflag:$0x6] =	stream.indirect.gather [hbm4b:s1+s28], $0x80, s23, s28, $0xb8;
	[tilespmem:$0x1C400] =	vst v63  }
0xc9: {  	_ =	swait.ge [sflag:s2], $0x4000  }
0xca: {  	[sflag:s2] =	ssyncset.done $0x0  }
0xcb: {  	[sflag:s2] =	ssyncadd.s32 $0xFFFFC000  }
0xcc: {  	[spmem:s4] =	stream.indirect.scatter.add.f32 [tilespmem:s29], [sflag:$0x8], $0x80, s28, s28, $0xb8;
	[tilespmem:$0x1C400] =	vst v63  }
0xcd: {  	_ =	swait.ge [sflag:s6], $0x4000  }
0xce: {  	[sflag:s6] =	ssyncset.done $0x0  }
0xcf: {  	[sflag:s6] =	ssyncadd.s32 $0xFFFFC000  }
0xd0: {  	_ =	swait.ge [sflag:s8], $0x100  }
0xd1: {  	[sflag:s8] =	ssyncset.done $0x0  }
0xd2: {  	[sflag:s8] =	ssyncadd.s32 $0xFFFFFF00  }
0xd3: {  	[tilespmem:s29], [sflag:$0x5] =	stream.indirect.gather [hbm4b:s1+s28], $0x80, s24, s28, $0xb8;
	[tilespmem:$0x1C400] =	vst v63  }
0xd4: {  	_ =	swait.ge [sflag:s9], $0x4000  }
0xd5: {  	[sflag:s9] =	ssyncset.done $0x0  }
0xd6: {  	[sflag:s9] =	ssyncadd.s32 $0xFFFFC000  }
0xd7: {  	[spmem:s4] =	stream.indirect.scatter.add.f32 [tilespmem:s0], [sflag:$0x8], $0x80, s11, s28, $0xb8;
	[tilespmem:$0x1C400] =	vst v63  }
0xd8: {  	_ =	swait.ge [sflag:s6], $0x4000  }
0xd9: {  	[sflag:s6] =	ssyncset.done $0x0  }
0xda: {  	[sflag:s6] =	ssyncadd.s32 $0xFFFFC000  }
0xdb: {  	_ =	swait.ge [sflag:s7], $0x100  }
0xdc: {  	[sflag:s7] =	ssyncset.done $0x0  }
0xdd: {  	[sflag:s7] =	ssyncadd.s32 $0xFFFFFF00  }
0xde: {  	[tilespmem:s0], [sflag:$0x6] =	stream.indirect.gather [hbm4b:s1+s28], $0x80, s25, s28, $0xb8;
	[tilespmem:$0x1C400] =	vst v63  }
0xdf: {  	_ =	swait.ge [sflag:s2], $0x4000  }
0xe0: {  	[sflag:s2] =	ssyncset.done $0x0  }
0xe1: {  	[sflag:s2] =	ssyncadd.s32 $0xFFFFC000  }
0xe2: {  	[spmem:s4] =	stream.indirect.scatter.add.f32 [tilespmem:s29], [sflag:$0x8], $0x80, s12, s28, $0xb8;
	[tilespmem:$0x1C400] =	vst v63  }
0xe3: {  	_ =	swait.ge [sflag:s6], $0x4000  }
0xe4: {  	[sflag:s6] =	ssyncset.done $0x0  }
0xe5: {  	[sflag:s6] =	ssyncadd.s32 $0xFFFFC000  }
0xe6: {  	_ =	swait.ge [sflag:s9], $0x4000  }
0xe7: {  	[sflag:s9] =	ssyncset.done $0x0  }
0xe8: {  	[sflag:s9] =	ssyncadd.s32 $0xFFFFC000  }
0xe9: {  	[spmem:s4] =	stream.indirect.scatter.add.f32 [tilespmem:s0], [sflag:$0x8], $0x80, s13, s28, $0xb8;
	[tilespmem:$0x1C400] =	vst v63  }
0xea: {  	_ =	swait.ge [sflag:s6], $0x4000  }
0xeb: {  	[sflag:s6] =	ssyncset.done $0x0  }
0xec: {  	[sflag:s6] =	ssyncadd.s32 $0xFFFFC000  }
0xed: {  	[bflag:$0x0] =	sbarrier.arrive $0xFFFF  }
0xee: {  	s17 =	rddreg [dreg:$0x6]  }
0xef: {  	s15 =	rddreg [dreg:$0x10];
	s10 =	sor.u32 $0x1C08, s17  }
0xf0: {  	[hbm:s15], [sflag:s10] =	dma.local [spmem:s22], $0x2800  }
0xf1: {  	_ =	swait.ge [sflag:s6], $0x2800  }
0xf2: {  	s14 =	sadd.s32 $0x1, s14;
	s18 =	rddreg [dreg:$0x11]  }
0xf3: {  	p0 =	sne.s32 s14, s18  }
.Ltmp1:
0xf4: {  	_ = 	snop;
	(pc) =	sbr.rel @p0 .LBB2_1-.Ltmp1, $3  }
0xf5: {  	_ =	sdelay $0x1  }
0xf6: {  	[sflag:s6] =	ssyncset.done $0x0  }
0xf7: {  	[sflag:s6] =	ssyncadd.s32 $0xFFFFD800  }
0xf8: {  	_ =	sfence.sel $0x180000  }
0xf9: {  	[bflag:$0x0] =	sbarrier.arrive $0xFFFF  }
0xfa: {  	_ =	strace $0x9000004A  }
0xfb: {  	s0 =	stileid.u32;
	[bflag:$0x2] =	sbarrier.arrive $0xFFFF  }
0xfc: {  	p0 =	sne.s32 s0, $0x0;
	s0 =	rddreg [dreg:$0x4]  }
0xfd: {  	s0 =	sadd.s32 @!p0 $0x100000, s0  }
0xfe: {  	[sflag:s0] =	ssyncadd.tile.s32 @!p0 $0x1;
	_ =	shalt  }
.Lfunc_end2:
_tile_overlayer_lowered:
.L_overlay_start_2:
0xff: {  	(tag) =	ssettag $0x2  }
0x100: {  	s0 =	rddreg [dreg:$0x0];
	s2 =	stileid.u32  }
0x101: {  	s1 =	rddreg [dreg:$0x1];
	p0 =	sne.s32 s2, $0x0  }
0x102: {  	s3 =	rddreg [dreg:$0x2];
	[bflag:$0x3] =	sbarrier.arrive $0xFFFF;
	s2 =	simm.s32 @!p0 $0x1C08  }
0x103: {  	[timem:s3], [sflag:s2] =	dma.local @!p0 [hbm:s0], s1  }
0x104: {  	s0 =	simm.s32 @!p0 $0x8  }
0x105: {  	_ =	swait.ge @!p0 [sflag:s0], s1  }
0x106: {  	s1 =	ssub.s32 @!p0 $0x0, s1;
	[sflag:s0] =	ssyncset.done @!p0 $0x0  }
0x107: {  	[sflag:s0] =	ssyncadd.s32 @!p0 s1  }
0x108: {  	[bflag:$0x3] =	sbarrier.arrive $0xFFFF  }
0x109: {  	_ =	shalt  }

// kernel: kernel.15.cloned.1.call-start
scs
__scs_entry_jumppad:
0x0: {  	(pc) =	sbr.rel $0x88, $3  }
0x1: {  	(tag) =	ssettag $0x0;
	lr =	simm.s32 $0x1  }
0x2: {  	[smem:$0x3F9B] =	sst lr;
	_ =	strace $0xD0000000  }
0x3: {  	_ = 	snop  }
0x4: {  	_ = 	snop  }
0x5: {  	_ = 	snop  }
0x6: {  	_ = 	snop  }
0x7: {  	_ = 	snop  }
__scs_overlays_trampoline_lowered:
0x8: {  	[smem:$0x3FAA] =	sst s0  }
0x9: {  	[smem:$0x3FAB] =	sst s1  }
0xa: {  	[smem:$0x3FAC] =	sst s2  }
0xb: {  	[smem:$0x3FAD] =	sst s3  }
0xc: {  	[smem:$0x3FAE] =	sst s4  }
0xd: {  	[smem:$0x3FAF] =	sst s5  }
0xe: {  	[smem:$0x3FB0] =	sst s6  }
0xf: {  	[smem:$0x3FB1] =	sst s7  }
0x10: {  	[smem:$0x3FB2] =	sst s8  }
0x11: {  	[smem:$0x3FB3] =	sst s9;
	s0 =	simm.s32 @!p0 $0x0  }
0x12: {  	s1 =	sld [smem:$0x3F99];
	s0 =	simm.s32 @p0 $0x1  }
0x13: {  	[smem:$0x3FB4] =	sst s0;
	s0 =	simm.s32 @!p1 $0x0  }
0x14: {  	s2 =	sld [smem:$0x3F98];
	s0 =	simm.s32 @p1 $0x1  }
0x15: {  	[smem:$0x3FB5] =	sst s0;
	s0 =	simm.s32 @!p2 $0x0  }
0x16: {  	s3 =	sld [smem:$0x3FDB];
	s0 =	simm.s32 @p2 $0x1  }
0x17: {  	s4 =	simm.s32 $0x1BF5;
	[smem:$0x3FB7] =	sst s0  }
0x18: {  	s0 =	sld [smem:$0x3F9A];
	_ =	swait.ge [sflag:s4], $0x0  }
0x19: {  	s7 =	sld [smem:$0x3F9B]  }
0x1a: {  	s8 =	sadd.s32 $0xFFFFE003, lr  }
0x1b: {  	s9 =	sadd.s32 $0xFFFFFEF7, lr;
	s5 =	simm.s32 $0xFFFFFFFF;
	p2 =	slt.u32 s8, $0xFFFFF086  }
0x1c: {  	p1 =	slt.u32 s9, $0xF7A;
	s5 =	simm.s32 @!p2 $0x0  }
0x1d: {  	s5 =	simm.s32 @p1 $0x1;
	p0 =	seq.s32 s7, s2  }
0x1e: {  	s7 =	smul.u32 @!p0 $0xF7A, s2;
	p2 =	seq.s32 @!p0 s5, $0x0  }
0x1f: {  	s9 =	smul.u32 $0xF7A, s1;
	s8 =	simm.s32 @!p0 $0x1BF5;
	p2 =	por !p2, p0  }
0x20: {  	[sflag:s8] =	ssyncset.s32 @!p0 $0xFFFFF086;
	s6 =	sadd.s32 @!p0 s3, s7;
	s7 =	simm.s32 @!p0 $0x108  }
0x21: {  	s3 =	sadd.s32 s3, s9;
	s6 =	sadd.s32 @!p0 $0x88, s6;
	s7 =	simm.s32 @p2 $0x1082  }
0x22: {  	[simem:s7], [sflag:s8] =	dma.local @!p0 [hbm:s6], $0xF7A  }
0x23: {  	s9 =	sor.u32 $0xD0000000, s2;
	s6 =	simm.s32 $0x108;
	_ =	swait.ge @!p0 [sflag:s8], $0x0  }
0x24: {  	s3 =	sadd.s32 $0x88, s3;
	s6 =	simm.s32 @!p1 $0x1082;
	[sflag:s4] =	ssyncset.s32 $0xFFFFF086  }
0x25: {  	[simem:s6], [sflag:s4] =	dma.local [hbm:s3], $0xF7A  }
0x26: {  	[smem:$0x3F9B] =	sst s1;
	(tag) =	ssettag s2;
	_ =	strace s9  }
0x27: {  	s1 =	sld [smem:$0x3FAB]  }
0x28: {  	s2 =	sld [smem:$0x3FAC]  }
0x29: {  	s4 =	sld [smem:$0x3FAE]  }
0x2a: {  	p0 =	seq.s32 s5, $0x0;
	s5 =	sld [smem:$0x3FAF]  }
0x2b: {  	s6 =	sld [smem:$0x3FB0]  }
0x2c: {  	s7 =	sld [smem:$0x3FB1]  }
0x2d: {  	s3 =	simm.s32 $0x108;
	s8 =	sld [smem:$0x3FB2]  }
0x2e: {  	s3 =	simm.s32 @!p0 $0x1082;
	s9 =	sld [smem:$0x3FB3]  }
0x2f: {  	lr =	sadd.s32 s0, s3;
	s0 =	sld [smem:$0x3FAA]  }
0x30: {  	s3 =	sld [smem:$0x3FAD]  }
0x31: {  	[smem:$0x3FB6] =	sst s10  }
0x32: {  	s10 =	sld [smem:$0x3FB4];
	_ =	sdelay $0x3  }
0x33: {  	p0 =	seq.s32 s10, $0x1;
	s10 =	sld [smem:$0x3FB6];
	_ =	sdelay $0x3  }
0x34: {  	[smem:$0x3FB6] =	sst s10  }
0x35: {  	s10 =	sld [smem:$0x3FB5];
	_ =	sdelay $0x3  }
0x36: {  	p1 =	seq.s32 s10, $0x1;
	s10 =	sld [smem:$0x3FB6];
	_ =	sdelay $0x3  }
0x37: {  	[smem:$0x3FB6] =	sst s10  }
0x38: {  	s10 =	sld [smem:$0x3FB7]  }
0x39: {  	_ = 	snop;
	(pc) =	sbr.ind lr, $3  }
0x3a: {  	_ = 	snop  }
0x3b: {  	_ = 	snop  }
0x3c: {  	p2 =	seq.s32 s10, $0x1;
	s10 =	sld [smem:$0x3FB6]  }
0x3d: {  	_ =	shalt  }
0x3e: {  	_ =	shalt  }
0x3f: {  	_ =	shalt  }
0x40: {  	_ =	shalt  }
0x41: {  	_ =	shalt  }
0x42: {  	_ =	shalt  }
0x43: {  	_ =	shalt  }
0x44: {  	_ =	shalt  }
0x45: {  	_ =	shalt  }
0x46: {  	_ =	shalt  }
0x47: {  	_ =	shalt  }
0x48: {  	_ =	shalt  }
0x49: {  	_ =	shalt  }
0x4a: {  	_ =	shalt  }
0x4b: {  	_ =	shalt  }
0x4c: {  	_ =	shalt  }
0x4d: {  	_ =	shalt  }
0x4e: {  	_ =	shalt  }
0x4f: {  	_ =	shalt  }
0x50: {  	_ =	shalt  }
0x51: {  	_ =	shalt  }
0x52: {  	_ =	shalt  }
0x53: {  	_ =	shalt  }
0x54: {  	_ =	shalt  }
0x55: {  	_ =	shalt  }
0x56: {  	_ =	shalt  }
0x57: {  	_ =	shalt  }
0x58: {  	_ =	shalt  }
0x59: {  	_ =	shalt  }
0x5a: {  	_ =	shalt  }
0x5b: {  	_ =	shalt  }
0x5c: {  	_ =	shalt  }
0x5d: {  	_ =	shalt  }
0x5e: {  	_ =	shalt  }
0x5f: {  	_ =	shalt  }
0x60: {  	_ =	shalt  }
0x61: {  	_ =	shalt  }
0x62: {  	_ =	shalt  }
0x63: {  	_ =	shalt  }
0x64: {  	_ =	shalt  }
0x65: {  	_ =	shalt  }
0x66: {  	_ =	shalt  }
0x67: {  	_ =	shalt  }
0x68: {  	_ =	shalt  }
0x69: {  	_ =	shalt  }
0x6a: {  	_ =	shalt  }
0x6b: {  	_ =	shalt  }
0x6c: {  	_ =	shalt  }
0x6d: {  	_ =	shalt  }
0x6e: {  	_ =	shalt  }
0x6f: {  	_ =	shalt  }
0x70: {  	_ =	shalt  }
0x71: {  	_ =	shalt  }
0x72: {  	_ =	shalt  }
0x73: {  	_ =	shalt  }
0x74: {  	_ =	shalt  }
0x75: {  	_ =	shalt  }
0x76: {  	_ =	shalt  }
0x77: {  	_ =	shalt  }
0x78: {  	_ =	shalt  }
0x79: {  	_ =	shalt  }
0x7a: {  	_ =	shalt  }
0x7b: {  	_ =	shalt  }
0x7c: {  	_ =	shalt  }
0x7d: {  	_ =	shalt  }
0x7e: {  	_ =	shalt  }
0x7f: {  	_ =	shalt  }
0x80: {  	_ =	shalt  }
0x81: {  	_ =	shalt  }
0x82: {  	_ =	shalt  }
0x83: {  	_ =	shalt  }
0x84: {  	_ =	shalt  }
0x85: {  	_ =	shalt  }
0x86: {  	_ =	shalt  }
0x87: {  	_ =	shalt  }
.Lfunc_end0:
.L_simem_size_0:
called_computation.2_lowered:
.L_overlay_start_0:
0x88: {  	s2 =	sld [smem:$0x3FD9]  }
0x89: {  	s3 =	sld [smem:$0x3FFE];
	_ =	sdelay $0x1  }
0x8a: {  	s1 =	srdreg.scid  }
0x8b: {  	s0 =	sand.u32 $0x1, s1  }
0x8c: {  	s17 =	sshll.u32 s0, $0xA;
	s2 =	sadd.s32 s3, s2  }
0x8d: {  	s2 =	sadd.s32 s2, s17  }
0x8e: {  	[smem:$0x3FC2] =	sst s2  }
0x8f: {  	_ = 	snop  }
0x90: {  	s2 =	sld [smem:$0x3FC8]  }
0x91: {  	s18 =	sld [smem:$0x3FD0];
	(tm) =	ssettm $0x1  }
0x92: {  	s4 =	sld [smem:$0x3FFB];
	_ =	sdelay $0x3  }
0x93: {  	_ =	strace s4  }
0x94: {  	s4 =	sld [smem:$0x3FFC];
	_ =	sdelay $0x3  }
0x95: {  	_ =	strace s4  }
0x96: {  	s4 =	sld [smem:$0x3FFD];
	_ =	sdelay $0x3  }
0x97: {  	_ =	strace s4  }
0x98: {  	_ =	strace $0x8FFFFFFF  }
0x99: {  	s19 =	sld [smem:$0x3FDB];
	_ =	sdelay $0x1  }
0x9a: {  	s5 =	simm.s32 $_scs_section_size  }
0x9b: {  	s6 =	simm.s32 $_size__tile_overlayer_lowered;
	s7 =	simm.s32 $_tile_overlayer_lowered  }
0x9c: {  	s22 =	simm.s32 $0x1BFF;
	s21 =	sshll.u32 s7, $0x1;
	s4 =	sadd.s32 s5, s19  }
0x9d: {  	s8 =	simm.s32 $0x0;
	s20 =	sshll.u32 s6, $0x1;
	s6 =	sadd.s32 s21, s4  }
0x9e: {  	[timem:s8], [sflag:s22] =	dma.local [hbm:s6], s20  }
0x9f: {  	_ =	swait.ge [sflag:s22], s20  }
0xa0: {  	s5 =	ssub.s32 $0x0, s20;
	[sflag:s22] =	ssyncset.done $0x0  }
0xa1: {  	[sflag:s22] =	ssyncadd.s32 s5;
	_ =	sdelay $0x1  }
0xa2: {  	s23 =	simm.s32 $0x1B8B  }
0xa3: {  	_ =	swait.ge [sflag:s23], $0x1  }
0xa4: {  	[sflag:s23] =	ssyncset.done $0x0  }
0xa5: {  	s25 =	simm.s32 $0x1B8E;
	s24 =	sld [smem:$0x3FFE];
	[sflag:s23] =	ssyncadd.s32 $0xFFFFFFFF  }
0xa6: {  	s26 =	simm.s32 $execute0_lowered;
	[smem:$0x3FD2] =	sst s25  }
0xa7: {  	s6 =	sshll.u32 s26, $0x1;
	_ =	strace $0x8000004C;
	[dreg:$0x1] =	wrdreg $0xFFFFFFFF  }
0xa8: {  	s28 =	simm.s32 $_size_execute0_lowered;
	s4 =	sadd.s32 s4, s6;
	[dreg:$0x0] =	wrdreg $0x0  }
0xa9: {  	s6 =	sshll.u32 s28, $0x1;
	[dreg:$0x2] =	wrdreg s4  }
0xaa: {  	[dreg:$0x3] =	wrdreg s6  }
0xab: {  	[dreg:$0x4] =	wrdreg $0xC0  }
0xac: {  	_ =	task [dreg:s8], $0x5FFFF  }
0xad: {  	[dreg:$0x1] =	wrdreg $0xFFFFFFFF  }
0xae: {  	[dreg:$0x0] =	wrdreg $0x60  }
0xaf: {  	[dreg:$0x2] =	wrdreg s18  }
0xb0: {  	[dreg:$0x3] =	wrdreg s2  }
0xb1: {  	[dreg:$0x4] =	wrdreg s24  }
0xb2: {  	[dreg:$0x5] =	wrdreg $0x84000  }
0xb3: {  	[dreg:$0x6] =	wrdreg $0x9  }
0xb4: {  	_ =	task.clear_ibuf [dreg:s8], $0x7FFFF;
	_ =	strace $0x9000004C  }
0xb5: {  	s29 =	simm.s32 $0x9;
	_ =	strace $0x8000004E  }
0xb6: {  	_ =	swait.ge [sflag:s29], $0x1  }
0xb7: {  	[sflag:s29] =	ssyncadd.s32 $0xFFFFFFFF  }
0xb8: {  	_ =	strace $0x9000004E  }
0xb9: {  	_ =	sfence  }
0xba: {  	s30 =	sld [smem:$0x0];
	_ =	sdelay $0x2  }
0xbb: {  	s31 =	sshll.u32 s1, $0xD;
	s1 =	sshrl.u32 s1, $0x2  }
0xbc: {  	s3 =	sand.u32 $0x4000, s31;
	s1 =	sadd.s32 s1, s30  }
0xbd: {  	s0 =	sor.u32 s3, s0;
	s1 =	sshll.u32 s1, $0x11  }
0xbe: {  	s0 =	sor.u32 s1, s0  }
0xbf: {  	s0 =	sadd.s32 $0x8F2B, s0  }
0xc0: {  	[sflag:s0] =	ssyncadd.remote.s32 $0x1  }
0xc1: {  	_ =	sfence.sel $0xFFFF  }
0xc2: {  	[dreg:$0x0] =	wrdreg $0xFFFFFFFF;
	(pc) =	sbr.abs _section_cstart, $3  }
0xc3: {  	[dreg:$0x1] =	wrdreg $0xFFFFFFFF  }
0xc4: {  	_ =	task.clear_ibuf [dreg:s8], $0x2FFFF;
	_ =	strace $0x9FFFFFFF  }
0xc5: {  	(tm) =	ssettm $0x7FFFFFFF  }
tec
execute0_lowered:
.L_overlay_start_1:
0x0: {  	(tag) =	ssettag $0x1  }
0x1: {  	s1 =	rddreg [dreg:$0x0]  }
0x2: {  	s3 =	rddreg [dreg:$0x1]  }
0x3: {  	s0 =	rddreg [dreg:$0x2]  }
0x4: {  	s4 =	rddreg [dreg:$0x3]  }
0x5: {  	s12 =	stileid.u32;
	s2 =	srdreg.scid;
	s5 =	simm.s32 $0x0  }
0x6: {  	s28 =	simm.s32 $0x80;
	s29 =	simm.s32 $0x400;
	s30 =	simm.s32 $0x7  }
0x7: {  	s31 =	simm.s32 $0x2;
	s6 =	smul.u32 $0x14000, s12;
	s2 =	sand.u32 $0x1, s2  }
0x8: {  	[smem:$0x7FF] =	sst s5;
	s13 =	sadd.s32 $0x2600, s0;
	s11 =	smul.u32 $0x50000, s12  }
0x9: {  	s9 =	sshll.u32 s12, $0x1;
	s14 =	sshll.u32 s12, $0x6;
	s15 =	smul.u32 $0x4E00, s12  }
0xa: {  	p0 =	sgt.u32 s12, $0x1;
	s12 =	simm.s32 $0x280;
	s7 =	smul.u32 $0x140000, s2  }
0xb: {  	_ =	strace $0x8000004D;
	s21 =	ssub.s32 $0x2, s2;
	s9 =	sor.u32 s2, s9  }
0xc: {  	[dreg:$0x6] =	wrdreg s14;
	s26 =	sor.u32 $0x1C07, s14;
	s2 =	smul.u32 $0x2700, s2  }
0xd: {  	[dreg:$0xf] =	wrdreg s13;
	s14 =	simm.s32 $0x0;
	s8 =	sshrl.u32 s6, $0x3  }
0xe: {  	s10 =	sshrl.u32 s21, $0x1;
	s23 =	smul.u32 $0x9C0, s9;
	s24 =	sshrl.u32 s11, $0x2  }
0xf: {  	s25 =	smul.u32 $0x4E00, s9;
	[dreg:$0x8] =	wrdreg s26;
	s9 =	sshll.u32 s9, $0x5  }
0x10: {  	s11 =	simm.s32 $0x180;
	s8 =	sadd.s32 s8, s0;
	s6 =	sadd.s32 s6, s7  }
0x11: {  	s22 =	ssub.s32 s21, s10;
	s10 =	sadd.s32 s24, s4;
	s9 =	sadd.s32 s9, s3  }
0x12: {  	s2 =	sadd.s32 s2, s15;
	s6 =	sshrl.u32 s6, $0x3;
	s8 =	sadd.s32 $0x2800, s8  }
0x13: {  	s7 =	sadd.s32 s3, s23;
	s20 =	sadd.s32 $0x380, s2;
	s21 =	smax.u32 s22, $0x1  }
0x14: {  	s23 =	sadd.s32 $0x300, s2;
	s24 =	sadd.s32 $0x280, s2;
	[dreg:$0x7] =	wrdreg s8  }
0x15: {  	s0 =	sadd.s32 s6, s0;
	s8 =	sshrl.u32 s25, $0x3;
	[dreg:$0x9] =	wrdreg s7  }
0x16: {  	s16 =	sadd.s32 $0x20, s7;
	[dreg:$0x11] =	wrdreg s21;
	s22 =	sshrl.u32 s20, $0x2  }
0x17: {  	s25 =	sshrl.u32 s23, $0x2;
	s26 =	sshrl.u32 s24, $0x2;
	s21 =	sadd.s32 $0x200, s2  }
0x18: {  	s23 =	simm.s32 $0x100;
	s24 =	simm.s32 $0x200;
	s2 =	simm.s32 $0x5  }
0x19: {  	s6 =	simm.s32 $0x8;
	[dreg:$0xa] =	wrdreg s16;
	s7 =	sadd.s32 s3, s8  }
0x1a: {  	s16 =	sadd.s32 $0x13800, s9;
	s0 =	sadd.s32 $0x2A800, s0;
	s20 =	sadd.s32 s26, s3  }
0x1b: {  	s26 =	simm.s32 $0x1;
	s17 =	sadd.s32 $0x40, s7;
	[dreg:$0x10] =	wrdreg s0  }
0x1c: {  	s8 =	simm.s32 $0x3;
	s18 =	sadd.s32 $0x60, s7;
	[dreg:$0xb] =	wrdreg s17  }
0x1d: {  	s9 =	simm.s32 $0x6;
	s19 =	sadd.s32 $0x980, s7;
	[dreg:$0xc] =	wrdreg s18  }
0x1e: {  	s7 =	sadd.s32 $0x9A0, s7;
	s0 =	sadd.s32 s22, s3;
	[dreg:$0xd] =	wrdreg s19  }
0x1f: {  	s22 =	sshrl.u32 s10, $0x3;
	s16 =	smov.u32 @p0 s13;
	[dreg:$0xe] =	wrdreg s7  }
0x20: {  	s13 =	simm.s32 $0x380;
	[dreg:$0x5] =	wrdreg s0;
	s19 =	sadd.s32 s25, s3  }
0x21: {  	s25 =	simm.s32 $0x300;
	s0 =	simm.s32 $0x4400;
	s7 =	simm.s32 $0x4  }
.LBB2_1:
0x22: {  	s10 =	rddreg [dreg:$0x7]  }
0x23: {  	s15 =	rddreg [dreg:$0x8]  }
0x24: {  	[spmem:s22], [sflag:s15] =	dma.local [hbm:s10], $0x2800  }
0x25: {  	s10 =	rddreg [dreg:$0x9]  }
0x26: {  	[tilespmem:s5], [sflag:$0x1] =	stream.linear.gather [hbm4b:s10+s5], $0x100, $0x38;
	[tilespmem:$0x1C400] =	vst v63  }
0x27: {  	s18 =	rddreg [dreg:$0xa]  }
0x28: {  	[tilespmem:s23], [sflag:$0x2] =	stream.linear.gather [hbm4b:s18+s5], $0x100, $0x38;
	[tilespmem:$0x1C400] =	vst v63  }
0x29: {  	s15 =	rddreg [dreg:$0xb]  }
0x2a: {  	[tilespmem:s24], [sflag:$0x3] =	stream.linear.gather [hbm4b:s15+s5], $0x100, $0x38;
	[tilespmem:$0x1C400] =	vst v63  }
0x2b: {  	s17 =	rddreg [dreg:$0xc]  }
0x2c: {  	[tilespmem:s25], [sflag:$0x4] =	stream.linear.gather [hbm4b:s17+s5], $0x100, $0x38;
	[tilespmem:$0x1C400] =	vst v63  }
0x2d: {  	_ =	swait.ge [sflag:s26], $0x100  }
0x2e: {  	[sflag:s26] =	ssyncset.done $0x0  }
0x2f: {  	[sflag:s26] =	ssyncadd.s32 $0xFFFFFF00  }
0x30: {  	[tilespmem:s29], [sflag:$0x5] =	stream.indirect.gather [hbm4b:s1+s28], $0x80, s5, s28, $0xb8;
	[tilespmem:$0x1C400] =	vst v63  }
0x31: {  	_ =	swait.ge [sflag:s30], $0x2800  }
0x32: {  	[sflag:s30] =	ssyncset.done $0x0  }
0x33: {  	[sflag:s30] =	ssyncadd.s32 $0xFFFFD800  }
0x34: {  	[bflag:$0x0] =	sbarrier.arrive $0xFFFF  }
0x35: {  	_ =	swait.ge [sflag:s31], $0x100  }
0x36: {  	[sflag:s31] =	ssyncset.done $0x0  }
0x37: {  	[sflag:s31] =	ssyncadd.s32 $0xFFFFFF00  }
0x38: {  	[tilespmem:s0], [sflag:$0x6] =	stream.indirect.gather [hbm4b:s1+s28], $0x80, s23, s28, $0xb8;
	[tilespmem:$0x1C400] =	vst v63  }
0x39: {  	_ =	swait.ge [sflag:s2], $0x4000  }
0x3a: {  	[sflag:s2] =	ssyncset.done $0x0  }
0x3b: {  	[sflag:s2] =	ssyncadd.s32 $0xFFFFC000  }
0x3c: {  	[spmem:s4] =	stream.indirect.scatter.add.f32 [tilespmem:s29], [sflag:$0x8], $0x80, s28, s28, $0xb8;
	[tilespmem:$0x1C400] =	vst v63  }
0x3d: {  	_ =	swait.ge [sflag:s6], $0x4000  }
0x3e: {  	s18 =	sshrl.u32 s21, $0x2;
	[sflag:s6] =	ssyncset.done $0x0  }
0x3f: {  	s10 =	sadd.s32 s3, s18;
	[sflag:s6] =	ssyncadd.s32 $0xFFFFC000  }
0x40: {  	[tilespmem:s5], [sflag:$0x1] =	stream.linear.gather [hbm4b:s10+s5], $0x100, $0x38;
	[tilespmem:$0x1C400] =	vst v63  }
0x41: {  	_ =	swait.ge [sflag:s8], $0x100  }
0x42: {  	[sflag:s8] =	ssyncset.done $0x0  }
0x43: {  	[sflag:s8] =	ssyncadd.s32 $0xFFFFFF00  }
0x44: {  	[tilespmem:s29], [sflag:$0x5] =	stream.indirect.gather [hbm4b:s1+s28], $0x80, s24, s28, $0xb8;
	[tilespmem:$0x1C400] =	vst v63  }
0x45: {  	_ =	swait.ge [sflag:s9], $0x4000  }
0x46: {  	[sflag:s9] =	ssyncset.done $0x0  }
0x47: {  	[sflag:s9] =	ssyncadd.s32 $0xFFFFC000  }
0x48: {  	[spmem:s4] =	stream.indirect.scatter.add.f32 [tilespmem:s0], [sflag:$0x8], $0x80, s11, s28, $0xb8;
	[tilespmem:$0x1C400] =	vst v63  }
0x49: {  	_ =	swait.ge [sflag:s6], $0x4000  }
0x4a: {  	[sflag:s6] =	ssyncset.done $0x0  }
0x4b: {  	s15 =	sadd.s32 $0x0, s20;
	[sflag:s6] =	ssyncadd.s32 $0xFFFFC000  }
0x4c: {  	[tilespmem:s23], [sflag:$0x2] =	stream.linear.gather [hbm4b:s15+s5], $0x100, $0x38;
	[tilespmem:$0x1C400] =	vst v63  }
0x4d: {  	_ =	swait.ge [sflag:s7], $0x100  }
0x4e: {  	[sflag:s7] =	ssyncset.done $0x0  }
0x4f: {  	[sflag:s7] =	ssyncadd.s32 $0xFFFFFF00  }
0x50: {  	[tilespmem:s0], [sflag:$0x6] =	stream.indirect.gather [hbm4b:s1+s28], $0x80, s25, s28, $0xb8;
	[tilespmem:$0x1C400] =	vst v63  }
0x51: {  	_ =	swait.ge [sflag:s2], $0x4000  }
0x52: {  	[sflag:s2] =	ssyncset.done $0x0  }
0x53: {  	[sflag:s2] =	ssyncadd.s32 $0xFFFFC000  }
0x54: {  	[spmem:s4] =	stream.indirect.scatter.add.f32 [tilespmem:s29], [sflag:$0x8], $0x80, s12, s28, $0xb8;
	[tilespmem:$0x1C400] =	vst v63  }
0x55: {  	_ =	swait.ge [sflag:s6], $0x4000  }
0x56: {  	[sflag:s6] =	ssyncset.done $0x0  }
0x57: {  	s17 =	sadd.s32 $0x0, s19;
	[sflag:s6] =	ssyncadd.s32 $0xFFFFC000  }
0x58: {  	[tilespmem:s24], [sflag:$0x3] =	stream.linear.gather [hbm4b:s17+s5], $0x100, $0x38;
	[tilespmem:$0x1C400] =	vst v63  }
0x59: {  	_ =	swait.ge [sflag:s26], $0x100  }
0x5a: {  	[sflag:s26] =	ssyncset.done $0x0  }
0x5b: {  	[sflag:s26] =	ssyncadd.s32 $0xFFFFFF00  }
0x5c: {  	[tilespmem:s29], [sflag:$0x5] =	stream.indirect.gather [hbm4b:s1+s28], $0x80, s5, s28, $0xb8;
	[tilespmem:$0x1C400] =	vst v63  }
0x5d: {  	_ =	swait.ge [sflag:s9], $0x4000  }
0x5e: {  	[sflag:s9] =	ssyncset.done $0x0  }
0x5f: {  	[sflag:s9] =	ssyncadd.s32 $0xFFFFC000  }
0x60: {  	[spmem:s4] =	stream.indirect.scatter.add.f32 [tilespmem:s0], [sflag:$0x8], $0x80, s13, s28, $0xb8;
	[tilespmem:$0x1C400] =	vst v63  }
0x61: {  	_ =	swait.ge [sflag:s6], $0x4000  }
0x62: {  	s10 =	simm.s32 $0x80;
	s18 =	rddreg [dreg:$0x5];
	[sflag:s6] =	ssyncset.done $0x0  }
0x63: {  	s15 =	sadd.s32 $0x200, s21;
	[sflag:s6] =	ssyncadd.s32 $0xFFFFC000;
	s17 =	sadd.s32 $0x0, s18  }
.LBB2_2:
0x64: {  	[tilespmem:s25], [sflag:$0x4] =	stream.linear.gather [hbm4b:s17+s5], $0x100, $0x38;
	[tilespmem:$0x1C400] =	vst v63  }
0x65: {  	_ =	swait.ge [sflag:s31], $0x100  }
0x66: {  	[sflag:s31] =	ssyncset.done $0x0  }
0x67: {  	[sflag:s31] =	ssyncadd.s32 $0xFFFFFF00  }
0x68: {  	[tilespmem:s0], [sflag:$0x6] =	stream.indirect.gather [hbm4b:s1+s28], $0x80, s23, s28, $0xb8;
	[tilespmem:$0x1C400] =	vst v63  }
0x69: {  	_ =	swait.ge [sflag:s2], $0x4000  }
0x6a: {  	[sflag:s2] =	ssyncset.done $0x0  }
0x6b: {  	[sflag:s2] =	ssyncadd.s32 $0xFFFFC000  }
0x6c: {  	[spmem:s4] =	stream.indirect.scatter.add.f32 [tilespmem:s29], [sflag:$0x8], $0x80, s28, s28, $0xb8;
	[tilespmem:$0x1C400] =	vst v63  }
0x6d: {  	_ =	swait.ge [sflag:s6], $0x4000  }
0x6e: {  	s18 =	sshrl.u32 s15, $0x2;
	[sflag:s6] =	ssyncset.done $0x0  }
0x6f: {  	s18 =	sadd.s32 s3, s18;
	[sflag:s6] =	ssyncadd.s32 $0xFFFFC000  }
0x70: {  	[tilespmem:s5], [sflag:$0x1] =	stream.linear.gather [hbm4b:s18+s5], $0x100, $0x38;
	[tilespmem:$0x1C400] =	vst v63  }
0x71: {  	_ =	swait.ge [sflag:s8], $0x100  }
0x72: {  	[sflag:s8] =	ssyncset.done $0x0  }
0x73: {  	[sflag:s8] =	ssyncadd.s32 $0xFFFFFF00  }
0x74: {  	[tilespmem:s29], [sflag:$0x5] =	stream.indirect.gather [hbm4b:s1+s28], $0x80, s24, s28, $0xb8;
	[tilespmem:$0x1C400] =	vst v63  }
0x75: {  	_ =	swait.ge [sflag:s9], $0x4000  }
0x76: {  	[sflag:s9] =	ssyncset.done $0x0  }
0x77: {  	[sflag:s9] =	ssyncadd.s32 $0xFFFFC000  }
0x78: {  	[spmem:s4] =	stream.indirect.scatter.add.f32 [tilespmem:s0], [sflag:$0x8], $0x80, s11, s28, $0xb8;
	[tilespmem:$0x1C400] =	vst v63  }
0x79: {  	_ =	swait.ge [sflag:s6], $0x4000  }
0x7a: {  	s17 =	smov.u32 s10;
	[sflag:s6] =	ssyncset.done $0x0  }
0x7b: {  	s18 =	sadd.s32 s17, s20;
	[sflag:s6] =	ssyncadd.s32 $0xFFFFC000  }
0x7c: {  	[tilespmem:s23], [sflag:$0x2] =	stream.linear.gather [hbm4b:s18+s5], $0x100, $0x38;
	[tilespmem:$0x1C400] =	vst v63  }
0x7d: {  	_ =	swait.ge [sflag:s7], $0x100  }
0x7e: {  	[sflag:s7] =	ssyncset.done $0x0  }
0x7f: {  	[sflag:s7] =	ssyncadd.s32 $0xFFFFFF00  }
0x80: {  	[tilespmem:s0], [sflag:$0x6] =	stream.indirect.gather [hbm4b:s1+s28], $0x80, s25, s28, $0xb8;
	[tilespmem:$0x1C400] =	vst v63  }
0x81: {  	_ =	swait.ge [sflag:s2], $0x4000  }
0x82: {  	[sflag:s2] =	ssyncset.done $0x0  }
0x83: {  	[sflag:s2] =	ssyncadd.s32 $0xFFFFC000  }
0x84: {  	[spmem:s4] =	stream.indirect.scatter.add.f32 [tilespmem:s29], [sflag:$0x8], $0x80, s12, s28, $0xb8;
	[tilespmem:$0x1C400] =	vst v63  }
0x85: {  	_ =	swait.ge [sflag:s6], $0x4000  }
0x86: {  	[sflag:s6] =	ssyncset.done $0x0  }
0x87: {  	s18 =	sadd.s32 s17, s19;
	[sflag:s6] =	ssyncadd.s32 $0xFFFFC000  }
0x88: {  	[tilespmem:s24], [sflag:$0x3] =	stream.linear.gather [hbm4b:s18+s5], $0x100, $0x38;
	[tilespmem:$0x1C400] =	vst v63  }
0x89: {  	_ =	swait.ge [sflag:s26], $0x100  }
0x8a: {  	[sflag:s26] =	ssyncset.done $0x0  }
0x8b: {  	[sflag:s26] =	ssyncadd.s32 $0xFFFFFF00  }
0x8c: {  	[tilespmem:s29], [sflag:$0x5] =	stream.indirect.gather [hbm4b:s1+s28], $0x80, s5, s28, $0xb8;
	[tilespmem:$0x1C400] =	vst v63  }
0x8d: {  	_ =	swait.ge [sflag:s9], $0x4000  }
0x8e: {  	p0 =	sne.s32 s10, $0x880;
	[sflag:s9] =	ssyncset.done $0x0  }
.Ltmp0:
0x8f: {  	[sflag:s9] =	ssyncadd.s32 $0xFFFFC000;
	(pc) =	sbr.rel @p0 .LBB2_2-.Ltmp0, $4  }
0x90: {  	[spmem:s4] =	stream.indirect.scatter.add.f32 [tilespmem:s0], [sflag:$0x8], $0x80, s13, s28, $0xb8;
	[tilespmem:$0x1C400] =	vst v63  }
0x91: {  	_ =	swait.ge [sflag:s6], $0x4000  }
0x92: {  	s10 =	sadd.s32 $0x80, s10;
	[sflag:s6] =	ssyncset.done $0x0;
	s18 =	rddreg [dreg:$0x5]  }
0x93: {  	s15 =	sadd.s32 $0x200, s15;
	[sflag:s6] =	ssyncadd.s32 $0xFFFFC000;
	s17 =	sadd.s32 s17, s18  }
0x94: {  	[tilespmem:s25], [sflag:$0x4] =	stream.linear.gather [hbm4b:s17+s5], $0x100, $0x38;
	[tilespmem:$0x1C400] =	vst v63  }
0x95: {  	_ =	swait.ge [sflag:s31], $0x100  }
0x96: {  	[sflag:s31] =	ssyncset.done $0x0  }
0x97: {  	[sflag:s31] =	ssyncadd.s32 $0xFFFFFF00  }
0x98: {  	[tilespmem:s0], [sflag:$0x6] =	stream.indirect.gather [hbm4b:s1+s28], $0x80, s23, s28, $0xb8;
	[tilespmem:$0x1C400] =	vst v63  }
0x99: {  	_ =	swait.ge [sflag:s2], $0x4000  }
0x9a: {  	[sflag:s2] =	ssyncset.done $0x0  }
0x9b: {  	[sflag:s2] =	ssyncadd.s32 $0xFFFFC000  }
0x9c: {  	[spmem:s4] =	stream.indirect.scatter.add.f32 [tilespmem:s29], [sflag:$0x8], $0x80, s28, s28, $0xb8;
	[tilespmem:$0x1C400] =	vst v63  }
0x9d: {  	_ =	swait.ge [sflag:s6], $0x4000  }
0x9e: {  	[sflag:s6] =	ssyncset.done $0x0  }
0x9f: {  	s10 =	rddreg [dreg:$0xd];
	[sflag:s6] =	ssyncadd.s32 $0xFFFFC000  }
0xa0: {  	[tilespmem:s5], [sflag:$0x1] =	stream.linear.gather [hbm4b:s10+s5], $0x100, $0x38;
	[tilespmem:$0x1C400] =	vst v63  }
0xa1: {  	_ =	swait.ge [sflag:s8], $0x100  }
0xa2: {  	[sflag:s8] =	ssyncset.done $0x0  }
0xa3: {  	[sflag:s8] =	ssyncadd.s32 $0xFFFFFF00  }
0xa4: {  	[tilespmem:s29], [sflag:$0x5] =	stream.indirect.gather [hbm4b:s1+s28], $0x80, s24, s28, $0xb8;
	[tilespmem:$0x1C400] =	vst v63  }
0xa5: {  	_ =	swait.ge [sflag:s9], $0x4000  }
0xa6: {  	[sflag:s9] =	ssyncset.done $0x0  }
0xa7: {  	[sflag:s9] =	ssyncadd.s32 $0xFFFFC000  }
0xa8: {  	[spmem:s4] =	stream.indirect.scatter.add.f32 [tilespmem:s0], [sflag:$0x8], $0x80, s11, s28, $0xb8;
	[tilespmem:$0x1C400] =	vst v63  }
0xa9: {  	_ =	swait.ge [sflag:s6], $0x4000  }
0xaa: {  	[sflag:s6] =	ssyncset.done $0x0  }
0xab: {  	s18 =	rddreg [dreg:$0xe];
	[sflag:s6] =	ssyncadd.s32 $0xFFFFC000  }
0xac: {  	[tilespmem:s23], [sflag:$0x2] =	stream.linear.gather [hbm4b:s18+s5], $0x100, $0x38;
	[tilespmem:$0x1C400] =	vst v63  }
0xad: {  	_ =	swait.ge [sflag:s7], $0x100  }
0xae: {  	[sflag:s7] =	ssyncset.done $0x0  }
0xaf: {  	[sflag:s7] =	ssyncadd.s32 $0xFFFFFF00  }
0xb0: {  	[tilespmem:s0], [sflag:$0x6] =	stream.indirect.gather [hbm4b:s1+s28], $0x80, s25, s28, $0xb8;
	[tilespmem:$0x1C400] =	vst v63  }
0xb1: {  	_ =	swait.ge [sflag:s2], $0x4000  }
0xb2: {  	[sflag:s2] =	ssyncset.done $0x0  }
0xb3: {  	[sflag:s2] =	ssyncadd.s32 $0xFFFFC000  }
0xb4: {  	[spmem:s4] =	stream.indirect.scatter.add.f32 [tilespmem:s29], [sflag:$0x8], $0x80, s12, s28, $0xb8;
	[tilespmem:$0x1C400] =	vst v63  }
0xb5: {  	_ =	swait.ge [sflag:s6], $0x4000  }
0xb6: {  	[sflag:s6] =	ssyncset.done $0x0  }
0xb7: {  	[sflag:s6] =	ssyncadd.s32 $0xFFFFC000  }
0xb8: {  	[tilespmem:s24], [sflag:$0x3] =	stream.linear.gather [hbm4b:s16+s5], $0x100, $0x38;
	[tilespmem:$0x1C400] =	vst v63  }
0xb9: {  	_ =	swait.ge [sflag:s26], $0x100  }
0xba: {  	[sflag:s26] =	ssyncset.done $0x0  }
0xbb: {  	[sflag:s26] =	ssyncadd.s32 $0xFFFFFF00  }
0xbc: {  	[tilespmem:s29], [sflag:$0x5] =	stream.indirect.gather [hbm4b:s1+s28], $0x80, s5, s28, $0xb8;
	[tilespmem:$0x1C400] =	vst v63  }
0xbd: {  	_ =	swait.ge [sflag:s9], $0x4000  }
0xbe: {  	[sflag:s9] =	ssyncset.done $0x0  }
0xbf: {  	[sflag:s9] =	ssyncadd.s32 $0xFFFFC000  }
0xc0: {  	[spmem:s4] =	stream.indirect.scatter.add.f32 [tilespmem:s0], [sflag:$0x8], $0x80, s13, s28, $0xb8;
	[tilespmem:$0x1C400] =	vst v63  }
0xc1: {  	_ =	swait.ge [sflag:s6], $0x4000  }
0xc2: {  	[sflag:s6] =	ssyncset.done $0x0  }
0xc3: {  	s15 =	rddreg [dreg:$0xf];
	[sflag:s6] =	ssyncadd.s32 $0xFFFFC000  }
0xc4: {  	[tilespmem:s25], [sflag:$0x4] =	stream.linear.gather [hbm4b:s15+s5], $0x100, $0x38;
	[tilespmem:$0x1C400] =	vst v63  }
0xc5: {  	_ =	swait.ge [sflag:s31], $0x100  }
0xc6: {  	[sflag:s31] =	ssyncset.done $0x0  }
0xc7: {  	[sflag:s31] =	ssyncadd.s32 $0xFFFFFF00  }
0xc8: {  	[tilespmem:s0], [sflag:$0x6] =	stream.indirect.gather [hbm4b:s1+s28], $0x80, s23, s28, $0xb8;
	[tilespmem:$0x1C400] =	vst v63  }
0xc9: {  	_ =	swait.ge [sflag:s2], $0x4000  }
0xca: {  	[sflag:s2] =	ssyncset.done $0x0  }
0xcb: {  	[sflag:s2] =	ssyncadd.s32 $0xFFFFC000  }
0xcc: {  	[spmem:s4] =	stream.indirect.scatter.add.f32 [tilespmem:s29], [sflag:$0x8], $0x80, s28, s28, $0xb8;
	[tilespmem:$0x1C400] =	vst v63  }
0xcd: {  	_ =	swait.ge [sflag:s6], $0x4000  }
0xce: {  	[sflag:s6] =	ssyncset.done $0x0  }
0xcf: {  	[sflag:s6] =	ssyncadd.s32 $0xFFFFC000  }
0xd0: {  	_ =	swait.ge [sflag:s8], $0x100  }
0xd1: {  	[sflag:s8] =	ssyncset.done $0x0  }
0xd2: {  	[sflag:s8] =	ssyncadd.s32 $0xFFFFFF00  }
0xd3: {  	[tilespmem:s29], [sflag:$0x5] =	stream.indirect.gather [hbm4b:s1+s28], $0x80, s24, s28, $0xb8;
	[tilespmem:$0x1C400] =	vst v63  }
0xd4: {  	_ =	swait.ge [sflag:s9], $0x4000  }
0xd5: {  	[sflag:s9] =	ssyncset.done $0x0  }
0xd6: {  	[sflag:s9] =	ssyncadd.s32 $0xFFFFC000  }
0xd7: {  	[spmem:s4] =	stream.indirect.scatter.add.f32 [tilespmem:s0], [sflag:$0x8], $0x80, s11, s28, $0xb8;
	[tilespmem:$0x1C400] =	vst v63  }
0xd8: {  	_ =	swait.ge [sflag:s6], $0x4000  }
0xd9: {  	[sflag:s6] =	ssyncset.done $0x0  }
0xda: {  	[sflag:s6] =	ssyncadd.s32 $0xFFFFC000  }
0xdb: {  	_ =	swait.ge [sflag:s7], $0x100  }
0xdc: {  	[sflag:s7] =	ssyncset.done $0x0  }
0xdd: {  	[sflag:s7] =	ssyncadd.s32 $0xFFFFFF00  }
0xde: {  	[tilespmem:s0], [sflag:$0x6] =	stream.indirect.gather [hbm4b:s1+s28], $0x80, s25, s28, $0xb8;
	[tilespmem:$0x1C400] =	vst v63  }
0xdf: {  	_ =	swait.ge [sflag:s2], $0x4000  }
0xe0: {  	[sflag:s2] =	ssyncset.done $0x0  }
0xe1: {  	[sflag:s2] =	ssyncadd.s32 $0xFFFFC000  }
0xe2: {  	[spmem:s4] =	stream.indirect.scatter.add.f32 [tilespmem:s29], [sflag:$0x8], $0x80, s12, s28, $0xb8;
	[tilespmem:$0x1C400] =	vst v63  }
0xe3: {  	_ =	swait.ge [sflag:s6], $0x4000  }
0xe4: {  	[sflag:s6] =	ssyncset.done $0x0  }
0xe5: {  	[sflag:s6] =	ssyncadd.s32 $0xFFFFC000  }
0xe6: {  	_ =	swait.ge [sflag:s9], $0x4000  }
0xe7: {  	[sflag:s9] =	ssyncset.done $0x0  }
0xe8: {  	[sflag:s9] =	ssyncadd.s32 $0xFFFFC000  }
0xe9: {  	[spmem:s4] =	stream.indirect.scatter.add.f32 [tilespmem:s0], [sflag:$0x8], $0x80, s13, s28, $0xb8;
	[tilespmem:$0x1C400] =	vst v63  }
0xea: {  	_ =	swait.ge [sflag:s6], $0x4000  }
0xeb: {  	[sflag:s6] =	ssyncset.done $0x0  }
0xec: {  	[sflag:s6] =	ssyncadd.s32 $0xFFFFC000  }
0xed: {  	[bflag:$0x0] =	sbarrier.arrive $0xFFFF  }
0xee: {  	s17 =	rddreg [dreg:$0x6]  }
0xef: {  	s15 =	rddreg [dreg:$0x10];
	s10 =	sor.u32 $0x1C08, s17  }
0xf0: {  	[hbm:s15], [sflag:s10] =	dma.local [spmem:s22], $0x2800  }
0xf1: {  	_ =	swait.ge [sflag:s6], $0x2800  }
0xf2: {  	s14 =	sadd.s32 $0x1, s14;
	s18 =	rddreg [dreg:$0x11]  }
0xf3: {  	p0 =	sne.s32 s14, s18  }
.Ltmp1:
0xf4: {  	_ = 	snop;
	(pc) =	sbr.rel @p0 .LBB2_1-.Ltmp1, $3  }
0xf5: {  	_ =	sdelay $0x1  }
0xf6: {  	[sflag:s6] =	ssyncset.done $0x0  }
0xf7: {  	[sflag:s6] =	ssyncadd.s32 $0xFFFFD800  }
0xf8: {  	_ =	sfence.sel $0x180000  }
0xf9: {  	[bflag:$0x0] =	sbarrier.arrive $0xFFFF  }
0xfa: {  	_ =	strace $0x9000004D  }
0xfb: {  	s0 =	stileid.u32;
	[bflag:$0x2] =	sbarrier.arrive $0xFFFF  }
0xfc: {  	p0 =	sne.s32 s0, $0x0;
	s0 =	rddreg [dreg:$0x4]  }
0xfd: {  	s0 =	sadd.s32 @!p0 $0x100000, s0  }
0xfe: {  	[sflag:s0] =	ssyncadd.tile.s32 @!p0 $0x1;
	_ =	shalt  }
.Lfunc_end2:
_tile_overlayer_lowered:
.L_overlay_start_2:
0xff: {  	(tag) =	ssettag $0x2  }
0x100: {  	s0 =	rddreg [dreg:$0x0];
	s2 =	stileid.u32  }
0x101: {  	s1 =	rddreg [dreg:$0x1];
	p0 =	sne.s32 s2, $0x0  }
0x102: {  	s3 =	rddreg [dreg:$0x2];
	[bflag:$0x3] =	sbarrier.arrive $0xFFFF;
	s2 =	simm.s32 @!p0 $0x1C08  }
0x103: {  	[timem:s3], [sflag:s2] =	dma.local @!p0 [hbm:s0], s1  }
0x104: {  	s0 =	simm.s32 @!p0 $0x8  }
0x105: {  	_ =	swait.ge @!p0 [sflag:s0], s1  }
0x106: {  	s1 =	ssub.s32 @!p0 $0x0, s1;
	[sflag:s0] =	ssyncset.done @!p0 $0x0  }
0x107: {  	[sflag:s0] =	ssyncadd.s32 @!p0 s1  }
0x108: {  	[bflag:$0x3] =	sbarrier.arrive $0xFFFF  }
0x109: {  	_ =	shalt  }

// kernel: kernel.9.cloned.1.call-start
scs
__scs_entry_jumppad:
0x0: {  	(pc) =	sbr.rel $0x88, $3  }
0x1: {  	(tag) =	ssettag $0x0;
	lr =	simm.s32 $0x1  }
0x2: {  	[smem:$0x3F9B] =	sst lr;
	_ =	strace $0xD0000000  }
0x3: {  	_ = 	snop  }
0x4: {  	_ = 	snop  }
0x5: {  	_ = 	snop  }
0x6: {  	_ = 	snop  }
0x7: {  	_ = 	snop  }
__scs_overlays_trampoline_lowered:
0x8: {  	[smem:$0x3FAA] =	sst s0  }
0x9: {  	[smem:$0x3FAB] =	sst s1  }
0xa: {  	[smem:$0x3FAC] =	sst s2  }
0xb: {  	[smem:$0x3FAD] =	sst s3  }
0xc: {  	[smem:$0x3FAE] =	sst s4  }
0xd: {  	[smem:$0x3FAF] =	sst s5  }
0xe: {  	[smem:$0x3FB0] =	sst s6  }
0xf: {  	[smem:$0x3FB1] =	sst s7  }
0x10: {  	[smem:$0x3FB2] =	sst s8  }
0x11: {  	[smem:$0x3FB3] =	sst s9;
	s0 =	simm.s32 @!p0 $0x0  }
0x12: {  	s1 =	sld [smem:$0x3F99];
	s0 =	simm.s32 @p0 $0x1  }
0x13: {  	[smem:$0x3FB4] =	sst s0;
	s0 =	simm.s32 @!p1 $0x0  }
0x14: {  	s2 =	sld [smem:$0x3F98];
	s0 =	simm.s32 @p1 $0x1  }
0x15: {  	[smem:$0x3FB5] =	sst s0;
	s0 =	simm.s32 @!p2 $0x0  }
0x16: {  	s3 =	sld [smem:$0x3FDB];
	s0 =	simm.s32 @p2 $0x1  }
0x17: {  	s4 =	simm.s32 $0x1BF5;
	[smem:$0x3FB7] =	sst s0  }
0x18: {  	s0 =	sld [smem:$0x3F9A];
	_ =	swait.ge [sflag:s4], $0x0  }
0x19: {  	s7 =	sld [smem:$0x3F9B]  }
0x1a: {  	s8 =	sadd.s32 $0xFFFFE003, lr  }
0x1b: {  	s9 =	sadd.s32 $0xFFFFFEF7, lr;
	s5 =	simm.s32 $0xFFFFFFFF;
	p2 =	slt.u32 s8, $0xFFFFF086  }
0x1c: {  	p1 =	slt.u32 s9, $0xF7A;
	s5 =	simm.s32 @!p2 $0x0  }
0x1d: {  	s5 =	simm.s32 @p1 $0x1;
	p0 =	seq.s32 s7, s2  }
0x1e: {  	s7 =	smul.u32 @!p0 $0xF7A, s2;
	p2 =	seq.s32 @!p0 s5, $0x0  }
0x1f: {  	s9 =	smul.u32 $0xF7A, s1;
	s8 =	simm.s32 @!p0 $0x1BF5;
	p2 =	por !p2, p0  }
0x20: {  	[sflag:s8] =	ssyncset.s32 @!p0 $0xFFFFF086;
	s6 =	sadd.s32 @!p0 s3, s7;
	s7 =	simm.s32 @!p0 $0x108  }
0x21: {  	s3 =	sadd.s32 s3, s9;
	s6 =	sadd.s32 @!p0 $0x88, s6;
	s7 =	simm.s32 @p2 $0x1082  }
0x22: {  	[simem:s7], [sflag:s8] =	dma.local @!p0 [hbm:s6], $0xF7A  }
0x23: {  	s9 =	sor.u32 $0xD0000000, s2;
	s6 =	simm.s32 $0x108;
	_ =	swait.ge @!p0 [sflag:s8], $0x0  }
0x24: {  	s3 =	sadd.s32 $0x88, s3;
	s6 =	simm.s32 @!p1 $0x1082;
	[sflag:s4] =	ssyncset.s32 $0xFFFFF086  }
0x25: {  	[simem:s6], [sflag:s4] =	dma.local [hbm:s3], $0xF7A  }
0x26: {  	[smem:$0x3F9B] =	sst s1;
	(tag) =	ssettag s2;
	_ =	strace s9  }
0x27: {  	s1 =	sld [smem:$0x3FAB]  }
0x28: {  	s2 =	sld [smem:$0x3FAC]  }
0x29: {  	s4 =	sld [smem:$0x3FAE]  }
0x2a: {  	p0 =	seq.s32 s5, $0x0;
	s5 =	sld [smem:$0x3FAF]  }
0x2b: {  	s6 =	sld [smem:$0x3FB0]  }
0x2c: {  	s7 =	sld [smem:$0x3FB1]  }
0x2d: {  	s3 =	simm.s32 $0x108;
	s8 =	sld [smem:$0x3FB2]  }
0x2e: {  	s3 =	simm.s32 @!p0 $0x1082;
	s9 =	sld [smem:$0x3FB3]  }
0x2f: {  	lr =	sadd.s32 s0, s3;
	s0 =	sld [smem:$0x3FAA]  }
0x30: {  	s3 =	sld [smem:$0x3FAD]  }
0x31: {  	[smem:$0x3FB6] =	sst s10  }
0x32: {  	s10 =	sld [smem:$0x3FB4];
	_ =	sdelay $0x3  }
0x33: {  	p0 =	seq.s32 s10, $0x1;
	s10 =	sld [smem:$0x3FB6];
	_ =	sdelay $0x3  }
0x34: {  	[smem:$0x3FB6] =	sst s10  }
0x35: {  	s10 =	sld [smem:$0x3FB5];
	_ =	sdelay $0x3  }
0x36: {  	p1 =	seq.s32 s10, $0x1;
	s10 =	sld [smem:$0x3FB6];
	_ =	sdelay $0x3  }
0x37: {  	[smem:$0x3FB6] =	sst s10  }
0x38: {  	s10 =	sld [smem:$0x3FB7]  }
0x39: {  	_ = 	snop;
	(pc) =	sbr.ind lr, $3  }
0x3a: {  	_ = 	snop  }
0x3b: {  	_ = 	snop  }
0x3c: {  	p2 =	seq.s32 s10, $0x1;
	s10 =	sld [smem:$0x3FB6]  }
0x3d: {  	_ =	shalt  }
0x3e: {  	_ =	shalt  }
0x3f: {  	_ =	shalt  }
0x40: {  	_ =	shalt  }
0x41: {  	_ =	shalt  }
0x42: {  	_ =	shalt  }
0x43: {  	_ =	shalt  }
0x44: {  	_ =	shalt  }
0x45: {  	_ =	shalt  }
0x46: {  	_ =	shalt  }
0x47: {  	_ =	shalt  }
0x48: {  	_ =	shalt  }
0x49: {  	_ =	shalt  }
0x4a: {  	_ =	shalt  }
0x4b: {  	_ =	shalt  }
0x4c: {  	_ =	shalt  }
0x4d: {  	_ =	shalt  }
0x4e: {  	_ =	shalt  }
0x4f: {  	_ =	shalt  }
0x50: {  	_ =	shalt  }
0x51: {  	_ =	shalt  }
0x52: {  	_ =	shalt  }
0x53: {  	_ =	shalt  }
0x54: {  	_ =	shalt  }
0x55: {  	_ =	shalt  }
0x56: {  	_ =	shalt  }
0x57: {  	_ =	shalt  }
0x58: {  	_ =	shalt  }
0x59: {  	_ =	shalt  }
0x5a: {  	_ =	shalt  }
0x5b: {  	_ =	shalt  }
0x5c: {  	_ =	shalt  }
0x5d: {  	_ =	shalt  }
0x5e: {  	_ =	shalt  }
0x5f: {  	_ =	shalt  }
0x60: {  	_ =	shalt  }
0x61: {  	_ =	shalt  }
0x62: {  	_ =	shalt  }
0x63: {  	_ =	shalt  }
0x64: {  	_ =	shalt  }
0x65: {  	_ =	shalt  }
0x66: {  	_ =	shalt  }
0x67: {  	_ =	shalt  }
0x68: {  	_ =	shalt  }
0x69: {  	_ =	shalt  }
0x6a: {  	_ =	shalt  }
0x6b: {  	_ =	shalt  }
0x6c: {  	_ =	shalt  }
0x6d: {  	_ =	shalt  }
0x6e: {  	_ =	shalt  }
0x6f: {  	_ =	shalt  }
0x70: {  	_ =	shalt  }
0x71: {  	_ =	shalt  }
0x72: {  	_ =	shalt  }
0x73: {  	_ =	shalt  }
0x74: {  	_ =	shalt  }
0x75: {  	_ =	shalt  }
0x76: {  	_ =	shalt  }
0x77: {  	_ =	shalt  }
0x78: {  	_ =	shalt  }
0x79: {  	_ =	shalt  }
0x7a: {  	_ =	shalt  }
0x7b: {  	_ =	shalt  }
0x7c: {  	_ =	shalt  }
0x7d: {  	_ =	shalt  }
0x7e: {  	_ =	shalt  }
0x7f: {  	_ =	shalt  }
0x80: {  	_ =	shalt  }
0x81: {  	_ =	shalt  }
0x82: {  	_ =	shalt  }
0x83: {  	_ =	shalt  }
0x84: {  	_ =	shalt  }
0x85: {  	_ =	shalt  }
0x86: {  	_ =	shalt  }
0x87: {  	_ =	shalt  }
.Lfunc_end0:
.L_simem_size_0:
called_computation_lowered:
.L_overlay_start_0:
0x88: {  	s2 =	sld [smem:$0x3FD9]  }
0x89: {  	s3 =	sld [smem:$0x3FFE];
	_ =	sdelay $0x1  }
0x8a: {  	s1 =	srdreg.scid  }
0x8b: {  	s0 =	sand.u32 $0x1, s1  }
0x8c: {  	s17 =	sshll.u32 s0, $0xA;
	s2 =	sadd.s32 s3, s2  }
0x8d: {  	s2 =	sadd.s32 s2, s17  }
0x8e: {  	[smem:$0x3FC2] =	sst s2  }
0x8f: {  	_ = 	snop  }
0x90: {  	s2 =	sld [smem:$0x3FC8]  }
0x91: {  	s18 =	sld [smem:$0x3FD0];
	(tm) =	ssettm $0x1  }
0x92: {  	s4 =	sld [smem:$0x3FFB];
	_ =	sdelay $0x3  }
0x93: {  	_ =	strace s4  }
0x94: {  	s4 =	sld [smem:$0x3FFC];
	_ =	sdelay $0x3  }
0x95: {  	_ =	strace s4  }
0x96: {  	s4 =	sld [smem:$0x3FFD];
	_ =	sdelay $0x3  }
0x97: {  	_ =	strace s4  }
0x98: {  	_ =	strace $0x8FFFFFFF  }
0x99: {  	s19 =	sld [smem:$0x3FDB];
	_ =	sdelay $0x1  }
0x9a: {  	s5 =	simm.s32 $_scs_section_size  }
0x9b: {  	s6 =	simm.s32 $_size__tile_overlayer_lowered;
	s7 =	simm.s32 $_tile_overlayer_lowered  }
0x9c: {  	s22 =	simm.s32 $0x1BFF;
	s21 =	sshll.u32 s7, $0x1;
	s4 =	sadd.s32 s5, s19  }
0x9d: {  	s8 =	simm.s32 $0x0;
	s20 =	sshll.u32 s6, $0x1;
	s6 =	sadd.s32 s21, s4  }
0x9e: {  	[timem:s8], [sflag:s22] =	dma.local [hbm:s6], s20  }
0x9f: {  	_ =	swait.ge [sflag:s22], s20  }
0xa0: {  	s5 =	ssub.s32 $0x0, s20;
	[sflag:s22] =	ssyncset.done $0x0  }
0xa1: {  	[sflag:s22] =	ssyncadd.s32 s5;
	_ =	sdelay $0x1  }
0xa2: {  	s23 =	simm.s32 $0x1B8B  }
0xa3: {  	_ =	swait.ge [sflag:s23], $0x1  }
0xa4: {  	[sflag:s23] =	ssyncset.done $0x0  }
0xa5: {  	s25 =	simm.s32 $0x1B8E;
	s24 =	sld [smem:$0x3FFE];
	[sflag:s23] =	ssyncadd.s32 $0xFFFFFFFF  }
0xa6: {  	s26 =	simm.s32 $execute0_lowered;
	[smem:$0x3FD2] =	sst s25  }
0xa7: {  	s6 =	sshll.u32 s26, $0x1;
	_ =	strace $0x80000046;
	[dreg:$0x1] =	wrdreg $0xFFFFFFFF  }
0xa8: {  	s28 =	simm.s32 $_size_execute0_lowered;
	s4 =	sadd.s32 s4, s6;
	[dreg:$0x0] =	wrdreg $0x0  }
0xa9: {  	s6 =	sshll.u32 s28, $0x1;
	[dreg:$0x2] =	wrdreg s4  }
0xaa: {  	[dreg:$0x3] =	wrdreg s6  }
0xab: {  	[dreg:$0x4] =	wrdreg $0xC0  }
0xac: {  	_ =	task [dreg:s8], $0x5FFFF  }
0xad: {  	[dreg:$0x1] =	wrdreg $0xFFFFFFFF  }
0xae: {  	[dreg:$0x0] =	wrdreg $0x60  }
0xaf: {  	[dreg:$0x2] =	wrdreg s2  }
0xb0: {  	[dreg:$0x3] =	wrdreg s24  }
0xb1: {  	[dreg:$0x4] =	wrdreg s18  }
0xb2: {  	[dreg:$0x5] =	wrdreg $0x8800  }
0xb3: {  	[dreg:$0x6] =	wrdreg $0x9  }
0xb4: {  	_ =	task.clear_ibuf [dreg:s8], $0x7FFFF;
	_ =	strace $0x90000046  }
0xb5: {  	s29 =	simm.s32 $0x9;
	_ =	strace $0x80000048  }
0xb6: {  	_ =	swait.ge [sflag:s29], $0x1  }
0xb7: {  	[sflag:s29] =	ssyncadd.s32 $0xFFFFFFFF  }
0xb8: {  	_ =	strace $0x90000048  }
0xb9: {  	_ =	sfence  }
0xba: {  	s30 =	sld [smem:$0x0];
	_ =	sdelay $0x2  }
0xbb: {  	s31 =	sshll.u32 s1, $0xD;
	s1 =	sshrl.u32 s1, $0x2  }
0xbc: {  	s3 =	sand.u32 $0x4000, s31;
	s1 =	sadd.s32 s1, s30  }
0xbd: {  	s0 =	sor.u32 s3, s0;
	s1 =	sshll.u32 s1, $0x11  }
0xbe: {  	s0 =	sor.u32 s1, s0  }
0xbf: {  	s0 =	sadd.s32 $0x8F2B, s0  }
0xc0: {  	[sflag:s0] =	ssyncadd.remote.s32 $0x1  }
0xc1: {  	_ =	sfence.sel $0xFFFF  }
0xc2: {  	[dreg:$0x0] =	wrdreg $0xFFFFFFFF;
	(pc) =	sbr.abs _section_cstart, $3  }
0xc3: {  	[dreg:$0x1] =	wrdreg $0xFFFFFFFF  }
0xc4: {  	_ =	task.clear_ibuf [dreg:s8], $0x2FFFF;
	_ =	strace $0x9FFFFFFF  }
0xc5: {  	(tm) =	ssettm $0x7FFFFFFF  }
tec
execute0_lowered:
.L_overlay_start_1:
0x0: {  	(tag) =	ssettag $0x1  }
0x1: {  	s1 =	rddreg [dreg:$0x0]  }
0x2: {  	s0 =	rddreg [dreg:$0x1]  }
0x3: {  	s2 =	rddreg [dreg:$0x2]  }
0x4: {  	s3 =	rddreg [dreg:$0x3]  }
0x5: {  	s4 =	simm.s32 $0x0;
	s12 =	stileid.u32;
	s6 =	srdreg.scid  }
0x6: {  	s30 =	simm.s32 $0x800;
	s28 =	simm.s32 $0x580;
	s29 =	simm.s32 $0x8  }
0x7: {  	[smem:$0x7FF] =	sst s4;
	s5 =	smul.u32 $0x280, s12;
	s13 =	sadd.s32 $0x2600, s0  }
0x8: {  	s6 =	sand.u32 $0x1, s6;
	s7 =	sshll.u32 s12, $0x1;
	s24 =	smul.u32 $0x500, s12  }
0x9: {  	s31 =	smul.u32 $0x4E00, s12;
	p0 =	sgt.u32 s12, $0x1;
	_ =	strace $0x80000047  }
0xa: {  	s9 =	ssub.s32 $0x2, s6;
	s7 =	sor.u32 s6, s7;
	s16 =	smul.u32 $0x2700, s6  }
0xb: {  	s6 =	sshll.u32 s6, $0x7;
	[dreg:$0xc] =	wrdreg s13;
	s11 =	smul.u32 $0x4E00, s7  }
0xc: {  	s8 =	sshrl.u32 s5, $0x3;
	s10 =	sshrl.u32 s9, $0x1;
	s21 =	smul.u32 $0x9C0, s7  }
0xd: {  	s5 =	sadd.s32 s5, s3;
	s6 =	sor.u32 s6, s24;
	s8 =	sadd.s32 s8, s0  }
0xe: {  	s0 =	sadd.s32 $0x2800, s0;
	[dreg:$0xe] =	wrdreg s5;
	s6 =	sshrl.u32 s6, $0x3  }
0xf: {  	[dreg:$0xd] =	wrdreg s0;
	s0 =	ssub.s32 s9, s10;
	s22 =	sadd.s32 $0x2A00, s8  }
0x10: {  	s23 =	sshrl.u32 s11, $0x3;
	s11 =	sadd.s32 s1, s21;
	s8 =	sadd.s32 s16, s31  }
0x11: {  	s2 =	sadd.s32 s2, s6;
	[dreg:$0xf] =	wrdreg s22;
	s5 =	sadd.s32 s1, s23  }
0x12: {  	s20 =	sadd.s32 $0x780, s8;
	[dreg:$0x19] =	wrdreg s2;
	s22 =	sadd.s32 $0x700, s8  }
0x13: {  	s23 =	sadd.s32 $0x680, s8;
	s0 =	smax.u32 s0, $0x1;
	[dreg:$0x10] =	wrdreg s11  }
0x14: {  	s31 =	sadd.s32 $0x600, s8;
	s25 =	sadd.s32 $0x40, s5;
	[dreg:$0x1f] =	wrdreg s0  }
0x15: {  	s10 =	sadd.s32 $0x580, s8;
	s26 =	sadd.s32 $0x60, s5;
	[dreg:$0x11] =	wrdreg s25  }
0x16: {  	s14 =	sadd.s32 $0x80, s5;
	s15 =	sadd.s32 $0xA0, s5;
	[dreg:$0x12] =	wrdreg s26  }
0x17: {  	s17 =	sadd.s32 $0xE0, s5;
	s18 =	sadd.s32 $0x900, s5;
	[dreg:$0x13] =	wrdreg s14  }
0x18: {  	s19 =	sadd.s32 $0x920, s5;
	s21 =	sshrl.u32 s20, $0x2;
	[dreg:$0x14] =	wrdreg s15  }
0x19: {  	s6 =	sshrl.u32 s22, $0x2;
	s9 =	sshrl.u32 s31, $0x2;
	[dreg:$0x16] =	wrdreg s17  }
0x1a: {  	s22 =	sshll.u32 s7, $0x5;
	s31 =	sadd.s32 $0x20, s11;
	[dreg:$0x17] =	wrdreg s18  }
0x1b: {  	s14 =	sadd.s32 $0xC0, s5;
	[dreg:$0x18] =	wrdreg s19;
	s2 =	sadd.s32 s21, s1  }
0x1c: {  	s24 =	sadd.s32 s6, s1;
	s25 =	sshrl.u32 s23, $0x2;
	[smem:$0x7FD] =	sst s31  }
0x1d: {  	s6 =	sshrl.u32 s10, $0x2;
	s18 =	sadd.s32 $0x480, s8;
	[dreg:$0x15] =	wrdreg s14  }
0x1e: {  	s19 =	sadd.s32 $0x940, s5;
	s21 =	sadd.s32 $0x960, s5;
	[dreg:$0x5] =	wrdreg s2  }
0x1f: {  	s23 =	sadd.s32 $0x980, s5;
	s5 =	sadd.s32 $0x9A0, s5;
	[dreg:$0x6] =	wrdreg s24  }
0x20: {  	s26 =	sadd.s32 s25, s1;
	s2 =	sadd.s32 s9, s1;
	[dreg:$0x1a] =	wrdreg s19  }
0x21: {  	s14 =	sadd.s32 $0x500, s8;
	s15 =	sadd.s32 s6, s1;
	[dreg:$0x1b] =	wrdreg s21  }
0x22: {  	s20 =	sshrl.u32 s18, $0x2;
	[dreg:$0x1c] =	wrdreg s23;
	s24 =	sadd.s32 s22, s1  }
0x23: {  	[dreg:$0x1d] =	wrdreg s5;
	s25 =	sadd.s32 $0x400, s8;
	s18 =	simm.s32 $0x280  }
0x24: {  	s9 =	simm.s32 $0x4;
	s19 =	simm.s32 $0x5;
	[dreg:$0x7] =	wrdreg s26  }
0x25: {  	s22 =	simm.s32 $0x480;
	s21 =	simm.s32 $0x6;
	[dreg:$0x8] =	wrdreg s2  }
0x26: {  	s23 =	simm.s32 $0x9;
	s5 =	simm.s32 $0x0;
	[dreg:$0x9] =	wrdreg s15  }
0x27: {  	s16 =	sshrl.u32 s14, $0x2;
	s2 =	sadd.s32 s20, s1;
	[smem:$0x7FA] =	sst s25  }
0x28: {  	s26 =	sshll.u32 s12, $0x6;
	s25 =	simm.s32 $0xB;
	s15 =	simm.s32 $0x700  }
0x29: {  	s12 =	simm.s32 $0x1;
	s14 =	simm.s32 $0x2;
	s20 =	simm.s32 $0x380  }
0x2a: {  	s17 =	sadd.s32 s16, s1;
	[dreg:$0xb] =	wrdreg s2;
	s2 =	sadd.s32 $0x13800, s24  }
0x2b: {  	[smem:$0x7FB] =	sst s26;
	s0 =	sor.u32 $0x1C0A, s26;
	s16 =	simm.s32 $0x3  }
0x2c: {  	s24 =	simm.s32 $0x7;
	s26 =	simm.s32 $0x680;
	[dreg:$0xa] =	wrdreg s17  }
0x2d: {  	s2 =	smov.u32 @p0 s13;
	[smem:$0x7FC] =	sst s0;
	s13 =	simm.s32 $0x80  }
0x2e: {  	s17 =	simm.s32 $0x180;
	[dreg:$0x1e] =	wrdreg s2;
	s2 =	simm.s32 $0x780  }
.LBB2_1:
0x2f: {  	[smem:$0x7F8] =	sst s5  }
0x30: {  	s0 =	rddreg [dreg:$0xe]  }
0x31: {  	s11 =	sld [smem:$0x7FC]  }
0x32: {  	s7 =	rddreg [dreg:$0xf];
	s6 =	sshrl.u32 s0, $0x3  }
0x33: {  	[smem:$0x7F9] =	sst s6  }
0x34: {  	[spmem:s6], [sflag:s11] =	dma.local [hbm:s7], $0x50  }
0x35: {  	s0 =	rddreg [dreg:$0xd]  }
0x36: {  	[tilespmem:s30], [sflag:$0xB] =	stream.linear.gather [hbm4b:s0+s4], $0x80, $0x38;
	[tilespmem:$0xB00] =	vst v63  }
0x37: {  	_ =	swait.ge [sflag:s25], $0x80  }
0x38: {  	[sflag:s25] =	ssyncset.done $0x0;
	s8 =	rddreg [dreg:$0x10]  }
0x39: {  	s10 =	sld [smem:$0x7FD];
	[sflag:s25] =	ssyncadd.s32 $0xFFFFFF80  }
0x3a: {  	[tilespmem:s4], [sflag:$0x1] =	stream.linear.gather [hbm4b:s8+s4], $0x100, $0x38;
	[tilespmem:$0xB00] =	vst v63  }
0x3b: {  	s25 =	simm.s32 $0x100  }
0x3c: {  	[tilespmem:s25], [sflag:$0x2] =	stream.linear.gather [hbm4b:s10+s4], $0x100, $0x38;
	[tilespmem:$0xB00] =	vst v63  }
0x3d: {  	s31 =	simm.s32 $0x200;
	s11 =	rddreg [dreg:$0x11]  }
0x3e: {  	[tilespmem:s31], [sflag:$0x3] =	stream.linear.gather [hbm4b:s11+s4], $0x100, $0x38;
	[tilespmem:$0xB00] =	vst v63  }
0x3f: {  	s5 =	rddreg [dreg:$0x12];
	s8 =	simm.s32 $0x300  }
0x40: {  	[tilespmem:s8], [sflag:$0x4] =	stream.linear.gather [hbm4b:s5+s4], $0x100, $0x38;
	[tilespmem:$0xB00] =	vst v63  }
0x41: {  	s6 =	rddreg [dreg:$0x13];
	s5 =	simm.s32 $0x400  }
0x42: {  	[tilespmem:s5], [sflag:$0x5] =	stream.linear.gather [hbm4b:s6+s4], $0x100, $0x38;
	[tilespmem:$0xB00] =	vst v63  }
0x43: {  	s7 =	rddreg [dreg:$0x14];
	s10 =	simm.s32 $0x500  }
0x44: {  	[tilespmem:s10], [sflag:$0x6] =	stream.linear.gather [hbm4b:s7+s4], $0x100, $0x38;
	[tilespmem:$0xB00] =	vst v63  }
0x45: {  	s11 =	rddreg [dreg:$0x15];
	s6 =	simm.s32 $0x600  }
0x46: {  	[tilespmem:s6], [sflag:$0x7] =	stream.linear.gather [hbm4b:s11+s4], $0x100, $0x38;
	[tilespmem:$0xB00] =	vst v63  }
0x47: {  	s7 =	rddreg [dreg:$0x16];
	s11 =	simm.s32 $0xA  }
0x48: {  	[tilespmem:s15], [sflag:$0x8] =	stream.linear.gather [hbm4b:s7+s4], $0x100, $0x38;
	[tilespmem:$0xB00] =	vst v63  }
0x49: {  	_ =	swait.ge [sflag:s11], $0x50  }
0x4a: {  	[sflag:s11] =	ssyncset.done $0x0  }
0x4b: {  	[sflag:s11] =	ssyncadd.s32 $0xFFFFFFB0  }
0x4c: {  	[bflag:$0x0] =	sbarrier.arrive $0xFFFF  }
0x4d: {  	_ =	swait.ge [sflag:s12], $0x100  }
0x4e: {  	[sflag:s12] =	ssyncset.done $0x0  }
0x4f: {  	[sflag:s12] =	ssyncadd.s32 $0xFFFFFF00  }
0x50: {  	[spmem:s3] =	stream.indirect.scatter.add.f32 [tilespmem:s30], [sflag:$0x9], $0x1, s13, s13, $0xb8;
	[tilespmem:$0xB00] =	vst v63  }
0x51: {  	_ =	swait.ge [sflag:s14], $0x100  }
0x52: {  	[sflag:s14] =	ssyncset.done $0x0  }
0x53: {  	[sflag:s14] =	ssyncadd.s32 $0xFFFFFF00  }
0x54: {  	[spmem:s3] =	stream.indirect.scatter.add.f32 [tilespmem:s30], [sflag:$0x9], $0x1, s17, s13, $0xb8;
	[tilespmem:$0xB00] =	vst v63  }
0x55: {  	_ =	swait.ge [sflag:s16], $0x100  }
0x56: {  	[sflag:s16] =	ssyncset.done $0x0  }
0x57: {  	[sflag:s16] =	ssyncadd.s32 $0xFFFFFF00  }
0x58: {  	[spmem:s3] =	stream.indirect.scatter.add.f32 [tilespmem:s30], [sflag:$0x9], $0x1, s18, s13, $0xb8;
	[tilespmem:$0xB00] =	vst v63  }
0x59: {  	_ =	swait.ge [sflag:s9], $0x100  }
0x5a: {  	[sflag:s9] =	ssyncset.done $0x0  }
0x5b: {  	[sflag:s9] =	ssyncadd.s32 $0xFFFFFF00  }
0x5c: {  	[spmem:s3] =	stream.indirect.scatter.add.f32 [tilespmem:s30], [sflag:$0x9], $0x1, s20, s13, $0xb8;
	[tilespmem:$0xB00] =	vst v63  }
0x5d: {  	_ =	swait.ge [sflag:s19], $0x100  }
0x5e: {  	[sflag:s19] =	ssyncset.done $0x0  }
0x5f: {  	[sflag:s19] =	ssyncadd.s32 $0xFFFFFF00  }
0x60: {  	[spmem:s3] =	stream.indirect.scatter.add.f32 [tilespmem:s30], [sflag:$0x9], $0x1, s22, s13, $0xb8;
	[tilespmem:$0xB00] =	vst v63  }
0x61: {  	_ =	swait.ge [sflag:s21], $0x100  }
0x62: {  	[sflag:s21] =	ssyncset.done $0x0  }
0x63: {  	[sflag:s21] =	ssyncadd.s32 $0xFFFFFF00  }
0x64: {  	[spmem:s3] =	stream.indirect.scatter.add.f32 [tilespmem:s30], [sflag:$0x9], $0x1, s28, s13, $0xb8;
	[tilespmem:$0xB00] =	vst v63  }
0x65: {  	_ =	swait.ge [sflag:s24], $0x100  }
0x66: {  	[sflag:s24] =	ssyncset.done $0x0  }
0x67: {  	[sflag:s24] =	ssyncadd.s32 $0xFFFFFF00  }
0x68: {  	[spmem:s3] =	stream.indirect.scatter.add.f32 [tilespmem:s30], [sflag:$0x9], $0x1, s26, s13, $0xb8;
	[tilespmem:$0xB00] =	vst v63  }
0x69: {  	_ =	swait.ge [sflag:s29], $0x100  }
0x6a: {  	[sflag:s29] =	ssyncset.done $0x0  }
0x6b: {  	[sflag:s29] =	ssyncadd.s32 $0xFFFFFF00  }
0x6c: {  	[spmem:s3] =	stream.indirect.scatter.add.f32 [tilespmem:s30], [sflag:$0x9], $0x1, s2, s13, $0xb8;
	[tilespmem:$0xB00] =	vst v63  }
0x6d: {  	_ =	swait.ge [sflag:s23], $0x80  }
0x6e: {  	s0 =	sld [smem:$0x7FA];
	_ =	sdelay $0x2  }
0x6f: {  	[sflag:s23] =	ssyncset.done $0x0;
	s7 =	sshrl.u32 s0, $0x2  }
0x70: {  	[sflag:s23] =	ssyncadd.s32 $0xFFFFFF80;
	s11 =	sadd.s32 s1, s7  }
0x71: {  	[tilespmem:s4], [sflag:$0x1] =	stream.linear.gather [hbm4b:s11+s4], $0x100, $0x38;
	[tilespmem:$0xB00] =	vst v63  }
0x72: {  	_ =	swait.ge [sflag:s23], $0x80  }
0x73: {  	s7 =	rddreg [dreg:$0xb];
	[sflag:s23] =	ssyncset.done $0x0  }
0x74: {  	[sflag:s23] =	ssyncadd.s32 $0xFFFFFF80;
	s11 =	sadd.s32 $0x0, s7  }
0x75: {  	[tilespmem:s25], [sflag:$0x2] =	stream.linear.gather [hbm4b:s11+s4], $0x100, $0x38;
	[tilespmem:$0xB00] =	vst v63  }
0x76: {  	_ =	swait.ge [sflag:s23], $0x80  }
0x77: {  	s25 =	rddreg [dreg:$0xa];
	[sflag:s23] =	ssyncset.done $0x0  }
0x78: {  	[sflag:s23] =	ssyncadd.s32 $0xFFFFFF80;
	s11 =	sadd.s32 $0x0, s25  }
0x79: {  	[tilespmem:s31], [sflag:$0x3] =	stream.linear.gather [hbm4b:s11+s4], $0x100, $0x38;
	[tilespmem:$0xB00] =	vst v63  }
0x7a: {  	_ =	swait.ge [sflag:s23], $0x80  }
0x7b: {  	s7 =	rddreg [dreg:$0x9];
	[sflag:s23] =	ssyncset.done $0x0  }
0x7c: {  	[sflag:s23] =	ssyncadd.s32 $0xFFFFFF80;
	s11 =	sadd.s32 $0x0, s7  }
0x7d: {  	[tilespmem:s8], [sflag:$0x4] =	stream.linear.gather [hbm4b:s11+s4], $0x100, $0x38;
	[tilespmem:$0xB00] =	vst v63  }
0x7e: {  	_ =	swait.ge [sflag:s23], $0x80  }
0x7f: {  	s25 =	rddreg [dreg:$0x8];
	[sflag:s23] =	ssyncset.done $0x0  }
0x80: {  	[sflag:s23] =	ssyncadd.s32 $0xFFFFFF80;
	s11 =	sadd.s32 $0x0, s25  }
0x81: {  	[tilespmem:s5], [sflag:$0x5] =	stream.linear.gather [hbm4b:s11+s4], $0x100, $0x38;
	[tilespmem:$0xB00] =	vst v63  }
0x82: {  	_ =	swait.ge [sflag:s23], $0x80  }
0x83: {  	s5 =	rddreg [dreg:$0x7];
	[sflag:s23] =	ssyncset.done $0x0  }
0x84: {  	[sflag:s23] =	ssyncadd.s32 $0xFFFFFF80;
	s11 =	sadd.s32 $0x0, s5  }
0x85: {  	[tilespmem:s10], [sflag:$0x6] =	stream.linear.gather [hbm4b:s11+s4], $0x100, $0x38;
	[tilespmem:$0xB00] =	vst v63  }
0x86: {  	_ =	swait.ge [sflag:s23], $0x80  }
0x87: {  	s10 =	rddreg [dreg:$0x6];
	[sflag:s23] =	ssyncset.done $0x0  }
0x88: {  	[sflag:s23] =	ssyncadd.s32 $0xFFFFFF80;
	s11 =	sadd.s32 $0x0, s10  }
0x89: {  	[tilespmem:s6], [sflag:$0x7] =	stream.linear.gather [hbm4b:s11+s4], $0x100, $0x38;
	[tilespmem:$0xB00] =	vst v63  }
0x8a: {  	s31 =	simm.s32 $0x100;
	s7 =	simm.s32 $0x300;
	_ =	swait.ge [sflag:s23], $0x80  }
0x8b: {  	s8 =	simm.s32 $0x400;
	s5 =	simm.s32 $0x500;
	[sflag:s23] =	ssyncset.done $0x0  }
0x8c: {  	s10 =	simm.s32 $0x600;
	s25 =	rddreg [dreg:$0x5];
	[sflag:s23] =	ssyncadd.s32 $0xFFFFFF80  }
0x8d: {  	s11 =	sadd.s32 $0x0, s25;
	s25 =	sadd.s32 $0x400, s0;
	s0 =	smov.u32 s1  }
.LBB2_2:
0x8e: {  	[tilespmem:s15], [sflag:$0x8] =	stream.linear.gather [hbm4b:s11+s4], $0x100, $0x38;
	[tilespmem:$0xB00] =	vst v63  }
0x8f: {  	_ =	swait.ge [sflag:s12], $0x100  }
0x90: {  	[sflag:s12] =	ssyncset.done $0x0  }
0x91: {  	[sflag:s12] =	ssyncadd.s32 $0xFFFFFF00  }
0x92: {  	[spmem:s3] =	stream.indirect.scatter.add.f32 [tilespmem:s30], [sflag:$0x9], $0x1, s13, s13, $0xb8;
	[tilespmem:$0xB00] =	vst v63  }
0x93: {  	_ =	swait.ge [sflag:s14], $0x100  }
0x94: {  	[sflag:s14] =	ssyncset.done $0x0  }
0x95: {  	[sflag:s14] =	ssyncadd.s32 $0xFFFFFF00  }
0x96: {  	[spmem:s3] =	stream.indirect.scatter.add.f32 [tilespmem:s30], [sflag:$0x9], $0x1, s17, s13, $0xb8;
	[tilespmem:$0xB00] =	vst v63  }
0x97: {  	_ =	swait.ge [sflag:s16], $0x100  }
0x98: {  	[sflag:s16] =	ssyncset.done $0x0  }
0x99: {  	[sflag:s16] =	ssyncadd.s32 $0xFFFFFF00  }
0x9a: {  	[spmem:s3] =	stream.indirect.scatter.add.f32 [tilespmem:s30], [sflag:$0x9], $0x1, s18, s13, $0xb8;
	[tilespmem:$0xB00] =	vst v63  }
0x9b: {  	_ =	swait.ge [sflag:s9], $0x100  }
0x9c: {  	[sflag:s9] =	ssyncset.done $0x0  }
0x9d: {  	[sflag:s9] =	ssyncadd.s32 $0xFFFFFF00  }
0x9e: {  	[spmem:s3] =	stream.indirect.scatter.add.f32 [tilespmem:s30], [sflag:$0x9], $0x1, s20, s13, $0xb8;
	[tilespmem:$0xB00] =	vst v63  }
0x9f: {  	_ =	swait.ge [sflag:s19], $0x100  }
0xa0: {  	[sflag:s19] =	ssyncset.done $0x0  }
0xa1: {  	[sflag:s19] =	ssyncadd.s32 $0xFFFFFF00  }
0xa2: {  	[spmem:s3] =	stream.indirect.scatter.add.f32 [tilespmem:s30], [sflag:$0x9], $0x1, s22, s13, $0xb8;
	[tilespmem:$0xB00] =	vst v63  }
0xa3: {  	_ =	swait.ge [sflag:s21], $0x100  }
0xa4: {  	[sflag:s21] =	ssyncset.done $0x0  }
0xa5: {  	[sflag:s21] =	ssyncadd.s32 $0xFFFFFF00  }
0xa6: {  	[spmem:s3] =	stream.indirect.scatter.add.f32 [tilespmem:s30], [sflag:$0x9], $0x1, s28, s13, $0xb8;
	[tilespmem:$0xB00] =	vst v63  }
0xa7: {  	_ =	swait.ge [sflag:s24], $0x100  }
0xa8: {  	[sflag:s24] =	ssyncset.done $0x0  }
0xa9: {  	[sflag:s24] =	ssyncadd.s32 $0xFFFFFF00  }
0xaa: {  	[spmem:s3] =	stream.indirect.scatter.add.f32 [tilespmem:s30], [sflag:$0x9], $0x1, s26, s13, $0xb8;
	[tilespmem:$0xB00] =	vst v63  }
0xab: {  	_ =	swait.ge [sflag:s29], $0x100  }
0xac: {  	[sflag:s29] =	ssyncset.done $0x0  }
0xad: {  	[sflag:s29] =	ssyncadd.s32 $0xFFFFFF00  }
0xae: {  	[spmem:s3] =	stream.indirect.scatter.add.f32 [tilespmem:s30], [sflag:$0x9], $0x1, s2, s13, $0xb8;
	[tilespmem:$0xB00] =	vst v63  }
0xaf: {  	_ =	swait.ge [sflag:s23], $0x80  }
0xb0: {  	s1 =	sshrl.u32 s25, $0x2;
	[sflag:s23] =	ssyncset.done $0x0  }
0xb1: {  	s1 =	sadd.s32 s0, s1;
	[sflag:s23] =	ssyncadd.s32 $0xFFFFFF80  }
0xb2: {  	[tilespmem:s4], [sflag:$0x1] =	stream.linear.gather [hbm4b:s1+s4], $0x100, $0x38;
	[tilespmem:$0xB00] =	vst v63  }
0xb3: {  	_ =	swait.ge [sflag:s23], $0x80  }
0xb4: {  	s11 =	smov.u32 s31;
	s6 =	rddreg [dreg:$0xb];
	[sflag:s23] =	ssyncset.done $0x0  }
0xb5: {  	[sflag:s23] =	ssyncadd.s32 $0xFFFFFF80;
	s1 =	sadd.s32 s11, s6;
	s6 =	simm.s32 $0x100  }
0xb6: {  	[tilespmem:s6], [sflag:$0x2] =	stream.linear.gather [hbm4b:s1+s4], $0x100, $0x38;
	[tilespmem:$0xB00] =	vst v63  }
0xb7: {  	_ =	swait.ge [sflag:s23], $0x80  }
0xb8: {  	s6 =	rddreg [dreg:$0xa];
	[sflag:s23] =	ssyncset.done $0x0  }
0xb9: {  	[sflag:s23] =	ssyncadd.s32 $0xFFFFFF80;
	s1 =	sadd.s32 s11, s6;
	s6 =	simm.s32 $0x200  }
0xba: {  	[tilespmem:s6], [sflag:$0x3] =	stream.linear.gather [hbm4b:s1+s4], $0x100, $0x38;
	[tilespmem:$0xB00] =	vst v63  }
0xbb: {  	_ =	swait.ge [sflag:s23], $0x80  }
0xbc: {  	s6 =	rddreg [dreg:$0x9];
	[sflag:s23] =	ssyncset.done $0x0  }
0xbd: {  	[sflag:s23] =	ssyncadd.s32 $0xFFFFFF80;
	s1 =	sadd.s32 s11, s6  }
0xbe: {  	[tilespmem:s7], [sflag:$0x4] =	stream.linear.gather [hbm4b:s1+s4], $0x100, $0x38;
	[tilespmem:$0xB00] =	vst v63  }
0xbf: {  	_ =	swait.ge [sflag:s23], $0x80  }
0xc0: {  	s6 =	rddreg [dreg:$0x8];
	[sflag:s23] =	ssyncset.done $0x0  }
0xc1: {  	[sflag:s23] =	ssyncadd.s32 $0xFFFFFF80;
	s1 =	sadd.s32 s11, s6  }
0xc2: {  	[tilespmem:s8], [sflag:$0x5] =	stream.linear.gather [hbm4b:s1+s4], $0x100, $0x38;
	[tilespmem:$0xB00] =	vst v63  }
0xc3: {  	_ =	swait.ge [sflag:s23], $0x80  }
0xc4: {  	s6 =	rddreg [dreg:$0x7];
	[sflag:s23] =	ssyncset.done $0x0  }
0xc5: {  	[sflag:s23] =	ssyncadd.s32 $0xFFFFFF80;
	s1 =	sadd.s32 s11, s6  }
0xc6: {  	[tilespmem:s5], [sflag:$0x6] =	stream.linear.gather [hbm4b:s1+s4], $0x100, $0x38;
	[tilespmem:$0xB00] =	vst v63  }
0xc7: {  	_ =	swait.ge [sflag:s23], $0x80  }
0xc8: {  	p0 =	sne.s32 s31, $0x700;
	s6 =	rddreg [dreg:$0x6];
	[sflag:s23] =	ssyncset.done $0x0  }
.Ltmp0:
0xc9: {  	[sflag:s23] =	ssyncadd.s32 $0xFFFFFF80;
	s1 =	sadd.s32 s11, s6;
	(pc) =	sbr.rel @p0 .LBB2_2-.Ltmp0, $4  }
0xca: {  	[tilespmem:s10], [sflag:$0x7] =	stream.linear.gather [hbm4b:s1+s4], $0x100, $0x38;
	[tilespmem:$0xB00] =	vst v63  }
0xcb: {  	_ =	swait.ge [sflag:s23], $0x80  }
0xcc: {  	s31 =	sadd.s32 $0x100, s31;
	[sflag:s23] =	ssyncset.done $0x0;
	s6 =	rddreg [dreg:$0x5]  }
0xcd: {  	s25 =	sadd.s32 $0x400, s25;
	[sflag:s23] =	ssyncadd.s32 $0xFFFFFF80;
	s11 =	sadd.s32 s11, s6  }
0xce: {  	s25 =	simm.s32 $0x700  }
0xcf: {  	[tilespmem:s25], [sflag:$0x8] =	stream.linear.gather [hbm4b:s11+s4], $0x100, $0x38;
	[tilespmem:$0xB00] =	vst v63  }
0xd0: {  	_ =	swait.ge [sflag:s12], $0x100  }
0xd1: {  	[sflag:s12] =	ssyncset.done $0x0  }
0xd2: {  	[sflag:s12] =	ssyncadd.s32 $0xFFFFFF00  }
0xd3: {  	[spmem:s3] =	stream.indirect.scatter.add.f32 [tilespmem:s30], [sflag:$0x9], $0x1, s13, s13, $0xb8;
	[tilespmem:$0xB00] =	vst v63  }
0xd4: {  	_ =	swait.ge [sflag:s14], $0x100  }
0xd5: {  	[sflag:s14] =	ssyncset.done $0x0  }
0xd6: {  	s11 =	simm.s32 $0x180;
	[sflag:s14] =	ssyncadd.s32 $0xFFFFFF00  }
0xd7: {  	[spmem:s3] =	stream.indirect.scatter.add.f32 [tilespmem:s30], [sflag:$0x9], $0x1, s11, s13, $0xb8;
	[tilespmem:$0xB00] =	vst v63  }
0xd8: {  	_ =	swait.ge [sflag:s16], $0x100  }
0xd9: {  	[sflag:s16] =	ssyncset.done $0x0  }
0xda: {  	s31 =	simm.s32 $0x280;
	[sflag:s16] =	ssyncadd.s32 $0xFFFFFF00  }
0xdb: {  	[spmem:s3] =	stream.indirect.scatter.add.f32 [tilespmem:s30], [sflag:$0x9], $0x1, s31, s13, $0xb8;
	[tilespmem:$0xB00] =	vst v63  }
0xdc: {  	_ =	swait.ge [sflag:s9], $0x100  }
0xdd: {  	[sflag:s9] =	ssyncset.done $0x0  }
0xde: {  	s6 =	simm.s32 $0x380;
	[sflag:s9] =	ssyncadd.s32 $0xFFFFFF00  }
0xdf: {  	[spmem:s3] =	stream.indirect.scatter.add.f32 [tilespmem:s30], [sflag:$0x9], $0x1, s6, s13, $0xb8;
	[tilespmem:$0xB00] =	vst v63  }
0xe0: {  	_ =	swait.ge [sflag:s19], $0x100  }
0xe1: {  	[sflag:s19] =	ssyncset.done $0x0  }
0xe2: {  	s26 =	simm.s32 $0x480;
	[sflag:s19] =	ssyncadd.s32 $0xFFFFFF00  }
0xe3: {  	[spmem:s3] =	stream.indirect.scatter.add.f32 [tilespmem:s30], [sflag:$0x9], $0x1, s26, s13, $0xb8;
	[tilespmem:$0xB00] =	vst v63  }
0xe4: {  	_ =	swait.ge [sflag:s21], $0x100  }
0xe5: {  	[sflag:s21] =	ssyncset.done $0x0  }
0xe6: {  	s1 =	simm.s32 $0x580;
	[sflag:s21] =	ssyncadd.s32 $0xFFFFFF00  }
0xe7: {  	[spmem:s3] =	stream.indirect.scatter.add.f32 [tilespmem:s30], [sflag:$0x9], $0x1, s1, s13, $0xb8;
	[tilespmem:$0xB00] =	vst v63  }
0xe8: {  	_ =	swait.ge [sflag:s24], $0x100  }
0xe9: {  	[sflag:s24] =	ssyncset.done $0x0  }
0xea: {  	s22 =	simm.s32 $0x680;
	[sflag:s24] =	ssyncadd.s32 $0xFFFFFF00  }
0xeb: {  	[spmem:s3] =	stream.indirect.scatter.add.f32 [tilespmem:s30], [sflag:$0x9], $0x1, s22, s13, $0xb8;
	[tilespmem:$0xB00] =	vst v63  }
0xec: {  	_ =	swait.ge [sflag:s29], $0x100  }
0xed: {  	[sflag:s29] =	ssyncset.done $0x0  }
0xee: {  	s2 =	simm.s32 $0x780;
	[sflag:s29] =	ssyncadd.s32 $0xFFFFFF00  }
0xef: {  	[spmem:s3] =	stream.indirect.scatter.add.f32 [tilespmem:s30], [sflag:$0x9], $0x1, s2, s13, $0xb8;
	[tilespmem:$0xB00] =	vst v63  }
0xf0: {  	_ =	swait.ge [sflag:s23], $0x80  }
0xf1: {  	[sflag:s23] =	ssyncset.done $0x0  }
0xf2: {  	s15 =	rddreg [dreg:$0x17];
	[sflag:s23] =	ssyncadd.s32 $0xFFFFFF80  }
0xf3: {  	[tilespmem:s4], [sflag:$0x1] =	stream.linear.gather [hbm4b:s15+s4], $0x100, $0x38;
	[tilespmem:$0xB00] =	vst v63  }
0xf4: {  	_ =	swait.ge [sflag:s23], $0x80  }
0xf5: {  	[sflag:s23] =	ssyncset.done $0x0  }
0xf6: {  	s2 =	simm.s32 $0x100;
	s17 =	rddreg [dreg:$0x18];
	[sflag:s23] =	ssyncadd.s32 $0xFFFFFF80  }
0xf7: {  	[tilespmem:s2], [sflag:$0x2] =	stream.linear.gather [hbm4b:s17+s4], $0x100, $0x38;
	[tilespmem:$0xB00] =	vst v63  }
0xf8: {  	_ =	swait.ge [sflag:s23], $0x80  }
0xf9: {  	[sflag:s23] =	ssyncset.done $0x0  }
0xfa: {  	s20 =	simm.s32 $0x200;
	s18 =	rddreg [dreg:$0x1a];
	[sflag:s23] =	ssyncadd.s32 $0xFFFFFF80  }
0xfb: {  	[tilespmem:s20], [sflag:$0x3] =	stream.linear.gather [hbm4b:s18+s4], $0x100, $0x38;
	[tilespmem:$0xB00] =	vst v63  }
0xfc: {  	_ =	swait.ge [sflag:s23], $0x80  }
0xfd: {  	[sflag:s23] =	ssyncset.done $0x0  }
0xfe: {  	s22 =	rddreg [dreg:$0x1b];
	[sflag:s23] =	ssyncadd.s32 $0xFFFFFF80  }
0xff: {  	[tilespmem:s7], [sflag:$0x4] =	stream.linear.gather [hbm4b:s22+s4], $0x100, $0x38;
	[tilespmem:$0xB00] =	vst v63  }
0x100: {  	_ =	swait.ge [sflag:s23], $0x80  }
0x101: {  	[sflag:s23] =	ssyncset.done $0x0  }
0x102: {  	s2 =	rddreg [dreg:$0x1c];
	[sflag:s23] =	ssyncadd.s32 $0xFFFFFF80  }
0x103: {  	[tilespmem:s8], [sflag:$0x5] =	stream.linear.gather [hbm4b:s2+s4], $0x100, $0x38;
	[tilespmem:$0xB00] =	vst v63  }
0x104: {  	_ =	swait.ge [sflag:s23], $0x80  }
0x105: {  	[sflag:s23] =	ssyncset.done $0x0  }
0x106: {  	s7 =	rddreg [dreg:$0x1d];
	[sflag:s23] =	ssyncadd.s32 $0xFFFFFF80  }
0x107: {  	[tilespmem:s5], [sflag:$0x6] =	stream.linear.gather [hbm4b:s7+s4], $0x100, $0x38;
	[tilespmem:$0xB00] =	vst v63  }
0x108: {  	_ =	swait.ge [sflag:s23], $0x80  }
0x109: {  	[sflag:s23] =	ssyncset.done $0x0  }
0x10a: {  	s8 =	rddreg [dreg:$0x1e];
	[sflag:s23] =	ssyncadd.s32 $0xFFFFFF80  }
0x10b: {  	[tilespmem:s10], [sflag:$0x7] =	stream.linear.gather [hbm4b:s8+s4], $0x100, $0x38;
	[tilespmem:$0xB00] =	vst v63  }
0x10c: {  	_ =	swait.ge [sflag:s23], $0x80  }
0x10d: {  	[sflag:s23] =	ssyncset.done $0x0  }
0x10e: {  	s10 =	rddreg [dreg:$0xc];
	[sflag:s23] =	ssyncadd.s32 $0xFFFFFF80  }
0x10f: {  	[tilespmem:s25], [sflag:$0x8] =	stream.linear.gather [hbm4b:s10+s4], $0x100, $0x38;
	[tilespmem:$0xB00] =	vst v63  }
0x110: {  	_ =	swait.ge [sflag:s12], $0x100  }
0x111: {  	[sflag:s12] =	ssyncset.done $0x0  }
0x112: {  	[sflag:s12] =	ssyncadd.s32 $0xFFFFFF00  }
0x113: {  	[spmem:s3] =	stream.indirect.scatter.add.f32 [tilespmem:s30], [sflag:$0x9], $0x1, s13, s13, $0xb8;
	[tilespmem:$0xB00] =	vst v63  }
0x114: {  	_ =	swait.ge [sflag:s14], $0x100  }
0x115: {  	[sflag:s14] =	ssyncset.done $0x0  }
0x116: {  	[sflag:s14] =	ssyncadd.s32 $0xFFFFFF00  }
0x117: {  	[spmem:s3] =	stream.indirect.scatter.add.f32 [tilespmem:s30], [sflag:$0x9], $0x1, s11, s13, $0xb8;
	[tilespmem:$0xB00] =	vst v63  }
0x118: {  	_ =	swait.ge [sflag:s16], $0x100  }
0x119: {  	[sflag:s16] =	ssyncset.done $0x0  }
0x11a: {  	[sflag:s16] =	ssyncadd.s32 $0xFFFFFF00  }
0x11b: {  	[spmem:s3] =	stream.indirect.scatter.add.f32 [tilespmem:s30], [sflag:$0x9], $0x1, s31, s13, $0xb8;
	[tilespmem:$0xB00] =	vst v63  }
0x11c: {  	_ =	swait.ge [sflag:s9], $0x100  }
0x11d: {  	[sflag:s9] =	ssyncset.done $0x0  }
0x11e: {  	[sflag:s9] =	ssyncadd.s32 $0xFFFFFF00  }
0x11f: {  	[spmem:s3] =	stream.indirect.scatter.add.f32 [tilespmem:s30], [sflag:$0x9], $0x1, s6, s13, $0xb8;
	[tilespmem:$0xB00] =	vst v63  }
0x120: {  	_ =	swait.ge [sflag:s19], $0x100  }
0x121: {  	[sflag:s19] =	ssyncset.done $0x0  }
0x122: {  	[sflag:s19] =	ssyncadd.s32 $0xFFFFFF00  }
0x123: {  	[spmem:s3] =	stream.indirect.scatter.add.f32 [tilespmem:s30], [sflag:$0x9], $0x1, s26, s13, $0xb8;
	[tilespmem:$0xB00] =	vst v63  }
0x124: {  	_ =	swait.ge [sflag:s21], $0x100  }
0x125: {  	[sflag:s21] =	ssyncset.done $0x0  }
0x126: {  	s11 =	simm.s32 $0x580;
	[sflag:s21] =	ssyncadd.s32 $0xFFFFFF00  }
0x127: {  	[spmem:s3] =	stream.indirect.scatter.add.f32 [tilespmem:s30], [sflag:$0x9], $0x1, s11, s13, $0xb8;
	[tilespmem:$0xB00] =	vst v63  }
0x128: {  	_ =	swait.ge [sflag:s24], $0x100  }
0x129: {  	[sflag:s24] =	ssyncset.done $0x0  }
0x12a: {  	s25 =	simm.s32 $0x680;
	[sflag:s24] =	ssyncadd.s32 $0xFFFFFF00  }
0x12b: {  	[spmem:s3] =	stream.indirect.scatter.add.f32 [tilespmem:s30], [sflag:$0x9], $0x1, s25, s13, $0xb8;
	[tilespmem:$0xB00] =	vst v63  }
0x12c: {  	_ =	swait.ge [sflag:s29], $0x100  }
0x12d: {  	[sflag:s29] =	ssyncset.done $0x0  }
0x12e: {  	s31 =	simm.s32 $0x780;
	[sflag:s29] =	ssyncadd.s32 $0xFFFFFF00  }
0x12f: {  	[spmem:s3] =	stream.indirect.scatter.add.f32 [tilespmem:s30], [sflag:$0x9], $0x1, s31, s13, $0xb8;
	[tilespmem:$0xB00] =	vst v63  }
0x130: {  	_ =	swait.ge [sflag:s23], $0x80  }
0x131: {  	[sflag:s23] =	ssyncset.done $0x0  }
0x132: {  	[sflag:s23] =	ssyncadd.s32 $0xFFFFFF80  }
0x133: {  	_ =	swait.ge [sflag:s23], $0x80  }
0x134: {  	[sflag:s23] =	ssyncset.done $0x0  }
0x135: {  	[sflag:s23] =	ssyncadd.s32 $0xFFFFFF80  }
0x136: {  	_ =	swait.ge [sflag:s23], $0x80  }
0x137: {  	[sflag:s23] =	ssyncset.done $0x0  }
0x138: {  	[sflag:s23] =	ssyncadd.s32 $0xFFFFFF80  }
0x139: {  	_ =	swait.ge [sflag:s23], $0x80  }
0x13a: {  	[sflag:s23] =	ssyncset.done $0x0  }
0x13b: {  	[sflag:s23] =	ssyncadd.s32 $0xFFFFFF80  }
0x13c: {  	_ =	swait.ge [sflag:s23], $0x80  }
0x13d: {  	[sflag:s23] =	ssyncset.done $0x0  }
0x13e: {  	[sflag:s23] =	ssyncadd.s32 $0xFFFFFF80  }
0x13f: {  	_ =	swait.ge [sflag:s23], $0x80  }
0x140: {  	[sflag:s23] =	ssyncset.done $0x0  }
0x141: {  	[sflag:s23] =	ssyncadd.s32 $0xFFFFFF80  }
0x142: {  	_ =	swait.ge [sflag:s23], $0x80  }
0x143: {  	[sflag:s23] =	ssyncset.done $0x0  }
0x144: {  	[sflag:s23] =	ssyncadd.s32 $0xFFFFFF80  }
0x145: {  	_ =	swait.ge [sflag:s23], $0x80  }
0x146: {  	[sflag:s23] =	ssyncset.done $0x0  }
0x147: {  	[sflag:s23] =	ssyncadd.s32 $0xFFFFFF80  }
0x148: {  	[bflag:$0x0] =	sbarrier.arrive $0xFFFF  }
0x149: {  	s5 =	sld [smem:$0x7FB]  }
0x14a: {  	s10 =	sld [smem:$0x7F9]  }
0x14b: {  	s7 =	simm.s32 $0x20;
	s8 =	simm.s32 $0x10  }
0x14c: {  	s25 =	simm.s32 $0xB;
	s6 =	rddreg [dreg:$0x19];
	s1 =	sor.u32 $0x1C0B, s5  }
0x14d: {  	[hbm:s6@s7], [sflag:s1] =	dma.strided [spmem:s10@s8], $0x50, s12, $0x10   }
0x14e: {  	_ =	swait.ge [sflag:s25], $0x50  }
0x14f: {  	s11 =	sld [smem:$0x7F8];
	_ =	sdelay $0x2  }
0x150: {  	s31 =	rddreg [dreg:$0x1f];
	s5 =	sadd.s32 $0x1, s11  }
0x151: {  	p0 =	sne.s32 s5, s31  }
.Ltmp1:
0x152: {  	_ = 	snop;
	(pc) =	sbr.rel @p0 .LBB2_1-.Ltmp1, $4  }
0x153: {  	s28 =	simm.s32 $0x580;
	s15 =	simm.s32 $0x700  }
0x154: {  	s17 =	simm.s32 $0x180;
	s18 =	simm.s32 $0x280;
	s20 =	simm.s32 $0x380  }
0x155: {  	s22 =	simm.s32 $0x480;
	s2 =	simm.s32 $0x780;
	[sflag:s25] =	ssyncset.done $0x0  }
0x156: {  	s26 =	simm.s32 $0x680;
	s1 =	smov.u32 s0;
	[sflag:s25] =	ssyncadd.s32 $0xFFFFFFB0  }
0x157: {  	_ =	sfence.sel $0x180000  }
0x158: {  	[bflag:$0x0] =	sbarrier.arrive $0xFFFF  }
0x159: {  	_ =	strace $0x90000047  }
0x15a: {  	s0 =	stileid.u32;
	[bflag:$0x2] =	sbarrier.arrive $0xFFFF  }
0x15b: {  	p0 =	sne.s32 s0, $0x0;
	s0 =	rddreg [dreg:$0x4]  }
0x15c: {  	s0 =	sadd.s32 @!p0 $0x100000, s0  }
0x15d: {  	[sflag:s0] =	ssyncadd.tile.s32 @!p0 $0x1;
	_ =	shalt  }
.Lfunc_end2:
_tile_overlayer_lowered:
.L_overlay_start_2:
0x15e: {  	(tag) =	ssettag $0x2  }
0x15f: {  	s0 =	rddreg [dreg:$0x0];
	s2 =	stileid.u32  }
0x160: {  	s1 =	rddreg [dreg:$0x1];
	p0 =	sne.s32 s2, $0x0  }
0x161: {  	s3 =	rddreg [dreg:$0x2];
	[bflag:$0x3] =	sbarrier.arrive $0xFFFF;
	s2 =	simm.s32 @!p0 $0x1C0B  }
0x162: {  	[timem:s3], [sflag:s2] =	dma.local @!p0 [hbm:s0], s1  }
0x163: {  	s0 =	simm.s32 @!p0 $0xB  }
0x164: {  	_ =	swait.ge @!p0 [sflag:s0], s1  }
0x165: {  	s1 =	ssub.s32 @!p0 $0x0, s1;
	[sflag:s0] =	ssyncset.done @!p0 $0x0  }
0x166: {  	[sflag:s0] =	ssyncadd.s32 @!p0 s1  }
0x167: {  	[bflag:$0x3] =	sbarrier.arrive $0xFFFF  }
0x168: {  	_ =	shalt  }

</sc_bundles>
